<compile_context>
chip_gen: v7x
topology: tpu7x:2x2x1
jax: 0.10.2.dev20260603
libtpu: 0.0.44.dev20260713+nightly
codegen_flags: <defaults>
</compile_context>

<pallas_src>
import functools

import numpy as np
import jax
import jax.numpy as jnp
from jax import lax
from jax.experimental import pallas as pl
from jax.experimental.pallas import tpu as pltpu
from jax.experimental.pallas import tpu_sc as plsc

N_FEAT = 32
TCOLS = 128
NC, NS = 2, 16
NW = NC * NS
CHUNK = 1024
KGRP = CHUNK // 128
SEG = KGRP * 8 * 128


def _coord_onehot_t():
    table = np.zeros((7, 32), dtype=np.int64)
    table[0, 0] = 1
    table[0, 31] = 2
    table[1, :2] = [3, 4]
    table[1, 26:] = [5, 6, 7, 8, 9, 10]
    table[2, :2] = [11, 12]
    table[2, 26:] = [13, 14, 15, 16, 17, 18]
    table[3, :2] = [19, 20]
    table[3, 16:] = np.arange(21, 37)
    table[4, :2] = [37, 38]
    table[4, 16:] = np.arange(39, 55)
    table[5, :] = np.arange(55, 87)
    table[6, :] = np.arange(87, 119)
    row_of = np.zeros(119, dtype=np.int64)
    col_of = np.zeros(119, dtype=np.int64)
    rr, cc = np.nonzero(table)
    for r, c in zip(rr, cc):
        v = table[r, c]
        row_of[v] = r
        col_of[v] = c
    row_of[0] = 0
    col_of[0] = 0
    m = np.zeros((40, TCOLS), dtype=np.float32)
    for z in range(119):
        m[row_of[z], z] += 0.5
        m[8 + col_of[z], z] += 0.5
    return m


_M_ONEHOT_T = _coord_onehot_t()


def _table_body(rwt_ref, cwt_ref, mt_ref, t_ref):
    def rscale_t(v):
        norm = jnp.sqrt(jnp.sum(v * v, axis=0, keepdims=True))
        return v * jnp.minimum(1.0, 1.0 / jnp.maximum(norm, 1e-12))

    stacked_t = jnp.concatenate(
        [rscale_t(rwt_ref[...]), rscale_t(cwt_ref[...])], axis=1)
    t_ref[...] = jnp.dot(stacked_t, mt_ref[...],
                         preferred_element_type=jnp.float32)


def _build_table_t(row_weight, col_weight):
    rwt = jnp.concatenate(
        [row_weight, jnp.zeros((1, N_FEAT), jnp.float32)], axis=0).T
    cwt = col_weight.T
    return pl.pallas_call(
        _table_body,
        out_shape=jax.ShapeDtypeStruct((N_FEAT, TCOLS), jnp.float32),
    )(rwt, cwt, jnp.asarray(_M_ONEHOT_T))


def _gather_body(t_hbm, zt_hbm, out_hbm,
                 tt_v, idx0, idx1, rows0, rows1,
                 si0, si1, ss0, ss1):
    c = lax.axis_index("c")
    s = lax.axis_index("s")
    wid = s * NC + c
    n_j = zt_hbm.shape[0]
    g_per_j = zt_hbm.shape[1] // CHUNK
    n_chunks = (n_j * g_per_j) // NW
    n2 = n_chunks // 2
    u0 = wid * n_chunks

    idx = (idx0, idx1)
    rows = (rows0, rows1)
    si = (si0, si1)
    ss = (ss0, ss1)

    pltpu.sync_copy(t_hbm, tt_v)

    def issue_idx(u, b):
        j = u // g_per_j
        g = lax.rem(u, g_per_j)
        pltpu.async_copy(zt_hbm.at[j, pl.ds(g * CHUNK, CHUNK)], idx[b], si[b])

    issue_idx(u0, 0)

    def body(u2, _):
        for b in range(2):
            u = u0 + u2 * 2 + b
            j = u // g_per_j
            g = lax.rem(u, g_per_j)
            pltpu.make_async_copy(
                zt_hbm.at[0, pl.ds(0, CHUNK)], idx[b], si[b]).wait()

            @pl.when(u2 >= 1)
            def _():
                for c2 in range(4):
                    pltpu.make_async_copy(
                        rows[b].at[pl.ds(0, SEG)],
                        out_hbm.at[0, c2, pl.ds(0, SEG)], ss[b]).wait()

            @pl.when(u2 * 2 + b + 1 < n_chunks)
            def _():
                issue_idx(u + 1, 1 - b)

            for c2 in range(4):
                @plsc.parallel_loop(0, CHUNK // 16, unroll=4)
                def _lk(m, c2=c2):
                    iv = idx[b][pl.ds(m * 16, 16)]
                    base = (m // 8) * 1024 + (m % 8) * 16
                    for sub in range(8):
                        f = c2 * 8 + sub
                        vals = plsc.load_gather(tt_v, [iv + (f * 128)])
                        rows[b][pl.ds(base + c2 * SEG + sub * 128, 16)] = vals

                pltpu.async_copy(
                    rows[b].at[pl.ds(c2 * SEG, SEG)],
                    out_hbm.at[j, c2, pl.ds(g * SEG, SEG)], ss[b])
        return 0

    lax.fori_loop(0, n2, body, 0)
    for b in range(2):
        for c2 in range(4):
            pltpu.make_async_copy(
                rows[b].at[pl.ds(0, SEG)],
                out_hbm.at[0, c2, pl.ds(0, SEG)], ss[b]).wait()


def _gather(table_t, zt):
    n_j = zt.shape[0]
    n_i = zt.shape[1]
    mesh = plsc.VectorSubcoreMesh(
        core_axis_name="c", subcore_axis_name="s",
        num_cores=NC, num_subcores=NS)
    fn = pl.kernel(
        _gather_body,
        out_type=jax.ShapeDtypeStruct((n_j, 4, (n_i // 128) * 8 * 128),
                                      jnp.float32),
        mesh=mesh,
        compiler_params=pltpu.CompilerParams(
            use_tc_tiling_on_sc=False, needs_layout_passes=False),
        scratch_types=[
            pltpu.VMEM((N_FEAT * TCOLS,), jnp.float32),
            pltpu.VMEM((CHUNK,), jnp.int32),
            pltpu.VMEM((CHUNK,), jnp.int32),
            pltpu.VMEM((4 * SEG,), jnp.float32),
            pltpu.VMEM((4 * SEG,), jnp.float32),
            pltpu.SemaphoreType.DMA,
            pltpu.SemaphoreType.DMA,
            pltpu.SemaphoreType.DMA,
            pltpu.SemaphoreType.DMA,
        ],
    )
    return fn(table_t, zt)


def kernel(Z, row_weight, col_weight):
    b0, b1 = Z.shape
    table_t = _build_table_t(row_weight, col_weight).reshape(-1)
    zt = Z.T.astype(jnp.int32)
    out3d = _gather(table_t, zt)
    out5d = out3d.reshape(b1, 4, b0 // 128, 8, 128)
    return out5d.transpose(2, 4, 0, 1, 3).reshape(b0, b1, N_FEAT)

# --- scband reference (transcript-rebuilt; emitter-appended) ---
"""Pipeline reference for scband-ptable-embedding-30631706755961 (READ-ONLY COPY).

The authoritative reference and input builder live on the scoring server;
editing this copy changes nothing except your own understanding.
"""

import jax, jax.numpy as jnp
import numpy as np

N_FEATURES = 32

def _build_table():
    table = np.zeros((7, 32), dtype=np.int64)
    table[0, 0] = 1
    table[0, 31] = 2
    table[1, :2] = [3, 4]
    table[1, 26:] = [5, 6, 7, 8, 9, 10]
    table[2, :2] = [11, 12]
    table[2, 26:] = [13, 14, 15, 16, 17, 18]
    table[3, :2] = [19, 20]
    table[3, 16:] = np.arange(21, 37)
    table[4, :2] = [37, 38]
    table[4, 16:] = np.arange(39, 55)
    table[5, :] = np.arange(55, 87)
    table[6, :] = np.arange(87, 119)
    return table

def _build_coord_maps():
    table = _build_table()
    row_of = np.zeros(119, dtype=np.int64)
    col_of = np.zeros(119, dtype=np.int64)
    rr, cc = np.nonzero(table)
    for r, c in zip(rr, cc):
        v = table[r, c]
        row_of[v] = r
        col_of[v] = c
    # Z == 0 is padding: stays at (0, 0)
    row_of[0] = 0
    col_of[0] = 0
    return jnp.asarray(row_of), jnp.asarray(col_of)

_ROW_OF, _COL_OF = _build_coord_maps()

def setup_inputs(seed: int = 0) -> dict:
    key = jax.random.key(seed)
    k1, k2, k3 = jax.random.split(key, 3)
    Z = jax.random.randint(k1, (16384, 200), 0, 119, dtype=jnp.int64)
    # embedding weights scaled so norms < max_norm=1; padding row (idx 0) zeroed
    row_weight = jax.random.normal(k2, (7, N_FEATURES), dtype=jnp.float32) * 0.1
    row_weight = row_weight.at[0].set(0.0)
    col_weight = jax.random.normal(k3, (32, N_FEATURES), dtype=jnp.float32) * 0.1
    col_weight = col_weight.at[0].set(0.0)
    return {"Z": Z, "row_weight": row_weight, "col_weight": col_weight}

def _renorm_lookup(W, idx, max_norm=1.0):
    # nn.Embedding(max_norm=1): rows accessed are renormed (no grad through renorm)
    v = jnp.take(W, idx, axis=0)
    norm = jnp.linalg.norm(v, axis=-1, keepdims=True)
    scale = jax.lax.stop_gradient(jnp.minimum(1.0, max_norm / jnp.maximum(norm, 1e-12)))
    return v * scale

def reference(Z, row_weight, col_weight):
    row = jnp.take(_ROW_OF, Z, axis=0)
    col = jnp.take(_COL_OF, Z, axis=0)
    row_em = _renorm_lookup(row_weight, row)
    col_em = _renorm_lookup(col_weight, col)
    return 0.5 * (row_em + col_em)

if __name__ == "__main__":
    import jax
    _d = setup_inputs()
    print(jax.jit(kernel)(*tuple(_d.values())))

</pallas_src>

<mosaic_0001>
#map = affine_map<(d0, d1) -> (0)>
#map1 = affine_map<(d0, d1) -> (0, 0)>
#map2 = affine_map<(d0, d1) -> (0, 0, 0)>
module attributes {stable_mosaic.version = 14 : i64} {
  func.func @_gather_body(%arg0: i32, %arg1: i32, %arg2: memref<4096xf32, #tpu.memory_space<hbm>>, %arg3: memref<200x16384xi32, #tpu.memory_space<hbm>>, %arg4: memref<200x4x131072xf32, #tpu.memory_space<hbm>>, %arg5: memref<4096xf32, #tpu.memory_space<vmem>>, %arg6: memref<1024xi32, #tpu.memory_space<vmem>>, %arg7: memref<1024xi32, #tpu.memory_space<vmem>>, %arg8: memref<32768xf32, #tpu.memory_space<vmem>>, %arg9: memref<32768xf32, #tpu.memory_space<vmem>>, %arg10: memref<!tpu.dma_semaphore, #tpu.memory_space<semaphore_mem>>, %arg11: memref<!tpu.dma_semaphore, #tpu.memory_space<semaphore_mem>>, %arg12: memref<!tpu.dma_semaphore, #tpu.memory_space<semaphore_mem>>, %arg13: memref<!tpu.dma_semaphore, #tpu.memory_space<semaphore_mem>>) attributes {dimension_semantics = [#tpu.dimension_semantics<core_parallel>, #tpu.dimension_semantics<subcore_parallel>], iteration_bounds = array<i64: 2, 16>, scalar_prefetch = 0 : i64, scratch_operands = 9 : i64, tpu.core_type = #tpu.core_type<sc_vector_subcore>, window_params = [{transform_indices = #map}, {transform_indices = #map1}, {transform_indices = #map2}]} {
    %mul3A = arith.constant 2 : i32
    %mul3A_0 = arith.muli %arg1, %mul3A : i32
    %add3A = arith.addi %mul3A_0, %arg0 : i32
    %mul3A_1 = arith.constant 100 : i32
    %mul3A_2 = arith.muli %add3A, %mul3A_1 : i32
    "tpu.region"() ({
      %run_scoped3A = tpu.sem_alloc : memref<!tpu.dma_semaphore, #tpu.memory_space<semaphore_mem>>
      tpu.enqueue_dma source(%arg2 : memref<4096xf32, #tpu.memory_space<hbm>>) target(%arg5 : memref<4096xf32, #tpu.memory_space<vmem>>) target_semaphore(%run_scoped3A : memref<!tpu.dma_semaphore, #tpu.memory_space<semaphore_mem>>)
      tpu.wait_dma2 semaphore(%run_scoped3A : memref<!tpu.dma_semaphore, #tpu.memory_space<semaphore_mem>>) src(%arg2 : memref<4096xf32, #tpu.memory_space<hbm>>) dst(%arg5 : memref<4096xf32, #tpu.memory_space<vmem>>)
      tpu.yield
    }) : () -> ()
    %jit3A = arith.constant 16 : i32
    %div3A = arith.divsi %mul3A_2, %jit3A : i32
    %sign3A = arith.constant 0 : i32
    %sign3A_3 = arith.cmpi sgt, %mul3A_2, %sign3A : i32
    %sign3A_4 = arith.extui %sign3A_3 : i1 to i32
    %sign3A_5 = arith.constant 0 : i32
    %sign3A_6 = arith.cmpi slt, %mul3A_2, %sign3A_5 : i32
    %sign3A_7 = arith.extui %sign3A_6 : i1 to i32
    %sign3A_8 = arith.subi %sign3A_4, %sign3A_7 : i32
    %sign3A_9 = arith.constant 0 : i32
    %sign3A_10 = arith.cmpi sgt, %jit3A, %sign3A_9 : i32
    %sign3A_11 = arith.extui %sign3A_10 : i1 to i32
    %sign3A_12 = arith.constant 0 : i32
    %sign3A_13 = arith.cmpi slt, %jit3A, %sign3A_12 : i32
    %sign3A_14 = arith.extui %sign3A_13 : i1 to i32
    %sign3A_15 = arith.subi %sign3A_11, %sign3A_14 : i32
    %ne3A = arith.cmpi ne, %sign3A_8, %sign3A_15 : i32
    %rem3A = arith.remsi %mul3A_2, %jit3A : i32
    %ne3A_16 = arith.constant 0 : i32
    %ne3A_17 = arith.cmpi ne, %rem3A, %ne3A_16 : i32
    %and3A = arith.andi %ne3A, %ne3A_17 : i1
    %sub3A = arith.constant 1 : i32
    %sub3A_18 = arith.subi %div3A, %sub3A : i32
    %select_n3A = arith.select %and3A, %sub3A_18, %div3A : i32
    %rem3A_19 = arith.constant 16 : i32
    %rem3A_20 = arith.remsi %mul3A_2, %rem3A_19 : i32
    %mul3A_21 = arith.constant 1024 : i32
    %mul3A_22 = arith.muli %rem3A_20, %mul3A_21 : i32
    %dma_start3A = tpu.memref_slice %arg3[%select_n3A, %mul3A_22] : memref<200x16384xi32, #tpu.memory_space<hbm>> -> memref<1x1024xi32, #tpu.memory_space<hbm>>
    %dma_start3A_23 = tpu.memref_squeeze %dma_start3A : memref<1x1024xi32, #tpu.memory_space<hbm>> -> memref<1024xi32, #tpu.memory_space<hbm>>
    %dma_start3A_24 = tpu.memref_slice %arg3[%select_n3A, %mul3A_22] : memref<200x16384xi32, #tpu.memory_space<hbm>> -> memref<1x1024xi32, #tpu.memory_space<hbm>>
    %dma_start3A_25 = tpu.memref_squeeze %dma_start3A_24 : memref<1x1024xi32, #tpu.memory_space<hbm>> -> memref<1024xi32, #tpu.memory_space<hbm>>
    tpu.enqueue_dma source(%dma_start3A_25 : memref<1024xi32, #tpu.memory_space<hbm>>) target(%arg6 : memref<1024xi32, #tpu.memory_space<vmem>>) target_semaphore(%arg10 : memref<!tpu.dma_semaphore, #tpu.memory_space<semaphore_mem>>)
    %scan3A = arith.constant 0 : i32
    %scan3A_26 = arith.constant 0 : i32
    %scan3A_27 = arith.constant 50 : i32
    %scan3A_28 = arith.addi %scan3A_26, %scan3A_27 : i32
    %scan3A_29 = arith.constant 1 : i32
    %scan3A_30 = scf.for %scan3A_127 = %scan3A_26 to %scan3A_28 step %scan3A_29 iter_args(%scan3A_128 = %scan3A) -> (i32)  : i32 {
      %mul3A_129 = arith.constant 2 : i32
      %mul3A_130 = arith.muli %scan3A_127, %mul3A_129 : i32
      %add3A_131 = arith.addi %mul3A_2, %mul3A_130 : i32
      %add3A_132 = arith.constant 0 : i32
      %add3A_133 = arith.addi %add3A_131, %add3A_132 : i32
      %jit3A_134 = arith.constant 16 : i32
      %div3A_135 = arith.divsi %add3A_133, %jit3A_134 : i32
      %sign3A_136 = arith.constant 0 : i32
      %sign3A_137 = arith.cmpi sgt, %add3A_133, %sign3A_136 : i32
      %sign3A_138 = arith.extui %sign3A_137 : i1 to i32
      %sign3A_139 = arith.constant 0 : i32
      %sign3A_140 = arith.cmpi slt, %add3A_133, %sign3A_139 : i32
      %sign3A_141 = arith.extui %sign3A_140 : i1 to i32
      %sign3A_142 = arith.subi %sign3A_138, %sign3A_141 : i32
      %sign3A_143 = arith.constant 0 : i32
      %sign3A_144 = arith.cmpi sgt, %jit3A_134, %sign3A_143 : i32
      %sign3A_145 = arith.extui %sign3A_144 : i1 to i32
      %sign3A_146 = arith.constant 0 : i32
      %sign3A_147 = arith.cmpi slt, %jit3A_134, %sign3A_146 : i32
      %sign3A_148 = arith.extui %sign3A_147 : i1 to i32
      %sign3A_149 = arith.subi %sign3A_145, %sign3A_148 : i32
      %ne3A_150 = arith.cmpi ne, %sign3A_142, %sign3A_149 : i32
      %rem3A_151 = arith.remsi %add3A_133, %jit3A_134 : i32
      %ne3A_152 = arith.constant 0 : i32
      %ne3A_153 = arith.cmpi ne, %rem3A_151, %ne3A_152 : i32
      %and3A_154 = arith.andi %ne3A_150, %ne3A_153 : i1
      %sub3A_155 = arith.constant 1 : i32
      %sub3A_156 = arith.subi %div3A_135, %sub3A_155 : i32
      %select_n3A_157 = arith.select %and3A_154, %sub3A_156, %div3A_135 : i32
      %rem3A_158 = arith.constant 16 : i32
      %rem3A_159 = arith.remsi %add3A_133, %rem3A_158 : i32
      %dma_wait3A_160 = arith.constant 0 : i32
      %dma_wait3A_161 = arith.constant 0 : i32
      %dma_wait3A_162 = tpu.memref_slice %arg3[%dma_wait3A_160, %dma_wait3A_161] : memref<200x16384xi32, #tpu.memory_space<hbm>> -> memref<1x1024xi32, #tpu.memory_space<hbm>>
      %dma_wait3A_163 = tpu.memref_squeeze %dma_wait3A_162 : memref<1x1024xi32, #tpu.memory_space<hbm>> -> memref<1024xi32, #tpu.memory_space<hbm>>
      %dma_wait3A_164 = arith.constant 0 : i32
      %dma_wait3A_165 = tpu.memref_slice %arg3[%dma_wait3A_160, %dma_wait3A_164] : memref<200x16384xi32, #tpu.memory_space<hbm>> -> memref<1x1024xi32, #tpu.memory_space<hbm>>
      %dma_wait3A_166 = tpu.memref_squeeze %dma_wait3A_165 : memref<1x1024xi32, #tpu.memory_space<hbm>> -> memref<1024xi32, #tpu.memory_space<hbm>>
      tpu.wait_dma2 semaphore(%arg10 : memref<!tpu.dma_semaphore, #tpu.memory_space<semaphore_mem>>) src(%dma_wait3A_166 : memref<1024xi32, #tpu.memory_space<hbm>>) dst(%arg6 : memref<1024xi32, #tpu.memory_space<vmem>>)
      %ge3A = arith.constant 1 : i32
      %ge3A_167 = arith.cmpi sge, %scan3A_127, %ge3A : i32
      %convert_element_type3A = arith.extui %ge3A_167 : i1 to i32
      %cond3A = arith.constant 0 : i32
      %cond3A_168 = arith.cmpi ne, %convert_element_type3A, %cond3A : i32
      scf.if %cond3A_168 {
        %dma_wait3A_345 = arith.constant 0 : i32
        %dma_wait3A_346 = arith.constant 0 : i32
        %dma_wait3A_347 = arith.constant 0 : i32
        %dma_wait3A_348 = tpu.memref_slice %arg8[%dma_wait3A_347] : memref<32768xf32, #tpu.memory_space<vmem>> -> memref<8192xf32, #tpu.memory_space<vmem>>
        %dma_wait3A_349 = arith.constant 0 : i32
        %dma_wait3A_350 = tpu.memref_slice %arg4[%dma_wait3A_345, %dma_wait3A_346, %dma_wait3A_349] : memref<200x4x131072xf32, #tpu.memory_space<hbm>> -> memref<1x1x8192xf32, #tpu.memory_space<hbm>>
        %dma_wait3A_351 = tpu.memref_squeeze %dma_wait3A_350 : memref<1x1x8192xf32, #tpu.memory_space<hbm>> -> memref<8192xf32, #tpu.memory_space<hbm>>
        %dma_wait3A_352 = arith.constant 0 : i32
        %dma_wait3A_353 = tpu.memref_slice %arg4[%dma_wait3A_345, %dma_wait3A_346, %dma_wait3A_352] : memref<200x4x131072xf32, #tpu.memory_space<hbm>> -> memref<1x1x8192xf32, #tpu.memory_space<hbm>>
        %dma_wait3A_354 = tpu.memref_squeeze %dma_wait3A_353 : memref<1x1x8192xf32, #tpu.memory_space<hbm>> -> memref<8192xf32, #tpu.memory_space<hbm>>
        %dma_wait3A_355 = arith.constant 0 : i32
        %dma_wait3A_356 = tpu.memref_slice %arg8[%dma_wait3A_355] : memref<32768xf32, #tpu.memory_space<vmem>> -> memref<8192xf32, #tpu.memory_space<vmem>>
        tpu.wait_dma2 semaphore(%arg12 : memref<!tpu.dma_semaphore, #tpu.memory_space<semaphore_mem>>) src(%dma_wait3A_356 : memref<8192xf32, #tpu.memory_space<vmem>>) dst(%dma_wait3A_354 : memref<8192xf32, #tpu.memory_space<hbm>>)
        %dma_wait3A_357 = arith.constant 0 : i32
        %dma_wait3A_358 = arith.constant 1 : i32
        %dma_wait3A_359 = arith.constant 0 : i32
        %dma_wait3A_360 = tpu.memref_slice %arg8[%dma_wait3A_359] : memref<32768xf32, #tpu.memory_space<vmem>> -> memref<8192xf32, #tpu.memory_space<vmem>>
        %dma_wait3A_361 = arith.constant 0 : i32
        %dma_wait3A_362 = tpu.memref_slice %arg4[%dma_wait3A_357, %dma_wait3A_358, %dma_wait3A_361] : memref<200x4x131072xf32, #tpu.memory_space<hbm>> -> memref<1x1x8192xf32, #tpu.memory_space<hbm>>
        %dma_wait3A_363 = tpu.memref_squeeze %dma_wait3A_362 : memref<1x1x8192xf32, #tpu.memory_space<hbm>> -> memref<8192xf32, #tpu.memory_space<hbm>>
        %dma_wait3A_364 = arith.constant 0 : i32
        %dma_wait3A_365 = tpu.memref_slice %arg4[%dma_wait3A_357, %dma_wait3A_358, %dma_wait3A_364] : memref<200x4x131072xf32, #tpu.memory_space<hbm>> -> memref<1x1x8192xf32, #tpu.memory_space<hbm>>
        %dma_wait3A_366 = tpu.memref_squeeze %dma_wait3A_365 : memref<1x1x8192xf32, #tpu.memory_space<hbm>> -> memref<8192xf32, #tpu.memory_space<hbm>>
        %dma_wait3A_367 = arith.constant 0 : i32
        %dma_wait3A_368 = tpu.memref_slice %arg8[%dma_wait3A_367] : memref<32768xf32, #tpu.memory_space<vmem>> -> memref<8192xf32, #tpu.memory_space<vmem>>
        tpu.wait_dma2 semaphore(%arg12 : memref<!tpu.dma_semaphore, #tpu.memory_space<semaphore_mem>>) src(%dma_wait3A_368 : memref<8192xf32, #tpu.memory_space<vmem>>) dst(%dma_wait3A_366 : memref<8192xf32, #tpu.memory_space<hbm>>)
        %dma_wait3A_369 = arith.constant 0 : i32
        %dma_wait3A_370 = arith.constant 2 : i32
        %dma_wait3A_371 = arith.constant 0 : i32
        %dma_wait3A_372 = tpu.memref_slice %arg8[%dma_wait3A_371] : memref<32768xf32, #tpu.memory_space<vmem>> -> memref<8192xf32, #tpu.memory_space<vmem>>
        %dma_wait3A_373 = arith.constant 0 : i32
        %dma_wait3A_374 = tpu.memref_slice %arg4[%dma_wait3A_369, %dma_wait3A_370, %dma_wait3A_373] : memref<200x4x131072xf32, #tpu.memory_space<hbm>> -> memref<1x1x8192xf32, #tpu.memory_space<hbm>>
        %dma_wait3A_375 = tpu.memref_squeeze %dma_wait3A_374 : memref<1x1x8192xf32, #tpu.memory_space<hbm>> -> memref<8192xf32, #tpu.memory_space<hbm>>
        %dma_wait3A_376 = arith.constant 0 : i32
        %dma_wait3A_377 = tpu.memref_slice %arg4[%dma_wait3A_369, %dma_wait3A_370, %dma_wait3A_376] : memref<200x4x131072xf32, #tpu.memory_space<hbm>> -> memref<1x1x8192xf32, #tpu.memory_space<hbm>>
        %dma_wait3A_378 = tpu.memref_squeeze %dma_wait3A_377 : memref<1x1x8192xf32, #tpu.memory_space<hbm>> -> memref<8192xf32, #tpu.memory_space<hbm>>
        %dma_wait3A_379 = arith.constant 0 : i32
        %dma_wait3A_380 = tpu.memref_slice %arg8[%dma_wait3A_379] : memref<32768xf32, #tpu.memory_space<vmem>> -> memref<8192xf32, #tpu.memory_space<vmem>>
        tpu.wait_dma2 semaphore(%arg12 : memref<!tpu.dma_semaphore, #tpu.memory_space<semaphore_mem>>) src(%dma_wait3A_380 : memref<8192xf32, #tpu.memory_space<vmem>>) dst(%dma_wait3A_378 : memref<8192xf32, #tpu.memory_space<hbm>>)
        %dma_wait3A_381 = arith.constant 0 : i32
        %dma_wait3A_382 = arith.constant 3 : i32
        %dma_wait3A_383 = arith.constant 0 : i32
        %dma_wait3A_384 = tpu.memref_slice %arg8[%dma_wait3A_383] : memref<32768xf32, #tpu.memory_space<vmem>> -> memref<8192xf32, #tpu.memory_space<vmem>>
        %dma_wait3A_385 = arith.constant 0 : i32
        %dma_wait3A_386 = tpu.memref_slice %arg4[%dma_wait3A_381, %dma_wait3A_382, %dma_wait3A_385] : memref<200x4x131072xf32, #tpu.memory_space<hbm>> -> memref<1x1x8192xf32, #tpu.memory_space<hbm>>
        %dma_wait3A_387 = tpu.memref_squeeze %dma_wait3A_386 : memref<1x1x8192xf32, #tpu.memory_space<hbm>> -> memref<8192xf32, #tpu.memory_space<hbm>>
        %dma_wait3A_388 = arith.constant 0 : i32
        %dma_wait3A_389 = tpu.memref_slice %arg4[%dma_wait3A_381, %dma_wait3A_382, %dma_wait3A_388] : memref<200x4x131072xf32, #tpu.memory_space<hbm>> -> memref<1x1x8192xf32, #tpu.memory_space<hbm>>
        %dma_wait3A_390 = tpu.memref_squeeze %dma_wait3A_389 : memref<1x1x8192xf32, #tpu.memory_space<hbm>> -> memref<8192xf32, #tpu.memory_space<hbm>>
        %dma_wait3A_391 = arith.constant 0 : i32
        %dma_wait3A_392 = tpu.memref_slice %arg8[%dma_wait3A_391] : memref<32768xf32, #tpu.memory_space<vmem>> -> memref<8192xf32, #tpu.memory_space<vmem>>
        tpu.wait_dma2 semaphore(%arg12 : memref<!tpu.dma_semaphore, #tpu.memory_space<semaphore_mem>>) src(%dma_wait3A_392 : memref<8192xf32, #tpu.memory_space<vmem>>) dst(%dma_wait3A_390 : memref<8192xf32, #tpu.memory_space<hbm>>)
      } else {
      }
      %mul3A_169 = arith.constant 2 : i32
      %mul3A_170 = arith.muli %scan3A_127, %mul3A_169 : i32
      %add3A_171 = arith.constant 0 : i32
      %add3A_172 = arith.addi %mul3A_170, %add3A_171 : i32
      %add3A_173 = arith.constant 1 : i32
      %add3A_174 = arith.addi %add3A_172, %add3A_173 : i32
      %lt3A = arith.constant 100 : i32
      %lt3A_175 = arith.cmpi slt, %add3A_174, %lt3A : i32
      %convert_element_type3A_176 = arith.extui %lt3A_175 : i1 to i32
      %cond3A_177 = arith.constant 0 : i32
      %cond3A_178 = arith.cmpi ne, %convert_element_type3A_176, %cond3A_177 : i32
      scf.if %cond3A_178 {
        %add3A_345 = arith.constant 1 : i32
        %add3A_346 = arith.addi %add3A_133, %add3A_345 : i32
        %jit3A_347 = arith.constant 16 : i32
        %div3A_348 = arith.divsi %add3A_346, %jit3A_347 : i32
        %sign3A_349 = arith.constant 0 : i32
        %sign3A_350 = arith.cmpi sgt, %add3A_346, %sign3A_349 : i32
        %sign3A_351 = arith.extui %sign3A_350 : i1 to i32
        %sign3A_352 = arith.constant 0 : i32
        %sign3A_353 = arith.cmpi slt, %add3A_346, %sign3A_352 : i32
        %sign3A_354 = arith.extui %sign3A_353 : i1 to i32
        %sign3A_355 = arith.subi %sign3A_351, %sign3A_354 : i32
        %sign3A_356 = arith.constant 0 : i32
        %sign3A_357 = arith.cmpi sgt, %jit3A_347, %sign3A_356 : i32
        %sign3A_358 = arith.extui %sign3A_357 : i1 to i32
        %sign3A_359 = arith.constant 0 : i32
        %sign3A_360 = arith.cmpi slt, %jit3A_347, %sign3A_359 : i32
        %sign3A_361 = arith.extui %sign3A_360 : i1 to i32
        %sign3A_362 = arith.subi %sign3A_358, %sign3A_361 : i32
        %ne3A_363 = arith.cmpi ne, %sign3A_355, %sign3A_362 : i32
        %rem3A_364 = arith.remsi %add3A_346, %jit3A_347 : i32
        %ne3A_365 = arith.constant 0 : i32
        %ne3A_366 = arith.cmpi ne, %rem3A_364, %ne3A_365 : i32
        %and3A_367 = arith.andi %ne3A_363, %ne3A_366 : i1
        %sub3A_368 = arith.constant 1 : i32
        %sub3A_369 = arith.subi %div3A_348, %sub3A_368 : i32
        %select_n3A_370 = arith.select %and3A_367, %sub3A_369, %div3A_348 : i32
        %rem3A_371 = arith.constant 16 : i32
        %rem3A_372 = arith.remsi %add3A_346, %rem3A_371 : i32
        %mul3A_373 = arith.constant 1024 : i32
        %mul3A_374 = arith.muli %rem3A_372, %mul3A_373 : i32
        %dma_start3A_375 = tpu.memref_slice %arg3[%select_n3A_370, %mul3A_374] : memref<200x16384xi32, #tpu.memory_space<hbm>> -> memref<1x1024xi32, #tpu.memory_space<hbm>>
        %dma_start3A_376 = tpu.memref_squeeze %dma_start3A_375 : memref<1x1024xi32, #tpu.memory_space<hbm>> -> memref<1024xi32, #tpu.memory_space<hbm>>
        %dma_start3A_377 = tpu.memref_slice %arg3[%select_n3A_370, %mul3A_374] : memref<200x16384xi32, #tpu.memory_space<hbm>> -> memref<1x1024xi32, #tpu.memory_space<hbm>>
        %dma_start3A_378 = tpu.memref_squeeze %dma_start3A_377 : memref<1x1024xi32, #tpu.memory_space<hbm>> -> memref<1024xi32, #tpu.memory_space<hbm>>
        tpu.enqueue_dma source(%dma_start3A_378 : memref<1024xi32, #tpu.memory_space<hbm>>) target(%arg7 : memref<1024xi32, #tpu.memory_space<vmem>>) target_semaphore(%arg11 : memref<!tpu.dma_semaphore, #tpu.memory_space<semaphore_mem>>)
      } else {
      }
      %parallel_loop3A = arith.constant 0 : i32
      %parallel_loop3A_179 = arith.constant 64 : i32
      %parallel_loop3A_180 = arith.constant 1 : i32
      scf.for %parallel_loop3A_345 = %parallel_loop3A to %parallel_loop3A_179 step %parallel_loop3A_180  : i32 {
        %parallel_loop3A_346 = arith.constant 16 : i32
        %parallel_loop3A_347 = arith.muli %parallel_loop3A_345, %parallel_loop3A_346 : i32
        %parallel_loop3A_348 = arith.index_cast %parallel_loop3A_347 : i32 to index
        %parallel_loop3A_349 = tpu.vector_load %arg6[%parallel_loop3A_348] {strides = array<i32>} : memref<1024xi32, #tpu.memory_space<vmem>>, vector<16xi32>,
        %parallel_loop3A_350 = arith.constant 8 : i32
        %parallel_loop3A_351 = arith.divsi %parallel_loop3A_345, %parallel_loop3A_350 : i32
        %parallel_loop3A_352 = arith.constant 0 : i32
        %parallel_loop3A_353 = arith.cmpi sgt, %parallel_loop3A_345, %parallel_loop3A_352 : i32
        %parallel_loop3A_354 = arith.extui %parallel_loop3A_353 : i1 to i32
        %parallel_loop3A_355 = arith.constant 0 : i32
        %parallel_loop3A_356 = arith.cmpi slt, %parallel_loop3A_345, %parallel_loop3A_355 : i32
        %parallel_loop3A_357 = arith.extui %parallel_loop3A_356 : i1 to i32
        %parallel_loop3A_358 = arith.subi %parallel_loop3A_354, %parallel_loop3A_357 : i32
        %parallel_loop3A_359 = arith.constant 0 : i32
        %parallel_loop3A_360 = arith.cmpi sgt, %parallel_loop3A_350, %parallel_loop3A_359 : i32
        %parallel_loop3A_361 = arith.extui %parallel_loop3A_360 : i1 to i32
        %parallel_loop3A_362 = arith.constant 0 : i32
        %parallel_loop3A_363 = arith.cmpi slt, %parallel_loop3A_350, %parallel_loop3A_362 : i32
        %parallel_loop3A_364 = arith.extui %parallel_loop3A_363 : i1 to i32
        %parallel_loop3A_365 = arith.subi %parallel_loop3A_361, %parallel_loop3A_364 : i32
        %parallel_loop3A_366 = arith.cmpi ne, %parallel_loop3A_358, %parallel_loop3A_365 : i32
        %parallel_loop3A_367 = arith.remsi %parallel_loop3A_345, %parallel_loop3A_350 : i32
        %parallel_loop3A_368 = arith.constant 0 : i32
        %parallel_loop3A_369 = arith.cmpi ne, %parallel_loop3A_367, %parallel_loop3A_368 : i32
        %parallel_loop3A_370 = arith.andi %parallel_loop3A_366, %parallel_loop3A_369 : i1
        %parallel_loop3A_371 = arith.constant 1 : i32
        %parallel_loop3A_372 = arith.subi %parallel_loop3A_351, %parallel_loop3A_371 : i32
        %parallel_loop3A_373 = arith.select %parallel_loop3A_370, %parallel_loop3A_372, %parallel_loop3A_351 : i32
        %parallel_loop3A_374 = arith.constant 1024 : i32
        %parallel_loop3A_375 = arith.muli %parallel_loop3A_373, %parallel_loop3A_374 : i32
        %parallel_loop3A_376 = arith.constant 8 : i32
        %parallel_loop3A_377 = arith.constant 0 : i32
        %parallel_loop3A_378 = arith.cmpi eq, %parallel_loop3A_376, %parallel_loop3A_377 : i32
        %parallel_loop3A_379 = arith.constant 1 : i32
        %parallel_loop3A_380 = arith.select %parallel_loop3A_378, %parallel_loop3A_379, %parallel_loop3A_376 : i32
        %parallel_loop3A_381 = arith.remsi %parallel_loop3A_345, %parallel_loop3A_380 : i32
        %parallel_loop3A_382 = arith.constant 0 : i32
        %parallel_loop3A_383 = arith.cmpi ne, %parallel_loop3A_381, %parallel_loop3A_382 : i32
        %parallel_loop3A_384 = arith.constant 0 : i32
        %parallel_loop3A_385 = arith.cmpi slt, %parallel_loop3A_381, %parallel_loop3A_384 : i32
        %parallel_loop3A_386 = arith.constant 0 : i32
        %parallel_loop3A_387 = arith.cmpi slt, %parallel_loop3A_380, %parallel_loop3A_386 : i32
        %parallel_loop3A_388 = arith.xori %parallel_loop3A_385, %parallel_loop3A_387 : i1
        %parallel_loop3A_389 = arith.andi %parallel_loop3A_388, %parallel_loop3A_383 : i1
        %parallel_loop3A_390 = arith.addi %parallel_loop3A_381, %parallel_loop3A_380 : i32
        %parallel_loop3A_391 = arith.select %parallel_loop3A_389, %parallel_loop3A_390, %parallel_loop3A_381 : i32
        %parallel_loop3A_392 = arith.constant 16 : i32
        %parallel_loop3A_393 = arith.muli %parallel_loop3A_391, %parallel_loop3A_392 : i32
        %parallel_loop3A_394 = arith.addi %parallel_loop3A_375, %parallel_loop3A_393 : i32
        %parallel_loop3A_395 = arith.constant 0 : i32
        %parallel_loop3A_396 = vector.broadcast %parallel_loop3A_395 : i32 to vector<16xi32>
        %parallel_loop3A_397 = arith.addi %parallel_loop3A_349, %parallel_loop3A_396 : vector<16xi32>
        %parallel_loop3A_398 = tpu.vector_load_idx %arg5[%parallel_loop3A_397] : memref<4096xf32, #tpu.memory_space<vmem>>[vector<16xi32>], vector<16xf32>,
        %parallel_loop3A_399 = arith.constant 0 : i32
        %parallel_loop3A_400 = arith.addi %parallel_loop3A_394, %parallel_loop3A_399 : i32
        %parallel_loop3A_401 = arith.constant 0 : i32
        %parallel_loop3A_402 = arith.addi %parallel_loop3A_400, %parallel_loop3A_401 : i32
        %parallel_loop3A_403 = arith.index_cast %parallel_loop3A_402 : i32 to index
        %parallel_loop3A_404 = tpu.vector_load %arg8[%parallel_loop3A_403] {strides = array<i32>} : memref<32768xf32, #tpu.memory_space<vmem>>, vector<16xf32>,
        tpu.vector_store %arg8[%parallel_loop3A_403], %parallel_loop3A_398 {strides = array<i32>} : memref<32768xf32, #tpu.memory_space<vmem>>, vector<16xf32>,
        %parallel_loop3A_405 = arith.constant 128 : i32
        %parallel_loop3A_406 = vector.broadcast %parallel_loop3A_405 : i32 to vector<16xi32>
        %parallel_loop3A_407 = arith.addi %parallel_loop3A_349, %parallel_loop3A_406 : vector<16xi32>
        %parallel_loop3A_408 = tpu.vector_load_idx %arg5[%parallel_loop3A_407] : memref<4096xf32, #tpu.memory_space<vmem>>[vector<16xi32>], vector<16xf32>,
        %parallel_loop3A_409 = arith.constant 0 : i32
        %parallel_loop3A_410 = arith.addi %parallel_loop3A_394, %parallel_loop3A_409 : i32
        %parallel_loop3A_411 = arith.constant 128 : i32
        %parallel_loop3A_412 = arith.addi %parallel_loop3A_410, %parallel_loop3A_411 : i32
        %parallel_loop3A_413 = arith.index_cast %parallel_loop3A_412 : i32 to index
        %parallel_loop3A_414 = tpu.vector_load %arg8[%parallel_loop3A_413] {strides = array<i32>} : memref<32768xf32, #tpu.memory_space<vmem>>, vector<16xf32>,
        tpu.vector_store %arg8[%parallel_loop3A_413], %parallel_loop3A_408 {strides = array<i32>} : memref<32768xf32, #tpu.memory_space<vmem>>, vector<16xf32>,
        %parallel_loop3A_415 = arith.constant 256 : i32
        %parallel_loop3A_416 = vector.broadcast %parallel_loop3A_415 : i32 to vector<16xi32>
        %parallel_loop3A_417 = arith.addi %parallel_loop3A_349, %parallel_loop3A_416 : vector<16xi32>
        %parallel_loop3A_418 = tpu.vector_load_idx %arg5[%parallel_loop3A_417] : memref<4096xf32, #tpu.memory_space<vmem>>[vector<16xi32>], vector<16xf32>,
        %parallel_loop3A_419 = arith.constant 0 : i32
        %parallel_loop3A_420 = arith.addi %parallel_loop3A_394, %parallel_loop3A_419 : i32
        %parallel_loop3A_421 = arith.constant 256 : i32
        %parallel_loop3A_422 = arith.addi %parallel_loop3A_420, %parallel_loop3A_421 : i32
        %parallel_loop3A_423 = arith.index_cast %parallel_loop3A_422 : i32 to index
        %parallel_loop3A_424 = tpu.vector_load %arg8[%parallel_loop3A_423] {strides = array<i32>} : memref<32768xf32, #tpu.memory_space<vmem>>, vector<16xf32>,
        tpu.vector_store %arg8[%parallel_loop3A_423], %parallel_loop3A_418 {strides = array<i32>} : memref<32768xf32, #tpu.memory_space<vmem>>, vector<16xf32>,
        %parallel_loop3A_425 = arith.constant 384 : i32
        %parallel_loop3A_426 = vector.broadcast %parallel_loop3A_425 : i32 to vector<16xi32>
        %parallel_loop3A_427 = arith.addi %parallel_loop3A_349, %parallel_loop3A_426 : vector<16xi32>
        %parallel_loop3A_428 = tpu.vector_load_idx %arg5[%parallel_loop3A_427] : memref<4096xf32, #tpu.memory_space<vmem>>[vector<16xi32>], vector<16xf32>,
        %parallel_loop3A_429 = arith.constant 0 : i32
        %parallel_loop3A_430 = arith.addi %parallel_loop3A_394, %parallel_loop3A_429 : i32
        %parallel_loop3A_431 = arith.constant 384 : i32
        %parallel_loop3A_432 = arith.addi %parallel_loop3A_430, %parallel_loop3A_431 : i32
        %parallel_loop3A_433 = arith.index_cast %parallel_loop3A_432 : i32 to index
        %parallel_loop3A_434 = tpu.vector_load %arg8[%parallel_loop3A_433] {strides = array<i32>} : memref<32768xf32, #tpu.memory_space<vmem>>, vector<16xf32>,
        tpu.vector_store %arg8[%parallel_loop3A_433], %parallel_loop3A_428 {strides = array<i32>} : memref<32768xf32, #tpu.memory_space<vmem>>, vector<16xf32>,
        %parallel_loop3A_435 = arith.constant 512 : i32
        %parallel_loop3A_436 = vector.broadcast %parallel_loop3A_435 : i32 to vector<16xi32>
        %parallel_loop3A_437 = arith.addi %parallel_loop3A_349, %parallel_loop3A_436 : vector<16xi32>
        %parallel_loop3A_438 = tpu.vector_load_idx %arg5[%parallel_loop3A_437] : memref<4096xf32, #tpu.memory_space<vmem>>[vector<16xi32>], vector<16xf32>,
        %parallel_loop3A_439 = arith.constant 0 : i32
        %parallel_loop3A_440 = arith.addi %parallel_loop3A_394, %parallel_loop3A_439 : i32
        %parallel_loop3A_441 = arith.constant 512 : i32
        %parallel_loop3A_442 = arith.addi %parallel_loop3A_440, %parallel_loop3A_441 : i32
        %parallel_loop3A_443 = arith.index_cast %parallel_loop3A_442 : i32 to index
        %parallel_loop3A_444 = tpu.vector_load %arg8[%parallel_loop3A_443] {strides = array<i32>} : memref<32768xf32, #tpu.memory_space<vmem>>, vector<16xf32>,
        tpu.vector_store %arg8[%parallel_loop3A_443], %parallel_loop3A_438 {strides = array<i32>} : memref<32768xf32, #tpu.memory_space<vmem>>, vector<16xf32>,
        %parallel_loop3A_445 = arith.constant 640 : i32
        %parallel_loop3A_446 = vector.broadcast %parallel_loop3A_445 : i32 to vector<16xi32>
        %parallel_loop3A_447 = arith.addi %parallel_loop3A_349, %parallel_loop3A_446 : vector<16xi32>
        %parallel_loop3A_448 = tpu.vector_load_idx %arg5[%parallel_loop3A_447] : memref<4096xf32, #tpu.memory_space<vmem>>[vector<16xi32>], vector<16xf32>,
        %parallel_loop3A_449 = arith.constant 0 : i32
        %parallel_loop3A_450 = arith.addi %parallel_loop3A_394, %parallel_loop3A_449 : i32
        %parallel_loop3A_451 = arith.constant 640 : i32
        %parallel_loop3A_452 = arith.addi %parallel_loop3A_450, %parallel_loop3A_451 : i32
        %parallel_loop3A_453 = arith.index_cast %parallel_loop3A_452 : i32 to index
        %parallel_loop3A_454 = tpu.vector_load %arg8[%parallel_loop3A_453] {strides = array<i32>} : memref<32768xf32, #tpu.memory_space<vmem>>, vector<16xf32>,
        tpu.vector_store %arg8[%parallel_loop3A_453], %parallel_loop3A_448 {strides = array<i32>} : memref<32768xf32, #tpu.memory_space<vmem>>, vector<16xf32>,
        %parallel_loop3A_455 = arith.constant 768 : i32
        %parallel_loop3A_456 = vector.broadcast %parallel_loop3A_455 : i32 to vector<16xi32>
        %parallel_loop3A_457 = arith.addi %parallel_loop3A_349, %parallel_loop3A_456 : vector<16xi32>
        %parallel_loop3A_458 = tpu.vector_load_idx %arg5[%parallel_loop3A_457] : memref<4096xf32, #tpu.memory_space<vmem>>[vector<16xi32>], vector<16xf32>,
        %parallel_loop3A_459 = arith.constant 0 : i32
        %parallel_loop3A_460 = arith.addi %parallel_loop3A_394, %parallel_loop3A_459 : i32
        %parallel_loop3A_461 = arith.constant 768 : i32
        %parallel_loop3A_462 = arith.addi %parallel_loop3A_460, %parallel_loop3A_461 : i32
        %parallel_loop3A_463 = arith.index_cast %parallel_loop3A_462 : i32 to index
        %parallel_loop3A_464 = tpu.vector_load %arg8[%parallel_loop3A_463] {strides = array<i32>} : memref<32768xf32, #tpu.memory_space<vmem>>, vector<16xf32>,
        tpu.vector_store %arg8[%parallel_loop3A_463], %parallel_loop3A_458 {strides = array<i32>} : memref<32768xf32, #tpu.memory_space<vmem>>, vector<16xf32>,
        %parallel_loop3A_465 = arith.constant 896 : i32
        %parallel_loop3A_466 = vector.broadcast %parallel_loop3A_465 : i32 to vector<16xi32>
        %parallel_loop3A_467 = arith.addi %parallel_loop3A_349, %parallel_loop3A_466 : vector<16xi32>
        %parallel_loop3A_468 = tpu.vector_load_idx %arg5[%parallel_loop3A_467] : memref<4096xf32, #tpu.memory_space<vmem>>[vector<16xi32>], vector<16xf32>,
        %parallel_loop3A_469 = arith.constant 0 : i32
        %parallel_loop3A_470 = arith.addi %parallel_loop3A_394, %parallel_loop3A_469 : i32
        %parallel_loop3A_471 = arith.constant 896 : i32
        %parallel_loop3A_472 = arith.addi %parallel_loop3A_470, %parallel_loop3A_471 : i32
        %parallel_loop3A_473 = arith.index_cast %parallel_loop3A_472 : i32 to index
        %parallel_loop3A_474 = tpu.vector_load %arg8[%parallel_loop3A_473] {strides = array<i32>} : memref<32768xf32, #tpu.memory_space<vmem>>, vector<16xf32>,
        tpu.vector_store %arg8[%parallel_loop3A_473], %parallel_loop3A_468 {strides = array<i32>} : memref<32768xf32, #tpu.memory_space<vmem>>, vector<16xf32>,
      } {sc.loop_unroll_factor = 4 : i64, sc.parallel_access}
      %mul3A_181 = arith.constant 8192 : i32
      %mul3A_182 = arith.muli %rem3A_159, %mul3A_181 : i32
      %dma_start3A_183 = arith.constant 0 : i32
      %dma_start3A_184 = arith.constant 0 : i32
      %dma_start3A_185 = tpu.memref_slice %arg8[%dma_start3A_184] : memref<32768xf32, #tpu.memory_space<vmem>> -> memref<8192xf32, #tpu.memory_space<vmem>>
      %dma_start3A_186 = tpu.memref_slice %arg4[%select_n3A_157, %dma_start3A_183, %mul3A_182] : memref<200x4x131072xf32, #tpu.memory_space<hbm>> -> memref<1x1x8192xf32, #tpu.memory_space<hbm>>
      %dma_start3A_187 = tpu.memref_squeeze %dma_start3A_186 : memref<1x1x8192xf32, #tpu.memory_space<hbm>> -> memref<8192xf32, #tpu.memory_space<hbm>>
      %dma_start3A_188 = tpu.memref_slice %arg4[%select_n3A_157, %dma_start3A_183, %mul3A_182] : memref<200x4x131072xf32, #tpu.memory_space<hbm>> -> memref<1x1x8192xf32, #tpu.memory_space<hbm>>
      %dma_start3A_189 = tpu.memref_squeeze %dma_start3A_188 : memref<1x1x8192xf32, #tpu.memory_space<hbm>> -> memref<8192xf32, #tpu.memory_space<hbm>>
      %dma_start3A_190 = arith.constant 0 : i32
      %dma_start3A_191 = tpu.memref_slice %arg8[%dma_start3A_190] : memref<32768xf32, #tpu.memory_space<vmem>> -> memref<8192xf32, #tpu.memory_space<vmem>>
      tpu.enqueue_dma source(%dma_start3A_191 : memref<8192xf32, #tpu.memory_space<vmem>>) target(%dma_start3A_189 : memref<8192xf32, #tpu.memory_space<hbm>>) target_semaphore(%arg12 : memref<!tpu.dma_semaphore, #tpu.memory_space<semaphore_mem>>)
      %parallel_loop3A_192 = arith.constant 0 : i32
      %parallel_loop3A_193 = arith.constant 64 : i32
      %parallel_loop3A_194 = arith.constant 1 : i32
      scf.for %parallel_loop3A_345 = %parallel_loop3A_192 to %parallel_loop3A_193 step %parallel_loop3A_194  : i32 {
        %parallel_loop3A_346 = arith.constant 16 : i32
        %parallel_loop3A_347 = arith.muli %parallel_loop3A_345, %parallel_loop3A_346 : i32
        %parallel_loop3A_348 = arith.index_cast %parallel_loop3A_347 : i32 to index
        %parallel_loop3A_349 = tpu.vector_load %arg6[%parallel_loop3A_348] {strides = array<i32>} : memref<1024xi32, #tpu.memory_space<vmem>>, vector<16xi32>,
        %parallel_loop3A_350 = arith.constant 8 : i32
        %parallel_loop3A_351 = arith.divsi %parallel_loop3A_345, %parallel_loop3A_350 : i32
        %parallel_loop3A_352 = arith.constant 0 : i32
        %parallel_loop3A_353 = arith.cmpi sgt, %parallel_loop3A_345, %parallel_loop3A_352 : i32
        %parallel_loop3A_354 = arith.extui %parallel_loop3A_353 : i1 to i32
        %parallel_loop3A_355 = arith.constant 0 : i32
        %parallel_loop3A_356 = arith.cmpi slt, %parallel_loop3A_345, %parallel_loop3A_355 : i32
        %parallel_loop3A_357 = arith.extui %parallel_loop3A_356 : i1 to i32
        %parallel_loop3A_358 = arith.subi %parallel_loop3A_354, %parallel_loop3A_357 : i32
        %parallel_loop3A_359 = arith.constant 0 : i32
        %parallel_loop3A_360 = arith.cmpi sgt, %parallel_loop3A_350, %parallel_loop3A_359 : i32
        %parallel_loop3A_361 = arith.extui %parallel_loop3A_360 : i1 to i32
        %parallel_loop3A_362 = arith.constant 0 : i32
        %parallel_loop3A_363 = arith.cmpi slt, %parallel_loop3A_350, %parallel_loop3A_362 : i32
        %parallel_loop3A_364 = arith.extui %parallel_loop3A_363 : i1 to i32
        %parallel_loop3A_365 = arith.subi %parallel_loop3A_361, %parallel_loop3A_364 : i32
        %parallel_loop3A_366 = arith.cmpi ne, %parallel_loop3A_358, %parallel_loop3A_365 : i32
        %parallel_loop3A_367 = arith.remsi %parallel_loop3A_345, %parallel_loop3A_350 : i32
        %parallel_loop3A_368 = arith.constant 0 : i32
        %parallel_loop3A_369 = arith.cmpi ne, %parallel_loop3A_367, %parallel_loop3A_368 : i32
        %parallel_loop3A_370 = arith.andi %parallel_loop3A_366, %parallel_loop3A_369 : i1
        %parallel_loop3A_371 = arith.constant 1 : i32
        %parallel_loop3A_372 = arith.subi %parallel_loop3A_351, %parallel_loop3A_371 : i32
        %parallel_loop3A_373 = arith.select %parallel_loop3A_370, %parallel_loop3A_372, %parallel_loop3A_351 : i32
        %parallel_loop3A_374 = arith.constant 1024 : i32
        %parallel_loop3A_375 = arith.muli %parallel_loop3A_373, %parallel_loop3A_374 : i32
        %parallel_loop3A_376 = arith.constant 8 : i32
        %parallel_loop3A_377 = arith.constant 0 : i32
        %parallel_loop3A_378 = arith.cmpi eq, %parallel_loop3A_376, %parallel_loop3A_377 : i32
        %parallel_loop3A_379 = arith.constant 1 : i32
        %parallel_loop3A_380 = arith.select %parallel_loop3A_378, %parallel_loop3A_379, %parallel_loop3A_376 : i32
        %parallel_loop3A_381 = arith.remsi %parallel_loop3A_345, %parallel_loop3A_380 : i32
        %parallel_loop3A_382 = arith.constant 0 : i32
        %parallel_loop3A_383 = arith.cmpi ne, %parallel_loop3A_381, %parallel_loop3A_382 : i32
        %parallel_loop3A_384 = arith.constant 0 : i32
        %parallel_loop3A_385 = arith.cmpi slt, %parallel_loop3A_381, %parallel_loop3A_384 : i32
        %parallel_loop3A_386 = arith.constant 0 : i32
        %parallel_loop3A_387 = arith.cmpi slt, %parallel_loop3A_380, %parallel_loop3A_386 : i32
        %parallel_loop3A_388 = arith.xori %parallel_loop3A_385, %parallel_loop3A_387 : i1
        %parallel_loop3A_389 = arith.andi %parallel_loop3A_388, %parallel_loop3A_383 : i1
        %parallel_loop3A_390 = arith.addi %parallel_loop3A_381, %parallel_loop3A_380 : i32
        %parallel_loop3A_391 = arith.select %parallel_loop3A_389, %parallel_loop3A_390, %parallel_loop3A_381 : i32
        %parallel_loop3A_392 = arith.constant 16 : i32
        %parallel_loop3A_393 = arith.muli %parallel_loop3A_391, %parallel_loop3A_392 : i32
        %parallel_loop3A_394 = arith.addi %parallel_loop3A_375, %parallel_loop3A_393 : i32
        %parallel_loop3A_395 = arith.constant 1024 : i32
        %parallel_loop3A_396 = vector.broadcast %parallel_loop3A_395 : i32 to vector<16xi32>
        %parallel_loop3A_397 = arith.addi %parallel_loop3A_349, %parallel_loop3A_396 : vector<16xi32>
        %parallel_loop3A_398 = tpu.vector_load_idx %arg5[%parallel_loop3A_397] : memref<4096xf32, #tpu.memory_space<vmem>>[vector<16xi32>], vector<16xf32>,
        %parallel_loop3A_399 = arith.constant 8192 : i32
        %parallel_loop3A_400 = arith.addi %parallel_loop3A_394, %parallel_loop3A_399 : i32
        %parallel_loop3A_401 = arith.constant 0 : i32
        %parallel_loop3A_402 = arith.addi %parallel_loop3A_400, %parallel_loop3A_401 : i32
        %parallel_loop3A_403 = arith.index_cast %parallel_loop3A_402 : i32 to index
        %parallel_loop3A_404 = tpu.vector_load %arg8[%parallel_loop3A_403] {strides = array<i32>} : memref<32768xf32, #tpu.memory_space<vmem>>, vector<16xf32>,
        tpu.vector_store %arg8[%parallel_loop3A_403], %parallel_loop3A_398 {strides = array<i32>} : memref<32768xf32, #tpu.memory_space<vmem>>, vector<16xf32>,
        %parallel_loop3A_405 = arith.constant 1152 : i32
        %parallel_loop3A_406 = vector.broadcast %parallel_loop3A_405 : i32 to vector<16xi32>
        %parallel_loop3A_407 = arith.addi %parallel_loop3A_349, %parallel_loop3A_406 : vector<16xi32>
        %parallel_loop3A_408 = tpu.vector_load_idx %arg5[%parallel_loop3A_407] : memref<4096xf32, #tpu.memory_space<vmem>>[vector<16xi32>], vector<16xf32>,
        %parallel_loop3A_409 = arith.constant 8192 : i32
        %parallel_loop3A_410 = arith.addi %parallel_loop3A_394, %parallel_loop3A_409 : i32
        %parallel_loop3A_411 = arith.constant 128 : i32
        %parallel_loop3A_412 = arith.addi %parallel_loop3A_410, %parallel_loop3A_411 : i32
        %parallel_loop3A_413 = arith.index_cast %parallel_loop3A_412 : i32 to index
        %parallel_loop3A_414 = tpu.vector_load %arg8[%parallel_loop3A_413] {strides = array<i32>} : memref<32768xf32, #tpu.memory_space<vmem>>, vector<16xf32>,
        tpu.vector_store %arg8[%parallel_loop3A_413], %parallel_loop3A_408 {strides = array<i32>} : memref<32768xf32, #tpu.memory_space<vmem>>, vector<16xf32>,
        %parallel_loop3A_415 = arith.constant 1280 : i32
        %parallel_loop3A_416 = vector.broadcast %parallel_loop3A_415 : i32 to vector<16xi32>
        %parallel_loop3A_417 = arith.addi %parallel_loop3A_349, %parallel_loop3A_416 : vector<16xi32>
        %parallel_loop3A_418 = tpu.vector_load_idx %arg5[%parallel_loop3A_417] : memref<4096xf32, #tpu.memory_space<vmem>>[vector<16xi32>], vector<16xf32>,
        %parallel_loop3A_419 = arith.constant 8192 : i32
        %parallel_loop3A_420 = arith.addi %parallel_loop3A_394, %parallel_loop3A_419 : i32
        %parallel_loop3A_421 = arith.constant 256 : i32
        %parallel_loop3A_422 = arith.addi %parallel_loop3A_420, %parallel_loop3A_421 : i32
        %parallel_loop3A_423 = arith.index_cast %parallel_loop3A_422 : i32 to index
        %parallel_loop3A_424 = tpu.vector_load %arg8[%parallel_loop3A_423] {strides = array<i32>} : memref<32768xf32, #tpu.memory_space<vmem>>, vector<16xf32>,
        tpu.vector_store %arg8[%parallel_loop3A_423], %parallel_loop3A_418 {strides = array<i32>} : memref<32768xf32, #tpu.memory_space<vmem>>, vector<16xf32>,
        %parallel_loop3A_425 = arith.constant 1408 : i32
        %parallel_loop3A_426 = vector.broadcast %parallel_loop3A_425 : i32 to vector<16xi32>
        %parallel_loop3A_427 = arith.addi %parallel_loop3A_349, %parallel_loop3A_426 : vector<16xi32>
        %parallel_loop3A_428 = tpu.vector_load_idx %arg5[%parallel_loop3A_427] : memref<4096xf32, #tpu.memory_space<vmem>>[vector<16xi32>], vector<16xf32>,
        %parallel_loop3A_429 = arith.constant 8192 : i32
        %parallel_loop3A_430 = arith.addi %parallel_loop3A_394, %parallel_loop3A_429 : i32
        %parallel_loop3A_431 = arith.constant 384 : i32
        %parallel_loop3A_432 = arith.addi %parallel_loop3A_430, %parallel_loop3A_431 : i32
        %parallel_loop3A_433 = arith.index_cast %parallel_loop3A_432 : i32 to index
        %parallel_loop3A_434 = tpu.vector_load %arg8[%parallel_loop3A_433] {strides = array<i32>} : memref<32768xf32, #tpu.memory_space<vmem>>, vector<16xf32>,
        tpu.vector_store %arg8[%parallel_loop3A_433], %parallel_loop3A_428 {strides = array<i32>} : memref<32768xf32, #tpu.memory_space<vmem>>, vector<16xf32>,
        %parallel_loop3A_435 = arith.constant 1536 : i32
        %parallel_loop3A_436 = vector.broadcast %parallel_loop3A_435 : i32 to vector<16xi32>
        %parallel_loop3A_437 = arith.addi %parallel_loop3A_349, %parallel_loop3A_436 : vector<16xi32>
        %parallel_loop3A_438 = tpu.vector_load_idx %arg5[%parallel_loop3A_437] : memref<4096xf32, #tpu.memory_space<vmem>>[vector<16xi32>], vector<16xf32>,
        %parallel_loop3A_439 = arith.constant 8192 : i32
        %parallel_loop3A_440 = arith.addi %parallel_loop3A_394, %parallel_loop3A_439 : i32
        %parallel_loop3A_441 = arith.constant 512 : i32
        %parallel_loop3A_442 = arith.addi %parallel_loop3A_440, %parallel_loop3A_441 : i32
        %parallel_loop3A_443 = arith.index_cast %parallel_loop3A_442 : i32 to index
        %parallel_loop3A_444 = tpu.vector_load %arg8[%parallel_loop3A_443] {strides = array<i32>} : memref<32768xf32, #tpu.memory_space<vmem>>, vector<16xf32>,
        tpu.vector_store %arg8[%parallel_loop3A_443], %parallel_loop3A_438 {strides = array<i32>} : memref<32768xf32, #tpu.memory_space<vmem>>, vector<16xf32>,
        %parallel_loop3A_445 = arith.constant 1664 : i32
        %parallel_loop3A_446 = vector.broadcast %parallel_loop3A_445 : i32 to vector<16xi32>
        %parallel_loop3A_447 = arith.addi %parallel_loop3A_349, %parallel_loop3A_446 : vector<16xi32>
        %parallel_loop3A_448 = tpu.vector_load_idx %arg5[%parallel_loop3A_447] : memref<4096xf32, #tpu.memory_space<vmem>>[vector<16xi32>], vector<16xf32>,
        %parallel_loop3A_449 = arith.constant 8192 : i32
        %parallel_loop3A_450 = arith.addi %parallel_loop3A_394, %parallel_loop3A_449 : i32
        %parallel_loop3A_451 = arith.constant 640 : i32
        %parallel_loop3A_452 = arith.addi %parallel_loop3A_450, %parallel_loop3A_451 : i32
        %parallel_loop3A_453 = arith.index_cast %parallel_loop3A_452 : i32 to index
        %parallel_loop3A_454 = tpu.vector_load %arg8[%parallel_loop3A_453] {strides = array<i32>} : memref<32768xf32, #tpu.memory_space<vmem>>, vector<16xf32>,
        tpu.vector_store %arg8[%parallel_loop3A_453], %parallel_loop3A_448 {strides = array<i32>} : memref<32768xf32, #tpu.memory_space<vmem>>, vector<16xf32>,
        %parallel_loop3A_455 = arith.constant 1792 : i32
        %parallel_loop3A_456 = vector.broadcast %parallel_loop3A_455 : i32 to vector<16xi32>
        %parallel_loop3A_457 = arith.addi %parallel_loop3A_349, %parallel_loop3A_456 : vector<16xi32>
        %parallel_loop3A_458 = tpu.vector_load_idx %arg5[%parallel_loop3A_457] : memref<4096xf32, #tpu.memory_space<vmem>>[vector<16xi32>], vector<16xf32>,
        %parallel_loop3A_459 = arith.constant 8192 : i32
        %parallel_loop3A_460 = arith.addi %parallel_loop3A_394, %parallel_loop3A_459 : i32
        %parallel_loop3A_461 = arith.constant 768 : i32
        %parallel_loop3A_462 = arith.addi %parallel_loop3A_460, %parallel_loop3A_461 : i32
        %parallel_loop3A_463 = arith.index_cast %parallel_loop3A_462 : i32 to index
        %parallel_loop3A_464 = tpu.vector_load %arg8[%parallel_loop3A_463] {strides = array<i32>} : memref<32768xf32, #tpu.memory_space<vmem>>, vector<16xf32>,
        tpu.vector_store %arg8[%parallel_loop3A_463], %parallel_loop3A_458 {strides = array<i32>} : memref<32768xf32, #tpu.memory_space<vmem>>, vector<16xf32>,
        %parallel_loop3A_465 = arith.constant 1920 : i32
        %parallel_loop3A_466 = vector.broadcast %parallel_loop3A_465 : i32 to vector<16xi32>
        %parallel_loop3A_467 = arith.addi %parallel_loop3A_349, %parallel_loop3A_466 : vector<16xi32>
        %parallel_loop3A_468 = tpu.vector_load_idx %arg5[%parallel_loop3A_467] : memref<4096xf32, #tpu.memory_space<vmem>>[vector<16xi32>], vector<16xf32>,
        %parallel_loop3A_469 = arith.constant 8192 : i32
        %parallel_loop3A_470 = arith.addi %parallel_loop3A_394, %parallel_loop3A_469 : i32
        %parallel_loop3A_471 = arith.constant 896 : i32
        %parallel_loop3A_472 = arith.addi %parallel_loop3A_470, %parallel_loop3A_471 : i32
        %parallel_loop3A_473 = arith.index_cast %parallel_loop3A_472 : i32 to index
        %parallel_loop3A_474 = tpu.vector_load %arg8[%parallel_loop3A_473] {strides = array<i32>} : memref<32768xf32, #tpu.memory_space<vmem>>, vector<16xf32>,
        tpu.vector_store %arg8[%parallel_loop3A_473], %parallel_loop3A_468 {strides = array<i32>} : memref<32768xf32, #tpu.memory_space<vmem>>, vector<16xf32>,
      } {sc.loop_unroll_factor = 4 : i64, sc.parallel_access}
      %mul3A_195 = arith.constant 8192 : i32
      %mul3A_196 = arith.muli %rem3A_159, %mul3A_195 : i32
      %dma_start3A_197 = arith.constant 1 : i32
      %dma_start3A_198 = arith.constant 8192 : i32
      %dma_start3A_199 = tpu.memref_slice %arg8[%dma_start3A_198] : memref<32768xf32, #tpu.memory_space<vmem>> -> memref<8192xf32, #tpu.memory_space<vmem>>
      %dma_start3A_200 = tpu.memref_slice %arg4[%select_n3A_157, %dma_start3A_197, %mul3A_196] : memref<200x4x131072xf32, #tpu.memory_space<hbm>> -> memref<1x1x8192xf32, #tpu.memory_space<hbm>>
      %dma_start3A_201 = tpu.memref_squeeze %dma_start3A_200 : memref<1x1x8192xf32, #tpu.memory_space<hbm>> -> memref<8192xf32, #tpu.memory_space<hbm>>
      %dma_start3A_202 = tpu.memref_slice %arg4[%select_n3A_157, %dma_start3A_197, %mul3A_196] : memref<200x4x131072xf32, #tpu.memory_space<hbm>> -> memref<1x1x8192xf32, #tpu.memory_space<hbm>>
      %dma_start3A_203 = tpu.memref_squeeze %dma_start3A_202 : memref<1x1x8192xf32, #tpu.memory_space<hbm>> -> memref<8192xf32, #tpu.memory_space<hbm>>
      %dma_start3A_204 = arith.constant 8192 : i32
      %dma_start3A_205 = tpu.memref_slice %arg8[%dma_start3A_204] : memref<32768xf32, #tpu.memory_space<vmem>> -> memref<8192xf32, #tpu.memory_space<vmem>>
      tpu.enqueue_dma source(%dma_start3A_205 : memref<8192xf32, #tpu.memory_space<vmem>>) target(%dma_start3A_203 : memref<8192xf32, #tpu.memory_space<hbm>>) target_semaphore(%arg12 : memref<!tpu.dma_semaphore, #tpu.memory_space<semaphore_mem>>)
      %parallel_loop3A_206 = arith.constant 0 : i32
      %parallel_loop3A_207 = arith.constant 64 : i32
      %parallel_loop3A_208 = arith.constant 1 : i32
      scf.for %parallel_loop3A_345 = %parallel_loop3A_206 to %parallel_loop3A_207 step %parallel_loop3A_208  : i32 {
        %parallel_loop3A_346 = arith.constant 16 : i32
        %parallel_loop3A_347 = arith.muli %parallel_loop3A_345, %parallel_loop3A_346 : i32
        %parallel_loop3A_348 = arith.index_cast %parallel_loop3A_347 : i32 to index
        %parallel_loop3A_349 = tpu.vector_load %arg6[%parallel_loop3A_348] {strides = array<i32>} : memref<1024xi32, #tpu.memory_space<vmem>>, vector<16xi32>,
        %parallel_loop3A_350 = arith.constant 8 : i32
        %parallel_loop3A_351 = arith.divsi %parallel_loop3A_345, %parallel_loop3A_350 : i32
        %parallel_loop3A_352 = arith.constant 0 : i32
        %parallel_loop3A_353 = arith.cmpi sgt, %parallel_loop3A_345, %parallel_loop3A_352 : i32
        %parallel_loop3A_354 = arith.extui %parallel_loop3A_353 : i1 to i32
        %parallel_loop3A_355 = arith.constant 0 : i32
        %parallel_loop3A_356 = arith.cmpi slt, %parallel_loop3A_345, %parallel_loop3A_355 : i32
        %parallel_loop3A_357 = arith.extui %parallel_loop3A_356 : i1 to i32
        %parallel_loop3A_358 = arith.subi %parallel_loop3A_354, %parallel_loop3A_357 : i32
        %parallel_loop3A_359 = arith.constant 0 : i32
        %parallel_loop3A_360 = arith.cmpi sgt, %parallel_loop3A_350, %parallel_loop3A_359 : i32
        %parallel_loop3A_361 = arith.extui %parallel_loop3A_360 : i1 to i32
        %parallel_loop3A_362 = arith.constant 0 : i32
        %parallel_loop3A_363 = arith.cmpi slt, %parallel_loop3A_350, %parallel_loop3A_362 : i32
        %parallel_loop3A_364 = arith.extui %parallel_loop3A_363 : i1 to i32
        %parallel_loop3A_365 = arith.subi %parallel_loop3A_361, %parallel_loop3A_364 : i32
        %parallel_loop3A_366 = arith.cmpi ne, %parallel_loop3A_358, %parallel_loop3A_365 : i32
        %parallel_loop3A_367 = arith.remsi %parallel_loop3A_345, %parallel_loop3A_350 : i32
        %parallel_loop3A_368 = arith.constant 0 : i32
        %parallel_loop3A_369 = arith.cmpi ne, %parallel_loop3A_367, %parallel_loop3A_368 : i32
        %parallel_loop3A_370 = arith.andi %parallel_loop3A_366, %parallel_loop3A_369 : i1
        %parallel_loop3A_371 = arith.constant 1 : i32
        %parallel_loop3A_372 = arith.subi %parallel_loop3A_351, %parallel_loop3A_371 : i32
        %parallel_loop3A_373 = arith.select %parallel_loop3A_370, %parallel_loop3A_372, %parallel_loop3A_351 : i32
        %parallel_loop3A_374 = arith.constant 1024 : i32
        %parallel_loop3A_375 = arith.muli %parallel_loop3A_373, %parallel_loop3A_374 : i32
        %parallel_loop3A_376 = arith.constant 8 : i32
        %parallel_loop3A_377 = arith.constant 0 : i32
        %parallel_loop3A_378 = arith.cmpi eq, %parallel_loop3A_376, %parallel_loop3A_377 : i32
        %parallel_loop3A_379 = arith.constant 1 : i32
        %parallel_loop3A_380 = arith.select %parallel_loop3A_378, %parallel_loop3A_379, %parallel_loop3A_376 : i32
        %parallel_loop3A_381 = arith.remsi %parallel_loop3A_345, %parallel_loop3A_380 : i32
        %parallel_loop3A_382 = arith.constant 0 : i32
        %parallel_loop3A_383 = arith.cmpi ne, %parallel_loop3A_381, %parallel_loop3A_382 : i32
        %parallel_loop3A_384 = arith.constant 0 : i32
        %parallel_loop3A_385 = arith.cmpi slt, %parallel_loop3A_381, %parallel_loop3A_384 : i32
        %parallel_loop3A_386 = arith.constant 0 : i32
        %parallel_loop3A_387 = arith.cmpi slt, %parallel_loop3A_380, %parallel_loop3A_386 : i32
        %parallel_loop3A_388 = arith.xori %parallel_loop3A_385, %parallel_loop3A_387 : i1
        %parallel_loop3A_389 = arith.andi %parallel_loop3A_388, %parallel_loop3A_383 : i1
        %parallel_loop3A_390 = arith.addi %parallel_loop3A_381, %parallel_loop3A_380 : i32
        %parallel_loop3A_391 = arith.select %parallel_loop3A_389, %parallel_loop3A_390, %parallel_loop3A_381 : i32
        %parallel_loop3A_392 = arith.constant 16 : i32
        %parallel_loop3A_393 = arith.muli %parallel_loop3A_391, %parallel_loop3A_392 : i32
        %parallel_loop3A_394 = arith.addi %parallel_loop3A_375, %parallel_loop3A_393 : i32
        %parallel_loop3A_395 = arith.constant 2048 : i32
        %parallel_loop3A_396 = vector.broadcast %parallel_loop3A_395 : i32 to vector<16xi32>
        %parallel_loop3A_397 = arith.addi %parallel_loop3A_349, %parallel_loop3A_396 : vector<16xi32>
        %parallel_loop3A_398 = tpu.vector_load_idx %arg5[%parallel_loop3A_397] : memref<4096xf32, #tpu.memory_space<vmem>>[vector<16xi32>], vector<16xf32>,
        %parallel_loop3A_399 = arith.constant 16384 : i32
        %parallel_loop3A_400 = arith.addi %parallel_loop3A_394, %parallel_loop3A_399 : i32
        %parallel_loop3A_401 = arith.constant 0 : i32
        %parallel_loop3A_402 = arith.addi %parallel_loop3A_400, %parallel_loop3A_401 : i32
        %parallel_loop3A_403 = arith.index_cast %parallel_loop3A_402 : i32 to index
        %parallel_loop3A_404 = tpu.vector_load %arg8[%parallel_loop3A_403] {strides = array<i32>} : memref<32768xf32, #tpu.memory_space<vmem>>, vector<16xf32>,
        tpu.vector_store %arg8[%parallel_loop3A_403], %parallel_loop3A_398 {strides = array<i32>} : memref<32768xf32, #tpu.memory_space<vmem>>, vector<16xf32>,
        %parallel_loop3A_405 = arith.constant 2176 : i32
        %parallel_loop3A_406 = vector.broadcast %parallel_loop3A_405 : i32 to vector<16xi32>
        %parallel_loop3A_407 = arith.addi %parallel_loop3A_349, %parallel_loop3A_406 : vector<16xi32>
        %parallel_loop3A_408 = tpu.vector_load_idx %arg5[%parallel_loop3A_407] : memref<4096xf32, #tpu.memory_space<vmem>>[vector<16xi32>], vector<16xf32>,
        %parallel_loop3A_409 = arith.constant 16384 : i32
        %parallel_loop3A_410 = arith.addi %parallel_loop3A_394, %parallel_loop3A_409 : i32
        %parallel_loop3A_411 = arith.constant 128 : i32
        %parallel_loop3A_412 = arith.addi %parallel_loop3A_410, %parallel_loop3A_411 : i32
        %parallel_loop3A_413 = arith.index_cast %parallel_loop3A_412 : i32 to index
        %parallel_loop3A_414 = tpu.vector_load %arg8[%parallel_loop3A_413] {strides = array<i32>} : memref<32768xf32, #tpu.memory_space<vmem>>, vector<16xf32>,
        tpu.vector_store %arg8[%parallel_loop3A_413], %parallel_loop3A_408 {strides = array<i32>} : memref<32768xf32, #tpu.memory_space<vmem>>, vector<16xf32>,
        %parallel_loop3A_415 = arith.constant 2304 : i32
        %parallel_loop3A_416 = vector.broadcast %parallel_loop3A_415 : i32 to vector<16xi32>
        %parallel_loop3A_417 = arith.addi %parallel_loop3A_349, %parallel_loop3A_416 : vector<16xi32>
        %parallel_loop3A_418 = tpu.vector_load_idx %arg5[%parallel_loop3A_417] : memref<4096xf32, #tpu.memory_space<vmem>>[vector<16xi32>], vector<16xf32>,
        %parallel_loop3A_419 = arith.constant 16384 : i32
        %parallel_loop3A_420 = arith.addi %parallel_loop3A_394, %parallel_loop3A_419 : i32
        %parallel_loop3A_421 = arith.constant 256 : i32
        %parallel_loop3A_422 = arith.addi %parallel_loop3A_420, %parallel_loop3A_421 : i32
        %parallel_loop3A_423 = arith.index_cast %parallel_loop3A_422 : i32 to index
        %parallel_loop3A_424 = tpu.vector_load %arg8[%parallel_loop3A_423] {strides = array<i32>} : memref<32768xf32, #tpu.memory_space<vmem>>, vector<16xf32>,
        tpu.vector_store %arg8[%parallel_loop3A_423], %parallel_loop3A_418 {strides = array<i32>} : memref<32768xf32, #tpu.memory_space<vmem>>, vector<16xf32>,
        %parallel_loop3A_425 = arith.constant 2432 : i32
        %parallel_loop3A_426 = vector.broadcast %parallel_loop3A_425 : i32 to vector<16xi32>
        %parallel_loop3A_427 = arith.addi %parallel_loop3A_349, %parallel_loop3A_426 : vector<16xi32>
        %parallel_loop3A_428 = tpu.vector_load_idx %arg5[%parallel_loop3A_427] : memref<4096xf32, #tpu.memory_space<vmem>>[vector<16xi32>], vector<16xf32>,
        %parallel_loop3A_429 = arith.constant 16384 : i32
        %parallel_loop3A_430 = arith.addi %parallel_loop3A_394, %parallel_loop3A_429 : i32
        %parallel_loop3A_431 = arith.constant 384 : i32
        %parallel_loop3A_432 = arith.addi %parallel_loop3A_430, %parallel_loop3A_431 : i32
        %parallel_loop3A_433 = arith.index_cast %parallel_loop3A_432 : i32 to index
        %parallel_loop3A_434 = tpu.vector_load %arg8[%parallel_loop3A_433] {strides = array<i32>} : memref<32768xf32, #tpu.memory_space<vmem>>, vector<16xf32>,
        tpu.vector_store %arg8[%parallel_loop3A_433], %parallel_loop3A_428 {strides = array<i32>} : memref<32768xf32, #tpu.memory_space<vmem>>, vector<16xf32>,
        %parallel_loop3A_435 = arith.constant 2560 : i32
        %parallel_loop3A_436 = vector.broadcast %parallel_loop3A_435 : i32 to vector<16xi32>
        %parallel_loop3A_437 = arith.addi %parallel_loop3A_349, %parallel_loop3A_436 : vector<16xi32>
        %parallel_loop3A_438 = tpu.vector_load_idx %arg5[%parallel_loop3A_437] : memref<4096xf32, #tpu.memory_space<vmem>>[vector<16xi32>], vector<16xf32>,
        %parallel_loop3A_439 = arith.constant 16384 : i32
        %parallel_loop3A_440 = arith.addi %parallel_loop3A_394, %parallel_loop3A_439 : i32
        %parallel_loop3A_441 = arith.constant 512 : i32
        %parallel_loop3A_442 = arith.addi %parallel_loop3A_440, %parallel_loop3A_441 : i32
        %parallel_loop3A_443 = arith.index_cast %parallel_loop3A_442 : i32 to index
        %parallel_loop3A_444 = tpu.vector_load %arg8[%parallel_loop3A_443] {strides = array<i32>} : memref<32768xf32, #tpu.memory_space<vmem>>, vector<16xf32>,
        tpu.vector_store %arg8[%parallel_loop3A_443], %parallel_loop3A_438 {strides = array<i32>} : memref<32768xf32, #tpu.memory_space<vmem>>, vector<16xf32>,
        %parallel_loop3A_445 = arith.constant 2688 : i32
        %parallel_loop3A_446 = vector.broadcast %parallel_loop3A_445 : i32 to vector<16xi32>
        %parallel_loop3A_447 = arith.addi %parallel_loop3A_349, %parallel_loop3A_446 : vector<16xi32>
        %parallel_loop3A_448 = tpu.vector_load_idx %arg5[%parallel_loop3A_447] : memref<4096xf32, #tpu.memory_space<vmem>>[vector<16xi32>], vector<16xf32>,
        %parallel_loop3A_449 = arith.constant 16384 : i32
        %parallel_loop3A_450 = arith.addi %parallel_loop3A_394, %parallel_loop3A_449 : i32
        %parallel_loop3A_451 = arith.constant 640 : i32
        %parallel_loop3A_452 = arith.addi %parallel_loop3A_450, %parallel_loop3A_451 : i32
        %parallel_loop3A_453 = arith.index_cast %parallel_loop3A_452 : i32 to index
        %parallel_loop3A_454 = tpu.vector_load %arg8[%parallel_loop3A_453] {strides = array<i32>} : memref<32768xf32, #tpu.memory_space<vmem>>, vector<16xf32>,
        tpu.vector_store %arg8[%parallel_loop3A_453], %parallel_loop3A_448 {strides = array<i32>} : memref<32768xf32, #tpu.memory_space<vmem>>, vector<16xf32>,
        %parallel_loop3A_455 = arith.constant 2816 : i32
        %parallel_loop3A_456 = vector.broadcast %parallel_loop3A_455 : i32 to vector<16xi32>
        %parallel_loop3A_457 = arith.addi %parallel_loop3A_349, %parallel_loop3A_456 : vector<16xi32>
        %parallel_loop3A_458 = tpu.vector_load_idx %arg5[%parallel_loop3A_457] : memref<4096xf32, #tpu.memory_space<vmem>>[vector<16xi32>], vector<16xf32>,
        %parallel_loop3A_459 = arith.constant 16384 : i32
        %parallel_loop3A_460 = arith.addi %parallel_loop3A_394, %parallel_loop3A_459 : i32
        %parallel_loop3A_461 = arith.constant 768 : i32
        %parallel_loop3A_462 = arith.addi %parallel_loop3A_460, %parallel_loop3A_461 : i32
        %parallel_loop3A_463 = arith.index_cast %parallel_loop3A_462 : i32 to index
        %parallel_loop3A_464 = tpu.vector_load %arg8[%parallel_loop3A_463] {strides = array<i32>} : memref<32768xf32, #tpu.memory_space<vmem>>, vector<16xf32>,
        tpu.vector_store %arg8[%parallel_loop3A_463], %parallel_loop3A_458 {strides = array<i32>} : memref<32768xf32, #tpu.memory_space<vmem>>, vector<16xf32>,
        %parallel_loop3A_465 = arith.constant 2944 : i32
        %parallel_loop3A_466 = vector.broadcast %parallel_loop3A_465 : i32 to vector<16xi32>
        %parallel_loop3A_467 = arith.addi %parallel_loop3A_349, %parallel_loop3A_466 : vector<16xi32>
        %parallel_loop3A_468 = tpu.vector_load_idx %arg5[%parallel_loop3A_467] : memref<4096xf32, #tpu.memory_space<vmem>>[vector<16xi32>], vector<16xf32>,
        %parallel_loop3A_469 = arith.constant 16384 : i32
        %parallel_loop3A_470 = arith.addi %parallel_loop3A_394, %parallel_loop3A_469 : i32
        %parallel_loop3A_471 = arith.constant 896 : i32
        %parallel_loop3A_472 = arith.addi %parallel_loop3A_470, %parallel_loop3A_471 : i32
        %parallel_loop3A_473 = arith.index_cast %parallel_loop3A_472 : i32 to index
        %parallel_loop3A_474 = tpu.vector_load %arg8[%parallel_loop3A_473] {strides = array<i32>} : memref<32768xf32, #tpu.memory_space<vmem>>, vector<16xf32>,
        tpu.vector_store %arg8[%parallel_loop3A_473], %parallel_loop3A_468 {strides = array<i32>} : memref<32768xf32, #tpu.memory_space<vmem>>, vector<16xf32>,
      } {sc.loop_unroll_factor = 4 : i64, sc.parallel_access}
      %mul3A_209 = arith.constant 8192 : i32
      %mul3A_210 = arith.muli %rem3A_159, %mul3A_209 : i32
      %dma_start3A_211 = arith.constant 2 : i32
      %dma_start3A_212 = arith.constant 16384 : i32
      %dma_start3A_213 = tpu.memref_slice %arg8[%dma_start3A_212] : memref<32768xf32, #tpu.memory_space<vmem>> -> memref<8192xf32, #tpu.memory_space<vmem>>
      %dma_start3A_214 = tpu.memref_slice %arg4[%select_n3A_157, %dma_start3A_211, %mul3A_210] : memref<200x4x131072xf32, #tpu.memory_space<hbm>> -> memref<1x1x8192xf32, #tpu.memory_space<hbm>>
      %dma_start3A_215 = tpu.memref_squeeze %dma_start3A_214 : memref<1x1x8192xf32, #tpu.memory_space<hbm>> -> memref<8192xf32, #tpu.memory_space<hbm>>
      %dma_start3A_216 = tpu.memref_slice %arg4[%select_n3A_157, %dma_start3A_211, %mul3A_210] : memref<200x4x131072xf32, #tpu.memory_space<hbm>> -> memref<1x1x8192xf32, #tpu.memory_space<hbm>>
      %dma_start3A_217 = tpu.memref_squeeze %dma_start3A_216 : memref<1x1x8192xf32, #tpu.memory_space<hbm>> -> memref<8192xf32, #tpu.memory_space<hbm>>
      %dma_start3A_218 = arith.constant 16384 : i32
      %dma_start3A_219 = tpu.memref_slice %arg8[%dma_start3A_218] : memref<32768xf32, #tpu.memory_space<vmem>> -> memref<8192xf32, #tpu.memory_space<vmem>>
      tpu.enqueue_dma source(%dma_start3A_219 : memref<8192xf32, #tpu.memory_space<vmem>>) target(%dma_start3A_217 : memref<8192xf32, #tpu.memory_space<hbm>>) target_semaphore(%arg12 : memref<!tpu.dma_semaphore, #tpu.memory_space<semaphore_mem>>)
      %parallel_loop3A_220 = arith.constant 0 : i32
      %parallel_loop3A_221 = arith.constant 64 : i32
      %parallel_loop3A_222 = arith.constant 1 : i32
      scf.for %parallel_loop3A_345 = %parallel_loop3A_220 to %parallel_loop3A_221 step %parallel_loop3A_222  : i32 {
        %parallel_loop3A_346 = arith.constant 16 : i32
        %parallel_loop3A_347 = arith.muli %parallel_loop3A_345, %parallel_loop3A_346 : i32
        %parallel_loop3A_348 = arith.index_cast %parallel_loop3A_347 : i32 to index
        %parallel_loop3A_349 = tpu.vector_load %arg6[%parallel_loop3A_348] {strides = array<i32>} : memref<1024xi32, #tpu.memory_space<vmem>>, vector<16xi32>,
        %parallel_loop3A_350 = arith.constant 8 : i32
        %parallel_loop3A_351 = arith.divsi %parallel_loop3A_345, %parallel_loop3A_350 : i32
        %parallel_loop3A_352 = arith.constant 0 : i32
        %parallel_loop3A_353 = arith.cmpi sgt, %parallel_loop3A_345, %parallel_loop3A_352 : i32
        %parallel_loop3A_354 = arith.extui %parallel_loop3A_353 : i1 to i32
        %parallel_loop3A_355 = arith.constant 0 : i32
        %parallel_loop3A_356 = arith.cmpi slt, %parallel_loop3A_345, %parallel_loop3A_355 : i32
        %parallel_loop3A_357 = arith.extui %parallel_loop3A_356 : i1 to i32
        %parallel_loop3A_358 = arith.subi %parallel_loop3A_354, %parallel_loop3A_357 : i32
        %parallel_loop3A_359 = arith.constant 0 : i32
        %parallel_loop3A_360 = arith.cmpi sgt, %parallel_loop3A_350, %parallel_loop3A_359 : i32
        %parallel_loop3A_361 = arith.extui %parallel_loop3A_360 : i1 to i32
        %parallel_loop3A_362 = arith.constant 0 : i32
        %parallel_loop3A_363 = arith.cmpi slt, %parallel_loop3A_350, %parallel_loop3A_362 : i32
        %parallel_loop3A_364 = arith.extui %parallel_loop3A_363 : i1 to i32
        %parallel_loop3A_365 = arith.subi %parallel_loop3A_361, %parallel_loop3A_364 : i32
        %parallel_loop3A_366 = arith.cmpi ne, %parallel_loop3A_358, %parallel_loop3A_365 : i32
        %parallel_loop3A_367 = arith.remsi %parallel_loop3A_345, %parallel_loop3A_350 : i32
        %parallel_loop3A_368 = arith.constant 0 : i32
        %parallel_loop3A_369 = arith.cmpi ne, %parallel_loop3A_367, %parallel_loop3A_368 : i32
        %parallel_loop3A_370 = arith.andi %parallel_loop3A_366, %parallel_loop3A_369 : i1
        %parallel_loop3A_371 = arith.constant 1 : i32
        %parallel_loop3A_372 = arith.subi %parallel_loop3A_351, %parallel_loop3A_371 : i32
        %parallel_loop3A_373 = arith.select %parallel_loop3A_370, %parallel_loop3A_372, %parallel_loop3A_351 : i32
        %parallel_loop3A_374 = arith.constant 1024 : i32
        %parallel_loop3A_375 = arith.muli %parallel_loop3A_373, %parallel_loop3A_374 : i32
        %parallel_loop3A_376 = arith.constant 8 : i32
        %parallel_loop3A_377 = arith.constant 0 : i32
        %parallel_loop3A_378 = arith.cmpi eq, %parallel_loop3A_376, %parallel_loop3A_377 : i32
        %parallel_loop3A_379 = arith.constant 1 : i32
        %parallel_loop3A_380 = arith.select %parallel_loop3A_378, %parallel_loop3A_379, %parallel_loop3A_376 : i32
        %parallel_loop3A_381 = arith.remsi %parallel_loop3A_345, %parallel_loop3A_380 : i32
        %parallel_loop3A_382 = arith.constant 0 : i32
        %parallel_loop3A_383 = arith.cmpi ne, %parallel_loop3A_381, %parallel_loop3A_382 : i32
        %parallel_loop3A_384 = arith.constant 0 : i32
        %parallel_loop3A_385 = arith.cmpi slt, %parallel_loop3A_381, %parallel_loop3A_384 : i32
        %parallel_loop3A_386 = arith.constant 0 : i32
        %parallel_loop3A_387 = arith.cmpi slt, %parallel_loop3A_380, %parallel_loop3A_386 : i32
        %parallel_loop3A_388 = arith.xori %parallel_loop3A_385, %parallel_loop3A_387 : i1
        %parallel_loop3A_389 = arith.andi %parallel_loop3A_388, %parallel_loop3A_383 : i1
        %parallel_loop3A_390 = arith.addi %parallel_loop3A_381, %parallel_loop3A_380 : i32
        %parallel_loop3A_391 = arith.select %parallel_loop3A_389, %parallel_loop3A_390, %parallel_loop3A_381 : i32
        %parallel_loop3A_392 = arith.constant 16 : i32
        %parallel_loop3A_393 = arith.muli %parallel_loop3A_391, %parallel_loop3A_392 : i32
        %parallel_loop3A_394 = arith.addi %parallel_loop3A_375, %parallel_loop3A_393 : i32
        %parallel_loop3A_395 = arith.constant 3072 : i32
        %parallel_loop3A_396 = vector.broadcast %parallel_loop3A_395 : i32 to vector<16xi32>
        %parallel_loop3A_397 = arith.addi %parallel_loop3A_349, %parallel_loop3A_396 : vector<16xi32>
        %parallel_loop3A_398 = tpu.vector_load_idx %arg5[%parallel_loop3A_397] : memref<4096xf32, #tpu.memory_space<vmem>>[vector<16xi32>], vector<16xf32>,
        %parallel_loop3A_399 = arith.constant 24576 : i32
        %parallel_loop3A_400 = arith.addi %parallel_loop3A_394, %parallel_loop3A_399 : i32
        %parallel_loop3A_401 = arith.constant 0 : i32
        %parallel_loop3A_402 = arith.addi %parallel_loop3A_400, %parallel_loop3A_401 : i32
        %parallel_loop3A_403 = arith.index_cast %parallel_loop3A_402 : i32 to index
        %parallel_loop3A_404 = tpu.vector_load %arg8[%parallel_loop3A_403] {strides = array<i32>} : memref<32768xf32, #tpu.memory_space<vmem>>, vector<16xf32>,
        tpu.vector_store %arg8[%parallel_loop3A_403], %parallel_loop3A_398 {strides = array<i32>} : memref<32768xf32, #tpu.memory_space<vmem>>, vector<16xf32>,
        %parallel_loop3A_405 = arith.constant 3200 : i32
        %parallel_loop3A_406 = vector.broadcast %parallel_loop3A_405 : i32 to vector<16xi32>
        %parallel_loop3A_407 = arith.addi %parallel_loop3A_349, %parallel_loop3A_406 : vector<16xi32>
        %parallel_loop3A_408 = tpu.vector_load_idx %arg5[%parallel_loop3A_407] : memref<4096xf32, #tpu.memory_space<vmem>>[vector<16xi32>], vector<16xf32>,
        %parallel_loop3A_409 = arith.constant 24576 : i32
        %parallel_loop3A_410 = arith.addi %parallel_loop3A_394, %parallel_loop3A_409 : i32
        %parallel_loop3A_411 = arith.constant 128 : i32
        %parallel_loop3A_412 = arith.addi %parallel_loop3A_410, %parallel_loop3A_411 : i32
        %parallel_loop3A_413 = arith.index_cast %parallel_loop3A_412 : i32 to index
        %parallel_loop3A_414 = tpu.vector_load %arg8[%parallel_loop3A_413] {strides = array<i32>} : memref<32768xf32, #tpu.memory_space<vmem>>, vector<16xf32>,
        tpu.vector_store %arg8[%parallel_loop3A_413], %parallel_loop3A_408 {strides = array<i32>} : memref<32768xf32, #tpu.memory_space<vmem>>, vector<16xf32>,
        %parallel_loop3A_415 = arith.constant 3328 : i32
        %parallel_loop3A_416 = vector.broadcast %parallel_loop3A_415 : i32 to vector<16xi32>
        %parallel_loop3A_417 = arith.addi %parallel_loop3A_349, %parallel_loop3A_416 : vector<16xi32>
        %parallel_loop3A_418 = tpu.vector_load_idx %arg5[%parallel_loop3A_417] : memref<4096xf32, #tpu.memory_space<vmem>>[vector<16xi32>], vector<16xf32>,
        %parallel_loop3A_419 = arith.constant 24576 : i32
        %parallel_loop3A_420 = arith.addi %parallel_loop3A_394, %parallel_loop3A_419 : i32
        %parallel_loop3A_421 = arith.constant 256 : i32
        %parallel_loop3A_422 = arith.addi %parallel_loop3A_420, %parallel_loop3A_421 : i32
        %parallel_loop3A_423 = arith.index_cast %parallel_loop3A_422 : i32 to index
        %parallel_loop3A_424 = tpu.vector_load %arg8[%parallel_loop3A_423] {strides = array<i32>} : memref<32768xf32, #tpu.memory_space<vmem>>, vector<16xf32>,
        tpu.vector_store %arg8[%parallel_loop3A_423], %parallel_loop3A_418 {strides = array<i32>} : memref<32768xf32, #tpu.memory_space<vmem>>, vector<16xf32>,
        %parallel_loop3A_425 = arith.constant 3456 : i32
        %parallel_loop3A_426 = vector.broadcast %parallel_loop3A_425 : i32 to vector<16xi32>
        %parallel_loop3A_427 = arith.addi %parallel_loop3A_349, %parallel_loop3A_426 : vector<16xi32>
        %parallel_loop3A_428 = tpu.vector_load_idx %arg5[%parallel_loop3A_427] : memref<4096xf32, #tpu.memory_space<vmem>>[vector<16xi32>], vector<16xf32>,
        %parallel_loop3A_429 = arith.constant 24576 : i32
        %parallel_loop3A_430 = arith.addi %parallel_loop3A_394, %parallel_loop3A_429 : i32
        %parallel_loop3A_431 = arith.constant 384 : i32
        %parallel_loop3A_432 = arith.addi %parallel_loop3A_430, %parallel_loop3A_431 : i32
        %parallel_loop3A_433 = arith.index_cast %parallel_loop3A_432 : i32 to index
        %parallel_loop3A_434 = tpu.vector_load %arg8[%parallel_loop3A_433] {strides = array<i32>} : memref<32768xf32, #tpu.memory_space<vmem>>, vector<16xf32>,
        tpu.vector_store %arg8[%parallel_loop3A_433], %parallel_loop3A_428 {strides = array<i32>} : memref<32768xf32, #tpu.memory_space<vmem>>, vector<16xf32>,
        %parallel_loop3A_435 = arith.constant 3584 : i32
        %parallel_loop3A_436 = vector.broadcast %parallel_loop3A_435 : i32 to vector<16xi32>
        %parallel_loop3A_437 = arith.addi %parallel_loop3A_349, %parallel_loop3A_436 : vector<16xi32>
        %parallel_loop3A_438 = tpu.vector_load_idx %arg5[%parallel_loop3A_437] : memref<4096xf32, #tpu.memory_space<vmem>>[vector<16xi32>], vector<16xf32>,
        %parallel_loop3A_439 = arith.constant 24576 : i32
        %parallel_loop3A_440 = arith.addi %parallel_loop3A_394, %parallel_loop3A_439 : i32
        %parallel_loop3A_441 = arith.constant 512 : i32
        %parallel_loop3A_442 = arith.addi %parallel_loop3A_440, %parallel_loop3A_441 : i32
        %parallel_loop3A_443 = arith.index_cast %parallel_loop3A_442 : i32 to index
        %parallel_loop3A_444 = tpu.vector_load %arg8[%parallel_loop3A_443] {strides = array<i32>} : memref<32768xf32, #tpu.memory_space<vmem>>, vector<16xf32>,
        tpu.vector_store %arg8[%parallel_loop3A_443], %parallel_loop3A_438 {strides = array<i32>} : memref<32768xf32, #tpu.memory_space<vmem>>, vector<16xf32>,
        %parallel_loop3A_445 = arith.constant 3712 : i32
        %parallel_loop3A_446 = vector.broadcast %parallel_loop3A_445 : i32 to vector<16xi32>
        %parallel_loop3A_447 = arith.addi %parallel_loop3A_349, %parallel_loop3A_446 : vector<16xi32>
        %parallel_loop3A_448 = tpu.vector_load_idx %arg5[%parallel_loop3A_447] : memref<4096xf32, #tpu.memory_space<vmem>>[vector<16xi32>], vector<16xf32>,
        %parallel_loop3A_449 = arith.constant 24576 : i32
        %parallel_loop3A_450 = arith.addi %parallel_loop3A_394, %parallel_loop3A_449 : i32
        %parallel_loop3A_451 = arith.constant 640 : i32
        %parallel_loop3A_452 = arith.addi %parallel_loop3A_450, %parallel_loop3A_451 : i32
        %parallel_loop3A_453 = arith.index_cast %parallel_loop3A_452 : i32 to index
        %parallel_loop3A_454 = tpu.vector_load %arg8[%parallel_loop3A_453] {strides = array<i32>} : memref<32768xf32, #tpu.memory_space<vmem>>, vector<16xf32>,
        tpu.vector_store %arg8[%parallel_loop3A_453], %parallel_loop3A_448 {strides = array<i32>} : memref<32768xf32, #tpu.memory_space<vmem>>, vector<16xf32>,
        %parallel_loop3A_455 = arith.constant 3840 : i32
        %parallel_loop3A_456 = vector.broadcast %parallel_loop3A_455 : i32 to vector<16xi32>
        %parallel_loop3A_457 = arith.addi %parallel_loop3A_349, %parallel_loop3A_456 : vector<16xi32>
        %parallel_loop3A_458 = tpu.vector_load_idx %arg5[%parallel_loop3A_457] : memref<4096xf32, #tpu.memory_space<vmem>>[vector<16xi32>], vector<16xf32>,
        %parallel_loop3A_459 = arith.constant 24576 : i32
        %parallel_loop3A_460 = arith.addi %parallel_loop3A_394, %parallel_loop3A_459 : i32
        %parallel_loop3A_461 = arith.constant 768 : i32
        %parallel_loop3A_462 = arith.addi %parallel_loop3A_460, %parallel_loop3A_461 : i32
        %parallel_loop3A_463 = arith.index_cast %parallel_loop3A_462 : i32 to index
        %parallel_loop3A_464 = tpu.vector_load %arg8[%parallel_loop3A_463] {strides = array<i32>} : memref<32768xf32, #tpu.memory_space<vmem>>, vector<16xf32>,
        tpu.vector_store %arg8[%parallel_loop3A_463], %parallel_loop3A_458 {strides = array<i32>} : memref<32768xf32, #tpu.memory_space<vmem>>, vector<16xf32>,
        %parallel_loop3A_465 = arith.constant 3968 : i32
        %parallel_loop3A_466 = vector.broadcast %parallel_loop3A_465 : i32 to vector<16xi32>
        %parallel_loop3A_467 = arith.addi %parallel_loop3A_349, %parallel_loop3A_466 : vector<16xi32>
        %parallel_loop3A_468 = tpu.vector_load_idx %arg5[%parallel_loop3A_467] : memref<4096xf32, #tpu.memory_space<vmem>>[vector<16xi32>], vector<16xf32>,
        %parallel_loop3A_469 = arith.constant 24576 : i32
        %parallel_loop3A_470 = arith.addi %parallel_loop3A_394, %parallel_loop3A_469 : i32
        %parallel_loop3A_471 = arith.constant 896 : i32
        %parallel_loop3A_472 = arith.addi %parallel_loop3A_470, %parallel_loop3A_471 : i32
        %parallel_loop3A_473 = arith.index_cast %parallel_loop3A_472 : i32 to index
        %parallel_loop3A_474 = tpu.vector_load %arg8[%parallel_loop3A_473] {strides = array<i32>} : memref<32768xf32, #tpu.memory_space<vmem>>, vector<16xf32>,
        tpu.vector_store %arg8[%parallel_loop3A_473], %parallel_loop3A_468 {strides = array<i32>} : memref<32768xf32, #tpu.memory_space<vmem>>, vector<16xf32>,
      } {sc.loop_unroll_factor = 4 : i64, sc.parallel_access}
      %mul3A_223 = arith.constant 8192 : i32
      %mul3A_224 = arith.muli %rem3A_159, %mul3A_223 : i32
      %dma_start3A_225 = arith.constant 3 : i32
      %dma_start3A_226 = arith.constant 24576 : i32
      %dma_start3A_227 = tpu.memref_slice %arg8[%dma_start3A_226] : memref<32768xf32, #tpu.memory_space<vmem>> -> memref<8192xf32, #tpu.memory_space<vmem>>
      %dma_start3A_228 = tpu.memref_slice %arg4[%select_n3A_157, %dma_start3A_225, %mul3A_224] : memref<200x4x131072xf32, #tpu.memory_space<hbm>> -> memref<1x1x8192xf32, #tpu.memory_space<hbm>>
      %dma_start3A_229 = tpu.memref_squeeze %dma_start3A_228 : memref<1x1x8192xf32, #tpu.memory_space<hbm>> -> memref<8192xf32, #tpu.memory_space<hbm>>
      %dma_start3A_230 = tpu.memref_slice %arg4[%select_n3A_157, %dma_start3A_225, %mul3A_224] : memref<200x4x131072xf32, #tpu.memory_space<hbm>> -> memref<1x1x8192xf32, #tpu.memory_space<hbm>>
      %dma_start3A_231 = tpu.memref_squeeze %dma_start3A_230 : memref<1x1x8192xf32, #tpu.memory_space<hbm>> -> memref<8192xf32, #tpu.memory_space<hbm>>
      %dma_start3A_232 = arith.constant 24576 : i32
      %dma_start3A_233 = tpu.memref_slice %arg8[%dma_start3A_232] : memref<32768xf32, #tpu.memory_space<vmem>> -> memref<8192xf32, #tpu.memory_space<vmem>>
      tpu.enqueue_dma source(%dma_start3A_233 : memref<8192xf32, #tpu.memory_space<vmem>>) target(%dma_start3A_231 : memref<8192xf32, #tpu.memory_space<hbm>>) target_semaphore(%arg12 : memref<!tpu.dma_semaphore, #tpu.memory_space<semaphore_mem>>)
      %mul3A_234 = arith.constant 2 : i32
      %mul3A_235 = arith.muli %scan3A_127, %mul3A_234 : i32
      %add3A_236 = arith.addi %mul3A_2, %mul3A_235 : i32
      %add3A_237 = arith.constant 1 : i32
      %add3A_238 = arith.addi %add3A_236, %add3A_237 : i32
      %jit3A_239 = arith.constant 16 : i32
      %div3A_240 = arith.divsi %add3A_238, %jit3A_239 : i32
      %sign3A_241 = arith.constant 0 : i32
      %sign3A_242 = arith.cmpi sgt, %add3A_238, %sign3A_241 : i32
      %sign3A_243 = arith.extui %sign3A_242 : i1 to i32
      %sign3A_244 = arith.constant 0 : i32
      %sign3A_245 = arith.cmpi slt, %add3A_238, %sign3A_244 : i32
      %sign3A_246 = arith.extui %sign3A_245 : i1 to i32
      %sign3A_247 = arith.subi %sign3A_243, %sign3A_246 : i32
      %sign3A_248 = arith.constant 0 : i32
      %sign3A_249 = arith.cmpi sgt, %jit3A_239, %sign3A_248 : i32
      %sign3A_250 = arith.extui %sign3A_249 : i1 to i32
      %sign3A_251 = arith.constant 0 : i32
      %sign3A_252 = arith.cmpi slt, %jit3A_239, %sign3A_251 : i32
      %sign3A_253 = arith.extui %sign3A_252 : i1 to i32
      %sign3A_254 = arith.subi %sign3A_250, %sign3A_253 : i32
      %ne3A_255 = arith.cmpi ne, %sign3A_247, %sign3A_254 : i32
      %rem3A_256 = arith.remsi %add3A_238, %jit3A_239 : i32
      %ne3A_257 = arith.constant 0 : i32
      %ne3A_258 = arith.cmpi ne, %rem3A_256, %ne3A_257 : i32
      %and3A_259 = arith.andi %ne3A_255, %ne3A_258 : i1
      %sub3A_260 = arith.constant 1 : i32
      %sub3A_261 = arith.subi %div3A_240, %sub3A_260 : i32
      %select_n3A_262 = arith.select %and3A_259, %sub3A_261, %div3A_240 : i32
      %rem3A_263 = arith.constant 16 : i32
      %rem3A_264 = arith.remsi %add3A_238, %rem3A_263 : i32
      %dma_wait3A_265 = arith.constant 0 : i32
      %dma_wait3A_266 = arith.constant 0 : i32
      %dma_wait3A_267 = tpu.memref_slice %arg3[%dma_wait3A_265, %dma_wait3A_266] : memref<200x16384xi32, #tpu.memory_space<hbm>> -> memref<1x1024xi32, #tpu.memory_space<hbm>>
      %dma_wait3A_268 = tpu.memref_squeeze %dma_wait3A_267 : memref<1x1024xi32, #tpu.memory_space<hbm>> -> memref<1024xi32, #tpu.memory_space<hbm>>
      %dma_wait3A_269 = arith.constant 0 : i32
      %dma_wait3A_270 = tpu.memref_slice %arg3[%dma_wait3A_265, %dma_wait3A_269] : memref<200x16384xi32, #tpu.memory_space<hbm>> -> memref<1x1024xi32, #tpu.memory_space<hbm>>
      %dma_wait3A_271 = tpu.memref_squeeze %dma_wait3A_270 : memref<1x1024xi32, #tpu.memory_space<hbm>> -> memref<1024xi32, #tpu.memory_space<hbm>>
      tpu.wait_dma2 semaphore(%arg11 : memref<!tpu.dma_semaphore, #tpu.memory_space<semaphore_mem>>) src(%dma_wait3A_271 : memref<1024xi32, #tpu.memory_space<hbm>>) dst(%arg7 : memref<1024xi32, #tpu.memory_space<vmem>>)
      %ge3A_272 = arith.constant 1 : i32
      %ge3A_273 = arith.cmpi sge, %scan3A_127, %ge3A_272 : i32
      %convert_element_type3A_274 = arith.extui %ge3A_273 : i1 to i32
      %cond3A_275 = arith.constant 0 : i32
      %cond3A_276 = arith.cmpi ne, %convert_element_type3A_274, %cond3A_275 : i32
      scf.if %cond3A_276 {
        %dma_wait3A_345 = arith.constant 0 : i32
        %dma_wait3A_346 = arith.constant 0 : i32
        %dma_wait3A_347 = arith.constant 0 : i32
        %dma_wait3A_348 = tpu.memref_slice %arg9[%dma_wait3A_347] : memref<32768xf32, #tpu.memory_space<vmem>> -> memref<8192xf32, #tpu.memory_space<vmem>>
        %dma_wait3A_349 = arith.constant 0 : i32
        %dma_wait3A_350 = tpu.memref_slice %arg4[%dma_wait3A_345, %dma_wait3A_346, %dma_wait3A_349] : memref<200x4x131072xf32, #tpu.memory_space<hbm>> -> memref<1x1x8192xf32, #tpu.memory_space<hbm>>
        %dma_wait3A_351 = tpu.memref_squeeze %dma_wait3A_350 : memref<1x1x8192xf32, #tpu.memory_space<hbm>> -> memref<8192xf32, #tpu.memory_space<hbm>>
        %dma_wait3A_352 = arith.constant 0 : i32
        %dma_wait3A_353 = tpu.memref_slice %arg4[%dma_wait3A_345, %dma_wait3A_346, %dma_wait3A_352] : memref<200x4x131072xf32, #tpu.memory_space<hbm>> -> memref<1x1x8192xf32, #tpu.memory_space<hbm>>
        %dma_wait3A_354 = tpu.memref_squeeze %dma_wait3A_353 : memref<1x1x8192xf32, #tpu.memory_space<hbm>> -> memref<8192xf32, #tpu.memory_space<hbm>>
        %dma_wait3A_355 = arith.constant 0 : i32
        %dma_wait3A_356 = tpu.memref_slice %arg9[%dma_wait3A_355] : memref<32768xf32, #tpu.memory_space<vmem>> -> memref<8192xf32, #tpu.memory_space<vmem>>
        tpu.wait_dma2 semaphore(%arg13 : memref<!tpu.dma_semaphore, #tpu.memory_space<semaphore_mem>>) src(%dma_wait3A_356 : memref<8192xf32, #tpu.memory_space<vmem>>) dst(%dma_wait3A_354 : memref<8192xf32, #tpu.memory_space<hbm>>)
        %dma_wait3A_357 = arith.constant 0 : i32
        %dma_wait3A_358 = arith.constant 1 : i32
        %dma_wait3A_359 = arith.constant 0 : i32
        %dma_wait3A_360 = tpu.memref_slice %arg9[%dma_wait3A_359] : memref<32768xf32, #tpu.memory_space<vmem>> -> memref<8192xf32, #tpu.memory_space<vmem>>
        %dma_wait3A_361 = arith.constant 0 : i32
        %dma_wait3A_362 = tpu.memref_slice %arg4[%dma_wait3A_357, %dma_wait3A_358, %dma_wait3A_361] : memref<200x4x131072xf32, #tpu.memory_space<hbm>> -> memref<1x1x8192xf32, #tpu.memory_space<hbm>>
        %dma_wait3A_363 = tpu.memref_squeeze %dma_wait3A_362 : memref<1x1x8192xf32, #tpu.memory_space<hbm>> -> memref<8192xf32, #tpu.memory_space<hbm>>
        %dma_wait3A_364 = arith.constant 0 : i32
        %dma_wait3A_365 = tpu.memref_slice %arg4[%dma_wait3A_357, %dma_wait3A_358, %dma_wait3A_364] : memref<200x4x131072xf32, #tpu.memory_space<hbm>> -> memref<1x1x8192xf32, #tpu.memory_space<hbm>>
        %dma_wait3A_366 = tpu.memref_squeeze %dma_wait3A_365 : memref<1x1x8192xf32, #tpu.memory_space<hbm>> -> memref<8192xf32, #tpu.memory_space<hbm>>
        %dma_wait3A_367 = arith.constant 0 : i32
        %dma_wait3A_368 = tpu.memref_slice %arg9[%dma_wait3A_367] : memref<32768xf32, #tpu.memory_space<vmem>> -> memref<8192xf32, #tpu.memory_space<vmem>>
        tpu.wait_dma2 semaphore(%arg13 : memref<!tpu.dma_semaphore, #tpu.memory_space<semaphore_mem>>) src(%dma_wait3A_368 : memref<8192xf32, #tpu.memory_space<vmem>>) dst(%dma_wait3A_366 : memref<8192xf32, #tpu.memory_space<hbm>>)
        %dma_wait3A_369 = arith.constant 0 : i32
        %dma_wait3A_370 = arith.constant 2 : i32
        %dma_wait3A_371 = arith.constant 0 : i32
        %dma_wait3A_372 = tpu.memref_slice %arg9[%dma_wait3A_371] : memref<32768xf32, #tpu.memory_space<vmem>> -> memref<8192xf32, #tpu.memory_space<vmem>>
        %dma_wait3A_373 = arith.constant 0 : i32
        %dma_wait3A_374 = tpu.memref_slice %arg4[%dma_wait3A_369, %dma_wait3A_370, %dma_wait3A_373] : memref<200x4x131072xf32, #tpu.memory_space<hbm>> -> memref<1x1x8192xf32, #tpu.memory_space<hbm>>
        %dma_wait3A_375 = tpu.memref_squeeze %dma_wait3A_374 : memref<1x1x8192xf32, #tpu.memory_space<hbm>> -> memref<8192xf32, #tpu.memory_space<hbm>>
        %dma_wait3A_376 = arith.constant 0 : i32
        %dma_wait3A_377 = tpu.memref_slice %arg4[%dma_wait3A_369, %dma_wait3A_370, %dma_wait3A_376] : memref<200x4x131072xf32, #tpu.memory_space<hbm>> -> memref<1x1x8192xf32, #tpu.memory_space<hbm>>
        %dma_wait3A_378 = tpu.memref_squeeze %dma_wait3A_377 : memref<1x1x8192xf32, #tpu.memory_space<hbm>> -> memref<8192xf32, #tpu.memory_space<hbm>>
        %dma_wait3A_379 = arith.constant 0 : i32
        %dma_wait3A_380 = tpu.memref_slice %arg9[%dma_wait3A_379] : memref<32768xf32, #tpu.memory_space<vmem>> -> memref<8192xf32, #tpu.memory_space<vmem>>
        tpu.wait_dma2 semaphore(%arg13 : memref<!tpu.dma_semaphore, #tpu.memory_space<semaphore_mem>>) src(%dma_wait3A_380 : memref<8192xf32, #tpu.memory_space<vmem>>) dst(%dma_wait3A_378 : memref<8192xf32, #tpu.memory_space<hbm>>)
        %dma_wait3A_381 = arith.constant 0 : i32
        %dma_wait3A_382 = arith.constant 3 : i32
        %dma_wait3A_383 = arith.constant 0 : i32
        %dma_wait3A_384 = tpu.memref_slice %arg9[%dma_wait3A_383] : memref<32768xf32, #tpu.memory_space<vmem>> -> memref<8192xf32, #tpu.memory_space<vmem>>
        %dma_wait3A_385 = arith.constant 0 : i32
        %dma_wait3A_386 = tpu.memref_slice %arg4[%dma_wait3A_381, %dma_wait3A_382, %dma_wait3A_385] : memref<200x4x131072xf32, #tpu.memory_space<hbm>> -> memref<1x1x8192xf32, #tpu.memory_space<hbm>>
        %dma_wait3A_387 = tpu.memref_squeeze %dma_wait3A_386 : memref<1x1x8192xf32, #tpu.memory_space<hbm>> -> memref<8192xf32, #tpu.memory_space<hbm>>
        %dma_wait3A_388 = arith.constant 0 : i32
        %dma_wait3A_389 = tpu.memref_slice %arg4[%dma_wait3A_381, %dma_wait3A_382, %dma_wait3A_388] : memref<200x4x131072xf32, #tpu.memory_space<hbm>> -> memref<1x1x8192xf32, #tpu.memory_space<hbm>>
        %dma_wait3A_390 = tpu.memref_squeeze %dma_wait3A_389 : memref<1x1x8192xf32, #tpu.memory_space<hbm>> -> memref<8192xf32, #tpu.memory_space<hbm>>
        %dma_wait3A_391 = arith.constant 0 : i32
        %dma_wait3A_392 = tpu.memref_slice %arg9[%dma_wait3A_391] : memref<32768xf32, #tpu.memory_space<vmem>> -> memref<8192xf32, #tpu.memory_space<vmem>>
        tpu.wait_dma2 semaphore(%arg13 : memref<!tpu.dma_semaphore, #tpu.memory_space<semaphore_mem>>) src(%dma_wait3A_392 : memref<8192xf32, #tpu.memory_space<vmem>>) dst(%dma_wait3A_390 : memref<8192xf32, #tpu.memory_space<hbm>>)
      } else {
      }
      %mul3A_277 = arith.constant 2 : i32
      %mul3A_278 = arith.muli %scan3A_127, %mul3A_277 : i32
      %add3A_279 = arith.constant 1 : i32
      %add3A_280 = arith.addi %mul3A_278, %add3A_279 : i32
      %add3A_281 = arith.constant 1 : i32
      %add3A_282 = arith.addi %add3A_280, %add3A_281 : i32
      %lt3A_283 = arith.constant 100 : i32
      %lt3A_284 = arith.cmpi slt, %add3A_282, %lt3A_283 : i32
      %convert_element_type3A_285 = arith.extui %lt3A_284 : i1 to i32
      %cond3A_286 = arith.constant 0 : i32
      %cond3A_287 = arith.cmpi ne, %convert_element_type3A_285, %cond3A_286 : i32
      scf.if %cond3A_287 {
        %add3A_345 = arith.constant 1 : i32
        %add3A_346 = arith.addi %add3A_238, %add3A_345 : i32
        %jit3A_347 = arith.constant 16 : i32
        %div3A_348 = arith.divsi %add3A_346, %jit3A_347 : i32
        %sign3A_349 = arith.constant 0 : i32
        %sign3A_350 = arith.cmpi sgt, %add3A_346, %sign3A_349 : i32
        %sign3A_351 = arith.extui %sign3A_350 : i1 to i32
        %sign3A_352 = arith.constant 0 : i32
        %sign3A_353 = arith.cmpi slt, %add3A_346, %sign3A_352 : i32
        %sign3A_354 = arith.extui %sign3A_353 : i1 to i32
        %sign3A_355 = arith.subi %sign3A_351, %sign3A_354 : i32
        %sign3A_356 = arith.constant 0 : i32
        %sign3A_357 = arith.cmpi sgt, %jit3A_347, %sign3A_356 : i32
        %sign3A_358 = arith.extui %sign3A_357 : i1 to i32
        %sign3A_359 = arith.constant 0 : i32
        %sign3A_360 = arith.cmpi slt, %jit3A_347, %sign3A_359 : i32
        %sign3A_361 = arith.extui %sign3A_360 : i1 to i32
        %sign3A_362 = arith.subi %sign3A_358, %sign3A_361 : i32
        %ne3A_363 = arith.cmpi ne, %sign3A_355, %sign3A_362 : i32
        %rem3A_364 = arith.remsi %add3A_346, %jit3A_347 : i32
        %ne3A_365 = arith.constant 0 : i32
        %ne3A_366 = arith.cmpi ne, %rem3A_364, %ne3A_365 : i32
        %and3A_367 = arith.andi %ne3A_363, %ne3A_366 : i1
        %sub3A_368 = arith.constant 1 : i32
        %sub3A_369 = arith.subi %div3A_348, %sub3A_368 : i32
        %select_n3A_370 = arith.select %and3A_367, %sub3A_369, %div3A_348 : i32
        %rem3A_371 = arith.constant 16 : i32
        %rem3A_372 = arith.remsi %add3A_346, %rem3A_371 : i32
        %mul3A_373 = arith.constant 1024 : i32
        %mul3A_374 = arith.muli %rem3A_372, %mul3A_373 : i32
        %dma_start3A_375 = tpu.memref_slice %arg3[%select_n3A_370, %mul3A_374] : memref<200x16384xi32, #tpu.memory_space<hbm>> -> memref<1x1024xi32, #tpu.memory_space<hbm>>
        %dma_start3A_376 = tpu.memref_squeeze %dma_start3A_375 : memref<1x1024xi32, #tpu.memory_space<hbm>> -> memref<1024xi32, #tpu.memory_space<hbm>>
        %dma_start3A_377 = tpu.memref_slice %arg3[%select_n3A_370, %mul3A_374] : memref<200x16384xi32, #tpu.memory_space<hbm>> -> memref<1x1024xi32, #tpu.memory_space<hbm>>
        %dma_start3A_378 = tpu.memref_squeeze %dma_start3A_377 : memref<1x1024xi32, #tpu.memory_space<hbm>> -> memref<1024xi32, #tpu.memory_space<hbm>>
        tpu.enqueue_dma source(%dma_start3A_378 : memref<1024xi32, #tpu.memory_space<hbm>>) target(%arg6 : memref<1024xi32, #tpu.memory_space<vmem>>) target_semaphore(%arg10 : memref<!tpu.dma_semaphore, #tpu.memory_space<semaphore_mem>>)
      } else {
      }
      %parallel_loop3A_288 = arith.constant 0 : i32
      %parallel_loop3A_289 = arith.constant 64 : i32
      %parallel_loop3A_290 = arith.constant 1 : i32
      scf.for %parallel_loop3A_345 = %parallel_loop3A_288 to %parallel_loop3A_289 step %parallel_loop3A_290  : i32 {
        %parallel_loop3A_346 = arith.constant 16 : i32
        %parallel_loop3A_347 = arith.muli %parallel_loop3A_345, %parallel_loop3A_346 : i32
        %parallel_loop3A_348 = arith.index_cast %parallel_loop3A_347 : i32 to index
        %parallel_loop3A_349 = tpu.vector_load %arg7[%parallel_loop3A_348] {strides = array<i32>} : memref<1024xi32, #tpu.memory_space<vmem>>, vector<16xi32>,
        %parallel_loop3A_350 = arith.constant 8 : i32
        %parallel_loop3A_351 = arith.divsi %parallel_loop3A_345, %parallel_loop3A_350 : i32
        %parallel_loop3A_352 = arith.constant 0 : i32
        %parallel_loop3A_353 = arith.cmpi sgt, %parallel_loop3A_345, %parallel_loop3A_352 : i32
        %parallel_loop3A_354 = arith.extui %parallel_loop3A_353 : i1 to i32
        %parallel_loop3A_355 = arith.constant 0 : i32
        %parallel_loop3A_356 = arith.cmpi slt, %parallel_loop3A_345, %parallel_loop3A_355 : i32
        %parallel_loop3A_357 = arith.extui %parallel_loop3A_356 : i1 to i32
        %parallel_loop3A_358 = arith.subi %parallel_loop3A_354, %parallel_loop3A_357 : i32
        %parallel_loop3A_359 = arith.constant 0 : i32
        %parallel_loop3A_360 = arith.cmpi sgt, %parallel_loop3A_350, %parallel_loop3A_359 : i32
        %parallel_loop3A_361 = arith.extui %parallel_loop3A_360 : i1 to i32
        %parallel_loop3A_362 = arith.constant 0 : i32
        %parallel_loop3A_363 = arith.cmpi slt, %parallel_loop3A_350, %parallel_loop3A_362 : i32
        %parallel_loop3A_364 = arith.extui %parallel_loop3A_363 : i1 to i32
        %parallel_loop3A_365 = arith.subi %parallel_loop3A_361, %parallel_loop3A_364 : i32
        %parallel_loop3A_366 = arith.cmpi ne, %parallel_loop3A_358, %parallel_loop3A_365 : i32
        %parallel_loop3A_367 = arith.remsi %parallel_loop3A_345, %parallel_loop3A_350 : i32
        %parallel_loop3A_368 = arith.constant 0 : i32
        %parallel_loop3A_369 = arith.cmpi ne, %parallel_loop3A_367, %parallel_loop3A_368 : i32
        %parallel_loop3A_370 = arith.andi %parallel_loop3A_366, %parallel_loop3A_369 : i1
        %parallel_loop3A_371 = arith.constant 1 : i32
        %parallel_loop3A_372 = arith.subi %parallel_loop3A_351, %parallel_loop3A_371 : i32
        %parallel_loop3A_373 = arith.select %parallel_loop3A_370, %parallel_loop3A_372, %parallel_loop3A_351 : i32
        %parallel_loop3A_374 = arith.constant 1024 : i32
        %parallel_loop3A_375 = arith.muli %parallel_loop3A_373, %parallel_loop3A_374 : i32
        %parallel_loop3A_376 = arith.constant 8 : i32
        %parallel_loop3A_377 = arith.constant 0 : i32
        %parallel_loop3A_378 = arith.cmpi eq, %parallel_loop3A_376, %parallel_loop3A_377 : i32
        %parallel_loop3A_379 = arith.constant 1 : i32
        %parallel_loop3A_380 = arith.select %parallel_loop3A_378, %parallel_loop3A_379, %parallel_loop3A_376 : i32
        %parallel_loop3A_381 = arith.remsi %parallel_loop3A_345, %parallel_loop3A_380 : i32
        %parallel_loop3A_382 = arith.constant 0 : i32
        %parallel_loop3A_383 = arith.cmpi ne, %parallel_loop3A_381, %parallel_loop3A_382 : i32
        %parallel_loop3A_384 = arith.constant 0 : i32
        %parallel_loop3A_385 = arith.cmpi slt, %parallel_loop3A_381, %parallel_loop3A_384 : i32
        %parallel_loop3A_386 = arith.constant 0 : i32
        %parallel_loop3A_387 = arith.cmpi slt, %parallel_loop3A_380, %parallel_loop3A_386 : i32
        %parallel_loop3A_388 = arith.xori %parallel_loop3A_385, %parallel_loop3A_387 : i1
        %parallel_loop3A_389 = arith.andi %parallel_loop3A_388, %parallel_loop3A_383 : i1
        %parallel_loop3A_390 = arith.addi %parallel_loop3A_381, %parallel_loop3A_380 : i32
        %parallel_loop3A_391 = arith.select %parallel_loop3A_389, %parallel_loop3A_390, %parallel_loop3A_381 : i32
        %parallel_loop3A_392 = arith.constant 16 : i32
        %parallel_loop3A_393 = arith.muli %parallel_loop3A_391, %parallel_loop3A_392 : i32
        %parallel_loop3A_394 = arith.addi %parallel_loop3A_375, %parallel_loop3A_393 : i32
        %parallel_loop3A_395 = arith.constant 0 : i32
        %parallel_loop3A_396 = vector.broadcast %parallel_loop3A_395 : i32 to vector<16xi32>
        %parallel_loop3A_397 = arith.addi %parallel_loop3A_349, %parallel_loop3A_396 : vector<16xi32>
        %parallel_loop3A_398 = tpu.vector_load_idx %arg5[%parallel_loop3A_397] : memref<4096xf32, #tpu.memory_space<vmem>>[vector<16xi32>], vector<16xf32>,
        %parallel_loop3A_399 = arith.constant 0 : i32
        %parallel_loop3A_400 = arith.addi %parallel_loop3A_394, %parallel_loop3A_399 : i32
        %parallel_loop3A_401 = arith.constant 0 : i32
        %parallel_loop3A_402 = arith.addi %parallel_loop3A_400, %parallel_loop3A_401 : i32
        %parallel_loop3A_403 = arith.index_cast %parallel_loop3A_402 : i32 to index
        %parallel_loop3A_404 = tpu.vector_load %arg9[%parallel_loop3A_403] {strides = array<i32>} : memref<32768xf32, #tpu.memory_space<vmem>>, vector<16xf32>,
        tpu.vector_store %arg9[%parallel_loop3A_403], %parallel_loop3A_398 {strides = array<i32>} : memref<32768xf32, #tpu.memory_space<vmem>>, vector<16xf32>,
        %parallel_loop3A_405 = arith.constant 128 : i32
        %parallel_loop3A_406 = vector.broadcast %parallel_loop3A_405 : i32 to vector<16xi32>
        %parallel_loop3A_407 = arith.addi %parallel_loop3A_349, %parallel_loop3A_406 : vector<16xi32>
        %parallel_loop3A_408 = tpu.vector_load_idx %arg5[%parallel_loop3A_407] : memref<4096xf32, #tpu.memory_space<vmem>>[vector<16xi32>], vector<16xf32>,
        %parallel_loop3A_409 = arith.constant 0 : i32
        %parallel_loop3A_410 = arith.addi %parallel_loop3A_394, %parallel_loop3A_409 : i32
        %parallel_loop3A_411 = arith.constant 128 : i32
        %parallel_loop3A_412 = arith.addi %parallel_loop3A_410, %parallel_loop3A_411 : i32
        %parallel_loop3A_413 = arith.index_cast %parallel_loop3A_412 : i32 to index
        %parallel_loop3A_414 = tpu.vector_load %arg9[%parallel_loop3A_413] {strides = array<i32>} : memref<32768xf32, #tpu.memory_space<vmem>>, vector<16xf32>,
        tpu.vector_store %arg9[%parallel_loop3A_413], %parallel_loop3A_408 {strides = array<i32>} : memref<32768xf32, #tpu.memory_space<vmem>>, vector<16xf32>,
        %parallel_loop3A_415 = arith.constant 256 : i32
        %parallel_loop3A_416 = vector.broadcast %parallel_loop3A_415 : i32 to vector<16xi32>
        %parallel_loop3A_417 = arith.addi %parallel_loop3A_349, %parallel_loop3A_416 : vector<16xi32>
        %parallel_loop3A_418 = tpu.vector_load_idx %arg5[%parallel_loop3A_417] : memref<4096xf32, #tpu.memory_space<vmem>>[vector<16xi32>], vector<16xf32>,
        %parallel_loop3A_419 = arith.constant 0 : i32
        %parallel_loop3A_420 = arith.addi %parallel_loop3A_394, %parallel_loop3A_419 : i32
        %parallel_loop3A_421 = arith.constant 256 : i32
        %parallel_loop3A_422 = arith.addi %parallel_loop3A_420, %parallel_loop3A_421 : i32
        %parallel_loop3A_423 = arith.index_cast %parallel_loop3A_422 : i32 to index
        %parallel_loop3A_424 = tpu.vector_load %arg9[%parallel_loop3A_423] {strides = array<i32>} : memref<32768xf32, #tpu.memory_space<vmem>>, vector<16xf32>,
        tpu.vector_store %arg9[%parallel_loop3A_423], %parallel_loop3A_418 {strides = array<i32>} : memref<32768xf32, #tpu.memory_space<vmem>>, vector<16xf32>,
        %parallel_loop3A_425 = arith.constant 384 : i32
        %parallel_loop3A_426 = vector.broadcast %parallel_loop3A_425 : i32 to vector<16xi32>
        %parallel_loop3A_427 = arith.addi %parallel_loop3A_349, %parallel_loop3A_426 : vector<16xi32>
        %parallel_loop3A_428 = tpu.vector_load_idx %arg5[%parallel_loop3A_427] : memref<4096xf32, #tpu.memory_space<vmem>>[vector<16xi32>], vector<16xf32>,
        %parallel_loop3A_429 = arith.constant 0 : i32
        %parallel_loop3A_430 = arith.addi %parallel_loop3A_394, %parallel_loop3A_429 : i32
        %parallel_loop3A_431 = arith.constant 384 : i32
        %parallel_loop3A_432 = arith.addi %parallel_loop3A_430, %parallel_loop3A_431 : i32
        %parallel_loop3A_433 = arith.index_cast %parallel_loop3A_432 : i32 to index
        %parallel_loop3A_434 = tpu.vector_load %arg9[%parallel_loop3A_433] {strides = array<i32>} : memref<32768xf32, #tpu.memory_space<vmem>>, vector<16xf32>,
        tpu.vector_store %arg9[%parallel_loop3A_433], %parallel_loop3A_428 {strides = array<i32>} : memref<32768xf32, #tpu.memory_space<vmem>>, vector<16xf32>,
        %parallel_loop3A_435 = arith.constant 512 : i32
        %parallel_loop3A_436 = vector.broadcast %parallel_loop3A_435 : i32 to vector<16xi32>
        %parallel_loop3A_437 = arith.addi %parallel_loop3A_349, %parallel_loop3A_436 : vector<16xi32>
        %parallel_loop3A_438 = tpu.vector_load_idx %arg5[%parallel_loop3A_437] : memref<4096xf32, #tpu.memory_space<vmem>>[vector<16xi32>], vector<16xf32>,
        %parallel_loop3A_439 = arith.constant 0 : i32
        %parallel_loop3A_440 = arith.addi %parallel_loop3A_394, %parallel_loop3A_439 : i32
        %parallel_loop3A_441 = arith.constant 512 : i32
        %parallel_loop3A_442 = arith.addi %parallel_loop3A_440, %parallel_loop3A_441 : i32
        %parallel_loop3A_443 = arith.index_cast %parallel_loop3A_442 : i32 to index
        %parallel_loop3A_444 = tpu.vector_load %arg9[%parallel_loop3A_443] {strides = array<i32>} : memref<32768xf32, #tpu.memory_space<vmem>>, vector<16xf32>,
        tpu.vector_store %arg9[%parallel_loop3A_443], %parallel_loop3A_438 {strides = array<i32>} : memref<32768xf32, #tpu.memory_space<vmem>>, vector<16xf32>,
        %parallel_loop3A_445 = arith.constant 640 : i32
        %parallel_loop3A_446 = vector.broadcast %parallel_loop3A_445 : i32 to vector<16xi32>
        %parallel_loop3A_447 = arith.addi %parallel_loop3A_349, %parallel_loop3A_446 : vector<16xi32>
        %parallel_loop3A_448 = tpu.vector_load_idx %arg5[%parallel_loop3A_447] : memref<4096xf32, #tpu.memory_space<vmem>>[vector<16xi32>], vector<16xf32>,
        %parallel_loop3A_449 = arith.constant 0 : i32
        %parallel_loop3A_450 = arith.addi %parallel_loop3A_394, %parallel_loop3A_449 : i32
        %parallel_loop3A_451 = arith.constant 640 : i32
        %parallel_loop3A_452 = arith.addi %parallel_loop3A_450, %parallel_loop3A_451 : i32
        %parallel_loop3A_453 = arith.index_cast %parallel_loop3A_452 : i32 to index
        %parallel_loop3A_454 = tpu.vector_load %arg9[%parallel_loop3A_453] {strides = array<i32>} : memref<32768xf32, #tpu.memory_space<vmem>>, vector<16xf32>,
        tpu.vector_store %arg9[%parallel_loop3A_453], %parallel_loop3A_448 {strides = array<i32>} : memref<32768xf32, #tpu.memory_space<vmem>>, vector<16xf32>,
        %parallel_loop3A_455 = arith.constant 768 : i32
        %parallel_loop3A_456 = vector.broadcast %parallel_loop3A_455 : i32 to vector<16xi32>
        %parallel_loop3A_457 = arith.addi %parallel_loop3A_349, %parallel_loop3A_456 : vector<16xi32>
        %parallel_loop3A_458 = tpu.vector_load_idx %arg5[%parallel_loop3A_457] : memref<4096xf32, #tpu.memory_space<vmem>>[vector<16xi32>], vector<16xf32>,
        %parallel_loop3A_459 = arith.constant 0 : i32
        %parallel_loop3A_460 = arith.addi %parallel_loop3A_394, %parallel_loop3A_459 : i32
        %parallel_loop3A_461 = arith.constant 768 : i32
        %parallel_loop3A_462 = arith.addi %parallel_loop3A_460, %parallel_loop3A_461 : i32
        %parallel_loop3A_463 = arith.index_cast %parallel_loop3A_462 : i32 to index
        %parallel_loop3A_464 = tpu.vector_load %arg9[%parallel_loop3A_463] {strides = array<i32>} : memref<32768xf32, #tpu.memory_space<vmem>>, vector<16xf32>,
        tpu.vector_store %arg9[%parallel_loop3A_463], %parallel_loop3A_458 {strides = array<i32>} : memref<32768xf32, #tpu.memory_space<vmem>>, vector<16xf32>,
        %parallel_loop3A_465 = arith.constant 896 : i32
        %parallel_loop3A_466 = vector.broadcast %parallel_loop3A_465 : i32 to vector<16xi32>
        %parallel_loop3A_467 = arith.addi %parallel_loop3A_349, %parallel_loop3A_466 : vector<16xi32>
        %parallel_loop3A_468 = tpu.vector_load_idx %arg5[%parallel_loop3A_467] : memref<4096xf32, #tpu.memory_space<vmem>>[vector<16xi32>], vector<16xf32>,
        %parallel_loop3A_469 = arith.constant 0 : i32
        %parallel_loop3A_470 = arith.addi %parallel_loop3A_394, %parallel_loop3A_469 : i32
        %parallel_loop3A_471 = arith.constant 896 : i32
        %parallel_loop3A_472 = arith.addi %parallel_loop3A_470, %parallel_loop3A_471 : i32
        %parallel_loop3A_473 = arith.index_cast %parallel_loop3A_472 : i32 to index
        %parallel_loop3A_474 = tpu.vector_load %arg9[%parallel_loop3A_473] {strides = array<i32>} : memref<32768xf32, #tpu.memory_space<vmem>>, vector<16xf32>,
        tpu.vector_store %arg9[%parallel_loop3A_473], %parallel_loop3A_468 {strides = array<i32>} : memref<32768xf32, #tpu.memory_space<vmem>>, vector<16xf32>,
      } {sc.loop_unroll_factor = 4 : i64, sc.parallel_access}
      %mul3A_291 = arith.constant 8192 : i32
      %mul3A_292 = arith.muli %rem3A_264, %mul3A_291 : i32
      %dma_start3A_293 = arith.constant 0 : i32
      %dma_start3A_294 = arith.constant 0 : i32
      %dma_start3A_295 = tpu.memref_slice %arg9[%dma_start3A_294] : memref<32768xf32, #tpu.memory_space<vmem>> -> memref<8192xf32, #tpu.memory_space<vmem>>
      %dma_start3A_296 = tpu.memref_slice %arg4[%select_n3A_262, %dma_start3A_293, %mul3A_292] : memref<200x4x131072xf32, #tpu.memory_space<hbm>> -> memref<1x1x8192xf32, #tpu.memory_space<hbm>>
      %dma_start3A_297 = tpu.memref_squeeze %dma_start3A_296 : memref<1x1x8192xf32, #tpu.memory_space<hbm>> -> memref<8192xf32, #tpu.memory_space<hbm>>
      %dma_start3A_298 = tpu.memref_slice %arg4[%select_n3A_262, %dma_start3A_293, %mul3A_292] : memref<200x4x131072xf32, #tpu.memory_space<hbm>> -> memref<1x1x8192xf32, #tpu.memory_space<hbm>>
      %dma_start3A_299 = tpu.memref_squeeze %dma_start3A_298 : memref<1x1x8192xf32, #tpu.memory_space<hbm>> -> memref<8192xf32, #tpu.memory_space<hbm>>
      %dma_start3A_300 = arith.constant 0 : i32
      %dma_start3A_301 = tpu.memref_slice %arg9[%dma_start3A_300] : memref<32768xf32, #tpu.memory_space<vmem>> -> memref<8192xf32, #tpu.memory_space<vmem>>
      tpu.enqueue_dma source(%dma_start3A_301 : memref<8192xf32, #tpu.memory_space<vmem>>) target(%dma_start3A_299 : memref<8192xf32, #tpu.memory_space<hbm>>) target_semaphore(%arg13 : memref<!tpu.dma_semaphore, #tpu.memory_space<semaphore_mem>>)
      %parallel_loop3A_302 = arith.constant 0 : i32
      %parallel_loop3A_303 = arith.constant 64 : i32
      %parallel_loop3A_304 = arith.constant 1 : i32
      scf.for %parallel_loop3A_345 = %parallel_loop3A_302 to %parallel_loop3A_303 step %parallel_loop3A_304  : i32 {
        %parallel_loop3A_346 = arith.constant 16 : i32
        %parallel_loop3A_347 = arith.muli %parallel_loop3A_345, %parallel_loop3A_346 : i32
        %parallel_loop3A_348 = arith.index_cast %parallel_loop3A_347 : i32 to index
        %parallel_loop3A_349 = tpu.vector_load %arg7[%parallel_loop3A_348] {strides = array<i32>} : memref<1024xi32, #tpu.memory_space<vmem>>, vector<16xi32>,
        %parallel_loop3A_350 = arith.constant 8 : i32
        %parallel_loop3A_351 = arith.divsi %parallel_loop3A_345, %parallel_loop3A_350 : i32
        %parallel_loop3A_352 = arith.constant 0 : i32
        %parallel_loop3A_353 = arith.cmpi sgt, %parallel_loop3A_345, %parallel_loop3A_352 : i32
        %parallel_loop3A_354 = arith.extui %parallel_loop3A_353 : i1 to i32
        %parallel_loop3A_355 = arith.constant 0 : i32
        %parallel_loop3A_356 = arith.cmpi slt, %parallel_loop3A_345, %parallel_loop3A_355 : i32
        %parallel_loop3A_357 = arith.extui %parallel_loop3A_356 : i1 to i32
        %parallel_loop3A_358 = arith.subi %parallel_loop3A_354, %parallel_loop3A_357 : i32
        %parallel_loop3A_359 = arith.constant 0 : i32
        %parallel_loop3A_360 = arith.cmpi sgt, %parallel_loop3A_350, %parallel_loop3A_359 : i32
        %parallel_loop3A_361 = arith.extui %parallel_loop3A_360 : i1 to i32
        %parallel_loop3A_362 = arith.constant 0 : i32
        %parallel_loop3A_363 = arith.cmpi slt, %parallel_loop3A_350, %parallel_loop3A_362 : i32
        %parallel_loop3A_364 = arith.extui %parallel_loop3A_363 : i1 to i32
        %parallel_loop3A_365 = arith.subi %parallel_loop3A_361, %parallel_loop3A_364 : i32
        %parallel_loop3A_366 = arith.cmpi ne, %parallel_loop3A_358, %parallel_loop3A_365 : i32
        %parallel_loop3A_367 = arith.remsi %parallel_loop3A_345, %parallel_loop3A_350 : i32
        %parallel_loop3A_368 = arith.constant 0 : i32
        %parallel_loop3A_369 = arith.cmpi ne, %parallel_loop3A_367, %parallel_loop3A_368 : i32
        %parallel_loop3A_370 = arith.andi %parallel_loop3A_366, %parallel_loop3A_369 : i1
        %parallel_loop3A_371 = arith.constant 1 : i32
        %parallel_loop3A_372 = arith.subi %parallel_loop3A_351, %parallel_loop3A_371 : i32
        %parallel_loop3A_373 = arith.select %parallel_loop3A_370, %parallel_loop3A_372, %parallel_loop3A_351 : i32
        %parallel_loop3A_374 = arith.constant 1024 : i32
        %parallel_loop3A_375 = arith.muli %parallel_loop3A_373, %parallel_loop3A_374 : i32
        %parallel_loop3A_376 = arith.constant 8 : i32
        %parallel_loop3A_377 = arith.constant 0 : i32
        %parallel_loop3A_378 = arith.cmpi eq, %parallel_loop3A_376, %parallel_loop3A_377 : i32
        %parallel_loop3A_379 = arith.constant 1 : i32
        %parallel_loop3A_380 = arith.select %parallel_loop3A_378, %parallel_loop3A_379, %parallel_loop3A_376 : i32
        %parallel_loop3A_381 = arith.remsi %parallel_loop3A_345, %parallel_loop3A_380 : i32
        %parallel_loop3A_382 = arith.constant 0 : i32
        %parallel_loop3A_383 = arith.cmpi ne, %parallel_loop3A_381, %parallel_loop3A_382 : i32
        %parallel_loop3A_384 = arith.constant 0 : i32
        %parallel_loop3A_385 = arith.cmpi slt, %parallel_loop3A_381, %parallel_loop3A_384 : i32
        %parallel_loop3A_386 = arith.constant 0 : i32
        %parallel_loop3A_387 = arith.cmpi slt, %parallel_loop3A_380, %parallel_loop3A_386 : i32
        %parallel_loop3A_388 = arith.xori %parallel_loop3A_385, %parallel_loop3A_387 : i1
        %parallel_loop3A_389 = arith.andi %parallel_loop3A_388, %parallel_loop3A_383 : i1
        %parallel_loop3A_390 = arith.addi %parallel_loop3A_381, %parallel_loop3A_380 : i32
        %parallel_loop3A_391 = arith.select %parallel_loop3A_389, %parallel_loop3A_390, %parallel_loop3A_381 : i32
        %parallel_loop3A_392 = arith.constant 16 : i32
        %parallel_loop3A_393 = arith.muli %parallel_loop3A_391, %parallel_loop3A_392 : i32
        %parallel_loop3A_394 = arith.addi %parallel_loop3A_375, %parallel_loop3A_393 : i32
        %parallel_loop3A_395 = arith.constant 1024 : i32
        %parallel_loop3A_396 = vector.broadcast %parallel_loop3A_395 : i32 to vector<16xi32>
        %parallel_loop3A_397 = arith.addi %parallel_loop3A_349, %parallel_loop3A_396 : vector<16xi32>
        %parallel_loop3A_398 = tpu.vector_load_idx %arg5[%parallel_loop3A_397] : memref<4096xf32, #tpu.memory_space<vmem>>[vector<16xi32>], vector<16xf32>,
        %parallel_loop3A_399 = arith.constant 8192 : i32
        %parallel_loop3A_400 = arith.addi %parallel_loop3A_394, %parallel_loop3A_399 : i32
        %parallel_loop3A_401 = arith.constant 0 : i32
        %parallel_loop3A_402 = arith.addi %parallel_loop3A_400, %parallel_loop3A_401 : i32
        %parallel_loop3A_403 = arith.index_cast %parallel_loop3A_402 : i32 to index
        %parallel_loop3A_404 = tpu.vector_load %arg9[%parallel_loop3A_403] {strides = array<i32>} : memref<32768xf32, #tpu.memory_space<vmem>>, vector<16xf32>,
        tpu.vector_store %arg9[%parallel_loop3A_403], %parallel_loop3A_398 {strides = array<i32>} : memref<32768xf32, #tpu.memory_space<vmem>>, vector<16xf32>,
        %parallel_loop3A_405 = arith.constant 1152 : i32
        %parallel_loop3A_406 = vector.broadcast %parallel_loop3A_405 : i32 to vector<16xi32>
        %parallel_loop3A_407 = arith.addi %parallel_loop3A_349, %parallel_loop3A_406 : vector<16xi32>
        %parallel_loop3A_408 = tpu.vector_load_idx %arg5[%parallel_loop3A_407] : memref<4096xf32, #tpu.memory_space<vmem>>[vector<16xi32>], vector<16xf32>,
        %parallel_loop3A_409 = arith.constant 8192 : i32
        %parallel_loop3A_410 = arith.addi %parallel_loop3A_394, %parallel_loop3A_409 : i32
        %parallel_loop3A_411 = arith.constant 128 : i32
        %parallel_loop3A_412 = arith.addi %parallel_loop3A_410, %parallel_loop3A_411 : i32
        %parallel_loop3A_413 = arith.index_cast %parallel_loop3A_412 : i32 to index
        %parallel_loop3A_414 = tpu.vector_load %arg9[%parallel_loop3A_413] {strides = array<i32>} : memref<32768xf32, #tpu.memory_space<vmem>>, vector<16xf32>,
        tpu.vector_store %arg9[%parallel_loop3A_413], %parallel_loop3A_408 {strides = array<i32>} : memref<32768xf32, #tpu.memory_space<vmem>>, vector<16xf32>,
        %parallel_loop3A_415 = arith.constant 1280 : i32
        %parallel_loop3A_416 = vector.broadcast %parallel_loop3A_415 : i32 to vector<16xi32>
        %parallel_loop3A_417 = arith.addi %parallel_loop3A_349, %parallel_loop3A_416 : vector<16xi32>
        %parallel_loop3A_418 = tpu.vector_load_idx %arg5[%parallel_loop3A_417] : memref<4096xf32, #tpu.memory_space<vmem>>[vector<16xi32>], vector<16xf32>,
        %parallel_loop3A_419 = arith.constant 8192 : i32
        %parallel_loop3A_420 = arith.addi %parallel_loop3A_394, %parallel_loop3A_419 : i32
        %parallel_loop3A_421 = arith.constant 256 : i32
        %parallel_loop3A_422 = arith.addi %parallel_loop3A_420, %parallel_loop3A_421 : i32
        %parallel_loop3A_423 = arith.index_cast %parallel_loop3A_422 : i32 to index
        %parallel_loop3A_424 = tpu.vector_load %arg9[%parallel_loop3A_423] {strides = array<i32>} : memref<32768xf32, #tpu.memory_space<vmem>>, vector<16xf32>,
        tpu.vector_store %arg9[%parallel_loop3A_423], %parallel_loop3A_418 {strides = array<i32>} : memref<32768xf32, #tpu.memory_space<vmem>>, vector<16xf32>,
        %parallel_loop3A_425 = arith.constant 1408 : i32
        %parallel_loop3A_426 = vector.broadcast %parallel_loop3A_425 : i32 to vector<16xi32>
        %parallel_loop3A_427 = arith.addi %parallel_loop3A_349, %parallel_loop3A_426 : vector<16xi32>
        %parallel_loop3A_428 = tpu.vector_load_idx %arg5[%parallel_loop3A_427] : memref<4096xf32, #tpu.memory_space<vmem>>[vector<16xi32>], vector<16xf32>,
        %parallel_loop3A_429 = arith.constant 8192 : i32
        %parallel_loop3A_430 = arith.addi %parallel_loop3A_394, %parallel_loop3A_429 : i32
        %parallel_loop3A_431 = arith.constant 384 : i32
        %parallel_loop3A_432 = arith.addi %parallel_loop3A_430, %parallel_loop3A_431 : i32
        %parallel_loop3A_433 = arith.index_cast %parallel_loop3A_432 : i32 to index
        %parallel_loop3A_434 = tpu.vector_load %arg9[%parallel_loop3A_433] {strides = array<i32>} : memref<32768xf32, #tpu.memory_space<vmem>>, vector<16xf32>,
        tpu.vector_store %arg9[%parallel_loop3A_433], %parallel_loop3A_428 {strides = array<i32>} : memref<32768xf32, #tpu.memory_space<vmem>>, vector<16xf32>,
        %parallel_loop3A_435 = arith.constant 1536 : i32
        %parallel_loop3A_436 = vector.broadcast %parallel_loop3A_435 : i32 to vector<16xi32>
        %parallel_loop3A_437 = arith.addi %parallel_loop3A_349, %parallel_loop3A_436 : vector<16xi32>
        %parallel_loop3A_438 = tpu.vector_load_idx %arg5[%parallel_loop3A_437] : memref<4096xf32, #tpu.memory_space<vmem>>[vector<16xi32>], vector<16xf32>,
        %parallel_loop3A_439 = arith.constant 8192 : i32
        %parallel_loop3A_440 = arith.addi %parallel_loop3A_394, %parallel_loop3A_439 : i32
        %parallel_loop3A_441 = arith.constant 512 : i32
        %parallel_loop3A_442 = arith.addi %parallel_loop3A_440, %parallel_loop3A_441 : i32
        %parallel_loop3A_443 = arith.index_cast %parallel_loop3A_442 : i32 to index
        %parallel_loop3A_444 = tpu.vector_load %arg9[%parallel_loop3A_443] {strides = array<i32>} : memref<32768xf32, #tpu.memory_space<vmem>>, vector<16xf32>,
        tpu.vector_store %arg9[%parallel_loop3A_443], %parallel_loop3A_438 {strides = array<i32>} : memref<32768xf32, #tpu.memory_space<vmem>>, vector<16xf32>,
        %parallel_loop3A_445 = arith.constant 1664 : i32
        %parallel_loop3A_446 = vector.broadcast %parallel_loop3A_445 : i32 to vector<16xi32>
        %parallel_loop3A_447 = arith.addi %parallel_loop3A_349, %parallel_loop3A_446 : vector<16xi32>
        %parallel_loop3A_448 = tpu.vector_load_idx %arg5[%parallel_loop3A_447] : memref<4096xf32, #tpu.memory_space<vmem>>[vector<16xi32>], vector<16xf32>,
        %parallel_loop3A_449 = arith.constant 8192 : i32
        %parallel_loop3A_450 = arith.addi %parallel_loop3A_394, %parallel_loop3A_449 : i32
        %parallel_loop3A_451 = arith.constant 640 : i32
        %parallel_loop3A_452 = arith.addi %parallel_loop3A_450, %parallel_loop3A_451 : i32
        %parallel_loop3A_453 = arith.index_cast %parallel_loop3A_452 : i32 to index
        %parallel_loop3A_454 = tpu.vector_load %arg9[%parallel_loop3A_453] {strides = array<i32>} : memref<32768xf32, #tpu.memory_space<vmem>>, vector<16xf32>,
        tpu.vector_store %arg9[%parallel_loop3A_453], %parallel_loop3A_448 {strides = array<i32>} : memref<32768xf32, #tpu.memory_space<vmem>>, vector<16xf32>,
        %parallel_loop3A_455 = arith.constant 1792 : i32
        %parallel_loop3A_456 = vector.broadcast %parallel_loop3A_455 : i32 to vector<16xi32>
        %parallel_loop3A_457 = arith.addi %parallel_loop3A_349, %parallel_loop3A_456 : vector<16xi32>
        %parallel_loop3A_458 = tpu.vector_load_idx %arg5[%parallel_loop3A_457] : memref<4096xf32, #tpu.memory_space<vmem>>[vector<16xi32>], vector<16xf32>,
        %parallel_loop3A_459 = arith.constant 8192 : i32
        %parallel_loop3A_460 = arith.addi %parallel_loop3A_394, %parallel_loop3A_459 : i32
        %parallel_loop3A_461 = arith.constant 768 : i32
        %parallel_loop3A_462 = arith.addi %parallel_loop3A_460, %parallel_loop3A_461 : i32
        %parallel_loop3A_463 = arith.index_cast %parallel_loop3A_462 : i32 to index
        %parallel_loop3A_464 = tpu.vector_load %arg9[%parallel_loop3A_463] {strides = array<i32>} : memref<32768xf32, #tpu.memory_space<vmem>>, vector<16xf32>,
        tpu.vector_store %arg9[%parallel_loop3A_463], %parallel_loop3A_458 {strides = array<i32>} : memref<32768xf32, #tpu.memory_space<vmem>>, vector<16xf32>,
        %parallel_loop3A_465 = arith.constant 1920 : i32
        %parallel_loop3A_466 = vector.broadcast %parallel_loop3A_465 : i32 to vector<16xi32>
        %parallel_loop3A_467 = arith.addi %parallel_loop3A_349, %parallel_loop3A_466 : vector<16xi32>
        %parallel_loop3A_468 = tpu.vector_load_idx %arg5[%parallel_loop3A_467] : memref<4096xf32, #tpu.memory_space<vmem>>[vector<16xi32>], vector<16xf32>,
        %parallel_loop3A_469 = arith.constant 8192 : i32
        %parallel_loop3A_470 = arith.addi %parallel_loop3A_394, %parallel_loop3A_469 : i32
        %parallel_loop3A_471 = arith.constant 896 : i32
        %parallel_loop3A_472 = arith.addi %parallel_loop3A_470, %parallel_loop3A_471 : i32
        %parallel_loop3A_473 = arith.index_cast %parallel_loop3A_472 : i32 to index
        %parallel_loop3A_474 = tpu.vector_load %arg9[%parallel_loop3A_473] {strides = array<i32>} : memref<32768xf32, #tpu.memory_space<vmem>>, vector<16xf32>,
        tpu.vector_store %arg9[%parallel_loop3A_473], %parallel_loop3A_468 {strides = array<i32>} : memref<32768xf32, #tpu.memory_space<vmem>>, vector<16xf32>,
      } {sc.loop_unroll_factor = 4 : i64, sc.parallel_access}
      %mul3A_305 = arith.constant 8192 : i32
      %mul3A_306 = arith.muli %rem3A_264, %mul3A_305 : i32
      %dma_start3A_307 = arith.constant 1 : i32
      %dma_start3A_308 = arith.constant 8192 : i32
      %dma_start3A_309 = tpu.memref_slice %arg9[%dma_start3A_308] : memref<32768xf32, #tpu.memory_space<vmem>> -> memref<8192xf32, #tpu.memory_space<vmem>>
      %dma_start3A_310 = tpu.memref_slice %arg4[%select_n3A_262, %dma_start3A_307, %mul3A_306] : memref<200x4x131072xf32, #tpu.memory_space<hbm>> -> memref<1x1x8192xf32, #tpu.memory_space<hbm>>
      %dma_start3A_311 = tpu.memref_squeeze %dma_start3A_310 : memref<1x1x8192xf32, #tpu.memory_space<hbm>> -> memref<8192xf32, #tpu.memory_space<hbm>>
      %dma_start3A_312 = tpu.memref_slice %arg4[%select_n3A_262, %dma_start3A_307, %mul3A_306] : memref<200x4x131072xf32, #tpu.memory_space<hbm>> -> memref<1x1x8192xf32, #tpu.memory_space<hbm>>
      %dma_start3A_313 = tpu.memref_squeeze %dma_start3A_312 : memref<1x1x8192xf32, #tpu.memory_space<hbm>> -> memref<8192xf32, #tpu.memory_space<hbm>>
      %dma_start3A_314 = arith.constant 8192 : i32
      %dma_start3A_315 = tpu.memref_slice %arg9[%dma_start3A_314] : memref<32768xf32, #tpu.memory_space<vmem>> -> memref<8192xf32, #tpu.memory_space<vmem>>
      tpu.enqueue_dma source(%dma_start3A_315 : memref<8192xf32, #tpu.memory_space<vmem>>) target(%dma_start3A_313 : memref<8192xf32, #tpu.memory_space<hbm>>) target_semaphore(%arg13 : memref<!tpu.dma_semaphore, #tpu.memory_space<semaphore_mem>>)
      %parallel_loop3A_316 = arith.constant 0 : i32
      %parallel_loop3A_317 = arith.constant 64 : i32
      %parallel_loop3A_318 = arith.constant 1 : i32
      scf.for %parallel_loop3A_345 = %parallel_loop3A_316 to %parallel_loop3A_317 step %parallel_loop3A_318  : i32 {
        %parallel_loop3A_346 = arith.constant 16 : i32
        %parallel_loop3A_347 = arith.muli %parallel_loop3A_345, %parallel_loop3A_346 : i32
        %parallel_loop3A_348 = arith.index_cast %parallel_loop3A_347 : i32 to index
        %parallel_loop3A_349 = tpu.vector_load %arg7[%parallel_loop3A_348] {strides = array<i32>} : memref<1024xi32, #tpu.memory_space<vmem>>, vector<16xi32>,
        %parallel_loop3A_350 = arith.constant 8 : i32
        %parallel_loop3A_351 = arith.divsi %parallel_loop3A_345, %parallel_loop3A_350 : i32
        %parallel_loop3A_352 = arith.constant 0 : i32
        %parallel_loop3A_353 = arith.cmpi sgt, %parallel_loop3A_345, %parallel_loop3A_352 : i32
        %parallel_loop3A_354 = arith.extui %parallel_loop3A_353 : i1 to i32
        %parallel_loop3A_355 = arith.constant 0 : i32
        %parallel_loop3A_356 = arith.cmpi slt, %parallel_loop3A_345, %parallel_loop3A_355 : i32
        %parallel_loop3A_357 = arith.extui %parallel_loop3A_356 : i1 to i32
        %parallel_loop3A_358 = arith.subi %parallel_loop3A_354, %parallel_loop3A_357 : i32
        %parallel_loop3A_359 = arith.constant 0 : i32
        %parallel_loop3A_360 = arith.cmpi sgt, %parallel_loop3A_350, %parallel_loop3A_359 : i32
        %parallel_loop3A_361 = arith.extui %parallel_loop3A_360 : i1 to i32
        %parallel_loop3A_362 = arith.constant 0 : i32
        %parallel_loop3A_363 = arith.cmpi slt, %parallel_loop3A_350, %parallel_loop3A_362 : i32
        %parallel_loop3A_364 = arith.extui %parallel_loop3A_363 : i1 to i32
        %parallel_loop3A_365 = arith.subi %parallel_loop3A_361, %parallel_loop3A_364 : i32
        %parallel_loop3A_366 = arith.cmpi ne, %parallel_loop3A_358, %parallel_loop3A_365 : i32
        %parallel_loop3A_367 = arith.remsi %parallel_loop3A_345, %parallel_loop3A_350 : i32
        %parallel_loop3A_368 = arith.constant 0 : i32
        %parallel_loop3A_369 = arith.cmpi ne, %parallel_loop3A_367, %parallel_loop3A_368 : i32
        %parallel_loop3A_370 = arith.andi %parallel_loop3A_366, %parallel_loop3A_369 : i1
        %parallel_loop3A_371 = arith.constant 1 : i32
        %parallel_loop3A_372 = arith.subi %parallel_loop3A_351, %parallel_loop3A_371 : i32
        %parallel_loop3A_373 = arith.select %parallel_loop3A_370, %parallel_loop3A_372, %parallel_loop3A_351 : i32
        %parallel_loop3A_374 = arith.constant 1024 : i32
        %parallel_loop3A_375 = arith.muli %parallel_loop3A_373, %parallel_loop3A_374 : i32
        %parallel_loop3A_376 = arith.constant 8 : i32
        %parallel_loop3A_377 = arith.constant 0 : i32
        %parallel_loop3A_378 = arith.cmpi eq, %parallel_loop3A_376, %parallel_loop3A_377 : i32
        %parallel_loop3A_379 = arith.constant 1 : i32
        %parallel_loop3A_380 = arith.select %parallel_loop3A_378, %parallel_loop3A_379, %parallel_loop3A_376 : i32
        %parallel_loop3A_381 = arith.remsi %parallel_loop3A_345, %parallel_loop3A_380 : i32
        %parallel_loop3A_382 = arith.constant 0 : i32
        %parallel_loop3A_383 = arith.cmpi ne, %parallel_loop3A_381, %parallel_loop3A_382 : i32
        %parallel_loop3A_384 = arith.constant 0 : i32
        %parallel_loop3A_385 = arith.cmpi slt, %parallel_loop3A_381, %parallel_loop3A_384 : i32
        %parallel_loop3A_386 = arith.constant 0 : i32
        %parallel_loop3A_387 = arith.cmpi slt, %parallel_loop3A_380, %parallel_loop3A_386 : i32
        %parallel_loop3A_388 = arith.xori %parallel_loop3A_385, %parallel_loop3A_387 : i1
        %parallel_loop3A_389 = arith.andi %parallel_loop3A_388, %parallel_loop3A_383 : i1
        %parallel_loop3A_390 = arith.addi %parallel_loop3A_381, %parallel_loop3A_380 : i32
        %parallel_loop3A_391 = arith.select %parallel_loop3A_389, %parallel_loop3A_390, %parallel_loop3A_381 : i32
        %parallel_loop3A_392 = arith.constant 16 : i32
        %parallel_loop3A_393 = arith.muli %parallel_loop3A_391, %parallel_loop3A_392 : i32
        %parallel_loop3A_394 = arith.addi %parallel_loop3A_375, %parallel_loop3A_393 : i32
        %parallel_loop3A_395 = arith.constant 2048 : i32
        %parallel_loop3A_396 = vector.broadcast %parallel_loop3A_395 : i32 to vector<16xi32>
        %parallel_loop3A_397 = arith.addi %parallel_loop3A_349, %parallel_loop3A_396 : vector<16xi32>
        %parallel_loop3A_398 = tpu.vector_load_idx %arg5[%parallel_loop3A_397] : memref<4096xf32, #tpu.memory_space<vmem>>[vector<16xi32>], vector<16xf32>,
        %parallel_loop3A_399 = arith.constant 16384 : i32
        %parallel_loop3A_400 = arith.addi %parallel_loop3A_394, %parallel_loop3A_399 : i32
        %parallel_loop3A_401 = arith.constant 0 : i32
        %parallel_loop3A_402 = arith.addi %parallel_loop3A_400, %parallel_loop3A_401 : i32
        %parallel_loop3A_403 = arith.index_cast %parallel_loop3A_402 : i32 to index
        %parallel_loop3A_404 = tpu.vector_load %arg9[%parallel_loop3A_403] {strides = array<i32>} : memref<32768xf32, #tpu.memory_space<vmem>>, vector<16xf32>,
        tpu.vector_store %arg9[%parallel_loop3A_403], %parallel_loop3A_398 {strides = array<i32>} : memref<32768xf32, #tpu.memory_space<vmem>>, vector<16xf32>,
        %parallel_loop3A_405 = arith.constant 2176 : i32
        %parallel_loop3A_406 = vector.broadcast %parallel_loop3A_405 : i32 to vector<16xi32>
        %parallel_loop3A_407 = arith.addi %parallel_loop3A_349, %parallel_loop3A_406 : vector<16xi32>
        %parallel_loop3A_408 = tpu.vector_load_idx %arg5[%parallel_loop3A_407] : memref<4096xf32, #tpu.memory_space<vmem>>[vector<16xi32>], vector<16xf32>,
        %parallel_loop3A_409 = arith.constant 16384 : i32
        %parallel_loop3A_410 = arith.addi %parallel_loop3A_394, %parallel_loop3A_409 : i32
        %parallel_loop3A_411 = arith.constant 128 : i32
        %parallel_loop3A_412 = arith.addi %parallel_loop3A_410, %parallel_loop3A_411 : i32
        %parallel_loop3A_413 = arith.index_cast %parallel_loop3A_412 : i32 to index
        %parallel_loop3A_414 = tpu.vector_load %arg9[%parallel_loop3A_413] {strides = array<i32>} : memref<32768xf32, #tpu.memory_space<vmem>>, vector<16xf32>,
        tpu.vector_store %arg9[%parallel_loop3A_413], %parallel_loop3A_408 {strides = array<i32>} : memref<32768xf32, #tpu.memory_space<vmem>>, vector<16xf32>,
        %parallel_loop3A_415 = arith.constant 2304 : i32
        %parallel_loop3A_416 = vector.broadcast %parallel_loop3A_415 : i32 to vector<16xi32>
        %parallel_loop3A_417 = arith.addi %parallel_loop3A_349, %parallel_loop3A_416 : vector<16xi32>
        %parallel_loop3A_418 = tpu.vector_load_idx %arg5[%parallel_loop3A_417] : memref<4096xf32, #tpu.memory_space<vmem>>[vector<16xi32>], vector<16xf32>,
        %parallel_loop3A_419 = arith.constant 16384 : i32
        %parallel_loop3A_420 = arith.addi %parallel_loop3A_394, %parallel_loop3A_419 : i32
        %parallel_loop3A_421 = arith.constant 256 : i32
        %parallel_loop3A_422 = arith.addi %parallel_loop3A_420, %parallel_loop3A_421 : i32
        %parallel_loop3A_423 = arith.index_cast %parallel_loop3A_422 : i32 to index
        %parallel_loop3A_424 = tpu.vector_load %arg9[%parallel_loop3A_423] {strides = array<i32>} : memref<32768xf32, #tpu.memory_space<vmem>>, vector<16xf32>,
        tpu.vector_store %arg9[%parallel_loop3A_423], %parallel_loop3A_418 {strides = array<i32>} : memref<32768xf32, #tpu.memory_space<vmem>>, vector<16xf32>,
        %parallel_loop3A_425 = arith.constant 2432 : i32
        %parallel_loop3A_426 = vector.broadcast %parallel_loop3A_425 : i32 to vector<16xi32>
        %parallel_loop3A_427 = arith.addi %parallel_loop3A_349, %parallel_loop3A_426 : vector<16xi32>
        %parallel_loop3A_428 = tpu.vector_load_idx %arg5[%parallel_loop3A_427] : memref<4096xf32, #tpu.memory_space<vmem>>[vector<16xi32>], vector<16xf32>,
        %parallel_loop3A_429 = arith.constant 16384 : i32
        %parallel_loop3A_430 = arith.addi %parallel_loop3A_394, %parallel_loop3A_429 : i32
        %parallel_loop3A_431 = arith.constant 384 : i32
        %parallel_loop3A_432 = arith.addi %parallel_loop3A_430, %parallel_loop3A_431 : i32
        %parallel_loop3A_433 = arith.index_cast %parallel_loop3A_432 : i32 to index
        %parallel_loop3A_434 = tpu.vector_load %arg9[%parallel_loop3A_433] {strides = array<i32>} : memref<32768xf32, #tpu.memory_space<vmem>>, vector<16xf32>,
        tpu.vector_store %arg9[%parallel_loop3A_433], %parallel_loop3A_428 {strides = array<i32>} : memref<32768xf32, #tpu.memory_space<vmem>>, vector<16xf32>,
        %parallel_loop3A_435 = arith.constant 2560 : i32
        %parallel_loop3A_436 = vector.broadcast %parallel_loop3A_435 : i32 to vector<16xi32>
        %parallel_loop3A_437 = arith.addi %parallel_loop3A_349, %parallel_loop3A_436 : vector<16xi32>
        %parallel_loop3A_438 = tpu.vector_load_idx %arg5[%parallel_loop3A_437] : memref<4096xf32, #tpu.memory_space<vmem>>[vector<16xi32>], vector<16xf32>,
        %parallel_loop3A_439 = arith.constant 16384 : i32
        %parallel_loop3A_440 = arith.addi %parallel_loop3A_394, %parallel_loop3A_439 : i32
        %parallel_loop3A_441 = arith.constant 512 : i32
        %parallel_loop3A_442 = arith.addi %parallel_loop3A_440, %parallel_loop3A_441 : i32
        %parallel_loop3A_443 = arith.index_cast %parallel_loop3A_442 : i32 to index
        %parallel_loop3A_444 = tpu.vector_load %arg9[%parallel_loop3A_443] {strides = array<i32>} : memref<32768xf32, #tpu.memory_space<vmem>>, vector<16xf32>,
        tpu.vector_store %arg9[%parallel_loop3A_443], %parallel_loop3A_438 {strides = array<i32>} : memref<32768xf32, #tpu.memory_space<vmem>>, vector<16xf32>,
        %parallel_loop3A_445 = arith.constant 2688 : i32
        %parallel_loop3A_446 = vector.broadcast %parallel_loop3A_445 : i32 to vector<16xi32>
        %parallel_loop3A_447 = arith.addi %parallel_loop3A_349, %parallel_loop3A_446 : vector<16xi32>
        %parallel_loop3A_448 = tpu.vector_load_idx %arg5[%parallel_loop3A_447] : memref<4096xf32, #tpu.memory_space<vmem>>[vector<16xi32>], vector<16xf32>,
        %parallel_loop3A_449 = arith.constant 16384 : i32
        %parallel_loop3A_450 = arith.addi %parallel_loop3A_394, %parallel_loop3A_449 : i32
        %parallel_loop3A_451 = arith.constant 640 : i32
        %parallel_loop3A_452 = arith.addi %parallel_loop3A_450, %parallel_loop3A_451 : i32
        %parallel_loop3A_453 = arith.index_cast %parallel_loop3A_452 : i32 to index
        %parallel_loop3A_454 = tpu.vector_load %arg9[%parallel_loop3A_453] {strides = array<i32>} : memref<32768xf32, #tpu.memory_space<vmem>>, vector<16xf32>,
        tpu.vector_store %arg9[%parallel_loop3A_453], %parallel_loop3A_448 {strides = array<i32>} : memref<32768xf32, #tpu.memory_space<vmem>>, vector<16xf32>,
        %parallel_loop3A_455 = arith.constant 2816 : i32
        %parallel_loop3A_456 = vector.broadcast %parallel_loop3A_455 : i32 to vector<16xi32>
        %parallel_loop3A_457 = arith.addi %parallel_loop3A_349, %parallel_loop3A_456 : vector<16xi32>
        %parallel_loop3A_458 = tpu.vector_load_idx %arg5[%parallel_loop3A_457] : memref<4096xf32, #tpu.memory_space<vmem>>[vector<16xi32>], vector<16xf32>,
        %parallel_loop3A_459 = arith.constant 16384 : i32
        %parallel_loop3A_460 = arith.addi %parallel_loop3A_394, %parallel_loop3A_459 : i32
        %parallel_loop3A_461 = arith.constant 768 : i32
        %parallel_loop3A_462 = arith.addi %parallel_loop3A_460, %parallel_loop3A_461 : i32
        %parallel_loop3A_463 = arith.index_cast %parallel_loop3A_462 : i32 to index
        %parallel_loop3A_464 = tpu.vector_load %arg9[%parallel_loop3A_463] {strides = array<i32>} : memref<32768xf32, #tpu.memory_space<vmem>>, vector<16xf32>,
        tpu.vector_store %arg9[%parallel_loop3A_463], %parallel_loop3A_458 {strides = array<i32>} : memref<32768xf32, #tpu.memory_space<vmem>>, vector<16xf32>,
        %parallel_loop3A_465 = arith.constant 2944 : i32
        %parallel_loop3A_466 = vector.broadcast %parallel_loop3A_465 : i32 to vector<16xi32>
        %parallel_loop3A_467 = arith.addi %parallel_loop3A_349, %parallel_loop3A_466 : vector<16xi32>
        %parallel_loop3A_468 = tpu.vector_load_idx %arg5[%parallel_loop3A_467] : memref<4096xf32, #tpu.memory_space<vmem>>[vector<16xi32>], vector<16xf32>,
        %parallel_loop3A_469 = arith.constant 16384 : i32
        %parallel_loop3A_470 = arith.addi %parallel_loop3A_394, %parallel_loop3A_469 : i32
        %parallel_loop3A_471 = arith.constant 896 : i32
        %parallel_loop3A_472 = arith.addi %parallel_loop3A_470, %parallel_loop3A_471 : i32
        %parallel_loop3A_473 = arith.index_cast %parallel_loop3A_472 : i32 to index
        %parallel_loop3A_474 = tpu.vector_load %arg9[%parallel_loop3A_473] {strides = array<i32>} : memref<32768xf32, #tpu.memory_space<vmem>>, vector<16xf32>,
        tpu.vector_store %arg9[%parallel_loop3A_473], %parallel_loop3A_468 {strides = array<i32>} : memref<32768xf32, #tpu.memory_space<vmem>>, vector<16xf32>,
      } {sc.loop_unroll_factor = 4 : i64, sc.parallel_access}
      %mul3A_319 = arith.constant 8192 : i32
      %mul3A_320 = arith.muli %rem3A_264, %mul3A_319 : i32
      %dma_start3A_321 = arith.constant 2 : i32
      %dma_start3A_322 = arith.constant 16384 : i32
      %dma_start3A_323 = tpu.memref_slice %arg9[%dma_start3A_322] : memref<32768xf32, #tpu.memory_space<vmem>> -> memref<8192xf32, #tpu.memory_space<vmem>>
      %dma_start3A_324 = tpu.memref_slice %arg4[%select_n3A_262, %dma_start3A_321, %mul3A_320] : memref<200x4x131072xf32, #tpu.memory_space<hbm>> -> memref<1x1x8192xf32, #tpu.memory_space<hbm>>
      %dma_start3A_325 = tpu.memref_squeeze %dma_start3A_324 : memref<1x1x8192xf32, #tpu.memory_space<hbm>> -> memref<8192xf32, #tpu.memory_space<hbm>>
      %dma_start3A_326 = tpu.memref_slice %arg4[%select_n3A_262, %dma_start3A_321, %mul3A_320] : memref<200x4x131072xf32, #tpu.memory_space<hbm>> -> memref<1x1x8192xf32, #tpu.memory_space<hbm>>
      %dma_start3A_327 = tpu.memref_squeeze %dma_start3A_326 : memref<1x1x8192xf32, #tpu.memory_space<hbm>> -> memref<8192xf32, #tpu.memory_space<hbm>>
      %dma_start3A_328 = arith.constant 16384 : i32
      %dma_start3A_329 = tpu.memref_slice %arg9[%dma_start3A_328] : memref<32768xf32, #tpu.memory_space<vmem>> -> memref<8192xf32, #tpu.memory_space<vmem>>
      tpu.enqueue_dma source(%dma_start3A_329 : memref<8192xf32, #tpu.memory_space<vmem>>) target(%dma_start3A_327 : memref<8192xf32, #tpu.memory_space<hbm>>) target_semaphore(%arg13 : memref<!tpu.dma_semaphore, #tpu.memory_space<semaphore_mem>>)
      %parallel_loop3A_330 = arith.constant 0 : i32
      %parallel_loop3A_331 = arith.constant 64 : i32
      %parallel_loop3A_332 = arith.constant 1 : i32
      scf.for %parallel_loop3A_345 = %parallel_loop3A_330 to %parallel_loop3A_331 step %parallel_loop3A_332  : i32 {
        %parallel_loop3A_346 = arith.constant 16 : i32
        %parallel_loop3A_347 = arith.muli %parallel_loop3A_345, %parallel_loop3A_346 : i32
        %parallel_loop3A_348 = arith.index_cast %parallel_loop3A_347 : i32 to index
        %parallel_loop3A_349 = tpu.vector_load %arg7[%parallel_loop3A_348] {strides = array<i32>} : memref<1024xi32, #tpu.memory_space<vmem>>, vector<16xi32>,
        %parallel_loop3A_350 = arith.constant 8 : i32
        %parallel_loop3A_351 = arith.divsi %parallel_loop3A_345, %parallel_loop3A_350 : i32
        %parallel_loop3A_352 = arith.constant 0 : i32
        %parallel_loop3A_353 = arith.cmpi sgt, %parallel_loop3A_345, %parallel_loop3A_352 : i32
        %parallel_loop3A_354 = arith.extui %parallel_loop3A_353 : i1 to i32
        %parallel_loop3A_355 = arith.constant 0 : i32
        %parallel_loop3A_356 = arith.cmpi slt, %parallel_loop3A_345, %parallel_loop3A_355 : i32
        %parallel_loop3A_357 = arith.extui %parallel_loop3A_356 : i1 to i32
        %parallel_loop3A_358 = arith.subi %parallel_loop3A_354, %parallel_loop3A_357 : i32
        %parallel_loop3A_359 = arith.constant 0 : i32
        %parallel_loop3A_360 = arith.cmpi sgt, %parallel_loop3A_350, %parallel_loop3A_359 : i32
        %parallel_loop3A_361 = arith.extui %parallel_loop3A_360 : i1 to i32
        %parallel_loop3A_362 = arith.constant 0 : i32
        %parallel_loop3A_363 = arith.cmpi slt, %parallel_loop3A_350, %parallel_loop3A_362 : i32
        %parallel_loop3A_364 = arith.extui %parallel_loop3A_363 : i1 to i32
        %parallel_loop3A_365 = arith.subi %parallel_loop3A_361, %parallel_loop3A_364 : i32
        %parallel_loop3A_366 = arith.cmpi ne, %parallel_loop3A_358, %parallel_loop3A_365 : i32
        %parallel_loop3A_367 = arith.remsi %parallel_loop3A_345, %parallel_loop3A_350 : i32
        %parallel_loop3A_368 = arith.constant 0 : i32
        %parallel_loop3A_369 = arith.cmpi ne, %parallel_loop3A_367, %parallel_loop3A_368 : i32
        %parallel_loop3A_370 = arith.andi %parallel_loop3A_366, %parallel_loop3A_369 : i1
        %parallel_loop3A_371 = arith.constant 1 : i32
        %parallel_loop3A_372 = arith.subi %parallel_loop3A_351, %parallel_loop3A_371 : i32
        %parallel_loop3A_373 = arith.select %parallel_loop3A_370, %parallel_loop3A_372, %parallel_loop3A_351 : i32
        %parallel_loop3A_374 = arith.constant 1024 : i32
        %parallel_loop3A_375 = arith.muli %parallel_loop3A_373, %parallel_loop3A_374 : i32
        %parallel_loop3A_376 = arith.constant 8 : i32
        %parallel_loop3A_377 = arith.constant 0 : i32
        %parallel_loop3A_378 = arith.cmpi eq, %parallel_loop3A_376, %parallel_loop3A_377 : i32
        %parallel_loop3A_379 = arith.constant 1 : i32
        %parallel_loop3A_380 = arith.select %parallel_loop3A_378, %parallel_loop3A_379, %parallel_loop3A_376 : i32
        %parallel_loop3A_381 = arith.remsi %parallel_loop3A_345, %parallel_loop3A_380 : i32
        %parallel_loop3A_382 = arith.constant 0 : i32
        %parallel_loop3A_383 = arith.cmpi ne, %parallel_loop3A_381, %parallel_loop3A_382 : i32
        %parallel_loop3A_384 = arith.constant 0 : i32
        %parallel_loop3A_385 = arith.cmpi slt, %parallel_loop3A_381, %parallel_loop3A_384 : i32
        %parallel_loop3A_386 = arith.constant 0 : i32
        %parallel_loop3A_387 = arith.cmpi slt, %parallel_loop3A_380, %parallel_loop3A_386 : i32
        %parallel_loop3A_388 = arith.xori %parallel_loop3A_385, %parallel_loop3A_387 : i1
        %parallel_loop3A_389 = arith.andi %parallel_loop3A_388, %parallel_loop3A_383 : i1
        %parallel_loop3A_390 = arith.addi %parallel_loop3A_381, %parallel_loop3A_380 : i32
        %parallel_loop3A_391 = arith.select %parallel_loop3A_389, %parallel_loop3A_390, %parallel_loop3A_381 : i32
        %parallel_loop3A_392 = arith.constant 16 : i32
        %parallel_loop3A_393 = arith.muli %parallel_loop3A_391, %parallel_loop3A_392 : i32
        %parallel_loop3A_394 = arith.addi %parallel_loop3A_375, %parallel_loop3A_393 : i32
        %parallel_loop3A_395 = arith.constant 3072 : i32
        %parallel_loop3A_396 = vector.broadcast %parallel_loop3A_395 : i32 to vector<16xi32>
        %parallel_loop3A_397 = arith.addi %parallel_loop3A_349, %parallel_loop3A_396 : vector<16xi32>
        %parallel_loop3A_398 = tpu.vector_load_idx %arg5[%parallel_loop3A_397] : memref<4096xf32, #tpu.memory_space<vmem>>[vector<16xi32>], vector<16xf32>,
        %parallel_loop3A_399 = arith.constant 24576 : i32
        %parallel_loop3A_400 = arith.addi %parallel_loop3A_394, %parallel_loop3A_399 : i32
        %parallel_loop3A_401 = arith.constant 0 : i32
        %parallel_loop3A_402 = arith.addi %parallel_loop3A_400, %parallel_loop3A_401 : i32
        %parallel_loop3A_403 = arith.index_cast %parallel_loop3A_402 : i32 to index
        %parallel_loop3A_404 = tpu.vector_load %arg9[%parallel_loop3A_403] {strides = array<i32>} : memref<32768xf32, #tpu.memory_space<vmem>>, vector<16xf32>,
        tpu.vector_store %arg9[%parallel_loop3A_403], %parallel_loop3A_398 {strides = array<i32>} : memref<32768xf32, #tpu.memory_space<vmem>>, vector<16xf32>,
        %parallel_loop3A_405 = arith.constant 3200 : i32
        %parallel_loop3A_406 = vector.broadcast %parallel_loop3A_405 : i32 to vector<16xi32>
        %parallel_loop3A_407 = arith.addi %parallel_loop3A_349, %parallel_loop3A_406 : vector<16xi32>
        %parallel_loop3A_408 = tpu.vector_load_idx %arg5[%parallel_loop3A_407] : memref<4096xf32, #tpu.memory_space<vmem>>[vector<16xi32>], vector<16xf32>,
        %parallel_loop3A_409 = arith.constant 24576 : i32
        %parallel_loop3A_410 = arith.addi %parallel_loop3A_394, %parallel_loop3A_409 : i32
        %parallel_loop3A_411 = arith.constant 128 : i32
        %parallel_loop3A_412 = arith.addi %parallel_loop3A_410, %parallel_loop3A_411 : i32
        %parallel_loop3A_413 = arith.index_cast %parallel_loop3A_412 : i32 to index
        %parallel_loop3A_414 = tpu.vector_load %arg9[%parallel_loop3A_413] {strides = array<i32>} : memref<32768xf32, #tpu.memory_space<vmem>>, vector<16xf32>,
        tpu.vector_store %arg9[%parallel_loop3A_413], %parallel_loop3A_408 {strides = array<i32>} : memref<32768xf32, #tpu.memory_space<vmem>>, vector<16xf32>,
        %parallel_loop3A_415 = arith.constant 3328 : i32
        %parallel_loop3A_416 = vector.broadcast %parallel_loop3A_415 : i32 to vector<16xi32>
        %parallel_loop3A_417 = arith.addi %parallel_loop3A_349, %parallel_loop3A_416 : vector<16xi32>
        %parallel_loop3A_418 = tpu.vector_load_idx %arg5[%parallel_loop3A_417] : memref<4096xf32, #tpu.memory_space<vmem>>[vector<16xi32>], vector<16xf32>,
        %parallel_loop3A_419 = arith.constant 24576 : i32
        %parallel_loop3A_420 = arith.addi %parallel_loop3A_394, %parallel_loop3A_419 : i32
        %parallel_loop3A_421 = arith.constant 256 : i32
        %parallel_loop3A_422 = arith.addi %parallel_loop3A_420, %parallel_loop3A_421 : i32
        %parallel_loop3A_423 = arith.index_cast %parallel_loop3A_422 : i32 to index
        %parallel_loop3A_424 = tpu.vector_load %arg9[%parallel_loop3A_423] {strides = array<i32>} : memref<32768xf32, #tpu.memory_space<vmem>>, vector<16xf32>,
        tpu.vector_store %arg9[%parallel_loop3A_423], %parallel_loop3A_418 {strides = array<i32>} : memref<32768xf32, #tpu.memory_space<vmem>>, vector<16xf32>,
        %parallel_loop3A_425 = arith.constant 3456 : i32
        %parallel_loop3A_426 = vector.broadcast %parallel_loop3A_425 : i32 to vector<16xi32>
        %parallel_loop3A_427 = arith.addi %parallel_loop3A_349, %parallel_loop3A_426 : vector<16xi32>
        %parallel_loop3A_428 = tpu.vector_load_idx %arg5[%parallel_loop3A_427] : memref<4096xf32, #tpu.memory_space<vmem>>[vector<16xi32>], vector<16xf32>,
        %parallel_loop3A_429 = arith.constant 24576 : i32
        %parallel_loop3A_430 = arith.addi %parallel_loop3A_394, %parallel_loop3A_429 : i32
        %parallel_loop3A_431 = arith.constant 384 : i32
        %parallel_loop3A_432 = arith.addi %parallel_loop3A_430, %parallel_loop3A_431 : i32
        %parallel_loop3A_433 = arith.index_cast %parallel_loop3A_432 : i32 to index
        %parallel_loop3A_434 = tpu.vector_load %arg9[%parallel_loop3A_433] {strides = array<i32>} : memref<32768xf32, #tpu.memory_space<vmem>>, vector<16xf32>,
        tpu.vector_store %arg9[%parallel_loop3A_433], %parallel_loop3A_428 {strides = array<i32>} : memref<32768xf32, #tpu.memory_space<vmem>>, vector<16xf32>,
        %parallel_loop3A_435 = arith.constant 3584 : i32
        %parallel_loop3A_436 = vector.broadcast %parallel_loop3A_435 : i32 to vector<16xi32>
        %parallel_loop3A_437 = arith.addi %parallel_loop3A_349, %parallel_loop3A_436 : vector<16xi32>
        %parallel_loop3A_438 = tpu.vector_load_idx %arg5[%parallel_loop3A_437] : memref<4096xf32, #tpu.memory_space<vmem>>[vector<16xi32>], vector<16xf32>,
        %parallel_loop3A_439 = arith.constant 24576 : i32
        %parallel_loop3A_440 = arith.addi %parallel_loop3A_394, %parallel_loop3A_439 : i32
        %parallel_loop3A_441 = arith.constant 512 : i32
        %parallel_loop3A_442 = arith.addi %parallel_loop3A_440, %parallel_loop3A_441 : i32
        %parallel_loop3A_443 = arith.index_cast %parallel_loop3A_442 : i32 to index
        %parallel_loop3A_444 = tpu.vector_load %arg9[%parallel_loop3A_443] {strides = array<i32>} : memref<32768xf32, #tpu.memory_space<vmem>>, vector<16xf32>,
        tpu.vector_store %arg9[%parallel_loop3A_443], %parallel_loop3A_438 {strides = array<i32>} : memref<32768xf32, #tpu.memory_space<vmem>>, vector<16xf32>,
        %parallel_loop3A_445 = arith.constant 3712 : i32
        %parallel_loop3A_446 = vector.broadcast %parallel_loop3A_445 : i32 to vector<16xi32>
        %parallel_loop3A_447 = arith.addi %parallel_loop3A_349, %parallel_loop3A_446 : vector<16xi32>
        %parallel_loop3A_448 = tpu.vector_load_idx %arg5[%parallel_loop3A_447] : memref<4096xf32, #tpu.memory_space<vmem>>[vector<16xi32>], vector<16xf32>,
        %parallel_loop3A_449 = arith.constant 24576 : i32
        %parallel_loop3A_450 = arith.addi %parallel_loop3A_394, %parallel_loop3A_449 : i32
        %parallel_loop3A_451 = arith.constant 640 : i32
        %parallel_loop3A_452 = arith.addi %parallel_loop3A_450, %parallel_loop3A_451 : i32
        %parallel_loop3A_453 = arith.index_cast %parallel_loop3A_452 : i32 to index
        %parallel_loop3A_454 = tpu.vector_load %arg9[%parallel_loop3A_453] {strides = array<i32>} : memref<32768xf32, #tpu.memory_space<vmem>>, vector<16xf32>,
        tpu.vector_store %arg9[%parallel_loop3A_453], %parallel_loop3A_448 {strides = array<i32>} : memref<32768xf32, #tpu.memory_space<vmem>>, vector<16xf32>,
        %parallel_loop3A_455 = arith.constant 3840 : i32
        %parallel_loop3A_456 = vector.broadcast %parallel_loop3A_455 : i32 to vector<16xi32>
        %parallel_loop3A_457 = arith.addi %parallel_loop3A_349, %parallel_loop3A_456 : vector<16xi32>
        %parallel_loop3A_458 = tpu.vector_load_idx %arg5[%parallel_loop3A_457] : memref<4096xf32, #tpu.memory_space<vmem>>[vector<16xi32>], vector<16xf32>,
        %parallel_loop3A_459 = arith.constant 24576 : i32
        %parallel_loop3A_460 = arith.addi %parallel_loop3A_394, %parallel_loop3A_459 : i32
        %parallel_loop3A_461 = arith.constant 768 : i32
        %parallel_loop3A_462 = arith.addi %parallel_loop3A_460, %parallel_loop3A_461 : i32
        %parallel_loop3A_463 = arith.index_cast %parallel_loop3A_462 : i32 to index
        %parallel_loop3A_464 = tpu.vector_load %arg9[%parallel_loop3A_463] {strides = array<i32>} : memref<32768xf32, #tpu.memory_space<vmem>>, vector<16xf32>,
        tpu.vector_store %arg9[%parallel_loop3A_463], %parallel_loop3A_458 {strides = array<i32>} : memref<32768xf32, #tpu.memory_space<vmem>>, vector<16xf32>,
        %parallel_loop3A_465 = arith.constant 3968 : i32
        %parallel_loop3A_466 = vector.broadcast %parallel_loop3A_465 : i32 to vector<16xi32>
        %parallel_loop3A_467 = arith.addi %parallel_loop3A_349, %parallel_loop3A_466 : vector<16xi32>
        %parallel_loop3A_468 = tpu.vector_load_idx %arg5[%parallel_loop3A_467] : memref<4096xf32, #tpu.memory_space<vmem>>[vector<16xi32>], vector<16xf32>,
        %parallel_loop3A_469 = arith.constant 24576 : i32
        %parallel_loop3A_470 = arith.addi %parallel_loop3A_394, %parallel_loop3A_469 : i32
        %parallel_loop3A_471 = arith.constant 896 : i32
        %parallel_loop3A_472 = arith.addi %parallel_loop3A_470, %parallel_loop3A_471 : i32
        %parallel_loop3A_473 = arith.index_cast %parallel_loop3A_472 : i32 to index
        %parallel_loop3A_474 = tpu.vector_load %arg9[%parallel_loop3A_473] {strides = array<i32>} : memref<32768xf32, #tpu.memory_space<vmem>>, vector<16xf32>,
        tpu.vector_store %arg9[%parallel_loop3A_473], %parallel_loop3A_468 {strides = array<i32>} : memref<32768xf32, #tpu.memory_space<vmem>>, vector<16xf32>,
      } {sc.loop_unroll_factor = 4 : i64, sc.parallel_access}
      %mul3A_333 = arith.constant 8192 : i32
      %mul3A_334 = arith.muli %rem3A_264, %mul3A_333 : i32
      %dma_start3A_335 = arith.constant 3 : i32
      %dma_start3A_336 = arith.constant 24576 : i32
      %dma_start3A_337 = tpu.memref_slice %arg9[%dma_start3A_336] : memref<32768xf32, #tpu.memory_space<vmem>> -> memref<8192xf32, #tpu.memory_space<vmem>>
      %dma_start3A_338 = tpu.memref_slice %arg4[%select_n3A_262, %dma_start3A_335, %mul3A_334] : memref<200x4x131072xf32, #tpu.memory_space<hbm>> -> memref<1x1x8192xf32, #tpu.memory_space<hbm>>
      %dma_start3A_339 = tpu.memref_squeeze %dma_start3A_338 : memref<1x1x8192xf32, #tpu.memory_space<hbm>> -> memref<8192xf32, #tpu.memory_space<hbm>>
      %dma_start3A_340 = tpu.memref_slice %arg4[%select_n3A_262, %dma_start3A_335, %mul3A_334] : memref<200x4x131072xf32, #tpu.memory_space<hbm>> -> memref<1x1x8192xf32, #tpu.memory_space<hbm>>
      %dma_start3A_341 = tpu.memref_squeeze %dma_start3A_340 : memref<1x1x8192xf32, #tpu.memory_space<hbm>> -> memref<8192xf32, #tpu.memory_space<hbm>>
      %dma_start3A_342 = arith.constant 24576 : i32
      %dma_start3A_343 = tpu.memref_slice %arg9[%dma_start3A_342] : memref<32768xf32, #tpu.memory_space<vmem>> -> memref<8192xf32, #tpu.memory_space<vmem>>
      tpu.enqueue_dma source(%dma_start3A_343 : memref<8192xf32, #tpu.memory_space<vmem>>) target(%dma_start3A_341 : memref<8192xf32, #tpu.memory_space<hbm>>) target_semaphore(%arg13 : memref<!tpu.dma_semaphore, #tpu.memory_space<semaphore_mem>>)
      %scan3A_344 = arith.constant 0 : i32
      scf.yield %scan3A_344 : i32
    }
    %scan3A_31 = arith.constant 50 : i32
    %dma_wait3A = arith.constant 0 : i32
    %dma_wait3A_32 = arith.constant 0 : i32
    %dma_wait3A_33 = arith.constant 0 : i32
    %dma_wait3A_34 = tpu.memref_slice %arg8[%dma_wait3A_33] : memref<32768xf32, #tpu.memory_space<vmem>> -> memref<8192xf32, #tpu.memory_space<vmem>>
    %dma_wait3A_35 = arith.constant 0 : i32
    %dma_wait3A_36 = tpu.memref_slice %arg4[%dma_wait3A, %dma_wait3A_32, %dma_wait3A_35] : memref<200x4x131072xf32, #tpu.memory_space<hbm>> -> memref<1x1x8192xf32, #tpu.memory_space<hbm>>
    %dma_wait3A_37 = tpu.memref_squeeze %dma_wait3A_36 : memref<1x1x8192xf32, #tpu.memory_space<hbm>> -> memref<8192xf32, #tpu.memory_space<hbm>>
    %dma_wait3A_38 = arith.constant 0 : i32
    %dma_wait3A_39 = tpu.memref_slice %arg4[%dma_wait3A, %dma_wait3A_32, %dma_wait3A_38] : memref<200x4x131072xf32, #tpu.memory_space<hbm>> -> memref<1x1x8192xf32, #tpu.memory_space<hbm>>
    %dma_wait3A_40 = tpu.memref_squeeze %dma_wait3A_39 : memref<1x1x8192xf32, #tpu.memory_space<hbm>> -> memref<8192xf32, #tpu.memory_space<hbm>>
    %dma_wait3A_41 = arith.constant 0 : i32
    %dma_wait3A_42 = tpu.memref_slice %arg8[%dma_wait3A_41] : memref<32768xf32, #tpu.memory_space<vmem>> -> memref<8192xf32, #tpu.memory_space<vmem>>
    tpu.wait_dma2 semaphore(%arg12 : memref<!tpu.dma_semaphore, #tpu.memory_space<semaphore_mem>>) src(%dma_wait3A_42 : memref<8192xf32, #tpu.memory_space<vmem>>) dst(%dma_wait3A_40 : memref<8192xf32, #tpu.memory_space<hbm>>)
    %dma_wait3A_43 = arith.constant 0 : i32
    %dma_wait3A_44 = arith.constant 1 : i32
    %dma_wait3A_45 = arith.constant 0 : i32
    %dma_wait3A_46 = tpu.memref_slice %arg8[%dma_wait3A_45] : memref<32768xf32, #tpu.memory_space<vmem>> -> memref<8192xf32, #tpu.memory_space<vmem>>
    %dma_wait3A_47 = arith.constant 0 : i32
    %dma_wait3A_48 = tpu.memref_slice %arg4[%dma_wait3A_43, %dma_wait3A_44, %dma_wait3A_47] : memref<200x4x131072xf32, #tpu.memory_space<hbm>> -> memref<1x1x8192xf32, #tpu.memory_space<hbm>>
    %dma_wait3A_49 = tpu.memref_squeeze %dma_wait3A_48 : memref<1x1x8192xf32, #tpu.memory_space<hbm>> -> memref<8192xf32, #tpu.memory_space<hbm>>
    %dma_wait3A_50 = arith.constant 0 : i32
    %dma_wait3A_51 = tpu.memref_slice %arg4[%dma_wait3A_43, %dma_wait3A_44, %dma_wait3A_50] : memref<200x4x131072xf32, #tpu.memory_space<hbm>> -> memref<1x1x8192xf32, #tpu.memory_space<hbm>>
    %dma_wait3A_52 = tpu.memref_squeeze %dma_wait3A_51 : memref<1x1x8192xf32, #tpu.memory_space<hbm>> -> memref<8192xf32, #tpu.memory_space<hbm>>
    %dma_wait3A_53 = arith.constant 0 : i32
    %dma_wait3A_54 = tpu.memref_slice %arg8[%dma_wait3A_53] : memref<32768xf32, #tpu.memory_space<vmem>> -> memref<8192xf32, #tpu.memory_space<vmem>>
    tpu.wait_dma2 semaphore(%arg12 : memref<!tpu.dma_semaphore, #tpu.memory_space<semaphore_mem>>) src(%dma_wait3A_54 : memref<8192xf32, #tpu.memory_space<vmem>>) dst(%dma_wait3A_52 : memref<8192xf32, #tpu.memory_space<hbm>>)
    %dma_wait3A_55 = arith.constant 0 : i32
    %dma_wait3A_56 = arith.constant 2 : i32
    %dma_wait3A_57 = arith.constant 0 : i32
    %dma_wait3A_58 = tpu.memref_slice %arg8[%dma_wait3A_57] : memref<32768xf32, #tpu.memory_space<vmem>> -> memref<8192xf32, #tpu.memory_space<vmem>>
    %dma_wait3A_59 = arith.constant 0 : i32
    %dma_wait3A_60 = tpu.memref_slice %arg4[%dma_wait3A_55, %dma_wait3A_56, %dma_wait3A_59] : memref<200x4x131072xf32, #tpu.memory_space<hbm>> -> memref<1x1x8192xf32, #tpu.memory_space<hbm>>
    %dma_wait3A_61 = tpu.memref_squeeze %dma_wait3A_60 : memref<1x1x8192xf32, #tpu.memory_space<hbm>> -> memref<8192xf32, #tpu.memory_space<hbm>>
    %dma_wait3A_62 = arith.constant 0 : i32
    %dma_wait3A_63 = tpu.memref_slice %arg4[%dma_wait3A_55, %dma_wait3A_56, %dma_wait3A_62] : memref<200x4x131072xf32, #tpu.memory_space<hbm>> -> memref<1x1x8192xf32, #tpu.memory_space<hbm>>
    %dma_wait3A_64 = tpu.memref_squeeze %dma_wait3A_63 : memref<1x1x8192xf32, #tpu.memory_space<hbm>> -> memref<8192xf32, #tpu.memory_space<hbm>>
    %dma_wait3A_65 = arith.constant 0 : i32
    %dma_wait3A_66 = tpu.memref_slice %arg8[%dma_wait3A_65] : memref<32768xf32, #tpu.memory_space<vmem>> -> memref<8192xf32, #tpu.memory_space<vmem>>
    tpu.wait_dma2 semaphore(%arg12 : memref<!tpu.dma_semaphore, #tpu.memory_space<semaphore_mem>>) src(%dma_wait3A_66 : memref<8192xf32, #tpu.memory_space<vmem>>) dst(%dma_wait3A_64 : memref<8192xf32, #tpu.memory_space<hbm>>)
    %dma_wait3A_67 = arith.constant 0 : i32
    %dma_wait3A_68 = arith.constant 3 : i32
    %dma_wait3A_69 = arith.constant 0 : i32
    %dma_wait3A_70 = tpu.memref_slice %arg8[%dma_wait3A_69] : memref<32768xf32, #tpu.memory_space<vmem>> -> memref<8192xf32, #tpu.memory_space<vmem>>
    %dma_wait3A_71 = arith.constant 0 : i32
    %dma_wait3A_72 = tpu.memref_slice %arg4[%dma_wait3A_67, %dma_wait3A_68, %dma_wait3A_71] : memref<200x4x131072xf32, #tpu.memory_space<hbm>> -> memref<1x1x8192xf32, #tpu.memory_space<hbm>>
    %dma_wait3A_73 = tpu.memref_squeeze %dma_wait3A_72 : memref<1x1x8192xf32, #tpu.memory_space<hbm>> -> memref<8192xf32, #tpu.memory_space<hbm>>
    %dma_wait3A_74 = arith.constant 0 : i32
    %dma_wait3A_75 = tpu.memref_slice %arg4[%dma_wait3A_67, %dma_wait3A_68, %dma_wait3A_74] : memref<200x4x131072xf32, #tpu.memory_space<hbm>> -> memref<1x1x8192xf32, #tpu.memory_space<hbm>>
    %dma_wait3A_76 = tpu.memref_squeeze %dma_wait3A_75 : memref<1x1x8192xf32, #tpu.memory_space<hbm>> -> memref<8192xf32, #tpu.memory_space<hbm>>
    %dma_wait3A_77 = arith.constant 0 : i32
    %dma_wait3A_78 = tpu.memref_slice %arg8[%dma_wait3A_77] : memref<32768xf32, #tpu.memory_space<vmem>> -> memref<8192xf32, #tpu.memory_space<vmem>>
    tpu.wait_dma2 semaphore(%arg12 : memref<!tpu.dma_semaphore, #tpu.memory_space<semaphore_mem>>) src(%dma_wait3A_78 : memref<8192xf32, #tpu.memory_space<vmem>>) dst(%dma_wait3A_76 : memref<8192xf32, #tpu.memory_space<hbm>>)
    %dma_wait3A_79 = arith.constant 0 : i32
    %dma_wait3A_80 = arith.constant 0 : i32
    %dma_wait3A_81 = arith.constant 0 : i32
    %dma_wait3A_82 = tpu.memref_slice %arg9[%dma_wait3A_81] : memref<32768xf32, #tpu.memory_space<vmem>> -> memref<8192xf32, #tpu.memory_space<vmem>>
    %dma_wait3A_83 = arith.constant 0 : i32
    %dma_wait3A_84 = tpu.memref_slice %arg4[%dma_wait3A_79, %dma_wait3A_80, %dma_wait3A_83] : memref<200x4x131072xf32, #tpu.memory_space<hbm>> -> memref<1x1x8192xf32, #tpu.memory_space<hbm>>
    %dma_wait3A_85 = tpu.memref_squeeze %dma_wait3A_84 : memref<1x1x8192xf32, #tpu.memory_space<hbm>> -> memref<8192xf32, #tpu.memory_space<hbm>>
    %dma_wait3A_86 = arith.constant 0 : i32
    %dma_wait3A_87 = tpu.memref_slice %arg4[%dma_wait3A_79, %dma_wait3A_80, %dma_wait3A_86] : memref<200x4x131072xf32, #tpu.memory_space<hbm>> -> memref<1x1x8192xf32, #tpu.memory_space<hbm>>
    %dma_wait3A_88 = tpu.memref_squeeze %dma_wait3A_87 : memref<1x1x8192xf32, #tpu.memory_space<hbm>> -> memref<8192xf32, #tpu.memory_space<hbm>>
    %dma_wait3A_89 = arith.constant 0 : i32
    %dma_wait3A_90 = tpu.memref_slice %arg9[%dma_wait3A_89] : memref<32768xf32, #tpu.memory_space<vmem>> -> memref<8192xf32, #tpu.memory_space<vmem>>
    tpu.wait_dma2 semaphore(%arg13 : memref<!tpu.dma_semaphore, #tpu.memory_space<semaphore_mem>>) src(%dma_wait3A_90 : memref<8192xf32, #tpu.memory_space<vmem>>) dst(%dma_wait3A_88 : memref<8192xf32, #tpu.memory_space<hbm>>)
    %dma_wait3A_91 = arith.constant 0 : i32
    %dma_wait3A_92 = arith.constant 1 : i32
    %dma_wait3A_93 = arith.constant 0 : i32
    %dma_wait3A_94 = tpu.memref_slice %arg9[%dma_wait3A_93] : memref<32768xf32, #tpu.memory_space<vmem>> -> memref<8192xf32, #tpu.memory_space<vmem>>
    %dma_wait3A_95 = arith.constant 0 : i32
    %dma_wait3A_96 = tpu.memref_slice %arg4[%dma_wait3A_91, %dma_wait3A_92, %dma_wait3A_95] : memref<200x4x131072xf32, #tpu.memory_space<hbm>> -> memref<1x1x8192xf32, #tpu.memory_space<hbm>>
    %dma_wait3A_97 = tpu.memref_squeeze %dma_wait3A_96 : memref<1x1x8192xf32, #tpu.memory_space<hbm>> -> memref<8192xf32, #tpu.memory_space<hbm>>
    %dma_wait3A_98 = arith.constant 0 : i32
    %dma_wait3A_99 = tpu.memref_slice %arg4[%dma_wait3A_91, %dma_wait3A_92, %dma_wait3A_98] : memref<200x4x131072xf32, #tpu.memory_space<hbm>> -> memref<1x1x8192xf32, #tpu.memory_space<hbm>>
    %dma_wait3A_100 = tpu.memref_squeeze %dma_wait3A_99 : memref<1x1x8192xf32, #tpu.memory_space<hbm>> -> memref<8192xf32, #tpu.memory_space<hbm>>
    %dma_wait3A_101 = arith.constant 0 : i32
    %dma_wait3A_102 = tpu.memref_slice %arg9[%dma_wait3A_101] : memref<32768xf32, #tpu.memory_space<vmem>> -> memref<8192xf32, #tpu.memory_space<vmem>>
    tpu.wait_dma2 semaphore(%arg13 : memref<!tpu.dma_semaphore, #tpu.memory_space<semaphore_mem>>) src(%dma_wait3A_102 : memref<8192xf32, #tpu.memory_space<vmem>>) dst(%dma_wait3A_100 : memref<8192xf32, #tpu.memory_space<hbm>>)
    %dma_wait3A_103 = arith.constant 0 : i32
    %dma_wait3A_104 = arith.constant 2 : i32
    %dma_wait3A_105 = arith.constant 0 : i32
    %dma_wait3A_106 = tpu.memref_slice %arg9[%dma_wait3A_105] : memref<32768xf32, #tpu.memory_space<vmem>> -> memref<8192xf32, #tpu.memory_space<vmem>>
    %dma_wait3A_107 = arith.constant 0 : i32
    %dma_wait3A_108 = tpu.memref_slice %arg4[%dma_wait3A_103, %dma_wait3A_104, %dma_wait3A_107] : memref<200x4x131072xf32, #tpu.memory_space<hbm>> -> memref<1x1x8192xf32, #tpu.memory_space<hbm>>
    %dma_wait3A_109 = tpu.memref_squeeze %dma_wait3A_108 : memref<1x1x8192xf32, #tpu.memory_space<hbm>> -> memref<8192xf32, #tpu.memory_space<hbm>>
    %dma_wait3A_110 = arith.constant 0 : i32
    %dma_wait3A_111 = tpu.memref_slice %arg4[%dma_wait3A_103, %dma_wait3A_104, %dma_wait3A_110] : memref<200x4x131072xf32, #tpu.memory_space<hbm>> -> memref<1x1x8192xf32, #tpu.memory_space<hbm>>
    %dma_wait3A_112 = tpu.memref_squeeze %dma_wait3A_111 : memref<1x1x8192xf32, #tpu.memory_space<hbm>> -> memref<8192xf32, #tpu.memory_space<hbm>>
    %dma_wait3A_113 = arith.constant 0 : i32
    %dma_wait3A_114 = tpu.memref_slice %arg9[%dma_wait3A_113] : memref<32768xf32, #tpu.memory_space<vmem>> -> memref<8192xf32, #tpu.memory_space<vmem>>
    tpu.wait_dma2 semaphore(%arg13 : memref<!tpu.dma_semaphore, #tpu.memory_space<semaphore_mem>>) src(%dma_wait3A_114 : memref<8192xf32, #tpu.memory_space<vmem>>) dst(%dma_wait3A_112 : memref<8192xf32, #tpu.memory_space<hbm>>)
    %dma_wait3A_115 = arith.constant 0 : i32
    %dma_wait3A_116 = arith.constant 3 : i32
    %dma_wait3A_117 = arith.constant 0 : i32
    %dma_wait3A_118 = tpu.memref_slice %arg9[%dma_wait3A_117] : memref<32768xf32, #tpu.memory_space<vmem>> -> memref<8192xf32, #tpu.memory_space<vmem>>
    %dma_wait3A_119 = arith.constant 0 : i32
    %dma_wait3A_120 = tpu.memref_slice %arg4[%dma_wait3A_115, %dma_wait3A_116, %dma_wait3A_119] : memref<200x4x131072xf32, #tpu.memory_space<hbm>> -> memref<1x1x8192xf32, #tpu.memory_space<hbm>>
    %dma_wait3A_121 = tpu.memref_squeeze %dma_wait3A_120 : memref<1x1x8192xf32, #tpu.memory_space<hbm>> -> memref<8192xf32, #tpu.memory_space<hbm>>
    %dma_wait3A_122 = arith.constant 0 : i32
    %dma_wait3A_123 = tpu.memref_slice %arg4[%dma_wait3A_115, %dma_wait3A_116, %dma_wait3A_122] : memref<200x4x131072xf32, #tpu.memory_space<hbm>> -> memref<1x1x8192xf32, #tpu.memory_space<hbm>>
    %dma_wait3A_124 = tpu.memref_squeeze %dma_wait3A_123 : memref<1x1x8192xf32, #tpu.memory_space<hbm>> -> memref<8192xf32, #tpu.memory_space<hbm>>
    %dma_wait3A_125 = arith.constant 0 : i32
    %dma_wait3A_126 = tpu.memref_slice %arg9[%dma_wait3A_125] : memref<32768xf32, #tpu.memory_space<vmem>> -> memref<8192xf32, #tpu.memory_space<vmem>>
    tpu.wait_dma2 semaphore(%arg13 : memref<!tpu.dma_semaphore, #tpu.memory_space<semaphore_mem>>) src(%dma_wait3A_126 : memref<8192xf32, #tpu.memory_space<vmem>>) dst(%dma_wait3A_124 : memref<8192xf32, #tpu.memory_space<hbm>>)
    return
  }
}

module attributes {stable_mosaic.version = 14 : i64} {
  func.func @_table_body(%arg0: memref<32x8xf32, #tpu.memory_space<vmem>>, %arg1: memref<32x32xf32, #tpu.memory_space<vmem>>, %arg2: memref<40x128xf32, #tpu.memory_space<vmem>>, %arg3: memref<32x128xf32, #tpu.memory_space<vmem>>) attributes {dimension_semantics = [], scalar_prefetch = 0 : i64, scratch_operands = 0 : i64, tpu.core_type = #tpu.core_type<tc>} {
    %get3A = arith.constant 0 : index
    %get3A_0 = arith.constant 0 : index
    %get3A_1 = vector.load %arg0[%get3A, %get3A_0] : memref<32x8xf32, #tpu.memory_space<vmem>>, vector<32x8xf32>
    %mul3A = arith.mulf %get3A_1, %get3A_1 : vector<32x8xf32>
    %reduce_sum3A = arith.constant dense<0.000000e+00> : vector<8xf32>
    %reduce_sum3A_2 = vector.multi_reduction <add>, %mul3A, %reduce_sum3A [0] : vector<32x8xf32> to vector<8xf32>
    %broadcast_in_dim3A = vector.shape_cast %reduce_sum3A_2 : vector<8xf32> to vector<1x8xf32>
    %sqrt3A = math.sqrt %broadcast_in_dim3A : vector<1x8xf32>
    %max3A = arith.constant 9.99999996E-13 : f32
    %max3A_3 = vector.broadcast %max3A : f32 to vector<1x8xf32>
    %max3A_4 = arith.maximumf %sqrt3A, %max3A_3 : vector<1x8xf32>
    %div3A = arith.constant 1.000000e+00 : f32
    %div3A_5 = vector.broadcast %div3A : f32 to vector<1x8xf32>
    %div3A_6 = arith.divf %div3A_5, %max3A_4 : vector<1x8xf32>
    %min3A = arith.constant 1.000000e+00 : f32
    %min3A_7 = vector.broadcast %min3A : f32 to vector<1x8xf32>
    %min3A_8 = arith.minimumf %min3A_7, %div3A_6 : vector<1x8xf32>
    %mul3A_9 = vector.broadcast %min3A_8 : vector<1x8xf32> to vector<32x8xf32>
    %mul3A_10 = arith.mulf %get3A_1, %mul3A_9 : vector<32x8xf32>
    %get3A_11 = arith.constant 0 : index
    %get3A_12 = arith.constant 0 : index
    %get3A_13 = vector.load %arg1[%get3A_11, %get3A_12] : memref<32x32xf32, #tpu.memory_space<vmem>>, vector<32x32xf32>
    %mul3A_14 = arith.mulf %get3A_13, %get3A_13 : vector<32x32xf32>
    %reduce_sum3A_15 = arith.constant dense<0.000000e+00> : vector<32xf32>
    %reduce_sum3A_16 = vector.multi_reduction <add>, %mul3A_14, %reduce_sum3A_15 [0] : vector<32x32xf32> to vector<32xf32>
    %broadcast_in_dim3A_17 = vector.shape_cast %reduce_sum3A_16 : vector<32xf32> to vector<1x32xf32>
    %sqrt3A_18 = math.sqrt %broadcast_in_dim3A_17 : vector<1x32xf32>
    %max3A_19 = arith.constant 9.99999996E-13 : f32
    %max3A_20 = vector.broadcast %max3A_19 : f32 to vector<1x32xf32>
    %max3A_21 = arith.maximumf %sqrt3A_18, %max3A_20 : vector<1x32xf32>
    %div3A_22 = arith.constant 1.000000e+00 : f32
    %div3A_23 = vector.broadcast %div3A_22 : f32 to vector<1x32xf32>
    %div3A_24 = arith.divf %div3A_23, %max3A_21 : vector<1x32xf32>
    %min3A_25 = arith.constant 1.000000e+00 : f32
    %min3A_26 = vector.broadcast %min3A_25 : f32 to vector<1x32xf32>
    %min3A_27 = arith.minimumf %min3A_26, %div3A_24 : vector<1x32xf32>
    %mul3A_28 = vector.broadcast %min3A_27 : vector<1x32xf32> to vector<32x32xf32>
    %mul3A_29 = arith.mulf %get3A_13, %mul3A_28 : vector<32x32xf32>
    %concatenate3A = tpu.concatenate %mul3A_10, %mul3A_29 in 1 : vector<32x8xf32>, vector<32x32xf32> -> vector<32x40xf32>
    %get3A_30 = arith.constant 0 : index
    %get3A_31 = arith.constant 0 : index
    %get3A_32 = vector.load %arg2[%get3A_30, %get3A_31] : memref<40x128xf32, #tpu.memory_space<vmem>>, vector<40x128xf32>
    %dot_general3A = arith.constant dense<0.000000e+00> : vector<32x128xf32>
    %dot_general3A_33 = tpu.matmul %concatenate3A, %get3A_32, %dot_general3A {dimension_numbers = #tpu.dot_dimension_numbers<[1], [0], [0], [1], [0, 0, 1, 1], [], []>, transpose_lhs_hint = false} : vector<32x40xf32>, vector<40x128xf32>, vector<32x128xf32> -> vector<32x128xf32>
    %swap3A = arith.constant 0 : index
    %swap3A_34 = arith.constant 0 : index
    %swap3A_35 = vector.load %arg3[%swap3A, %swap3A_34] : memref<32x128xf32, #tpu.memory_space<vmem>>, vector<32x128xf32>
    tpu.vector_store %arg3[%swap3A, %swap3A_34], %dot_general3A_33 {strides = array<i32>} : memref<32x128xf32, #tpu.memory_space<vmem>>, vector<32x128xf32>,
    return
  }
}

</mosaic_0001>

<sc_bundles>
// kernel: kernel.4.cloned.1.call-start
scs
__scs_entry_jumppad:
0x0: {  	(pc) =	sbr.rel $0x88, $3  }
0x1: {  	(tag) =	ssettag $0x0;
	lr =	simm.s32 $0x1  }
0x2: {  	[smem:$0x3F9E] =	sst lr;
	_ =	strace $0xD0000000  }
0x3: {  	_ = 	snop  }
0x4: {  	_ = 	snop  }
0x5: {  	_ = 	snop  }
0x6: {  	_ = 	snop  }
0x7: {  	_ = 	snop  }
__scs_overlays_trampoline_lowered:
0x8: {  	[smem:$0x3FAD] =	sst s0  }
0x9: {  	[smem:$0x3FAE] =	sst s1  }
0xa: {  	[smem:$0x3FAF] =	sst s2  }
0xb: {  	[smem:$0x3FB0] =	sst s3  }
0xc: {  	[smem:$0x3FB1] =	sst s4  }
0xd: {  	[smem:$0x3FB2] =	sst s5  }
0xe: {  	[smem:$0x3FB3] =	sst s6  }
0xf: {  	[smem:$0x3FB4] =	sst s7  }
0x10: {  	[smem:$0x3FB5] =	sst s8  }
0x11: {  	[smem:$0x3FB6] =	sst s9;
	s0 =	simm.s32 @!p0 $0x0  }
0x12: {  	s1 =	sld [smem:$0x3F9C];
	s0 =	simm.s32 @p0 $0x1  }
0x13: {  	[smem:$0x3FB7] =	sst s0;
	s0 =	simm.s32 @!p1 $0x0  }
0x14: {  	s2 =	sld [smem:$0x3F9B];
	s0 =	simm.s32 @p1 $0x1  }
0x15: {  	[smem:$0x3FB8] =	sst s0;
	s0 =	simm.s32 @!p2 $0x0  }
0x16: {  	s3 =	sld [smem:$0x3FDB];
	s0 =	simm.s32 @p2 $0x1  }
0x17: {  	s4 =	simm.s32 $0x1BF5;
	[smem:$0x3FBA] =	sst s0  }
0x18: {  	s0 =	sld [smem:$0x3F9D];
	_ =	swait.ge [sflag:s4], $0x0  }
0x19: {  	s7 =	sld [smem:$0x3F9E]  }
0x1a: {  	s8 =	sadd.s32 $0xFFFFE003, lr  }
0x1b: {  	s9 =	sadd.s32 $0xFFFFFEF7, lr;
	s5 =	simm.s32 $0xFFFFFFFF;
	p2 =	slt.u32 s8, $0xFFFFF086  }
0x1c: {  	p1 =	slt.u32 s9, $0xF7A;
	s5 =	simm.s32 @!p2 $0x0  }
0x1d: {  	s5 =	simm.s32 @p1 $0x1;
	p0 =	seq.s32 s7, s2  }
0x1e: {  	s7 =	smul.u32 @!p0 $0xF7A, s2;
	p2 =	seq.s32 @!p0 s5, $0x0  }
0x1f: {  	s9 =	smul.u32 $0xF7A, s1;
	s8 =	simm.s32 @!p0 $0x1BF5;
	p2 =	por !p2, p0  }
0x20: {  	[sflag:s8] =	ssyncset.s32 @!p0 $0xFFFFF086;
	s6 =	sadd.s32 @!p0 s3, s7;
	s7 =	simm.s32 @!p0 $0x108  }
0x21: {  	s3 =	sadd.s32 s3, s9;
	s6 =	sadd.s32 @!p0 $0x88, s6;
	s7 =	simm.s32 @p2 $0x1082  }
0x22: {  	[simem:s7], [sflag:s8] =	dma.local @!p0 [hbm:s6], $0xF7A  }
0x23: {  	s9 =	sor.u32 $0xD0000000, s2;
	s6 =	simm.s32 $0x108;
	_ =	swait.ge @!p0 [sflag:s8], $0x0  }
0x24: {  	s3 =	sadd.s32 $0x88, s3;
	s6 =	simm.s32 @!p1 $0x1082;
	[sflag:s4] =	ssyncset.s32 $0xFFFFF086  }
0x25: {  	[simem:s6], [sflag:s4] =	dma.local [hbm:s3], $0xF7A  }
0x26: {  	[smem:$0x3F9E] =	sst s1;
	(tag) =	ssettag s2;
	_ =	strace s9  }
0x27: {  	s1 =	sld [smem:$0x3FAE]  }
0x28: {  	s2 =	sld [smem:$0x3FAF]  }
0x29: {  	s4 =	sld [smem:$0x3FB1]  }
0x2a: {  	p0 =	seq.s32 s5, $0x0;
	s5 =	sld [smem:$0x3FB2]  }
0x2b: {  	s6 =	sld [smem:$0x3FB3]  }
0x2c: {  	s7 =	sld [smem:$0x3FB4]  }
0x2d: {  	s3 =	simm.s32 $0x108;
	s8 =	sld [smem:$0x3FB5]  }
0x2e: {  	s3 =	simm.s32 @!p0 $0x1082;
	s9 =	sld [smem:$0x3FB6]  }
0x2f: {  	lr =	sadd.s32 s0, s3;
	s0 =	sld [smem:$0x3FAD]  }
0x30: {  	s3 =	sld [smem:$0x3FB0]  }
0x31: {  	[smem:$0x3FB9] =	sst s10  }
0x32: {  	s10 =	sld [smem:$0x3FB7];
	_ =	sdelay $0x3  }
0x33: {  	p0 =	seq.s32 s10, $0x1;
	s10 =	sld [smem:$0x3FB9];
	_ =	sdelay $0x3  }
0x34: {  	[smem:$0x3FB9] =	sst s10  }
0x35: {  	s10 =	sld [smem:$0x3FB8];
	_ =	sdelay $0x3  }
0x36: {  	p1 =	seq.s32 s10, $0x1;
	s10 =	sld [smem:$0x3FB9];
	_ =	sdelay $0x3  }
0x37: {  	[smem:$0x3FB9] =	sst s10  }
0x38: {  	s10 =	sld [smem:$0x3FBA]  }
0x39: {  	_ = 	snop;
	(pc) =	sbr.ind lr, $3  }
0x3a: {  	_ = 	snop  }
0x3b: {  	_ = 	snop  }
0x3c: {  	p2 =	seq.s32 s10, $0x1;
	s10 =	sld [smem:$0x3FB9]  }
0x3d: {  	_ =	shalt  }
0x3e: {  	_ =	shalt  }
0x3f: {  	_ =	shalt  }
0x40: {  	_ =	shalt  }
0x41: {  	_ =	shalt  }
0x42: {  	_ =	shalt  }
0x43: {  	_ =	shalt  }
0x44: {  	_ =	shalt  }
0x45: {  	_ =	shalt  }
0x46: {  	_ =	shalt  }
0x47: {  	_ =	shalt  }
0x48: {  	_ =	shalt  }
0x49: {  	_ =	shalt  }
0x4a: {  	_ =	shalt  }
0x4b: {  	_ =	shalt  }
0x4c: {  	_ =	shalt  }
0x4d: {  	_ =	shalt  }
0x4e: {  	_ =	shalt  }
0x4f: {  	_ =	shalt  }
0x50: {  	_ =	shalt  }
0x51: {  	_ =	shalt  }
0x52: {  	_ =	shalt  }
0x53: {  	_ =	shalt  }
0x54: {  	_ =	shalt  }
0x55: {  	_ =	shalt  }
0x56: {  	_ =	shalt  }
0x57: {  	_ =	shalt  }
0x58: {  	_ =	shalt  }
0x59: {  	_ =	shalt  }
0x5a: {  	_ =	shalt  }
0x5b: {  	_ =	shalt  }
0x5c: {  	_ =	shalt  }
0x5d: {  	_ =	shalt  }
0x5e: {  	_ =	shalt  }
0x5f: {  	_ =	shalt  }
0x60: {  	_ =	shalt  }
0x61: {  	_ =	shalt  }
0x62: {  	_ =	shalt  }
0x63: {  	_ =	shalt  }
0x64: {  	_ =	shalt  }
0x65: {  	_ =	shalt  }
0x66: {  	_ =	shalt  }
0x67: {  	_ =	shalt  }
0x68: {  	_ =	shalt  }
0x69: {  	_ =	shalt  }
0x6a: {  	_ =	shalt  }
0x6b: {  	_ =	shalt  }
0x6c: {  	_ =	shalt  }
0x6d: {  	_ =	shalt  }
0x6e: {  	_ =	shalt  }
0x6f: {  	_ =	shalt  }
0x70: {  	_ =	shalt  }
0x71: {  	_ =	shalt  }
0x72: {  	_ =	shalt  }
0x73: {  	_ =	shalt  }
0x74: {  	_ =	shalt  }
0x75: {  	_ =	shalt  }
0x76: {  	_ =	shalt  }
0x77: {  	_ =	shalt  }
0x78: {  	_ =	shalt  }
0x79: {  	_ =	shalt  }
0x7a: {  	_ =	shalt  }
0x7b: {  	_ =	shalt  }
0x7c: {  	_ =	shalt  }
0x7d: {  	_ =	shalt  }
0x7e: {  	_ =	shalt  }
0x7f: {  	_ =	shalt  }
0x80: {  	_ =	shalt  }
0x81: {  	_ =	shalt  }
0x82: {  	_ =	shalt  }
0x83: {  	_ =	shalt  }
0x84: {  	_ =	shalt  }
0x85: {  	_ =	shalt  }
0x86: {  	_ =	shalt  }
0x87: {  	_ =	shalt  }
.Lfunc_end0:
.L_simem_size_0:
called_computation_lowered:
.L_overlay_start_0:
0x88: {  	s2 =	sld [smem:$0x3FD9]  }
0x89: {  	s3 =	sld [smem:$0x3FFE];
	_ =	sdelay $0x1  }
0x8a: {  	s1 =	srdreg.scid  }
0x8b: {  	s0 =	sand.u32 $0x1, s1  }
0x8c: {  	s17 =	sshll.u32 s0, $0xA;
	s2 =	sadd.s32 s3, s2  }
0x8d: {  	s2 =	sadd.s32 s2, s17  }
0x8e: {  	[smem:$0x3FC5] =	sst s2  }
0x8f: {  	_ = 	snop  }
0x90: {  	s2 =	sld [smem:$0x3FD0];
	(tm) =	ssettm $0x1  }
0x91: {  	s18 =	sld [smem:$0x3FFB];
	_ =	sdelay $0x3  }
0x92: {  	_ =	strace s18  }
0x93: {  	s3 =	sld [smem:$0x3FFC];
	_ =	sdelay $0x3  }
0x94: {  	_ =	strace s3  }
0x95: {  	s3 =	sld [smem:$0x3FFD];
	_ =	sdelay $0x3  }
0x96: {  	_ =	strace s3  }
0x97: {  	_ =	strace $0x8FFFFFFF  }
0x98: {  	s19 =	sld [smem:$0x3FDB];
	_ =	sdelay $0x1  }
0x99: {  	s4 =	simm.s32 $_scs_section_size  }
0x9a: {  	s5 =	simm.s32 $_size__tile_overlayer_lowered;
	s6 =	simm.s32 $_tile_overlayer_lowered  }
0x9b: {  	s22 =	simm.s32 $0x1BFF;
	s21 =	sshll.u32 s6, $0x1;
	s3 =	sadd.s32 s4, s19  }
0x9c: {  	s7 =	simm.s32 $0x0;
	s20 =	sshll.u32 s5, $0x1;
	s5 =	sadd.s32 s21, s3  }
0x9d: {  	[timem:s7], [sflag:s22] =	dma.local [hbm:s5], s20  }
0x9e: {  	_ =	swait.ge [sflag:s22], s20  }
0x9f: {  	s4 =	ssub.s32 $0x0, s20;
	[sflag:s22] =	ssyncset.done $0x0  }
0xa0: {  	[sflag:s22] =	ssyncadd.s32 s4;
	_ =	sdelay $0x1  }
0xa1: {  	s23 =	simm.s32 $0x1B8B  }
0xa2: {  	_ =	swait.ge [sflag:s23], $0x1  }
0xa3: {  	[sflag:s23] =	ssyncset.done $0x0  }
0xa4: {  	s25 =	simm.s32 $0x1B8E;
	s24 =	sld [smem:$0x3FFE];
	[sflag:s23] =	ssyncadd.s32 $0xFFFFFFFF  }
0xa5: {  	s26 =	simm.s32 $execute0_lowered;
	[smem:$0x3FD2] =	sst s25  }
0xa6: {  	s5 =	sshll.u32 s26, $0x1;
	_ =	strace $0x80000046;
	[dreg:$0x1] =	wrdreg $0xFFFFFFFF  }
0xa7: {  	s28 =	simm.s32 $_size_execute0_lowered;
	s3 =	sadd.s32 s3, s5;
	[dreg:$0x0] =	wrdreg $0x0  }
0xa8: {  	s5 =	sshll.u32 s28, $0x1;
	[dreg:$0x2] =	wrdreg s3  }
0xa9: {  	[dreg:$0x3] =	wrdreg s5  }
0xaa: {  	[dreg:$0x4] =	wrdreg $0xC0  }
0xab: {  	_ =	task [dreg:s7], $0x5FFFF  }
0xac: {  	[dreg:$0x1] =	wrdreg $0xFFFFFFFF  }
0xad: {  	[dreg:$0x0] =	wrdreg $0x60  }
0xae: {  	[dreg:$0x2] =	wrdreg s24  }
0xaf: {  	[dreg:$0x3] =	wrdreg s2  }
0xb0: {  	[dreg:$0x4] =	wrdreg $0x9  }
0xb1: {  	_ =	task.clear_ibuf [dreg:s7], $0x5FFFF;
	_ =	strace $0x90000046  }
0xb2: {  	s29 =	simm.s32 $0x9;
	_ =	strace $0x80000048  }
0xb3: {  	_ =	swait.ge [sflag:s29], $0x1  }
0xb4: {  	[sflag:s29] =	ssyncadd.s32 $0xFFFFFFFF  }
0xb5: {  	_ =	strace $0x90000048  }
0xb6: {  	_ =	sfence  }
0xb7: {  	s30 =	sld [smem:$0x0];
	_ =	sdelay $0x2  }
0xb8: {  	s31 =	sshll.u32 s1, $0xD;
	s1 =	sshrl.u32 s1, $0x2  }
0xb9: {  	s3 =	sand.u32 $0x4000, s31;
	s1 =	sadd.s32 s1, s30  }
0xba: {  	s0 =	sor.u32 s3, s0;
	s1 =	sshll.u32 s1, $0x11  }
0xbb: {  	s0 =	sor.u32 s1, s0  }
0xbc: {  	s0 =	sadd.s32 $0x8F2B, s0  }
0xbd: {  	[sflag:s0] =	ssyncadd.remote.s32 $0x1  }
0xbe: {  	_ =	sfence.sel $0xFFFF  }
0xbf: {  	[dreg:$0x0] =	wrdreg $0xFFFFFFFF;
	(pc) =	sbr.abs _section_cstart, $3  }
0xc0: {  	[dreg:$0x1] =	wrdreg $0xFFFFFFFF  }
0xc1: {  	_ =	task.clear_ibuf [dreg:s7], $0x2FFFF;
	_ =	strace $0x9FFFFFFF  }
0xc2: {  	(tm) =	ssettm $0x7FFFFFFF  }
0xc3: {  	_ =	shalt  }
tec
execute0_lowered:
.L_overlay_start_1:
0x0: {  	(tag) =	ssettag $0x1  }
0x1: {  	s0 =	srdreg.scid;
	s4 =	rddreg [dreg:$0x0]  }
0x2: {  	s1 =	stileid.u32;
	s2 =	rddreg [dreg:$0x1]  }
0x3: {  	s3 =	simm.s32 $0x0;
	s15 =	simm.s32 $0x1;
	s21 =	simm.s32 $0x2  }
0x4: {  	s22 =	simm.s32 $0x9800;
	s23 =	simm.s32 $0xB800;
	s24 =	simm.s32 $0xD800  }
0x5: {  	s25 =	simm.s32 $0xF800;
	s0 =	sand.u32 $0x1, s0;
	s1 =	sshll.u32 s1, $0x1  }
0x6: {  	[smem:$0x7FF] =	sst s3;
	s7 =	sadd.s32 $0x64800, s4;
	s1 =	sor.u32 s0, s1  }
0x7: {  	s8 =	sadd.s32 $0x4000, s2;
	s9 =	sadd.s32 $0x8000, s2;
	s5 =	smul.u32 $0x19000, s1  }
0x8: {  	s10 =	sadd.s32 $0xC000, s2;
	s31 =	sadd.s32 $0x900, s4;
	s6 =	sshll.u32 s1, $0xC  }
0x9: {  	s0 =	ssub.s32 $0x2, s0;
	s6 =	sand.u32 $0x3000, s6;
	s5 =	sand.u32 $0x3FC000, s5  }
0xa: {  	_ =	strace $0x80000047;
	s28 =	sshrl.u32 s0, $0x1;
	s5 =	sor.u32 s6, s5  }
0xb: {  	[dreg:$0x3] =	wrdreg s7;
	s0 =	ssub.s32 s0, s28;
	s5 =	sshrl.u32 s5, $0x3  }
0xc: {  	[dreg:$0x6] =	wrdreg s31;
	s0 =	smax.u32 s0, $0x1;
	s29 =	sadd.s32 s5, s4  }
0xd: {  	s7 =	sadd.s32 $0x880, s4;
	[dreg:$0x5] =	wrdreg s0;
	s30 =	sadd.s32 $0x800, s29  }
0xe: {  	s5 =	smul.u32 $0x64, s1;
	s4 =	simm.s32 $0x0;
	[dreg:$0x4] =	wrdreg s30  }
.LBB2_1:
0xf: {  	[dreg:$0x7] =	wrdreg s4  }
0x10: {  	s0 =	rddreg [dreg:$0x3];
	s29 =	simm.s32 $0x5  }
0x11: {  	[tilespmem:s3], [sflag:$0x5] =	stream.linear.gather [hbm4b:s0+s3], $0x1000, $0x38;
	[tilespmem:$0x11800] =	vst v63  }
0x12: {  	_ =	swait.ge [sflag:s29], $0x1000  }
0x13: {  	s1 =	simm.s32 $0x1000;
	[sflag:s29] =	ssyncset.done $0x0  }
0x14: {  	s30 =	simm.s32 $0x0;
	s31 =	rddreg [dreg:$0x4];
	[sflag:s29] =	ssyncadd.s32 $0xFFFFF000  }
0x15: {  	[tilespmem:s1], [sflag:$0x1] =	stream.linear.gather [hbm4b:s31+s3], $0x400, $0x38;
	[tilespmem:$0x11800] =	vst v63  }
.LBB2_2:
0x16: {  	_ =	swait.ge [sflag:s15], $0x400  }
0x17: {  	p0 =	seq.s32 s30, $0x0;
	[sflag:s15] =	ssyncset.done $0x0  }
0x18: {  	s0 =	simm.s32 @!p0 $0x3;
	[sflag:s15] =	ssyncadd.s32 $0xFFFFFC00  }
0x19: {  	_ =	swait.ge @!p0 [sflag:s0], $0x2000  }
0x1a: {  	[sflag:s0] =	ssyncset.done @!p0 $0x0  }
0x1b: {  	[sflag:s0] =	ssyncadd.s32 @!p0 $0xFFFFE000  }
0x1c: {  	_ =	swait.ge @!p0 [sflag:s0], $0x2000  }
0x1d: {  	[sflag:s0] =	ssyncset.done @!p0 $0x0  }
0x1e: {  	[sflag:s0] =	ssyncadd.s32 @!p0 $0xFFFFE000  }
0x1f: {  	_ =	swait.ge @!p0 [sflag:s0], $0x2000  }
0x20: {  	[sflag:s0] =	ssyncset.done @!p0 $0x0  }
0x21: {  	s1 =	sshll.u32 s30, $0x1;
	[sflag:s0] =	ssyncadd.s32 @!p0 $0xFFFFE000  }
0x22: {  	s4 =	simm.s32 $0x0;
	s1 =	sadd.s32 s5, s1;
	_ =	swait.ge @!p0 [sflag:s0], $0x2000  }
0x23: {  	s6 =	simm.s32 $0x1400;
	s31 =	sshll.u32 s1, $0x7;
	[sflag:s0] =	ssyncset.done @!p0 $0x0  }
0x24: {  	s18 =	simm.s32 $0x1020;
	s17 =	sadd.s32 s31, s7;
	[sflag:s0] =	ssyncadd.s32 @!p0 $0xFFFFE000  }
0x25: {  	[tilespmem:s6], [sflag:$0x2] =	stream.linear.gather [hbm4b:s17+s4], $0x400, $0x38;
	[tilespmem:$0x11800] =	vst v63  }
0x26: {  	v7 =	vld [tilespmem:s18+$0x10]  }
0x27: {  	v6 =	vld [tilespmem:s18+$0xFFFFFFE0]  }
0x28: {  	v0 =	vld [tilespmem:s18+$0xFFFFFFF0]  }
0x29: {  	v1 =	vld [tilespmem:s18+$0x0];
	_ =	sdelay $0x4  }
0x2a: {  	v2 =	vld.idx.msk [tilespmem:v7+s3+$0x0], $0xffff  }
0x2b: {  	v3 =	vadd.s32 $0x80, v7;
	v8 =	vld.idx.msk [tilespmem:v6+s3+$0x0], $0xffff  }
0x2c: {  	s19 =	simm.s32 $0x30;
	s4 =	sand.u32 $0x1C00, s4;
	v9 =	vadd.s32 $0x80, v6;
	v4 =	vld.idx.msk [tilespmem:v0+s3+$0x0], $0xffff  }
0x2d: {  	s26 =	simm.s32 $0x0;
	s0 =	sand.u32 $0x70, s19;
	s4 =	sadd.s32 $0x1800, s4;
	v5 =	vadd.s32 $0x80, v0;
	v10 =	vld.idx.msk [tilespmem:v1+s3+$0x0], $0xffff  }
0x2e: {  	s20 =	simm.s32 $0x10;
	s13 =	sor.u32 s0, s4;
	s0 =	sand.u32 $0x40, s26;
	v11 =	vadd.s32 $0x80, v1  }
0x2f: {  	s11 =	simm.s32 $0x20;
	s6 =	sand.u32 $0x50, s20;
	s14 =	sor.u32 s0, s4;
	[tilespmem:s13+$0x0] =	vst v2  }
0x30: {  	s11 =	sand.u32 $0x60, s11;
	s12 =	sor.u32 s6, s4;
	[tilespmem:s14+$0x0] =	vst v8;
	v2 =	vld.idx.msk [tilespmem:v3+s3+$0x0], $0xffff  }
0x31: {  	s0 =	sor.u32 s11, s4;
	[tilespmem:s12+$0x0] =	vst v4;
	v3 =	vadd.s32 $0x100, v7;
	v8 =	vld.idx.msk [tilespmem:v9+s3+$0x0], $0xffff  }
0x32: {  	[tilespmem:s0+$0x0] =	vst v10;
	v4 =	vld.idx.msk [tilespmem:v5+s3+$0x0], $0xffff;
	v9 =	vadd.s32 $0x100, v6  }
0x33: {  	v5 =	vadd.s32 $0x100, v0;
	v10 =	vld.idx.msk [tilespmem:v11+s3+$0x0], $0xffff  }
0x34: {  	v11 =	vadd.s32 $0x100, v1  }
0x35: {  	[tilespmem:s13+$0x80] =	vst v2  }
0x36: {  	s17 =	simm.s32 $0x200;
	[tilespmem:s14+$0x80] =	vst v8;
	v2 =	vld.idx.msk [tilespmem:v3+s3+$0x0], $0xffff  }
0x37: {  	s19 =	simm.s32 $0x50;
	s18 =	simm.s32 $0x70;
	s4 =	sand.u32 $0x1C00, s17;
	[tilespmem:s12+$0x80] =	vst v4;
	v3 =	vadd.s32 $0x180, v7;
	v8 =	vld.idx.msk [tilespmem:v9+s3+$0x0], $0xffff  }
0x38: {  	s20 =	simm.s32 $0x40;
	s6 =	sand.u32 $0x70, s18;
	s4 =	sadd.s32 $0x1800, s4;
	[tilespmem:s0+$0x80] =	vst v10;
	v4 =	vld.idx.msk [tilespmem:v5+s3+$0x0], $0xffff;
	v9 =	vadd.s32 $0x180, v6  }
0x39: {  	s26 =	sand.u32 $0x40, s20;
	s11 =	sand.u32 $0x50, s19;
	s17 =	sor.u32 s6, s4;
	v5 =	vadd.s32 $0x180, v0;
	v10 =	vld.idx.msk [tilespmem:v11+s3+$0x0], $0xffff  }
0x3a: {  	s6 =	sor.u32 s11, s4;
	s11 =	sor.u32 s26, s4;
	s26 =	simm.s32 $0x10A0;
	v11 =	vadd.s32 $0x180, v1  }
0x3b: {  	v21 =	vld [tilespmem:s26+$0xFFFFFFF0];
	[tilespmem:s13+$0x100] =	vst v2  }
0x3c: {  	[tilespmem:s14+$0x100] =	vst v8;
	v2 =	vld.idx.msk [tilespmem:v3+s3+$0x0], $0xffff  }
0x3d: {  	[tilespmem:s12+$0x100] =	vst v4;
	v4 =	vld.idx.msk [tilespmem:v9+s3+$0x0], $0xffff  }
0x3e: {  	[tilespmem:s0+$0x100] =	vst v10;
	v3 =	vadd.s32 $0x200, v7;
	v8 =	vld.idx.msk [tilespmem:v5+s3+$0x0], $0xffff  }
0x3f: {  	s16 =	simm.s32 $0x1060;
	v9 =	vld.idx.msk [tilespmem:v11+s3+$0x0], $0xffff  }
0x40: {  	v10 =	vadd.s32 $0x200, v6;
	v5 =	vld [tilespmem:s16+$0x10]  }
0x41: {  	v11 =	vadd.s32 $0x200, v0;
	[tilespmem:s13+$0x180] =	vst v2;
	v2 =	vld [tilespmem:s16+$0x0]  }
0x42: {  	v13 =	vadd.s32 $0x200, v1;
	[tilespmem:s14+$0x180] =	vst v4;
	v4 =	vld [tilespmem:s16+$0xFFFFFFE0]  }
0x43: {  	v12 =	vld.idx.msk [tilespmem:v3+s3+$0x0], $0xffff  }
0x44: {  	v14 =	vadd.s32 $0x280, v7;
	v3 =	vld [tilespmem:s16+$0xFFFFFFF0]  }
0x45: {  	[tilespmem:s12+$0x180] =	vst v8;
	v8 =	vld.idx.msk [tilespmem:v10+s3+$0x0], $0xffff  }
0x46: {  	[tilespmem:s0+$0x180] =	vst v9;
	v9 =	vld.idx.msk [tilespmem:v11+s3+$0x0], $0xffff;
	v11 =	vadd.s32 $0x280, v6  }
0x47: {  	v10 =	vld.idx.msk [tilespmem:v13+s3+$0x0], $0xffff;
	v13 =	vadd.s32 $0x280, v0  }
0x48: {  	v22 =	vld [tilespmem:s26+$0x0];
	[tilespmem:s13+$0x200] =	vst v12  }
0x49: {  	v12 =	vld.idx.msk [tilespmem:v14+s3+$0x0], $0xffff  }
0x4a: {  	[tilespmem:s14+$0x200] =	vst v8;
	v14 =	vld.idx.msk [tilespmem:v5+s3+$0x0], $0xffff  }
0x4b: {  	v16 =	vadd.s32 $0x300, v7;
	[tilespmem:s12+$0x200] =	vst v9;
	v9 =	vld.idx.msk [tilespmem:v11+s3+$0x0], $0xffff  }
0x4c: {  	v18 =	vadd.s32 $0x80, v5;
	v13 =	vld.idx.msk [tilespmem:v13+s3+$0x0], $0xffff  }
0x4d: {  	v19 =	vadd.s32 $0x280, v1;
	v15 =	vld.idx.msk [tilespmem:v3+s3+$0x0], $0xffff  }
0x4e: {  	v20 =	vadd.s32 $0x80, v3;
	[tilespmem:s0+$0x200] =	vst v10;
	v8 =	vld.idx.msk [tilespmem:v4+s3+$0x0], $0xffff  }
0x4f: {  	v11 =	vadd.s32 $0x80, v4;
	v17 =	vld.idx.msk [tilespmem:v2+s3+$0x0], $0xffff;
	[tilespmem:s13+$0x280] =	vst v12  }
0x50: {  	v12 =	vadd.s32 $0x80, v2;
	[tilespmem:s17+$0x0] =	vst v14;
	v14 =	vld.idx.msk [tilespmem:v16+s3+$0x0], $0xffff  }
0x51: {  	s16 =	simm.s32 $0x60;
	[tilespmem:s14+$0x280] =	vst v9;
	v16 =	vadd.s32 $0x300, v6;
	v10 =	vld.idx.msk [tilespmem:v18+s3+$0x0], $0xffff  }
0x52: {  	s16 =	sand.u32 $0x60, s16;
	v18 =	vadd.s32 $0x100, v5;
	[tilespmem:s6+$0x0] =	vst v15;
	v15 =	vld.idx.msk [tilespmem:v19+s3+$0x0], $0xffff  }
0x53: {  	s4 =	sor.u32 s16, s4;
	[tilespmem:s11+$0x0] =	vst v8;
	v19 =	vadd.s32 $0x300, v0;
	v8 =	vld.idx.msk [tilespmem:v20+s3+$0x0], $0xffff  }
0x54: {  	v7 =	vadd.s32 $0x380, v7;
	[tilespmem:s4+$0x0] =	vst v17;
	v11 =	vld.idx.msk [tilespmem:v11+s3+$0x0], $0xffff  }
0x55: {  	[tilespmem:s12+$0x280] =	vst v13;
	v17 =	vadd.s32 $0x100, v3;
	v12 =	vld.idx.msk [tilespmem:v12+s3+$0x0], $0xffff  }
0x56: {  	v9 =	vadd.s32 $0x100, v4;
	v16 =	vld.idx.msk [tilespmem:v16+s3+$0x0], $0xffff;
	[tilespmem:s17+$0x80] =	vst v10  }
0x57: {  	[tilespmem:s13+$0x300] =	vst v14;
	v14 =	vadd.s32 $0x100, v2;
	v18 =	vld.idx.msk [tilespmem:v18+s3+$0x0], $0xffff  }
0x58: {  	v13 =	vadd.s32 $0x180, v5;
	[tilespmem:s6+$0x80] =	vst v8;
	v8 =	vld.idx.msk [tilespmem:v19+s3+$0x0], $0xffff  }
0x59: {  	v0 =	vadd.s32 $0x380, v0;
	v7 =	vld.idx.msk [tilespmem:v7+s3+$0x0], $0xffff;
	[tilespmem:s11+$0x80] =	vst v11  }
0x5a: {  	[tilespmem:s0+$0x280] =	vst v15;
	v11 =	vld.idx.msk [tilespmem:v17+s3+$0x0], $0xffff  }
0x5b: {  	v9 =	vld.idx.msk [tilespmem:v9+s3+$0x0], $0xffff;
	v17 =	vadd.s32 $0x180, v3;
	[tilespmem:s4+$0x80] =	vst v12  }
0x5c: {  	v12 =	vadd.s32 $0x180, v4;
	v14 =	vld.idx.msk [tilespmem:v14+s3+$0x0], $0xffff;
	[tilespmem:s17+$0x100] =	vst v18  }
0x5d: {  	v15 =	vadd.s32 $0x180, v2;
	v13 =	vld.idx.msk [tilespmem:v13+s3+$0x0], $0xffff;
	[tilespmem:s12+$0x300] =	vst v8  }
0x5e: {  	v10 =	vadd.s32 $0x300, v1;
	v8 =	vld.idx.msk [tilespmem:v0+s3+$0x0], $0xffff  }
0x5f: {  	[tilespmem:s6+$0x100] =	vst v11;
	v0 =	vld [tilespmem:s26+$0x10]  }
0x60: {  	v6 =	vadd.s32 $0x380, v6;
	[tilespmem:s11+$0x100] =	vst v9;
	v9 =	vld.idx.msk [tilespmem:v17+s3+$0x0], $0xffff  }
0x61: {  	v11 =	vadd.s32 $0x200, v5;
	v12 =	vld.idx.msk [tilespmem:v12+s3+$0x0], $0xffff;
	[tilespmem:s4+$0x100] =	vst v14  }
0x62: {  	v14 =	vld.idx.msk [tilespmem:v15+s3+$0x0], $0xffff;
	v15 =	vadd.s32 $0x200, v4  }
0x63: {  	v10 =	vld.idx.msk [tilespmem:v10+s3+$0x0], $0xffff;
	[tilespmem:s14+$0x300] =	vst v16  }
0x64: {  	v19 =	vld [tilespmem:s26+$0xFFFFFFE0];
	[tilespmem:s17+$0x180] =	vst v13;
	v13 =	vadd.s32 $0x200, v3  }
0x65: {  	v16 =	vadd.s32 $0x200, v2;
	v6 =	vld.idx.msk [tilespmem:v6+s3+$0x0], $0xffff;
	[tilespmem:s13+$0x380] =	vst v7  }
0x66: {  	v11 =	vld.idx.msk [tilespmem:v11+s3+$0x0], $0xffff;
	[tilespmem:s11+$0x180] =	vst v12  }
0x67: {  	[tilespmem:s6+$0x180] =	vst v9;
	v9 =	vld.idx.msk [tilespmem:v15+s3+$0x0], $0xffff  }
0x68: {  	v17 =	vadd.s32 $0x280, v5;
	[tilespmem:s0+$0x300] =	vst v10;
	v10 =	vld.idx.msk [tilespmem:v0+s3+$0x0], $0xffff  }
0x69: {  	[tilespmem:s4+$0x180] =	vst v14;
	v12 =	vld.idx.msk [tilespmem:v13+s3+$0x0], $0xffff  }
0x6a: {  	s26 =	simm.s32 $0x400;
	[tilespmem:s14+$0x380] =	vst v6;
	v13 =	vld.idx.msk [tilespmem:v16+s3+$0x0], $0xffff;
	v16 =	vadd.s32 $0x80, v0  }
0x6b: {  	s28 =	simm.s32 $0xB0;
	s16 =	sand.u32 $0x1C00, s26;
	v6 =	vld.idx.msk [tilespmem:v21+s3+$0x0], $0xffff;
	[tilespmem:s17+$0x200] =	vst v11;
	v11 =	vadd.s32 $0x280, v4  }
0x6c: {  	s18 =	sand.u32 $0x70, s28;
	[tilespmem:s12+$0x380] =	vst v8;
	v8 =	vld.idx.msk [tilespmem:v22+s3+$0x0], $0xffff;
	s12 =	sadd.s32 $0x1800, s16;
	v14 =	vadd.s32 $0x280, v3  }
0x6d: {  	s13 =	sor.u32 s18, s12;
	v7 =	vld.idx.msk [tilespmem:v17+s3+$0x0], $0xffff;
	v17 =	vadd.s32 $0x280, v2;
	[tilespmem:s11+$0x200] =	vst v9  }
0x6e: {  	s19 =	simm.s32 $0x90;
	v15 =	vadd.s32 $0x300, v5;
	v9 =	vld.idx.msk [tilespmem:v19+s3+$0x0], $0xffff;
	[tilespmem:s13+$0x0] =	vst v10  }
0x6f: {  	v18 =	vadd.s32 $0x80, v21;
	s14 =	sand.u32 $0x50, s19;
	[tilespmem:s4+$0x200] =	vst v13;
	v13 =	vld.idx.msk [tilespmem:v16+s3+$0x0], $0xffff  }
0x70: {  	s14 =	sor.u32 s14, s12;
	[tilespmem:s6+$0x200] =	vst v12;
	v12 =	vadd.s32 $0x80, v19;
	v11 =	vld.idx.msk [tilespmem:v11+s3+$0x0], $0xffff  }
0x71: {  	s20 =	simm.s32 $0x80;
	[tilespmem:s14+$0x0] =	vst v6;
	v16 =	vadd.s32 $0x100, v0;
	v14 =	vld.idx.msk [tilespmem:v14+s3+$0x0], $0xffff  }
0x72: {  	v1 =	vadd.s32 $0x380, v1;
	s16 =	sand.u32 $0x40, s20;
	[tilespmem:s17+$0x280] =	vst v7;
	v6 =	vld.idx.msk [tilespmem:v17+s3+$0x0], $0xffff  }
0x73: {  	s29 =	simm.s32 $0xA0;
	s16 =	sor.u32 s16, s12;
	v7 =	vadd.s32 $0x80, v22;
	v10 =	vld.idx.msk [tilespmem:v15+s3+$0x0], $0xffff  }
0x74: {  	s29 =	sand.u32 $0x60, s29;
	v17 =	vadd.s32 $0x300, v3;
	[tilespmem:s16+$0x0] =	vst v9;
	v9 =	vld.idx.msk [tilespmem:v18+s3+$0x0], $0xffff  }
0x75: {  	s29 =	sor.u32 s29, s12;
	v15 =	vadd.s32 $0x300, v4;
	v12 =	vld.idx.msk [tilespmem:v12+s3+$0x0], $0xffff;
	[tilespmem:s13+$0x80] =	vst v13  }
0x76: {  	v5 =	vadd.s32 $0x380, v5;
	[tilespmem:s29+$0x0] =	vst v8;
	v16 =	vld.idx.msk [tilespmem:v16+s3+$0x0], $0xffff  }
0x77: {  	v8 =	vadd.s32 $0x100, v21;
	[tilespmem:s6+$0x280] =	vst v14;
	v14 =	vld.idx.msk [tilespmem:v1+s3+$0x0], $0xffff  }
0x78: {  	[tilespmem:s11+$0x280] =	vst v11;
	v11 =	vadd.s32 $0x100, v19;
	v7 =	vld.idx.msk [tilespmem:v7+s3+$0x0], $0xffff  }
0x79: {  	v13 =	vadd.s32 $0x300, v2;
	v23 =	vld.idx.msk [tilespmem:v17+s3+$0x0], $0xffff;
	[tilespmem:s4+$0x280] =	vst v6  }
0x7a: {  	v15 =	vld.idx.msk [tilespmem:v15+s3+$0x0], $0xffff;
	[tilespmem:s17+$0x300] =	vst v10;
	v10 =	vadd.s32 $0x100, v22  }
0x7b: {  	v5 =	vld.idx.msk [tilespmem:v5+s3+$0x0], $0xffff;
	[tilespmem:s14+$0x80] =	vst v9;
	v9 =	vadd.s32 $0x180, v0  }
0x7c: {  	v4 =	vadd.s32 $0x380, v4;
	[tilespmem:s16+$0x80] =	vst v12;
	v8 =	vld.idx.msk [tilespmem:v8+s3+$0x0], $0xffff  }
0x7d: {  	v18 =	vld.idx.msk [tilespmem:v11+s3+$0x0], $0xffff;
	[tilespmem:s29+$0x80] =	vst v7;
	v7 =	vadd.s32 $0x180, v21  }
0x7e: {  	v25 =	vld.idx.msk [tilespmem:v13+s3+$0x0], $0xffff;
	[tilespmem:s13+$0x100] =	vst v16;
	v16 =	vadd.s32 $0x380, v3  }
0x7f: {  	v6 =	vadd.s32 $0x180, v19;
	[tilespmem:s6+$0x300] =	vst v23;
	v24 =	vld.idx.msk [tilespmem:v10+s3+$0x0], $0xffff  }
0x80: {  	v26 =	vadd.s32 $0x180, v22;
	[tilespmem:s11+$0x300] =	vst v15;
	v17 =	vld.idx.msk [tilespmem:v9+s3+$0x0], $0xffff  }
0x81: {  	v13 =	vadd.s32 $0x200, v21;
	v15 =	vld.idx.msk [tilespmem:v4+s3+$0x0], $0xffff;
	v9 =	vadd.s32 $0x280, v21;
	[tilespmem:s14+$0x100] =	vst v8  }
0x82: {  	v4 =	vadd.s32 $0x380, v21;
	[tilespmem:s16+$0x100] =	vst v18;
	v18 =	vld.idx.msk [tilespmem:v7+s3+$0x0], $0xffff;
	v7 =	vadd.s32 $0x300, v21;
	v21 =	vadd.s32 $0x200, v0  }
0x83: {  	v1 =	vadd.s32 $0x380, v2;
	v2 =	vadd.s32 $0x380, v22;
	v12 =	vadd.s32 $0x200, v19;
	[tilespmem:s17+$0x380] =	vst v5;
	v16 =	vld.idx.msk [tilespmem:v16+s3+$0x0], $0xffff  }
0x84: {  	v11 =	vadd.s32 $0x200, v22;
	v3 =	vadd.s32 $0x380, v19;
	v10 =	vadd.s32 $0x280, v22;
	v20 =	vld.idx.msk [tilespmem:v6+s3+$0x0], $0xffff;
	[tilespmem:s29+$0x100] =	vst v24  }
0x85: {  	s12 =	simm.s32 $0x8;
	v5 =	vadd.s32 $0x300, v19;
	s17 =	simm.s32 $0x10E0;
	v8 =	vadd.s32 $0x280, v19;
	[tilespmem:s4+$0x300] =	vst v25;
	v6 =	vadd.s32 $0x300, v22;
	v19 =	vld.idx.msk [tilespmem:v26+s3+$0x0], $0xffff  }
.LBB2_3:
0x86: {  	v22 =	vld [tilespmem:s17+$0x10];
	[tilespmem:s13+$0x180] =	vst v17  }
0x87: {  	s12 =	sadd.s32 $0x4, s12;
	v17 =	vld.idx.msk [tilespmem:v21+s3+$0x0], $0xffff;
	[tilespmem:s11+$0x380] =	vst v15;
	s11 =	smov.u32 s16  }
0x88: {  	p1 =	slt.u32 s12, $0x3C;
	v15 =	vld [tilespmem:s17+$0xFFFFFFF0];
	[tilespmem:s14+$0x180] =	vst v18  }
0x89: {  	v18 =	vld [tilespmem:s17+$0x0];
	[tilespmem:s11+$0x180] =	vst v20;
	v20 =	vadd.s32 $0x280, v0  }
0x8a: {  	v21 =	vld [tilespmem:s17+$0xFFFFFFE0];
	[tilespmem:s29+$0x180] =	vst v19  }
0x8b: {  	v19 =	vld.idx.msk [tilespmem:v12+s3+$0x0], $0xffff;
	[tilespmem:s6+$0x380] =	vst v16;
	s6 =	smov.u32 s14  }
0x8c: {  	v16 =	vld.idx.msk [tilespmem:v13+s3+$0x0], $0xffff;
	[tilespmem:s0+$0x380] =	vst v14;
	s0 =	smov.u32 s4;
	s4 =	smov.u32 s29  }
0x8d: {  	v14 =	vadd.s32 $0x80, v15;
	v23 =	vadd.s32 $0x100, v15;
	v24 =	vadd.s32 $0x180, v15;
	v25 =	vld.idx.msk [tilespmem:v11+s3+$0x0], $0xffff;
	[tilespmem:s13+$0x200] =	vst v17  }
0x8e: {  	v17 =	vadd.s32 $0x80, v18;
	v26 =	vadd.s32 $0x100, v18;
	v27 =	vadd.s32 $0x180, v18;
	v20 =	vld.idx.msk [tilespmem:v20+s3+$0x0], $0xffff  }
0x8f: {  	v28 =	vadd.s32 $0x80, v21;
	v29 =	vadd.s32 $0x100, v21;
	v30 =	vadd.s32 $0x180, v21;
	v31 =	vld.idx.msk [tilespmem:v22+s3+$0x0], $0xffff  }
0x90: {  	v33 =	vadd.s32 $0x300, v0;
	v13 =	vadd.s32 $0x200, v15;
	v12 =	vadd.s32 $0x200, v21;
	v32 =	vld.idx.msk [tilespmem:v15+s3+$0x0], $0xffff  }
0x91: {  	s26 =	sadd.s32 $0x200, s26;
	v36 =	vadd.s32 $0x80, v22;
	v11 =	vadd.s32 $0x200, v18;
	v34 =	vadd.s32 $0x280, v21;
	v35 =	vld.idx.msk [tilespmem:v18+s3+$0x0], $0xffff;
	[tilespmem:s11+$0x200] =	vst v19  }
0x92: {  	s28 =	sadd.s32 $0x40, s28;
	s14 =	sand.u32 $0x1C00, s26;
	v38 =	vadd.s32 $0x280, v15;
	v39 =	vadd.s32 $0x280, v18;
	v37 =	vadd.s32 $0x300, v21;
	v19 =	vld.idx.msk [tilespmem:v21+s3+$0x0], $0xffff;
	[tilespmem:s6+$0x200] =	vst v16  }
0x93: {  	s16 =	sadd.s32 $0xFFFFFFD0, s28;
	s29 =	sadd.s32 $0x1800, s14;
	s14 =	sand.u32 $0x70, s28;
	v40 =	vadd.s32 $0x300, v18;
	v16 =	vadd.s32 $0x380, v21;
	v21 =	vadd.s32 $0x300, v15;
	v41 =	vld.idx.msk [tilespmem:v8+s3+$0x0], $0xffff;
	[tilespmem:s4+$0x200] =	vst v25;
	v8 =	vmovc v34  }
0x94: {  	s18 =	sadd.s32 $0xFFFFFFE0, s28;
	s19 =	sadd.s32 $0xFFFFFFF0, s28;
	s20 =	sor.u32 s14, s29;
	v25 =	vadd.s32 $0x380, v15;
	v15 =	vadd.s32 $0x380, v18;
	v18 =	vld.idx.msk [tilespmem:v9+s3+$0x0], $0xffff;
	[tilespmem:s13+$0x280] =	vst v20;
	v9 =	vmov v38  }
0x95: {  	s18 =	sand.u32 $0x50, s18;
	s19 =	sand.u32 $0x60, s19;
	s14 =	sand.u32 $0x40, s16;
	[tilespmem:s20+$0x0] =	vst v31;
	v20 =	vld.idx.msk [tilespmem:v33+s3+$0x0], $0xffff  }
0x96: {  	s16 =	sor.u32 s14, s29;
	s14 =	sor.u32 s18, s29;
	s29 =	sor.u32 s19, s29;
	v31 =	vld.idx.msk [tilespmem:v36+s3+$0x0], $0xffff  }
0x97: {  	v33 =	vadd.s32 $0x380, v0;
	v0 =	vmov v22;
	[tilespmem:s14+$0x0] =	vst v32;
	v32 =	vld.idx.msk [tilespmem:v10+s3+$0x0], $0xffff;
	v10 =	vmov v39  }
0x98: {  	[tilespmem:s16+$0x0] =	vst v19;
	v14 =	vld.idx.msk [tilespmem:v14+s3+$0x0], $0xffff;
	v19 =	vadd.s32 $0x100, v0  }
0x99: {  	v22 =	vld.idx.msk [tilespmem:v28+s3+$0x0], $0xffff;
	[tilespmem:s29+$0x0] =	vst v35  }
0x9a: {  	v17 =	vld.idx.msk [tilespmem:v17+s3+$0x0], $0xffff;
	[tilespmem:s11+$0x280] =	vst v41  }
0x9b: {  	v28 =	vld.idx.msk [tilespmem:v5+s3+$0x0], $0xffff;
	[tilespmem:s13+$0x300] =	vst v20;
	v5 =	vmov v37  }
0x9c: {  	[tilespmem:s20+$0x80] =	vst v31;
	v20 =	vld.idx.msk [tilespmem:v33+s3+$0x0], $0xffff  }
0x9d: {  	v19 =	vld.idx.msk [tilespmem:v19+s3+$0x0], $0xffff;
	[tilespmem:s6+$0x280] =	vst v18  }
0x9e: {  	[tilespmem:s14+$0x80] =	vst v14;
	v31 =	vld.idx.msk [tilespmem:v7+s3+$0x0], $0xffff;
	v7 =	vmov v21  }
0x9f: {  	v21 =	vadd.s32 $0x180, v0;
	[tilespmem:s16+$0x80] =	vst v22;
	v18 =	vld.idx.msk [tilespmem:v23+s3+$0x0], $0xffff  }
0xa0: {  	v22 =	vld.idx.msk [tilespmem:v29+s3+$0x0], $0xffff;
	[tilespmem:s29+$0x80] =	vst v17  }
0xa1: {  	v23 =	vld.idx.msk [tilespmem:v26+s3+$0x0], $0xffff;
	[tilespmem:s4+$0x280] =	vst v32  }
0xa2: {  	v26 =	vld.idx.msk [tilespmem:v6+s3+$0x0], $0xffff;
	[tilespmem:s13+$0x380] =	vst v20;
	v6 =	vmov v40;
	s13 =	smov.u32 s20  }
0xa3: {  	[tilespmem:s13+$0x100] =	vst v19;
	v14 =	vld.idx.msk [tilespmem:v1+s3+$0x0], $0xffff;
	v1 =	vmov v2;
	v2 =	vmov v15  }
0xa4: {  	v17 =	vld.idx.msk [tilespmem:v21+s3+$0x0], $0xffff;
	[tilespmem:s11+$0x300] =	vst v28  }
.Ltmp0:
0xa5: {  	[tilespmem:s14+$0x100] =	vst v18;
	v15 =	vld.idx.msk [tilespmem:v3+s3+$0x0], $0xffff;
	v3 =	vmov v16;
	(pc) =	sbr.rel @p1 .LBB2_3-.Ltmp0, $4  }
0xa6: {  	v21 =	vadd.s32 $0x200, v0;
	[tilespmem:s16+$0x100] =	vst v22;
	v18 =	vld.idx.msk [tilespmem:v24+s3+$0x0], $0xffff  }
0xa7: {  	v20 =	vld.idx.msk [tilespmem:v30+s3+$0x0], $0xffff;
	[tilespmem:s29+$0x100] =	vst v23  }
0xa8: {  	v19 =	vld.idx.msk [tilespmem:v27+s3+$0x0], $0xffff;
	[tilespmem:s6+$0x300] =	vst v31  }
0xa9: {  	s17 =	sadd.s32 $0x40, s17;
	v16 =	vld.idx.msk [tilespmem:v4+s3+$0x0], $0xffff;
	[tilespmem:s4+$0x300] =	vst v26;
	v4 =	vmov v25  }
0xaa: {  	_ =	sdelay $0x2  }
0xab: {  	[tilespmem:s13+$0x180] =	vst v17  }
0xac: {  	v17 =	vld.idx.msk [tilespmem:v21+s3+$0x0], $0xffff;
	[tilespmem:s14+$0x180] =	vst v18  }
0xad: {  	v18 =	vadd.s32 $0x280, v0;
	[tilespmem:s16+$0x180] =	vst v20;
	v13 =	vld.idx.msk [tilespmem:v13+s3+$0x0], $0xffff  }
0xae: {  	v12 =	vld.idx.msk [tilespmem:v12+s3+$0x0], $0xffff;
	[tilespmem:s29+$0x180] =	vst v19  }
0xaf: {  	v11 =	vld.idx.msk [tilespmem:v11+s3+$0x0], $0xffff;
	_ =	sdelay $0x1  }
0xb0: {  	[tilespmem:s13+$0x200] =	vst v17  }
0xb1: {  	v17 =	vld.idx.msk [tilespmem:v18+s3+$0x0], $0xffff;
	[tilespmem:s14+$0x200] =	vst v13  }
0xb2: {  	[tilespmem:s16+$0x200] =	vst v12;
	v12 =	vadd.s32 $0x300, v0;
	v9 =	vld.idx.msk [tilespmem:v9+s3+$0x0], $0xffff  }
0xb3: {  	v8 =	vld.idx.msk [tilespmem:v8+s3+$0x0], $0xffff;
	[tilespmem:s29+$0x200] =	vst v11  }
0xb4: {  	v10 =	vld.idx.msk [tilespmem:v10+s3+$0x0], $0xffff;
	_ =	sdelay $0x1  }
0xb5: {  	[tilespmem:s13+$0x280] =	vst v17  }
0xb6: {  	v11 =	vld.idx.msk [tilespmem:v12+s3+$0x0], $0xffff;
	[tilespmem:s14+$0x280] =	vst v9  }
0xb7: {  	v0 =	vadd.s32 $0x380, v0;
	[tilespmem:s16+$0x280] =	vst v8;
	v7 =	vld.idx.msk [tilespmem:v7+s3+$0x0], $0xffff  }
0xb8: {  	v5 =	vld.idx.msk [tilespmem:v5+s3+$0x0], $0xffff;
	[tilespmem:s29+$0x280] =	vst v10  }
0xb9: {  	[tilespmem:s11+$0x380] =	vst v15;
	v6 =	vld.idx.msk [tilespmem:v6+s3+$0x0], $0xffff  }
0xba: {  	[tilespmem:s0+$0x380] =	vst v14  }
0xbb: {  	v1 =	vld.idx.msk [tilespmem:v1+s3+$0x0], $0xffff;
	[tilespmem:s13+$0x300] =	vst v11  }
0xbc: {  	v0 =	vld.idx.msk [tilespmem:v0+s3+$0x0], $0xffff;
	[tilespmem:s14+$0x300] =	vst v7  }
0xbd: {  	[tilespmem:s16+$0x300] =	vst v5;
	v4 =	vld.idx.msk [tilespmem:v4+s3+$0x0], $0xffff  }
0xbe: {  	v3 =	vld.idx.msk [tilespmem:v3+s3+$0x0], $0xffff;
	[tilespmem:s29+$0x300] =	vst v6  }
0xbf: {  	[tilespmem:s6+$0x380] =	vst v16;
	v2 =	vld.idx.msk [tilespmem:v2+s3+$0x0], $0xffff  }
0xc0: {  	s18 =	sshll.u32 s1, $0xD;
	s19 =	sshll.u32 s1, $0xF;
	[tilespmem:s4+$0x380] =	vst v1  }
0xc1: {  	s0 =	sand.u32 $0x1C000, s18;
	s1 =	sand.u32 $0x7FF80000, s19;
	[tilespmem:s13+$0x380] =	vst v0  }
0xc2: {  	s0 =	sor.u32 s0, s1;
	[tilespmem:s14+$0x380] =	vst v4  }
0xc3: {  	s20 =	simm.s32 $0x0;
	s1 =	sshrl.u32 s0, $0x3;
	[tilespmem:s16+$0x380] =	vst v3  }
0xc4: {  	s26 =	simm.s32 $0x1800;
	s11 =	simm.s32 $0x1020;
	s0 =	sadd.s32 s2, s1;
	[tilespmem:s29+$0x380] =	vst v2  }
0xc5: {  	[hbm4b:s0+s20] =	stream.linear.scatter [tilespmem:s26], [sflag:$0x3], $0x2000, $0x38;
	[tilespmem:$0x11800] =	vst v63  }
0xc6: {  	v7 =	vld [tilespmem:s11+$0x10]  }
0xc7: {  	v5 =	vld [tilespmem:s11+$0xFFFFFFF0]  }
0xc8: {  	v1 =	vld [tilespmem:s11+$0x0];
	_ =	sdelay $0x1  }
0xc9: {  	v0 =	vld [tilespmem:s11+$0xFFFFFFE0]  }
0xca: {  	v2 =	vadd.s32 $0x400, v7  }
0xcb: {  	v3 =	vadd.s32 $0x400, v5  }
0xcc: {  	v4 =	vadd.s32 $0x400, v1;
	_ =	sdelay $0x1  }
0xcd: {  	v6 =	vadd.s32 $0x400, v0  }
0xce: {  	v2 =	vld.idx.msk [tilespmem:v2+s3+$0x0], $0xffff  }
0xcf: {  	v8 =	vadd.s32 $0x480, v7;
	v3 =	vld.idx.msk [tilespmem:v3+s3+$0x0], $0xffff  }
0xd0: {  	s12 =	simm.s32 $0x30;
	s4 =	sand.u32 $0x1C00, s20;
	v9 =	vadd.s32 $0x480, v5;
	v4 =	vld.idx.msk [tilespmem:v4+s3+$0x0], $0xffff  }
0xd1: {  	s4 =	sadd.s32 $0x1800, s4;
	s13 =	simm.s32 $0x10;
	s0 =	sand.u32 $0x70, s12  }
0xd2: {  	s14 =	simm.s32 $0x20;
	s16 =	sand.u32 $0x50, s13;
	s12 =	sor.u32 s0, s4;
	v10 =	vadd.s32 $0x480, v1;
	v6 =	vld.idx.msk [tilespmem:v6+s3+$0x0], $0xffff  }
0xd3: {  	s11 =	sand.u32 $0x60, s14;
	s14 =	sor.u32 s16, s4;
	v11 =	vadd.s32 $0x480, v0;
	[tilespmem:s12+$0x2000] =	vst v2  }
0xd4: {  	s17 =	simm.s32 $0x0;
	s0 =	sor.u32 s11, s4;
	[tilespmem:s14+$0x2000] =	vst v3;
	v2 =	vld.idx.msk [tilespmem:v8+s3+$0x0], $0xffff  }
0xd5: {  	s6 =	sand.u32 $0x40, s17;
	[tilespmem:s0+$0x2000] =	vst v4;
	v4 =	vadd.s32 $0x500, v7;
	v3 =	vld.idx.msk [tilespmem:v9+s3+$0x0], $0xffff  }
0xd6: {  	s13 =	sor.u32 s6, s4;
	v8 =	vadd.s32 $0x500, v5  }
0xd7: {  	[tilespmem:s13+$0x2000] =	vst v6;
	v6 =	vld.idx.msk [tilespmem:v10+s3+$0x0], $0xffff  }
0xd8: {  	v9 =	vadd.s32 $0x500, v1;
	v10 =	vld.idx.msk [tilespmem:v11+s3+$0x0], $0xffff  }
0xd9: {  	v11 =	vadd.s32 $0x500, v0;
	[tilespmem:s12+$0x2080] =	vst v2  }
0xda: {  	[tilespmem:s14+$0x2080] =	vst v3;
	v2 =	vld.idx.msk [tilespmem:v4+s3+$0x0], $0xffff  }
0xdb: {  	v3 =	vld.idx.msk [tilespmem:v8+s3+$0x0], $0xffff;
	v4 =	vadd.s32 $0x580, v7  }
0xdc: {  	[tilespmem:s0+$0x2080] =	vst v6;
	v6 =	vadd.s32 $0x580, v5  }
0xdd: {  	[tilespmem:s13+$0x2080] =	vst v10;
	v8 =	vld.idx.msk [tilespmem:v9+s3+$0x0], $0xffff  }
0xde: {  	v9 =	vadd.s32 $0x580, v1;
	v10 =	vld.idx.msk [tilespmem:v11+s3+$0x0], $0xffff  }
0xdf: {  	v11 =	vadd.s32 $0x580, v0;
	[tilespmem:s12+$0x2100] =	vst v2  }
0xe0: {  	[tilespmem:s14+$0x2100] =	vst v3;
	v4 =	vld.idx.msk [tilespmem:v4+s3+$0x0], $0xffff  }
0xe1: {  	s18 =	simm.s32 $0x1060;
	v12 =	vld.idx.msk [tilespmem:v6+s3+$0x0], $0xffff  }
0xe2: {  	[tilespmem:s0+$0x2100] =	vst v8;
	v3 =	vadd.s32 $0x600, v7;
	v6 =	vld [tilespmem:s18+$0x10]  }
0xe3: {  	[tilespmem:s13+$0x2100] =	vst v10;
	v8 =	vld.idx.msk [tilespmem:v9+s3+$0x0], $0xffff  }
0xe4: {  	v10 =	vadd.s32 $0x600, v5;
	v9 =	vld.idx.msk [tilespmem:v11+s3+$0x0], $0xffff  }
0xe5: {  	v2 =	vld [tilespmem:s18+$0xFFFFFFF0];
	v11 =	vadd.s32 $0x600, v0  }
0xe6: {  	v14 =	vadd.s32 $0x600, v1;
	[tilespmem:s12+$0x2180] =	vst v4;
	v4 =	vld [tilespmem:s18+$0xFFFFFFE0]  }
0xe7: {  	s19 =	simm.s32 $0x200;
	s20 =	simm.s32 $0x70;
	[tilespmem:s14+$0x2180] =	vst v12;
	v12 =	vadd.s32 $0x400, v6;
	v13 =	vld.idx.msk [tilespmem:v3+s3+$0x0], $0xffff  }
0xe8: {  	s17 =	sand.u32 $0x70, s20;
	s4 =	sand.u32 $0x1C00, s19;
	v3 =	vld [tilespmem:s18+$0x0]  }
0xe9: {  	s19 =	simm.s32 $0x60;
	s26 =	sadd.s32 $0x1800, s4;
	[tilespmem:s13+$0x2180] =	vst v9;
	v9 =	vld.idx.msk [tilespmem:v10+s3+$0x0], $0xffff;
	s18 =	simm.s32 $0x50  }
0xea: {  	s4 =	sand.u32 $0x60, s19;
	[tilespmem:s0+$0x2180] =	vst v8;
	v10 =	vadd.s32 $0x400, v2;
	v8 =	vld.idx.msk [tilespmem:v11+s3+$0x0], $0xffff;
	s6 =	sand.u32 $0x50, s18;
	s18 =	simm.s32 $0x40  }
0xeb: {  	s17 =	sor.u32 s17, s26;
	s4 =	sor.u32 s4, s26;
	v15 =	vadd.s32 $0x680, v7;
	v11 =	vld.idx.msk [tilespmem:v14+s3+$0x0], $0xffff;
	s20 =	sand.u32 $0x40, s18  }
0xec: {  	v16 =	vadd.s32 $0x680, v5;
	s11 =	sor.u32 s6, s26;
	s6 =	sor.u32 s20, s26;
	s26 =	simm.s32 $0x10A0;
	v12 =	vld.idx.msk [tilespmem:v12+s3+$0x0], $0xffff  }
0xed: {  	v17 =	vadd.s32 $0x680, v0;
	v21 =	vld [tilespmem:s26+$0xFFFFFFF0]  }
0xee: {  	v22 =	vld [tilespmem:s26+$0x0];
	v14 =	vadd.s32 $0x400, v3  }
0xef: {  	[tilespmem:s12+$0x2200] =	vst v13;
	v13 =	vadd.s32 $0x400, v4;
	v10 =	vld.idx.msk [tilespmem:v10+s3+$0x0], $0xffff  }
0xf0: {  	v19 =	vadd.s32 $0x680, v1;
	[tilespmem:s14+$0x2200] =	vst v9;
	v15 =	vld.idx.msk [tilespmem:v15+s3+$0x0], $0xffff  }
0xf1: {  	v18 =	vadd.s32 $0x480, v6;
	[tilespmem:s13+$0x2200] =	vst v8;
	v16 =	vld.idx.msk [tilespmem:v16+s3+$0x0], $0xffff  }
0xf2: {  	v9 =	vadd.s32 $0x700, v7;
	v17 =	vld.idx.msk [tilespmem:v17+s3+$0x0], $0xffff  }
0xf3: {  	v20 =	vadd.s32 $0x480, v2;
	[tilespmem:s0+$0x2200] =	vst v11;
	v14 =	vld.idx.msk [tilespmem:v14+s3+$0x0], $0xffff  }
0xf4: {  	[tilespmem:s17+$0x2000] =	vst v12;
	v12 =	vadd.s32 $0x700, v0;
	v8 =	vld.idx.msk [tilespmem:v13+s3+$0x0], $0xffff  }
0xf5: {  	[tilespmem:s11+$0x2000] =	vst v10;
	v10 =	vld.idx.msk [tilespmem:v19+s3+$0x0], $0xffff;
	v19 =	vadd.s32 $0x700, v5  }
0xf6: {  	v13 =	vadd.s32 $0x480, v3;
	v11 =	vld.idx.msk [tilespmem:v18+s3+$0x0], $0xffff;
	[tilespmem:s12+$0x2280] =	vst v15  }
0xf7: {  	v15 =	vadd.s32 $0x480, v4;
	[tilespmem:s13+$0x2280] =	vst v17;
	v9 =	vld.idx.msk [tilespmem:v9+s3+$0x0], $0xffff  }
0xf8: {  	v7 =	vadd.s32 $0x780, v7;
	v18 =	vld.idx.msk [tilespmem:v20+s3+$0x0], $0xffff;
	[tilespmem:s14+$0x2280] =	vst v16  }
0xf9: {  	v12 =	vld.idx.msk [tilespmem:v12+s3+$0x0], $0xffff;
	[tilespmem:s4+$0x2000] =	vst v14;
	v14 =	vadd.s32 $0x500, v6  }
0xfa: {  	v0 =	vadd.s32 $0x780, v0;
	v16 =	vld.idx.msk [tilespmem:v19+s3+$0x0], $0xffff  }
0xfb: {  	[tilespmem:s6+$0x2000] =	vst v8;
	v8 =	vld.idx.msk [tilespmem:v13+s3+$0x0], $0xffff  }
0xfc: {  	v13 =	vadd.s32 $0x500, v2;
	v15 =	vld.idx.msk [tilespmem:v15+s3+$0x0], $0xffff;
	[tilespmem:s12+$0x2300] =	vst v9  }
0xfd: {  	[tilespmem:s17+$0x2080] =	vst v11;
	v9 =	vadd.s32 $0x500, v4;
	v7 =	vld.idx.msk [tilespmem:v7+s3+$0x0], $0xffff  }
0xfe: {  	v17 =	vadd.s32 $0x500, v3;
	[tilespmem:s13+$0x2300] =	vst v12;
	v14 =	vld.idx.msk [tilespmem:v14+s3+$0x0], $0xffff  }
0xff: {  	v11 =	vadd.s32 $0x700, v1;
	[tilespmem:s0+$0x2280] =	vst v10;
	v12 =	vld.idx.msk [tilespmem:v0+s3+$0x0], $0xffff  }
0x100: {  	[tilespmem:s11+$0x2080] =	vst v18;
	v18 =	vadd.s32 $0x580, v6;
	v0 =	vld [tilespmem:s26+$0x10]  }
0x101: {  	v5 =	vadd.s32 $0x780, v5;
	v13 =	vld.idx.msk [tilespmem:v13+s3+$0x0], $0xffff;
	[tilespmem:s6+$0x2080] =	vst v15  }
0x102: {  	[tilespmem:s4+$0x2080] =	vst v8;
	v8 =	vadd.s32 $0x580, v2;
	v9 =	vld.idx.msk [tilespmem:v9+s3+$0x0], $0xffff  }
0x103: {  	v10 =	vadd.s32 $0x580, v4;
	[tilespmem:s14+$0x2300] =	vst v16;
	v15 =	vld.idx.msk [tilespmem:v17+s3+$0x0], $0xffff  }
0x104: {  	v11 =	vld.idx.msk [tilespmem:v11+s3+$0x0], $0xffff;
	v17 =	vadd.s32 $0x580, v3;
	[tilespmem:s17+$0x2100] =	vst v14  }
0x105: {  	[tilespmem:s12+$0x2380] =	vst v7;
	v19 =	vadd.s32 $0x400, v0;
	v14 =	vld.idx.msk [tilespmem:v18+s3+$0x0], $0xffff  }
0x106: {  	v5 =	vld.idx.msk [tilespmem:v5+s3+$0x0], $0xffff;
	[tilespmem:s11+$0x2100] =	vst v13;
	v13 =	vadd.s32 $0x600, v6  }
0x107: {  	v8 =	vld.idx.msk [tilespmem:v8+s3+$0x0], $0xffff;
	[tilespmem:s6+$0x2100] =	vst v9  }
0x108: {  	[tilespmem:s4+$0x2100] =	vst v15;
	v10 =	vld.idx.msk [tilespmem:v10+s3+$0x0], $0xffff  }
0x109: {  	[tilespmem:s0+$0x2300] =	vst v11;
	v15 =	vadd.s32 $0x600, v2;
	v9 =	vld.idx.msk [tilespmem:v17+s3+$0x0], $0xffff  }
0x10a: {  	v17 =	vadd.s32 $0x600, v4;
	v11 =	vld.idx.msk [tilespmem:v19+s3+$0x0], $0xffff;
	[tilespmem:s17+$0x2180] =	vst v14  }
0x10b: {  	[tilespmem:s13+$0x2380] =	vst v12;
	v14 =	vadd.s32 $0x600, v3;
	v13 =	vld.idx.msk [tilespmem:v13+s3+$0x0], $0xffff  }
0x10c: {  	s28 =	simm.s32 $0x400;
	v12 =	vadd.s32 $0x480, v0;
	[tilespmem:s11+$0x2180] =	vst v8;
	v8 =	vld [tilespmem:s26+$0xFFFFFFE0]  }
0x10d: {  	s29 =	simm.s32 $0xB0;
	s18 =	sand.u32 $0x1C00, s28;
	v18 =	vadd.s32 $0x680, v6;
	[tilespmem:s6+$0x2180] =	vst v10  }
0x10e: {  	s19 =	sand.u32 $0x70, s29;
	s12 =	sadd.s32 $0x1800, s18;
	v10 =	vld.idx.msk [tilespmem:v15+s3+$0x0], $0xffff;
	[tilespmem:s4+$0x2180] =	vst v9;
	v9 =	vadd.s32 $0x400, v21  }
0x10f: {  	v16 =	vadd.s32 $0x400, v22;
	s13 =	sor.u32 s19, s12;
	[tilespmem:s14+$0x2380] =	vst v5;
	v15 =	vld.idx.msk [tilespmem:v17+s3+$0x0], $0xffff  }
0x110: {  	v17 =	vadd.s32 $0x680, v2;
	[tilespmem:s13+$0x2000] =	vst v11;
	v14 =	vld.idx.msk [tilespmem:v14+s3+$0x0], $0xffff  }
0x111: {  	v5 =	vld.idx.msk [tilespmem:v12+s3+$0x0], $0xffff;
	[tilespmem:s17+$0x2200] =	vst v13;
	v7 =	vadd.s32 $0x400, v8  }
0x112: {  	v13 =	vld.idx.msk [tilespmem:v18+s3+$0x0], $0xffff;
	v18 =	vadd.s32 $0x680, v4  }
0x113: {  	v19 =	vadd.s32 $0x680, v3;
	v9 =	vld.idx.msk [tilespmem:v9+s3+$0x0], $0xffff;
	[tilespmem:s11+$0x2200] =	vst v10  }
0x114: {  	v10 =	vadd.s32 $0x700, v6;
	[tilespmem:s6+$0x2200] =	vst v15;
	v15 =	vld.idx.msk [tilespmem:v16+s3+$0x0], $0xffff  }
0x115: {  	s20 =	simm.s32 $0x90;
	v17 =	vld.idx.msk [tilespmem:v17+s3+$0x0], $0xffff;
	v16 =	vadd.s32 $0x480, v21  }
0x116: {  	s16 =	sand.u32 $0x50, s20;
	s26 =	simm.s32 $0xA0;
	[tilespmem:s4+$0x2200] =	vst v14;
	v14 =	vadd.s32 $0x480, v22;
	v7 =	vld.idx.msk [tilespmem:v7+s3+$0x0], $0xffff  }
0x117: {  	s18 =	sand.u32 $0x60, s26;
	s26 =	sor.u32 s16, s12;
	v18 =	vld.idx.msk [tilespmem:v18+s3+$0x0], $0xffff;
	[tilespmem:s17+$0x2280] =	vst v13;
	v13 =	vadd.s32 $0x480, v8  }
0x118: {  	s19 =	simm.s32 $0x80;
	s14 =	sor.u32 s18, s12;
	v11 =	vadd.s32 $0x700, v4;
	[tilespmem:s26+$0x2000] =	vst v9;
	v9 =	vld.idx.msk [tilespmem:v19+s3+$0x0], $0xffff  }
0x119: {  	s20 =	sand.u32 $0x40, s19;
	v10 =	vld.idx.msk [tilespmem:v10+s3+$0x0], $0xffff;
	[tilespmem:s14+$0x2000] =	vst v15;
	v15 =	vadd.s32 $0x500, v0  }
0x11a: {  	s16 =	sor.u32 s20, s12;
	v12 =	vld.idx.msk [tilespmem:v16+s3+$0x0], $0xffff;
	v16 =	vadd.s32 $0x700, v2  }
0x11b: {  	v6 =	vadd.s32 $0x780, v6;
	[tilespmem:s16+$0x2000] =	vst v7;
	v7 =	vld.idx.msk [tilespmem:v14+s3+$0x0], $0xffff  }
0x11c: {  	v1 =	vadd.s32 $0x780, v1;
	v13 =	vld.idx.msk [tilespmem:v13+s3+$0x0], $0xffff;
	[tilespmem:s6+$0x2280] =	vst v18  }
0x11d: {  	[tilespmem:s13+$0x2080] =	vst v5;
	v14 =	vadd.s32 $0x500, v21;
	v20 =	vld.idx.msk [tilespmem:v11+s3+$0x0], $0xffff  }
0x11e: {  	[tilespmem:s11+$0x2280] =	vst v17;
	v18 =	vadd.s32 $0x500, v22;
	v11 =	vld.idx.msk [tilespmem:v15+s3+$0x0], $0xffff  }
0x11f: {  	[tilespmem:s17+$0x2300] =	vst v10;
	v10 =	vadd.s32 $0x500, v8;
	v23 =	vld.idx.msk [tilespmem:v16+s3+$0x0], $0xffff  }
0x120: {  	[tilespmem:s4+$0x2280] =	vst v9;
	v5 =	vld.idx.msk [tilespmem:v6+s3+$0x0], $0xffff;
	v6 =	vadd.s32 $0x700, v3  }
0x121: {  	v4 =	vadd.s32 $0x780, v4;
	[tilespmem:s26+$0x2080] =	vst v12;
	v16 =	vld.idx.msk [tilespmem:v1+s3+$0x0], $0xffff  }
0x122: {  	v12 =	vld.idx.msk [tilespmem:v14+s3+$0x0], $0xffff;
	[tilespmem:s14+$0x2080] =	vst v7;
	v7 =	vadd.s32 $0x580, v0  }
0x123: {  	v15 =	vadd.s32 $0x580, v21;
	[tilespmem:s16+$0x2080] =	vst v13;
	v24 =	vld.idx.msk [tilespmem:v18+s3+$0x0], $0xffff  }
0x124: {  	v26 =	vadd.s32 $0x580, v22;
	v25 =	vld.idx.msk [tilespmem:v10+s3+$0x0], $0xffff;
	[tilespmem:s13+$0x2100] =	vst v11  }
0x125: {  	v27 =	vadd.s32 $0x580, v8;
	[tilespmem:s6+$0x2300] =	vst v20;
	v17 =	vld.idx.msk [tilespmem:v6+s3+$0x0], $0xffff  }
0x126: {  	v2 =	vadd.s32 $0x780, v2;
	v9 =	vadd.s32 $0x680, v8;
	v1 =	vadd.s32 $0x780, v3;
	[tilespmem:s17+$0x2380] =	vst v5;
	v18 =	vld.idx.msk [tilespmem:v4+s3+$0x0], $0xffff  }
0x127: {  	v3 =	vadd.s32 $0x780, v8;
	v13 =	vadd.s32 $0x600, v22;
	v10 =	vadd.s32 $0x680, v22;
	v19 =	vld.idx.msk [tilespmem:v7+s3+$0x0], $0xffff;
	[tilespmem:s26+$0x2100] =	vst v12  }
0x128: {  	v6 =	vadd.s32 $0x700, v22;
	v4 =	vadd.s32 $0x780, v22;
	v22 =	vadd.s32 $0x600, v0;
	v15 =	vld.idx.msk [tilespmem:v15+s3+$0x0], $0xffff;
	[tilespmem:s14+$0x2100] =	vst v24  }
0x129: {  	v14 =	vadd.s32 $0x600, v8;
	v11 =	vadd.s32 $0x600, v21;
	v5 =	vadd.s32 $0x700, v8;
	[tilespmem:s16+$0x2100] =	vst v25;
	v20 =	vld.idx.msk [tilespmem:v26+s3+$0x0], $0xffff  }
0x12a: {  	s12 =	simm.s32 $0x8;
	[tilespmem:s11+$0x2300] =	vst v23;
	v8 =	vadd.s32 $0x700, v21;
	s17 =	simm.s32 $0x10E0;
	v7 =	vadd.s32 $0x680, v21;
	v12 =	vadd.s32 $0x780, v21;
	v21 =	vld.idx.msk [tilespmem:v27+s3+$0x0], $0xffff  }
.LBB2_5:
0x12b: {  	v23 =	vld [tilespmem:s17+$0x10];
	s12 =	sadd.s32 $0x4, s12;
	[tilespmem:s4+$0x2300] =	vst v17  }
0x12c: {  	v17 =	vld [tilespmem:s17+$0xFFFFFFF0];
	p1 =	slt.u32 s12, $0x3C;
	[tilespmem:s13+$0x2180] =	vst v19  }
0x12d: {  	v19 =	vld.idx.msk [tilespmem:v22+s3+$0x0], $0xffff;
	[tilespmem:s6+$0x2380] =	vst v18;
	s6 =	smov.u32 s16  }
0x12e: {  	v18 =	vld [tilespmem:s17+$0x0];
	[tilespmem:s26+$0x2180] =	vst v15  }
0x12f: {  	v22 =	vld [tilespmem:s17+$0xFFFFFFE0];
	[tilespmem:s14+$0x2180] =	vst v20;
	v20 =	vadd.s32 $0x680, v0  }
0x130: {  	v24 =	vadd.s32 $0x400, v23;
	[tilespmem:s6+$0x2180] =	vst v21;
	v21 =	vld.idx.msk [tilespmem:v11+s3+$0x0], $0xffff  }
0x131: {  	v25 =	vadd.s32 $0x400, v17;
	v26 =	vadd.s32 $0x480, v17;
	v27 =	vadd.s32 $0x500, v17;
	v28 =	vld.idx.msk [tilespmem:v14+s3+$0x0], $0xffff;
	[tilespmem:s0+$0x2380] =	vst v16;
	s0 =	smov.u32 s4;
	s4 =	smov.u32 s14  }
0x132: {  	v15 =	vadd.s32 $0x580, v17;
	v11 =	vadd.s32 $0x600, v17;
	v16 =	vadd.s32 $0x680, v17;
	v29 =	vld.idx.msk [tilespmem:v13+s3+$0x0], $0xffff  }
0x133: {  	v30 =	vadd.s32 $0x400, v18;
	v31 =	vadd.s32 $0x480, v18;
	v32 =	vadd.s32 $0x500, v18;
	[tilespmem:s13+$0x2200] =	vst v19;
	v19 =	vld.idx.msk [tilespmem:v2+s3+$0x0], $0xffff;
	v2 =	vmovc v12  }
0x134: {  	v12 =	vadd.s32 $0x400, v22;
	v33 =	vadd.s32 $0x480, v22;
	v34 =	vadd.s32 $0x500, v22;
	v20 =	vld.idx.msk [tilespmem:v20+s3+$0x0], $0xffff  }
0x135: {  	v36 =	vadd.s32 $0x580, v18;
	v35 =	vadd.s32 $0x580, v22;
	v14 =	vadd.s32 $0x600, v22;
	v24 =	vld.idx.msk [tilespmem:v24+s3+$0x0], $0xffff  }
0x136: {  	v13 =	vadd.s32 $0x600, v18;
	v37 =	vadd.s32 $0x680, v22;
	v25 =	vld.idx.msk [tilespmem:v25+s3+$0x0], $0xffff;
	[tilespmem:s26+$0x2200] =	vst v21;
	v21 =	vadd.s32 $0x700, v0  }
0x137: {  	s28 =	sadd.s32 $0x200, s28;
	v40 =	vadd.s32 $0x480, v23;
	v39 =	vadd.s32 $0x680, v18;
	v38 =	vadd.s32 $0x700, v22;
	[tilespmem:s6+$0x2200] =	vst v28;
	v28 =	vld.idx.msk [tilespmem:v7+s3+$0x0], $0xffff;
	v7 =	vmovc v16  }
0x138: {  	s29 =	sadd.s32 $0x40, s29;
	s14 =	sand.u32 $0x1C00, s28;
	v41 =	vadd.s32 $0x700, v18;
	v22 =	vadd.s32 $0x780, v22;
	v16 =	vadd.s32 $0x700, v17;
	v30 =	vld.idx.msk [tilespmem:v30+s3+$0x0], $0xffff;
	[tilespmem:s4+$0x2200] =	vst v29  }
0x139: {  	s18 =	sand.u32 $0x70, s29;
	s16 =	sadd.s32 $0xFFFFFFD0, s29;
	s14 =	sadd.s32 $0x1800, s14;
	v18 =	vadd.s32 $0x780, v18;
	v29 =	vld.idx.msk [tilespmem:v12+s3+$0x0], $0xffff;
	v12 =	vadd.s32 $0x780, v17;
	[tilespmem:s11+$0x2380] =	vst v19  }
0x13a: {  	s19 =	sadd.s32 $0xFFFFFFF0, s29;
	s18 =	sor.u32 s18, s14;
	s11 =	sadd.s32 $0xFFFFFFE0, s29;
	v17 =	vld.idx.msk [tilespmem:v9+s3+$0x0], $0xffff;
	[tilespmem:s13+$0x2280] =	vst v20;
	v9 =	vmov v37  }
0x13b: {  	s19 =	sand.u32 $0x60, s19;
	s16 =	sand.u32 $0x40, s16;
	s11 =	sand.u32 $0x50, s11;
	[tilespmem:s18+$0x2000] =	vst v24;
	v19 =	vld.idx.msk [tilespmem:v21+s3+$0x0], $0xffff  }
0x13c: {  	s16 =	sor.u32 s16, s14;
	s20 =	sor.u32 s11, s14;
	s14 =	sor.u32 s19, s14;
	v20 =	vld.idx.msk [tilespmem:v40+s3+$0x0], $0xffff  }
0x13d: {  	v24 =	vadd.s32 $0x780, v0;
	v0 =	vmov v23;
	s11 =	smov.u32 s26;
	s26 =	smov.u32 s20;
	[tilespmem:s20+$0x2000] =	vst v25;
	v21 =	vld.idx.msk [tilespmem:v10+s3+$0x0], $0xffff;
	v10 =	vmov v39  }
0x13e: {  	v25 =	vadd.s32 $0x500, v0;
	v23 =	vld.idx.msk [tilespmem:v26+s3+$0x0], $0xffff;
	[tilespmem:s14+$0x2000] =	vst v30  }
0x13f: {  	[tilespmem:s16+$0x2000] =	vst v29;
	v26 =	vld.idx.msk [tilespmem:v31+s3+$0x0], $0xffff  }
0x140: {  	v29 =	vld.idx.msk [tilespmem:v33+s3+$0x0], $0xffff;
	[tilespmem:s6+$0x2280] =	vst v17  }
0x141: {  	v30 =	vld.idx.msk [tilespmem:v5+s3+$0x0], $0xffff;
	[tilespmem:s13+$0x2300] =	vst v19;
	v5 =	vmov v38  }
0x142: {  	[tilespmem:s18+$0x2080] =	vst v20;
	v19 =	vld.idx.msk [tilespmem:v24+s3+$0x0], $0xffff  }
0x143: {  	v20 =	vld.idx.msk [tilespmem:v25+s3+$0x0], $0xffff;
	[tilespmem:s11+$0x2280] =	vst v28  }
0x144: {  	[tilespmem:s26+$0x2080] =	vst v23;
	v23 =	vld.idx.msk [tilespmem:v8+s3+$0x0], $0xffff;
	v8 =	vmov v16  }
0x145: {  	v25 =	vadd.s32 $0x580, v0;
	v24 =	vld.idx.msk [tilespmem:v27+s3+$0x0], $0xffff;
	[tilespmem:s14+$0x2080] =	vst v26  }
0x146: {  	[tilespmem:s16+$0x2080] =	vst v29;
	v26 =	vld.idx.msk [tilespmem:v32+s3+$0x0], $0xffff  }
0x147: {  	v27 =	vld.idx.msk [tilespmem:v34+s3+$0x0], $0xffff;
	[tilespmem:s4+$0x2280] =	vst v21  }
0x148: {  	v17 =	vld.idx.msk [tilespmem:v6+s3+$0x0], $0xffff;
	[tilespmem:s13+$0x2380] =	vst v19;
	v6 =	vmov v41;
	s13 =	smov.u32 s18  }
0x149: {  	[tilespmem:s13+$0x2100] =	vst v20;
	v16 =	vld.idx.msk [tilespmem:v1+s3+$0x0], $0xffff;
	v1 =	vmov v4;
	v4 =	vmov v18  }
.Ltmp1:
0x14a: {  	v19 =	vld.idx.msk [tilespmem:v25+s3+$0x0], $0xffff;
	[tilespmem:s6+$0x2300] =	vst v30;
	(pc) =	sbr.rel @p1 .LBB2_5-.Ltmp1, $4  }
0x14b: {  	[tilespmem:s26+$0x2100] =	vst v24;
	v18 =	vld.idx.msk [tilespmem:v3+s3+$0x0], $0xffff;
	v3 =	vmov v22  }
0x14c: {  	v22 =	vadd.s32 $0x600, v0;
	v15 =	vld.idx.msk [tilespmem:v15+s3+$0x0], $0xffff;
	[tilespmem:s14+$0x2100] =	vst v26  }
0x14d: {  	[tilespmem:s16+$0x2100] =	vst v27;
	v20 =	vld.idx.msk [tilespmem:v36+s3+$0x0], $0xffff  }
0x14e: {  	s17 =	sadd.s32 $0x40, s17;
	v21 =	vld.idx.msk [tilespmem:v35+s3+$0x0], $0xffff;
	[tilespmem:s11+$0x2300] =	vst v23  }
0x14f: {  	_ =	sdelay $0x2  }
0x150: {  	[tilespmem:s13+$0x2180] =	vst v19  }
0x151: {  	v19 =	vld.idx.msk [tilespmem:v22+s3+$0x0], $0xffff;
	[tilespmem:s26+$0x2180] =	vst v15  }
0x152: {  	[tilespmem:s14+$0x2180] =	vst v20;
	v11 =	vld.idx.msk [tilespmem:v11+s3+$0x0], $0xffff  }
0x153: {  	[tilespmem:s16+$0x2180] =	vst v21;
	v21 =	vadd.s32 $0x680, v0;
	v13 =	vld.idx.msk [tilespmem:v13+s3+$0x0], $0xffff  }
0x154: {  	v14 =	vld.idx.msk [tilespmem:v14+s3+$0x0], $0xffff;
	_ =	sdelay $0x1  }
0x155: {  	[tilespmem:s13+$0x2200] =	vst v19  }
0x156: {  	[tilespmem:s26+$0x2200] =	vst v11  }
0x157: {  	v15 =	vld.idx.msk [tilespmem:v21+s3+$0x0], $0xffff;
	[tilespmem:s14+$0x2200] =	vst v13  }
0x158: {  	v7 =	vld.idx.msk [tilespmem:v7+s3+$0x0], $0xffff;
	[tilespmem:s16+$0x2200] =	vst v14;
	v14 =	vadd.s32 $0x700, v0  }
0x159: {  	v10 =	vld.idx.msk [tilespmem:v10+s3+$0x0], $0xffff  }
0x15a: {  	v9 =	vld.idx.msk [tilespmem:v9+s3+$0x0], $0xffff;
	_ =	sdelay $0x1  }
0x15b: {  	[tilespmem:s13+$0x2280] =	vst v15  }
0x15c: {  	[tilespmem:s26+$0x2280] =	vst v7;
	v11 =	vld.idx.msk [tilespmem:v14+s3+$0x0], $0xffff  }
0x15d: {  	v7 =	vld.idx.msk [tilespmem:v8+s3+$0x0], $0xffff;
	[tilespmem:s14+$0x2280] =	vst v10  }
0x15e: {  	v0 =	vadd.s32 $0x780, v0;
	[tilespmem:s16+$0x2280] =	vst v9;
	v6 =	vld.idx.msk [tilespmem:v6+s3+$0x0], $0xffff  }
0x15f: {  	[tilespmem:s4+$0x2300] =	vst v17;
	v5 =	vld.idx.msk [tilespmem:v5+s3+$0x0], $0xffff  }
0x160: {  	v2 =	vld.idx.msk [tilespmem:v2+s3+$0x0], $0xffff;
	[tilespmem:s0+$0x2380] =	vst v16  }
0x161: {  	[tilespmem:s13+$0x2300] =	vst v11  }
0x162: {  	v1 =	vld.idx.msk [tilespmem:v1+s3+$0x0], $0xffff;
	[tilespmem:s26+$0x2300] =	vst v7  }
0x163: {  	v0 =	vld.idx.msk [tilespmem:v0+s3+$0x0], $0xffff;
	[tilespmem:s14+$0x2300] =	vst v6  }
0x164: {  	[tilespmem:s16+$0x2300] =	vst v5;
	v5 =	vld.idx.msk [tilespmem:v12+s3+$0x0], $0xffff  }
0x165: {  	[tilespmem:s11+$0x2380] =	vst v2;
	v2 =	vld.idx.msk [tilespmem:v4+s3+$0x0], $0xffff  }
0x166: {  	[tilespmem:s6+$0x2380] =	vst v18;
	v3 =	vld.idx.msk [tilespmem:v3+s3+$0x0], $0xffff  }
0x167: {  	[tilespmem:s4+$0x2380] =	vst v1  }
0x168: {  	[tilespmem:s13+$0x2380] =	vst v0  }
0x169: {  	[tilespmem:s26+$0x2380] =	vst v5  }
0x16a: {  	s19 =	sadd.s32 s1, s8;
	[tilespmem:s14+$0x2380] =	vst v2  }
0x16b: {  	s20 =	simm.s32 $0x0;
	s11 =	simm.s32 $0x1020;
	s26 =	simm.s32 $0x3800;
	[tilespmem:s16+$0x2380] =	vst v3  }
0x16c: {  	[hbm4b:s19+s20] =	stream.linear.scatter [tilespmem:s26], [sflag:$0x3], $0x2000, $0x38;
	[tilespmem:$0x11800] =	vst v63  }
0x16d: {  	v7 =	vld [tilespmem:s11+$0x10]  }
0x16e: {  	v5 =	vld [tilespmem:s11+$0xFFFFFFF0]  }
0x16f: {  	v1 =	vld [tilespmem:s11+$0x0];
	_ =	sdelay $0x1  }
0x170: {  	v0 =	vld [tilespmem:s11+$0xFFFFFFE0]  }
0x171: {  	v2 =	vadd.s32 $0x800, v7  }
0x172: {  	v3 =	vadd.s32 $0x800, v5  }
0x173: {  	v4 =	vadd.s32 $0x800, v1;
	_ =	sdelay $0x1  }
0x174: {  	v6 =	vadd.s32 $0x800, v0  }
0x175: {  	v2 =	vld.idx.msk [tilespmem:v2+s3+$0x0], $0xffff  }
0x176: {  	v8 =	vadd.s32 $0x880, v7;
	v3 =	vld.idx.msk [tilespmem:v3+s3+$0x0], $0xffff  }
0x177: {  	s12 =	simm.s32 $0x30;
	s4 =	sand.u32 $0x1C00, s20;
	v9 =	vadd.s32 $0x880, v5;
	v4 =	vld.idx.msk [tilespmem:v4+s3+$0x0], $0xffff  }
0x178: {  	s0 =	sand.u32 $0x70, s12;
	s4 =	sadd.s32 $0x1800, s4;
	s13 =	simm.s32 $0x10  }
0x179: {  	s12 =	sor.u32 s0, s4;
	s14 =	simm.s32 $0x20;
	s16 =	sand.u32 $0x50, s13;
	v10 =	vadd.s32 $0x880, v1;
	v6 =	vld.idx.msk [tilespmem:v6+s3+$0x0], $0xffff  }
0x17a: {  	s11 =	sand.u32 $0x60, s14;
	s14 =	sor.u32 s16, s4;
	v11 =	vadd.s32 $0x880, v0;
	[tilespmem:s12+$0x4000] =	vst v2  }
0x17b: {  	s17 =	simm.s32 $0x0;
	s0 =	sor.u32 s11, s4;
	[tilespmem:s14+$0x4000] =	vst v3;
	v2 =	vld.idx.msk [tilespmem:v8+s3+$0x0], $0xffff  }
0x17c: {  	s6 =	sand.u32 $0x40, s17;
	[tilespmem:s0+$0x4000] =	vst v4;
	v4 =	vadd.s32 $0x900, v7;
	v3 =	vld.idx.msk [tilespmem:v9+s3+$0x0], $0xffff  }
0x17d: {  	s13 =	sor.u32 s6, s4;
	v8 =	vadd.s32 $0x900, v5  }
0x17e: {  	[tilespmem:s13+$0x4000] =	vst v6;
	v6 =	vld.idx.msk [tilespmem:v10+s3+$0x0], $0xffff  }
0x17f: {  	v9 =	vadd.s32 $0x900, v1;
	v10 =	vld.idx.msk [tilespmem:v11+s3+$0x0], $0xffff  }
0x180: {  	v11 =	vadd.s32 $0x900, v0;
	[tilespmem:s12+$0x4080] =	vst v2  }
0x181: {  	[tilespmem:s14+$0x4080] =	vst v3;
	v2 =	vld.idx.msk [tilespmem:v4+s3+$0x0], $0xffff  }
0x182: {  	v3 =	vld.idx.msk [tilespmem:v8+s3+$0x0], $0xffff;
	v4 =	vadd.s32 $0x980, v7  }
0x183: {  	[tilespmem:s0+$0x4080] =	vst v6;
	v6 =	vadd.s32 $0x980, v5  }
0x184: {  	[tilespmem:s13+$0x4080] =	vst v10;
	v8 =	vld.idx.msk [tilespmem:v9+s3+$0x0], $0xffff  }
0x185: {  	v9 =	vadd.s32 $0x980, v1;
	v10 =	vld.idx.msk [tilespmem:v11+s3+$0x0], $0xffff  }
0x186: {  	v11 =	vadd.s32 $0x980, v0;
	[tilespmem:s12+$0x4100] =	vst v2  }
0x187: {  	[tilespmem:s14+$0x4100] =	vst v3;
	v4 =	vld.idx.msk [tilespmem:v4+s3+$0x0], $0xffff  }
0x188: {  	s18 =	simm.s32 $0x1060;
	v12 =	vld.idx.msk [tilespmem:v6+s3+$0x0], $0xffff  }
0x189: {  	[tilespmem:s0+$0x4100] =	vst v8;
	v3 =	vadd.s32 $0xA00, v7;
	v6 =	vld [tilespmem:s18+$0x10]  }
0x18a: {  	[tilespmem:s13+$0x4100] =	vst v10;
	v8 =	vld.idx.msk [tilespmem:v9+s3+$0x0], $0xffff  }
0x18b: {  	v10 =	vadd.s32 $0xA00, v5;
	v9 =	vld.idx.msk [tilespmem:v11+s3+$0x0], $0xffff  }
0x18c: {  	v2 =	vld [tilespmem:s18+$0xFFFFFFF0];
	v11 =	vadd.s32 $0xA00, v0  }
0x18d: {  	v14 =	vadd.s32 $0xA00, v1;
	[tilespmem:s12+$0x4180] =	vst v4;
	v4 =	vld [tilespmem:s18+$0xFFFFFFE0]  }
0x18e: {  	s19 =	simm.s32 $0x200;
	s20 =	simm.s32 $0x70;
	[tilespmem:s14+$0x4180] =	vst v12;
	v12 =	vadd.s32 $0x800, v6;
	v13 =	vld.idx.msk [tilespmem:v3+s3+$0x0], $0xffff  }
0x18f: {  	s17 =	sand.u32 $0x70, s20;
	s4 =	sand.u32 $0x1C00, s19;
	v3 =	vld [tilespmem:s18+$0x0]  }
0x190: {  	s19 =	simm.s32 $0x60;
	s26 =	sadd.s32 $0x1800, s4;
	[tilespmem:s13+$0x4180] =	vst v9;
	v9 =	vld.idx.msk [tilespmem:v10+s3+$0x0], $0xffff;
	s18 =	simm.s32 $0x50  }
0x191: {  	s4 =	sand.u32 $0x60, s19;
	[tilespmem:s0+$0x4180] =	vst v8;
	v10 =	vadd.s32 $0x800, v2;
	v8 =	vld.idx.msk [tilespmem:v11+s3+$0x0], $0xffff;
	s6 =	sand.u32 $0x50, s18;
	s18 =	simm.s32 $0x40  }
0x192: {  	s17 =	sor.u32 s17, s26;
	s4 =	sor.u32 s4, s26;
	v15 =	vadd.s32 $0xA80, v7;
	v11 =	vld.idx.msk [tilespmem:v14+s3+$0x0], $0xffff;
	s20 =	sand.u32 $0x40, s18  }
0x193: {  	v16 =	vadd.s32 $0xA80, v5;
	s11 =	sor.u32 s6, s26;
	s6 =	sor.u32 s20, s26;
	s26 =	simm.s32 $0x10A0;
	v12 =	vld.idx.msk [tilespmem:v12+s3+$0x0], $0xffff  }
0x194: {  	v17 =	vadd.s32 $0xA80, v0;
	v21 =	vld [tilespmem:s26+$0xFFFFFFF0]  }
0x195: {  	v22 =	vld [tilespmem:s26+$0x0];
	v14 =	vadd.s32 $0x800, v3  }
0x196: {  	[tilespmem:s12+$0x4200] =	vst v13;
	v13 =	vadd.s32 $0x800, v4;
	v10 =	vld.idx.msk [tilespmem:v10+s3+$0x0], $0xffff  }
0x197: {  	v19 =	vadd.s32 $0xA80, v1;
	[tilespmem:s14+$0x4200] =	vst v9;
	v15 =	vld.idx.msk [tilespmem:v15+s3+$0x0], $0xffff  }
0x198: {  	v18 =	vadd.s32 $0x880, v6;
	[tilespmem:s13+$0x4200] =	vst v8;
	v16 =	vld.idx.msk [tilespmem:v16+s3+$0x0], $0xffff  }
0x199: {  	v9 =	vadd.s32 $0xB00, v7;
	v17 =	vld.idx.msk [tilespmem:v17+s3+$0x0], $0xffff  }
0x19a: {  	v20 =	vadd.s32 $0x880, v2;
	[tilespmem:s0+$0x4200] =	vst v11;
	v14 =	vld.idx.msk [tilespmem:v14+s3+$0x0], $0xffff  }
0x19b: {  	[tilespmem:s17+$0x4000] =	vst v12;
	v12 =	vadd.s32 $0xB00, v0;
	v8 =	vld.idx.msk [tilespmem:v13+s3+$0x0], $0xffff  }
0x19c: {  	[tilespmem:s11+$0x4000] =	vst v10;
	v10 =	vld.idx.msk [tilespmem:v19+s3+$0x0], $0xffff;
	v19 =	vadd.s32 $0xB00, v5  }
0x19d: {  	v13 =	vadd.s32 $0x880, v3;
	v11 =	vld.idx.msk [tilespmem:v18+s3+$0x0], $0xffff;
	[tilespmem:s12+$0x4280] =	vst v15  }
0x19e: {  	v15 =	vadd.s32 $0x880, v4;
	[tilespmem:s13+$0x4280] =	vst v17;
	v9 =	vld.idx.msk [tilespmem:v9+s3+$0x0], $0xffff  }
0x19f: {  	v7 =	vadd.s32 $0xB80, v7;
	v18 =	vld.idx.msk [tilespmem:v20+s3+$0x0], $0xffff;
	[tilespmem:s14+$0x4280] =	vst v16  }
0x1a0: {  	v12 =	vld.idx.msk [tilespmem:v12+s3+$0x0], $0xffff;
	[tilespmem:s4+$0x4000] =	vst v14;
	v14 =	vadd.s32 $0x900, v6  }
0x1a1: {  	v0 =	vadd.s32 $0xB80, v0;
	v16 =	vld.idx.msk [tilespmem:v19+s3+$0x0], $0xffff  }
0x1a2: {  	[tilespmem:s6+$0x4000] =	vst v8;
	v8 =	vld.idx.msk [tilespmem:v13+s3+$0x0], $0xffff  }
0x1a3: {  	v13 =	vadd.s32 $0x900, v2;
	v15 =	vld.idx.msk [tilespmem:v15+s3+$0x0], $0xffff;
	[tilespmem:s12+$0x4300] =	vst v9  }
0x1a4: {  	[tilespmem:s17+$0x4080] =	vst v11;
	v9 =	vadd.s32 $0x900, v4;
	v7 =	vld.idx.msk [tilespmem:v7+s3+$0x0], $0xffff  }
0x1a5: {  	v17 =	vadd.s32 $0x900, v3;
	[tilespmem:s13+$0x4300] =	vst v12;
	v14 =	vld.idx.msk [tilespmem:v14+s3+$0x0], $0xffff  }
0x1a6: {  	v11 =	vadd.s32 $0xB00, v1;
	[tilespmem:s0+$0x4280] =	vst v10;
	v12 =	vld.idx.msk [tilespmem:v0+s3+$0x0], $0xffff  }
0x1a7: {  	[tilespmem:s11+$0x4080] =	vst v18;
	v18 =	vadd.s32 $0x980, v6;
	v0 =	vld [tilespmem:s26+$0x10]  }
0x1a8: {  	v5 =	vadd.s32 $0xB80, v5;
	v13 =	vld.idx.msk [tilespmem:v13+s3+$0x0], $0xffff;
	[tilespmem:s6+$0x4080] =	vst v15  }
0x1a9: {  	[tilespmem:s4+$0x4080] =	vst v8;
	v8 =	vadd.s32 $0x980, v2;
	v9 =	vld.idx.msk [tilespmem:v9+s3+$0x0], $0xffff  }
0x1aa: {  	v10 =	vadd.s32 $0x980, v4;
	[tilespmem:s14+$0x4300] =	vst v16;
	v15 =	vld.idx.msk [tilespmem:v17+s3+$0x0], $0xffff  }
0x1ab: {  	v11 =	vld.idx.msk [tilespmem:v11+s3+$0x0], $0xffff;
	v17 =	vadd.s32 $0x980, v3;
	[tilespmem:s17+$0x4100] =	vst v14  }
0x1ac: {  	[tilespmem:s12+$0x4380] =	vst v7;
	v19 =	vadd.s32 $0x800, v0;
	v14 =	vld.idx.msk [tilespmem:v18+s3+$0x0], $0xffff  }
0x1ad: {  	v5 =	vld.idx.msk [tilespmem:v5+s3+$0x0], $0xffff;
	[tilespmem:s11+$0x4100] =	vst v13;
	v13 =	vadd.s32 $0xA00, v6  }
0x1ae: {  	v8 =	vld.idx.msk [tilespmem:v8+s3+$0x0], $0xffff;
	[tilespmem:s6+$0x4100] =	vst v9  }
0x1af: {  	[tilespmem:s4+$0x4100] =	vst v15;
	v10 =	vld.idx.msk [tilespmem:v10+s3+$0x0], $0xffff  }
0x1b0: {  	[tilespmem:s0+$0x4300] =	vst v11;
	v15 =	vadd.s32 $0xA00, v2;
	v9 =	vld.idx.msk [tilespmem:v17+s3+$0x0], $0xffff  }
0x1b1: {  	v17 =	vadd.s32 $0xA00, v4;
	v11 =	vld.idx.msk [tilespmem:v19+s3+$0x0], $0xffff;
	[tilespmem:s17+$0x4180] =	vst v14  }
0x1b2: {  	[tilespmem:s13+$0x4380] =	vst v12;
	v14 =	vadd.s32 $0xA00, v3;
	v13 =	vld.idx.msk [tilespmem:v13+s3+$0x0], $0xffff  }
0x1b3: {  	s28 =	simm.s32 $0x400;
	v12 =	vadd.s32 $0x880, v0;
	[tilespmem:s11+$0x4180] =	vst v8;
	v8 =	vld [tilespmem:s26+$0xFFFFFFE0]  }
0x1b4: {  	s29 =	simm.s32 $0xB0;
	s18 =	sand.u32 $0x1C00, s28;
	v18 =	vadd.s32 $0xA80, v6;
	[tilespmem:s6+$0x4180] =	vst v10  }
0x1b5: {  	s19 =	sand.u32 $0x70, s29;
	s12 =	sadd.s32 $0x1800, s18;
	v10 =	vld.idx.msk [tilespmem:v15+s3+$0x0], $0xffff;
	[tilespmem:s4+$0x4180] =	vst v9;
	v9 =	vadd.s32 $0x800, v21  }
0x1b6: {  	v16 =	vadd.s32 $0x800, v22;
	s13 =	sor.u32 s19, s12;
	[tilespmem:s14+$0x4380] =	vst v5;
	v15 =	vld.idx.msk [tilespmem:v17+s3+$0x0], $0xffff  }
0x1b7: {  	v17 =	vadd.s32 $0xA80, v2;
	[tilespmem:s13+$0x4000] =	vst v11;
	v14 =	vld.idx.msk [tilespmem:v14+s3+$0x0], $0xffff  }
0x1b8: {  	v5 =	vld.idx.msk [tilespmem:v12+s3+$0x0], $0xffff;
	[tilespmem:s17+$0x4200] =	vst v13;
	v7 =	vadd.s32 $0x800, v8  }
0x1b9: {  	v13 =	vld.idx.msk [tilespmem:v18+s3+$0x0], $0xffff;
	v18 =	vadd.s32 $0xA80, v4  }
0x1ba: {  	v19 =	vadd.s32 $0xA80, v3;
	v9 =	vld.idx.msk [tilespmem:v9+s3+$0x0], $0xffff;
	[tilespmem:s11+$0x4200] =	vst v10  }
0x1bb: {  	v10 =	vadd.s32 $0xB00, v6;
	[tilespmem:s6+$0x4200] =	vst v15;
	v15 =	vld.idx.msk [tilespmem:v16+s3+$0x0], $0xffff  }
0x1bc: {  	s20 =	simm.s32 $0x90;
	v17 =	vld.idx.msk [tilespmem:v17+s3+$0x0], $0xffff;
	v16 =	vadd.s32 $0x880, v21  }
0x1bd: {  	s16 =	sand.u32 $0x50, s20;
	s26 =	simm.s32 $0xA0;
	[tilespmem:s4+$0x4200] =	vst v14;
	v14 =	vadd.s32 $0x880, v22;
	v7 =	vld.idx.msk [tilespmem:v7+s3+$0x0], $0xffff  }
0x1be: {  	s18 =	sand.u32 $0x60, s26;
	s26 =	sor.u32 s16, s12;
	v18 =	vld.idx.msk [tilespmem:v18+s3+$0x0], $0xffff;
	[tilespmem:s17+$0x4280] =	vst v13;
	v13 =	vadd.s32 $0x880, v8  }
0x1bf: {  	s19 =	simm.s32 $0x80;
	s14 =	sor.u32 s18, s12;
	v11 =	vadd.s32 $0xB00, v4;
	[tilespmem:s26+$0x4000] =	vst v9;
	v9 =	vld.idx.msk [tilespmem:v19+s3+$0x0], $0xffff  }
0x1c0: {  	s20 =	sand.u32 $0x40, s19;
	v10 =	vld.idx.msk [tilespmem:v10+s3+$0x0], $0xffff;
	[tilespmem:s14+$0x4000] =	vst v15;
	v15 =	vadd.s32 $0x900, v0  }
0x1c1: {  	s16 =	sor.u32 s20, s12;
	v12 =	vld.idx.msk [tilespmem:v16+s3+$0x0], $0xffff;
	v16 =	vadd.s32 $0xB00, v2  }
0x1c2: {  	v6 =	vadd.s32 $0xB80, v6;
	[tilespmem:s16+$0x4000] =	vst v7;
	v7 =	vld.idx.msk [tilespmem:v14+s3+$0x0], $0xffff  }
0x1c3: {  	v1 =	vadd.s32 $0xB80, v1;
	v13 =	vld.idx.msk [tilespmem:v13+s3+$0x0], $0xffff;
	[tilespmem:s6+$0x4280] =	vst v18  }
0x1c4: {  	[tilespmem:s13+$0x4080] =	vst v5;
	v14 =	vadd.s32 $0x900, v21;
	v20 =	vld.idx.msk [tilespmem:v11+s3+$0x0], $0xffff  }
0x1c5: {  	[tilespmem:s11+$0x4280] =	vst v17;
	v18 =	vadd.s32 $0x900, v22;
	v11 =	vld.idx.msk [tilespmem:v15+s3+$0x0], $0xffff  }
0x1c6: {  	[tilespmem:s17+$0x4300] =	vst v10;
	v10 =	vadd.s32 $0x900, v8;
	v23 =	vld.idx.msk [tilespmem:v16+s3+$0x0], $0xffff  }
0x1c7: {  	[tilespmem:s4+$0x4280] =	vst v9;
	v5 =	vld.idx.msk [tilespmem:v6+s3+$0x0], $0xffff;
	v6 =	vadd.s32 $0xB00, v3  }
0x1c8: {  	v4 =	vadd.s32 $0xB80, v4;
	[tilespmem:s26+$0x4080] =	vst v12;
	v16 =	vld.idx.msk [tilespmem:v1+s3+$0x0], $0xffff  }
0x1c9: {  	v12 =	vld.idx.msk [tilespmem:v14+s3+$0x0], $0xffff;
	[tilespmem:s14+$0x4080] =	vst v7;
	v7 =	vadd.s32 $0x980, v0  }
0x1ca: {  	v15 =	vadd.s32 $0x980, v21;
	[tilespmem:s16+$0x4080] =	vst v13;
	v24 =	vld.idx.msk [tilespmem:v18+s3+$0x0], $0xffff  }
0x1cb: {  	v26 =	vadd.s32 $0x980, v22;
	v25 =	vld.idx.msk [tilespmem:v10+s3+$0x0], $0xffff;
	[tilespmem:s13+$0x4100] =	vst v11  }
0x1cc: {  	v27 =	vadd.s32 $0x980, v8;
	[tilespmem:s6+$0x4300] =	vst v20;
	v17 =	vld.idx.msk [tilespmem:v6+s3+$0x0], $0xffff  }
0x1cd: {  	v2 =	vadd.s32 $0xB80, v2;
	v9 =	vadd.s32 $0xA80, v8;
	v1 =	vadd.s32 $0xB80, v3;
	[tilespmem:s17+$0x4380] =	vst v5;
	v18 =	vld.idx.msk [tilespmem:v4+s3+$0x0], $0xffff  }
0x1ce: {  	v3 =	vadd.s32 $0xB80, v8;
	v13 =	vadd.s32 $0xA00, v22;
	v10 =	vadd.s32 $0xA80, v22;
	v19 =	vld.idx.msk [tilespmem:v7+s3+$0x0], $0xffff;
	[tilespmem:s26+$0x4100] =	vst v12  }
0x1cf: {  	v6 =	vadd.s32 $0xB00, v22;
	v4 =	vadd.s32 $0xB80, v22;
	v22 =	vadd.s32 $0xA00, v0;
	v15 =	vld.idx.msk [tilespmem:v15+s3+$0x0], $0xffff;
	[tilespmem:s14+$0x4100] =	vst v24  }
0x1d0: {  	v14 =	vadd.s32 $0xA00, v8;
	v11 =	vadd.s32 $0xA00, v21;
	v5 =	vadd.s32 $0xB00, v8;
	[tilespmem:s16+$0x4100] =	vst v25;
	v20 =	vld.idx.msk [tilespmem:v26+s3+$0x0], $0xffff  }
0x1d1: {  	s12 =	simm.s32 $0x8;
	[tilespmem:s11+$0x4300] =	vst v23;
	v8 =	vadd.s32 $0xB00, v21;
	s17 =	simm.s32 $0x10E0;
	v7 =	vadd.s32 $0xA80, v21;
	v12 =	vadd.s32 $0xB80, v21;
	v21 =	vld.idx.msk [tilespmem:v27+s3+$0x0], $0xffff  }
.LBB2_7:
0x1d2: {  	v23 =	vld [tilespmem:s17+$0x10];
	s12 =	sadd.s32 $0x4, s12;
	[tilespmem:s4+$0x4300] =	vst v17  }
0x1d3: {  	v17 =	vld [tilespmem:s17+$0xFFFFFFF0];
	p1 =	slt.u32 s12, $0x3C;
	[tilespmem:s13+$0x4180] =	vst v19  }
0x1d4: {  	v19 =	vld.idx.msk [tilespmem:v22+s3+$0x0], $0xffff;
	[tilespmem:s6+$0x4380] =	vst v18;
	s6 =	smov.u32 s16  }
0x1d5: {  	v18 =	vld [tilespmem:s17+$0x0];
	[tilespmem:s26+$0x4180] =	vst v15  }
0x1d6: {  	v22 =	vld [tilespmem:s17+$0xFFFFFFE0];
	[tilespmem:s14+$0x4180] =	vst v20;
	v20 =	vadd.s32 $0xA80, v0  }
0x1d7: {  	v24 =	vadd.s32 $0x800, v23;
	[tilespmem:s6+$0x4180] =	vst v21;
	v21 =	vld.idx.msk [tilespmem:v11+s3+$0x0], $0xffff  }
0x1d8: {  	v25 =	vadd.s32 $0x800, v17;
	v26 =	vadd.s32 $0x880, v17;
	v27 =	vadd.s32 $0x900, v17;
	v28 =	vld.idx.msk [tilespmem:v14+s3+$0x0], $0xffff;
	[tilespmem:s0+$0x4380] =	vst v16;
	s0 =	smov.u32 s4;
	s4 =	smov.u32 s14  }
0x1d9: {  	v15 =	vadd.s32 $0x980, v17;
	v11 =	vadd.s32 $0xA00, v17;
	v16 =	vadd.s32 $0xA80, v17;
	v29 =	vld.idx.msk [tilespmem:v13+s3+$0x0], $0xffff  }
0x1da: {  	v30 =	vadd.s32 $0x800, v18;
	v31 =	vadd.s32 $0x880, v18;
	v32 =	vadd.s32 $0x900, v18;
	[tilespmem:s13+$0x4200] =	vst v19;
	v19 =	vld.idx.msk [tilespmem:v2+s3+$0x0], $0xffff;
	v2 =	vmovc v12  }
0x1db: {  	v12 =	vadd.s32 $0x800, v22;
	v33 =	vadd.s32 $0x880, v22;
	v34 =	vadd.s32 $0x900, v22;
	v20 =	vld.idx.msk [tilespmem:v20+s3+$0x0], $0xffff  }
0x1dc: {  	v36 =	vadd.s32 $0x980, v18;
	v35 =	vadd.s32 $0x980, v22;
	v14 =	vadd.s32 $0xA00, v22;
	v24 =	vld.idx.msk [tilespmem:v24+s3+$0x0], $0xffff  }
0x1dd: {  	v13 =	vadd.s32 $0xA00, v18;
	v37 =	vadd.s32 $0xA80, v22;
	v25 =	vld.idx.msk [tilespmem:v25+s3+$0x0], $0xffff;
	[tilespmem:s26+$0x4200] =	vst v21;
	v21 =	vadd.s32 $0xB00, v0  }
0x1de: {  	s28 =	sadd.s32 $0x200, s28;
	v40 =	vadd.s32 $0x880, v23;
	v39 =	vadd.s32 $0xA80, v18;
	v38 =	vadd.s32 $0xB00, v22;
	[tilespmem:s6+$0x4200] =	vst v28;
	v28 =	vld.idx.msk [tilespmem:v7+s3+$0x0], $0xffff;
	v7 =	vmovc v16  }
0x1df: {  	s29 =	sadd.s32 $0x40, s29;
	s14 =	sand.u32 $0x1C00, s28;
	v41 =	vadd.s32 $0xB00, v18;
	v22 =	vadd.s32 $0xB80, v22;
	v16 =	vadd.s32 $0xB00, v17;
	v30 =	vld.idx.msk [tilespmem:v30+s3+$0x0], $0xffff;
	[tilespmem:s4+$0x4200] =	vst v29  }
0x1e0: {  	s18 =	sand.u32 $0x70, s29;
	s16 =	sadd.s32 $0xFFFFFFD0, s29;
	s14 =	sadd.s32 $0x1800, s14;
	v18 =	vadd.s32 $0xB80, v18;
	v29 =	vld.idx.msk [tilespmem:v12+s3+$0x0], $0xffff;
	v12 =	vadd.s32 $0xB80, v17;
	[tilespmem:s11+$0x4380] =	vst v19  }
0x1e1: {  	s19 =	sadd.s32 $0xFFFFFFF0, s29;
	s18 =	sor.u32 s18, s14;
	s11 =	sadd.s32 $0xFFFFFFE0, s29;
	v17 =	vld.idx.msk [tilespmem:v9+s3+$0x0], $0xffff;
	[tilespmem:s13+$0x4280] =	vst v20;
	v9 =	vmov v37  }
0x1e2: {  	s19 =	sand.u32 $0x60, s19;
	s16 =	sand.u32 $0x40, s16;
	s11 =	sand.u32 $0x50, s11;
	[tilespmem:s18+$0x4000] =	vst v24;
	v19 =	vld.idx.msk [tilespmem:v21+s3+$0x0], $0xffff  }
0x1e3: {  	s16 =	sor.u32 s16, s14;
	s20 =	sor.u32 s11, s14;
	s14 =	sor.u32 s19, s14;
	v20 =	vld.idx.msk [tilespmem:v40+s3+$0x0], $0xffff  }
0x1e4: {  	v24 =	vadd.s32 $0xB80, v0;
	v0 =	vmov v23;
	s11 =	smov.u32 s26;
	s26 =	smov.u32 s20;
	[tilespmem:s20+$0x4000] =	vst v25;
	v21 =	vld.idx.msk [tilespmem:v10+s3+$0x0], $0xffff;
	v10 =	vmov v39  }
0x1e5: {  	v25 =	vadd.s32 $0x900, v0;
	v23 =	vld.idx.msk [tilespmem:v26+s3+$0x0], $0xffff;
	[tilespmem:s14+$0x4000] =	vst v30  }
0x1e6: {  	[tilespmem:s16+$0x4000] =	vst v29;
	v26 =	vld.idx.msk [tilespmem:v31+s3+$0x0], $0xffff  }
0x1e7: {  	v29 =	vld.idx.msk [tilespmem:v33+s3+$0x0], $0xffff;
	[tilespmem:s6+$0x4280] =	vst v17  }
0x1e8: {  	v30 =	vld.idx.msk [tilespmem:v5+s3+$0x0], $0xffff;
	[tilespmem:s13+$0x4300] =	vst v19;
	v5 =	vmov v38  }
0x1e9: {  	[tilespmem:s18+$0x4080] =	vst v20;
	v19 =	vld.idx.msk [tilespmem:v24+s3+$0x0], $0xffff  }
0x1ea: {  	v20 =	vld.idx.msk [tilespmem:v25+s3+$0x0], $0xffff;
	[tilespmem:s11+$0x4280] =	vst v28  }
0x1eb: {  	[tilespmem:s26+$0x4080] =	vst v23;
	v23 =	vld.idx.msk [tilespmem:v8+s3+$0x0], $0xffff;
	v8 =	vmov v16  }
0x1ec: {  	v25 =	vadd.s32 $0x980, v0;
	v24 =	vld.idx.msk [tilespmem:v27+s3+$0x0], $0xffff;
	[tilespmem:s14+$0x4080] =	vst v26  }
0x1ed: {  	[tilespmem:s16+$0x4080] =	vst v29;
	v26 =	vld.idx.msk [tilespmem:v32+s3+$0x0], $0xffff  }
0x1ee: {  	v27 =	vld.idx.msk [tilespmem:v34+s3+$0x0], $0xffff;
	[tilespmem:s4+$0x4280] =	vst v21  }
0x1ef: {  	v17 =	vld.idx.msk [tilespmem:v6+s3+$0x0], $0xffff;
	[tilespmem:s13+$0x4380] =	vst v19;
	v6 =	vmov v41;
	s13 =	smov.u32 s18  }
0x1f0: {  	[tilespmem:s13+$0x4100] =	vst v20;
	v16 =	vld.idx.msk [tilespmem:v1+s3+$0x0], $0xffff;
	v1 =	vmov v4;
	v4 =	vmov v18  }
.Ltmp2:
0x1f1: {  	v19 =	vld.idx.msk [tilespmem:v25+s3+$0x0], $0xffff;
	[tilespmem:s6+$0x4300] =	vst v30;
	(pc) =	sbr.rel @p1 .LBB2_7-.Ltmp2, $4  }
0x1f2: {  	[tilespmem:s26+$0x4100] =	vst v24;
	v18 =	vld.idx.msk [tilespmem:v3+s3+$0x0], $0xffff;
	v3 =	vmov v22  }
0x1f3: {  	v22 =	vadd.s32 $0xA00, v0;
	v15 =	vld.idx.msk [tilespmem:v15+s3+$0x0], $0xffff;
	[tilespmem:s14+$0x4100] =	vst v26  }
0x1f4: {  	[tilespmem:s16+$0x4100] =	vst v27;
	v20 =	vld.idx.msk [tilespmem:v36+s3+$0x0], $0xffff  }
0x1f5: {  	s17 =	sadd.s32 $0x40, s17;
	v21 =	vld.idx.msk [tilespmem:v35+s3+$0x0], $0xffff;
	[tilespmem:s11+$0x4300] =	vst v23  }
0x1f6: {  	_ =	sdelay $0x2  }
0x1f7: {  	[tilespmem:s13+$0x4180] =	vst v19  }
0x1f8: {  	v19 =	vld.idx.msk [tilespmem:v22+s3+$0x0], $0xffff;
	[tilespmem:s26+$0x4180] =	vst v15  }
0x1f9: {  	[tilespmem:s14+$0x4180] =	vst v20;
	v11 =	vld.idx.msk [tilespmem:v11+s3+$0x0], $0xffff  }
0x1fa: {  	[tilespmem:s16+$0x4180] =	vst v21;
	v21 =	vadd.s32 $0xA80, v0;
	v13 =	vld.idx.msk [tilespmem:v13+s3+$0x0], $0xffff  }
0x1fb: {  	v14 =	vld.idx.msk [tilespmem:v14+s3+$0x0], $0xffff;
	_ =	sdelay $0x1  }
0x1fc: {  	[tilespmem:s13+$0x4200] =	vst v19  }
0x1fd: {  	[tilespmem:s26+$0x4200] =	vst v11  }
0x1fe: {  	v15 =	vld.idx.msk [tilespmem:v21+s3+$0x0], $0xffff;
	[tilespmem:s14+$0x4200] =	vst v13  }
0x1ff: {  	v7 =	vld.idx.msk [tilespmem:v7+s3+$0x0], $0xffff;
	[tilespmem:s16+$0x4200] =	vst v14;
	v14 =	vadd.s32 $0xB00, v0  }
0x200: {  	v10 =	vld.idx.msk [tilespmem:v10+s3+$0x0], $0xffff  }
0x201: {  	v9 =	vld.idx.msk [tilespmem:v9+s3+$0x0], $0xffff;
	_ =	sdelay $0x1  }
0x202: {  	[tilespmem:s13+$0x4280] =	vst v15  }
0x203: {  	[tilespmem:s26+$0x4280] =	vst v7;
	v11 =	vld.idx.msk [tilespmem:v14+s3+$0x0], $0xffff  }
0x204: {  	v7 =	vld.idx.msk [tilespmem:v8+s3+$0x0], $0xffff;
	[tilespmem:s14+$0x4280] =	vst v10  }
0x205: {  	v0 =	vadd.s32 $0xB80, v0;
	[tilespmem:s16+$0x4280] =	vst v9;
	v6 =	vld.idx.msk [tilespmem:v6+s3+$0x0], $0xffff  }
0x206: {  	[tilespmem:s4+$0x4300] =	vst v17;
	v5 =	vld.idx.msk [tilespmem:v5+s3+$0x0], $0xffff  }
0x207: {  	v2 =	vld.idx.msk [tilespmem:v2+s3+$0x0], $0xffff;
	[tilespmem:s0+$0x4380] =	vst v16  }
0x208: {  	[tilespmem:s13+$0x4300] =	vst v11  }
0x209: {  	v1 =	vld.idx.msk [tilespmem:v1+s3+$0x0], $0xffff;
	[tilespmem:s26+$0x4300] =	vst v7  }
0x20a: {  	v0 =	vld.idx.msk [tilespmem:v0+s3+$0x0], $0xffff;
	[tilespmem:s14+$0x4300] =	vst v6  }
0x20b: {  	[tilespmem:s16+$0x4300] =	vst v5;
	v5 =	vld.idx.msk [tilespmem:v12+s3+$0x0], $0xffff  }
0x20c: {  	[tilespmem:s11+$0x4380] =	vst v2;
	v2 =	vld.idx.msk [tilespmem:v4+s3+$0x0], $0xffff  }
0x20d: {  	[tilespmem:s6+$0x4380] =	vst v18;
	v3 =	vld.idx.msk [tilespmem:v3+s3+$0x0], $0xffff  }
0x20e: {  	[tilespmem:s4+$0x4380] =	vst v1  }
0x20f: {  	[tilespmem:s13+$0x4380] =	vst v0  }
0x210: {  	[tilespmem:s26+$0x4380] =	vst v5  }
0x211: {  	s19 =	sadd.s32 s1, s9;
	[tilespmem:s14+$0x4380] =	vst v2  }
0x212: {  	s20 =	simm.s32 $0x0;
	s11 =	simm.s32 $0x1020;
	s26 =	simm.s32 $0x5800;
	[tilespmem:s16+$0x4380] =	vst v3  }
0x213: {  	[hbm4b:s19+s20] =	stream.linear.scatter [tilespmem:s26], [sflag:$0x3], $0x2000, $0x38;
	[tilespmem:$0x11800] =	vst v63  }
0x214: {  	v7 =	vld [tilespmem:s11+$0x10]  }
0x215: {  	v5 =	vld [tilespmem:s11+$0xFFFFFFF0]  }
0x216: {  	v1 =	vld [tilespmem:s11+$0x0];
	_ =	sdelay $0x1  }
0x217: {  	v0 =	vld [tilespmem:s11+$0xFFFFFFE0]  }
0x218: {  	v2 =	vadd.s32 $0xC00, v7  }
0x219: {  	v3 =	vadd.s32 $0xC00, v5  }
0x21a: {  	v4 =	vadd.s32 $0xC00, v1;
	_ =	sdelay $0x1  }
0x21b: {  	v6 =	vadd.s32 $0xC00, v0  }
0x21c: {  	v2 =	vld.idx.msk [tilespmem:v2+s3+$0x0], $0xffff  }
0x21d: {  	v8 =	vadd.s32 $0xC80, v7;
	v3 =	vld.idx.msk [tilespmem:v3+s3+$0x0], $0xffff  }
0x21e: {  	s12 =	simm.s32 $0x30;
	s4 =	sand.u32 $0x1C00, s20;
	v9 =	vadd.s32 $0xC80, v5;
	v4 =	vld.idx.msk [tilespmem:v4+s3+$0x0], $0xffff  }
0x21f: {  	s0 =	sand.u32 $0x70, s12;
	s4 =	sadd.s32 $0x1800, s4;
	s13 =	simm.s32 $0x10  }
0x220: {  	s12 =	sor.u32 s0, s4;
	s14 =	simm.s32 $0x20;
	s16 =	sand.u32 $0x50, s13;
	v10 =	vadd.s32 $0xC80, v1;
	v6 =	vld.idx.msk [tilespmem:v6+s3+$0x0], $0xffff  }
0x221: {  	s11 =	sand.u32 $0x60, s14;
	s14 =	sor.u32 s16, s4;
	v11 =	vadd.s32 $0xC80, v0;
	[tilespmem:s12+$0x6000] =	vst v2  }
0x222: {  	s17 =	simm.s32 $0x0;
	s0 =	sor.u32 s11, s4;
	[tilespmem:s14+$0x6000] =	vst v3;
	v2 =	vld.idx.msk [tilespmem:v8+s3+$0x0], $0xffff  }
0x223: {  	s6 =	sand.u32 $0x40, s17;
	[tilespmem:s0+$0x6000] =	vst v4;
	v4 =	vadd.s32 $0xD00, v7;
	v3 =	vld.idx.msk [tilespmem:v9+s3+$0x0], $0xffff  }
0x224: {  	s13 =	sor.u32 s6, s4;
	v8 =	vadd.s32 $0xD00, v5  }
0x225: {  	[tilespmem:s13+$0x6000] =	vst v6;
	v6 =	vld.idx.msk [tilespmem:v10+s3+$0x0], $0xffff  }
0x226: {  	v9 =	vadd.s32 $0xD00, v1;
	v10 =	vld.idx.msk [tilespmem:v11+s3+$0x0], $0xffff  }
0x227: {  	v11 =	vadd.s32 $0xD00, v0;
	[tilespmem:s12+$0x6080] =	vst v2  }
0x228: {  	[tilespmem:s14+$0x6080] =	vst v3;
	v2 =	vld.idx.msk [tilespmem:v4+s3+$0x0], $0xffff  }
0x229: {  	v3 =	vld.idx.msk [tilespmem:v8+s3+$0x0], $0xffff;
	v4 =	vadd.s32 $0xD80, v7  }
0x22a: {  	[tilespmem:s0+$0x6080] =	vst v6;
	v6 =	vadd.s32 $0xD80, v5  }
0x22b: {  	[tilespmem:s13+$0x6080] =	vst v10;
	v8 =	vld.idx.msk [tilespmem:v9+s3+$0x0], $0xffff  }
0x22c: {  	v9 =	vadd.s32 $0xD80, v1;
	v10 =	vld.idx.msk [tilespmem:v11+s3+$0x0], $0xffff  }
0x22d: {  	v11 =	vadd.s32 $0xD80, v0;
	[tilespmem:s12+$0x6100] =	vst v2  }
0x22e: {  	[tilespmem:s14+$0x6100] =	vst v3;
	v4 =	vld.idx.msk [tilespmem:v4+s3+$0x0], $0xffff  }
0x22f: {  	s18 =	simm.s32 $0x1060;
	v12 =	vld.idx.msk [tilespmem:v6+s3+$0x0], $0xffff  }
0x230: {  	[tilespmem:s0+$0x6100] =	vst v8;
	v3 =	vadd.s32 $0xE00, v7;
	v6 =	vld [tilespmem:s18+$0x10]  }
0x231: {  	[tilespmem:s13+$0x6100] =	vst v10;
	v8 =	vld.idx.msk [tilespmem:v9+s3+$0x0], $0xffff  }
0x232: {  	v10 =	vadd.s32 $0xE00, v5;
	v9 =	vld.idx.msk [tilespmem:v11+s3+$0x0], $0xffff  }
0x233: {  	v2 =	vld [tilespmem:s18+$0xFFFFFFF0];
	v11 =	vadd.s32 $0xE00, v0  }
0x234: {  	v14 =	vadd.s32 $0xE00, v1;
	[tilespmem:s12+$0x6180] =	vst v4;
	v4 =	vld [tilespmem:s18+$0xFFFFFFE0]  }
0x235: {  	s19 =	simm.s32 $0x200;
	s20 =	simm.s32 $0x70;
	[tilespmem:s14+$0x6180] =	vst v12;
	v12 =	vadd.s32 $0xC00, v6;
	v13 =	vld.idx.msk [tilespmem:v3+s3+$0x0], $0xffff  }
0x236: {  	s17 =	sand.u32 $0x70, s20;
	s4 =	sand.u32 $0x1C00, s19;
	v3 =	vld [tilespmem:s18+$0x0]  }
0x237: {  	s19 =	simm.s32 $0x60;
	s26 =	sadd.s32 $0x1800, s4;
	[tilespmem:s13+$0x6180] =	vst v9;
	v9 =	vld.idx.msk [tilespmem:v10+s3+$0x0], $0xffff;
	s18 =	simm.s32 $0x50  }
0x238: {  	s4 =	sand.u32 $0x60, s19;
	[tilespmem:s0+$0x6180] =	vst v8;
	v10 =	vadd.s32 $0xC00, v2;
	v8 =	vld.idx.msk [tilespmem:v11+s3+$0x0], $0xffff;
	s6 =	sand.u32 $0x50, s18;
	s18 =	simm.s32 $0x40  }
0x239: {  	s17 =	sor.u32 s17, s26;
	s4 =	sor.u32 s4, s26;
	v15 =	vadd.s32 $0xE80, v7;
	v11 =	vld.idx.msk [tilespmem:v14+s3+$0x0], $0xffff;
	s20 =	sand.u32 $0x40, s18  }
0x23a: {  	v16 =	vadd.s32 $0xE80, v5;
	s11 =	sor.u32 s6, s26;
	s6 =	sor.u32 s20, s26;
	s26 =	simm.s32 $0x10A0;
	v12 =	vld.idx.msk [tilespmem:v12+s3+$0x0], $0xffff  }
0x23b: {  	v17 =	vadd.s32 $0xE80, v0;
	v21 =	vld [tilespmem:s26+$0xFFFFFFF0]  }
0x23c: {  	v22 =	vld [tilespmem:s26+$0x0];
	v14 =	vadd.s32 $0xC00, v3  }
0x23d: {  	[tilespmem:s12+$0x6200] =	vst v13;
	v13 =	vadd.s32 $0xC00, v4;
	v10 =	vld.idx.msk [tilespmem:v10+s3+$0x0], $0xffff  }
0x23e: {  	v19 =	vadd.s32 $0xE80, v1;
	[tilespmem:s14+$0x6200] =	vst v9;
	v15 =	vld.idx.msk [tilespmem:v15+s3+$0x0], $0xffff  }
0x23f: {  	v18 =	vadd.s32 $0xC80, v6;
	[tilespmem:s13+$0x6200] =	vst v8;
	v16 =	vld.idx.msk [tilespmem:v16+s3+$0x0], $0xffff  }
0x240: {  	v9 =	vadd.s32 $0xF00, v7;
	v17 =	vld.idx.msk [tilespmem:v17+s3+$0x0], $0xffff  }
0x241: {  	v20 =	vadd.s32 $0xC80, v2;
	[tilespmem:s0+$0x6200] =	vst v11;
	v14 =	vld.idx.msk [tilespmem:v14+s3+$0x0], $0xffff  }
0x242: {  	[tilespmem:s17+$0x6000] =	vst v12;
	v12 =	vadd.s32 $0xF00, v0;
	v8 =	vld.idx.msk [tilespmem:v13+s3+$0x0], $0xffff  }
0x243: {  	[tilespmem:s11+$0x6000] =	vst v10;
	v10 =	vld.idx.msk [tilespmem:v19+s3+$0x0], $0xffff;
	v19 =	vadd.s32 $0xF00, v5  }
0x244: {  	v13 =	vadd.s32 $0xC80, v3;
	v11 =	vld.idx.msk [tilespmem:v18+s3+$0x0], $0xffff;
	[tilespmem:s12+$0x6280] =	vst v15  }
0x245: {  	v15 =	vadd.s32 $0xC80, v4;
	[tilespmem:s13+$0x6280] =	vst v17;
	v9 =	vld.idx.msk [tilespmem:v9+s3+$0x0], $0xffff  }
0x246: {  	v7 =	vadd.s32 $0xF80, v7;
	v18 =	vld.idx.msk [tilespmem:v20+s3+$0x0], $0xffff;
	[tilespmem:s14+$0x6280] =	vst v16  }
0x247: {  	v12 =	vld.idx.msk [tilespmem:v12+s3+$0x0], $0xffff;
	[tilespmem:s4+$0x6000] =	vst v14;
	v14 =	vadd.s32 $0xD00, v6  }
0x248: {  	v0 =	vadd.s32 $0xF80, v0;
	v16 =	vld.idx.msk [tilespmem:v19+s3+$0x0], $0xffff  }
0x249: {  	[tilespmem:s6+$0x6000] =	vst v8;
	v8 =	vld.idx.msk [tilespmem:v13+s3+$0x0], $0xffff  }
0x24a: {  	v13 =	vadd.s32 $0xD00, v2;
	v15 =	vld.idx.msk [tilespmem:v15+s3+$0x0], $0xffff;
	[tilespmem:s12+$0x6300] =	vst v9  }
0x24b: {  	[tilespmem:s17+$0x6080] =	vst v11;
	v9 =	vadd.s32 $0xD00, v4;
	v7 =	vld.idx.msk [tilespmem:v7+s3+$0x0], $0xffff  }
0x24c: {  	v17 =	vadd.s32 $0xD00, v3;
	[tilespmem:s13+$0x6300] =	vst v12;
	v14 =	vld.idx.msk [tilespmem:v14+s3+$0x0], $0xffff  }
0x24d: {  	v11 =	vadd.s32 $0xF00, v1;
	[tilespmem:s0+$0x6280] =	vst v10;
	v12 =	vld.idx.msk [tilespmem:v0+s3+$0x0], $0xffff  }
0x24e: {  	[tilespmem:s11+$0x6080] =	vst v18;
	v18 =	vadd.s32 $0xD80, v6;
	v0 =	vld [tilespmem:s26+$0x10]  }
0x24f: {  	v5 =	vadd.s32 $0xF80, v5;
	v13 =	vld.idx.msk [tilespmem:v13+s3+$0x0], $0xffff;
	[tilespmem:s6+$0x6080] =	vst v15  }
0x250: {  	[tilespmem:s4+$0x6080] =	vst v8;
	v8 =	vadd.s32 $0xD80, v2;
	v9 =	vld.idx.msk [tilespmem:v9+s3+$0x0], $0xffff  }
0x251: {  	v10 =	vadd.s32 $0xD80, v4;
	[tilespmem:s14+$0x6300] =	vst v16;
	v15 =	vld.idx.msk [tilespmem:v17+s3+$0x0], $0xffff  }
0x252: {  	v11 =	vld.idx.msk [tilespmem:v11+s3+$0x0], $0xffff;
	v17 =	vadd.s32 $0xD80, v3;
	[tilespmem:s17+$0x6100] =	vst v14  }
0x253: {  	[tilespmem:s12+$0x6380] =	vst v7;
	v19 =	vadd.s32 $0xC00, v0;
	v14 =	vld.idx.msk [tilespmem:v18+s3+$0x0], $0xffff  }
0x254: {  	v5 =	vld.idx.msk [tilespmem:v5+s3+$0x0], $0xffff;
	[tilespmem:s11+$0x6100] =	vst v13;
	v13 =	vadd.s32 $0xE00, v6  }
0x255: {  	v8 =	vld.idx.msk [tilespmem:v8+s3+$0x0], $0xffff;
	[tilespmem:s6+$0x6100] =	vst v9  }
0x256: {  	[tilespmem:s4+$0x6100] =	vst v15;
	v10 =	vld.idx.msk [tilespmem:v10+s3+$0x0], $0xffff  }
0x257: {  	[tilespmem:s0+$0x6300] =	vst v11;
	v15 =	vadd.s32 $0xE00, v2;
	v9 =	vld.idx.msk [tilespmem:v17+s3+$0x0], $0xffff  }
0x258: {  	v17 =	vadd.s32 $0xE00, v4;
	v11 =	vld.idx.msk [tilespmem:v19+s3+$0x0], $0xffff;
	[tilespmem:s17+$0x6180] =	vst v14  }
0x259: {  	[tilespmem:s13+$0x6380] =	vst v12;
	v14 =	vadd.s32 $0xE00, v3;
	v13 =	vld.idx.msk [tilespmem:v13+s3+$0x0], $0xffff  }
0x25a: {  	s28 =	simm.s32 $0x400;
	v12 =	vadd.s32 $0xC80, v0;
	[tilespmem:s11+$0x6180] =	vst v8;
	v8 =	vld [tilespmem:s26+$0xFFFFFFE0]  }
0x25b: {  	s29 =	simm.s32 $0xB0;
	s18 =	sand.u32 $0x1C00, s28;
	v18 =	vadd.s32 $0xE80, v6;
	[tilespmem:s6+$0x6180] =	vst v10  }
0x25c: {  	s19 =	sand.u32 $0x70, s29;
	s12 =	sadd.s32 $0x1800, s18;
	v10 =	vld.idx.msk [tilespmem:v15+s3+$0x0], $0xffff;
	[tilespmem:s4+$0x6180] =	vst v9;
	v9 =	vadd.s32 $0xC00, v21  }
0x25d: {  	v16 =	vadd.s32 $0xC00, v22;
	s13 =	sor.u32 s19, s12;
	[tilespmem:s14+$0x6380] =	vst v5;
	v15 =	vld.idx.msk [tilespmem:v17+s3+$0x0], $0xffff  }
0x25e: {  	v17 =	vadd.s32 $0xE80, v2;
	[tilespmem:s13+$0x6000] =	vst v11;
	v14 =	vld.idx.msk [tilespmem:v14+s3+$0x0], $0xffff  }
0x25f: {  	v5 =	vld.idx.msk [tilespmem:v12+s3+$0x0], $0xffff;
	[tilespmem:s17+$0x6200] =	vst v13;
	v7 =	vadd.s32 $0xC00, v8  }
0x260: {  	v13 =	vld.idx.msk [tilespmem:v18+s3+$0x0], $0xffff;
	v18 =	vadd.s32 $0xE80, v4  }
0x261: {  	v19 =	vadd.s32 $0xE80, v3;
	v9 =	vld.idx.msk [tilespmem:v9+s3+$0x0], $0xffff;
	[tilespmem:s11+$0x6200] =	vst v10  }
0x262: {  	v10 =	vadd.s32 $0xF00, v6;
	[tilespmem:s6+$0x6200] =	vst v15;
	v15 =	vld.idx.msk [tilespmem:v16+s3+$0x0], $0xffff  }
0x263: {  	s20 =	simm.s32 $0x90;
	v17 =	vld.idx.msk [tilespmem:v17+s3+$0x0], $0xffff;
	v16 =	vadd.s32 $0xC80, v21  }
0x264: {  	s16 =	sand.u32 $0x50, s20;
	s26 =	simm.s32 $0xA0;
	[tilespmem:s4+$0x6200] =	vst v14;
	v14 =	vadd.s32 $0xC80, v22;
	v7 =	vld.idx.msk [tilespmem:v7+s3+$0x0], $0xffff  }
0x265: {  	s18 =	sand.u32 $0x60, s26;
	s26 =	sor.u32 s16, s12;
	v18 =	vld.idx.msk [tilespmem:v18+s3+$0x0], $0xffff;
	[tilespmem:s17+$0x6280] =	vst v13;
	v13 =	vadd.s32 $0xC80, v8  }
0x266: {  	s19 =	simm.s32 $0x80;
	s14 =	sor.u32 s18, s12;
	v11 =	vadd.s32 $0xF00, v4;
	[tilespmem:s26+$0x6000] =	vst v9;
	v9 =	vld.idx.msk [tilespmem:v19+s3+$0x0], $0xffff  }
0x267: {  	s20 =	sand.u32 $0x40, s19;
	v10 =	vld.idx.msk [tilespmem:v10+s3+$0x0], $0xffff;
	[tilespmem:s14+$0x6000] =	vst v15;
	v15 =	vadd.s32 $0xD00, v0  }
0x268: {  	s16 =	sor.u32 s20, s12;
	v12 =	vld.idx.msk [tilespmem:v16+s3+$0x0], $0xffff;
	v16 =	vadd.s32 $0xF00, v2  }
0x269: {  	v6 =	vadd.s32 $0xF80, v6;
	[tilespmem:s16+$0x6000] =	vst v7;
	v7 =	vld.idx.msk [tilespmem:v14+s3+$0x0], $0xffff  }
0x26a: {  	v1 =	vadd.s32 $0xF80, v1;
	v13 =	vld.idx.msk [tilespmem:v13+s3+$0x0], $0xffff;
	[tilespmem:s6+$0x6280] =	vst v18  }
0x26b: {  	[tilespmem:s13+$0x6080] =	vst v5;
	v14 =	vadd.s32 $0xD00, v21;
	v20 =	vld.idx.msk [tilespmem:v11+s3+$0x0], $0xffff  }
0x26c: {  	[tilespmem:s11+$0x6280] =	vst v17;
	v18 =	vadd.s32 $0xD00, v22;
	v11 =	vld.idx.msk [tilespmem:v15+s3+$0x0], $0xffff  }
0x26d: {  	[tilespmem:s17+$0x6300] =	vst v10;
	v10 =	vadd.s32 $0xD00, v8;
	v23 =	vld.idx.msk [tilespmem:v16+s3+$0x0], $0xffff  }
0x26e: {  	[tilespmem:s4+$0x6280] =	vst v9;
	v5 =	vld.idx.msk [tilespmem:v6+s3+$0x0], $0xffff;
	v6 =	vadd.s32 $0xF00, v3  }
0x26f: {  	v4 =	vadd.s32 $0xF80, v4;
	[tilespmem:s26+$0x6080] =	vst v12;
	v16 =	vld.idx.msk [tilespmem:v1+s3+$0x0], $0xffff  }
0x270: {  	v12 =	vld.idx.msk [tilespmem:v14+s3+$0x0], $0xffff;
	[tilespmem:s14+$0x6080] =	vst v7;
	v7 =	vadd.s32 $0xD80, v0  }
0x271: {  	v15 =	vadd.s32 $0xD80, v21;
	[tilespmem:s16+$0x6080] =	vst v13;
	v24 =	vld.idx.msk [tilespmem:v18+s3+$0x0], $0xffff  }
0x272: {  	v26 =	vadd.s32 $0xD80, v22;
	v25 =	vld.idx.msk [tilespmem:v10+s3+$0x0], $0xffff;
	[tilespmem:s13+$0x6100] =	vst v11  }
0x273: {  	v27 =	vadd.s32 $0xD80, v8;
	[tilespmem:s6+$0x6300] =	vst v20;
	v17 =	vld.idx.msk [tilespmem:v6+s3+$0x0], $0xffff  }
0x274: {  	v2 =	vadd.s32 $0xF80, v2;
	v9 =	vadd.s32 $0xE80, v8;
	v1 =	vadd.s32 $0xF80, v3;
	[tilespmem:s17+$0x6380] =	vst v5;
	v18 =	vld.idx.msk [tilespmem:v4+s3+$0x0], $0xffff  }
0x275: {  	v3 =	vadd.s32 $0xF80, v8;
	v13 =	vadd.s32 $0xE00, v22;
	v10 =	vadd.s32 $0xE80, v22;
	v19 =	vld.idx.msk [tilespmem:v7+s3+$0x0], $0xffff;
	[tilespmem:s26+$0x6100] =	vst v12  }
0x276: {  	v6 =	vadd.s32 $0xF00, v22;
	v4 =	vadd.s32 $0xF80, v22;
	v22 =	vadd.s32 $0xE00, v0;
	v15 =	vld.idx.msk [tilespmem:v15+s3+$0x0], $0xffff;
	[tilespmem:s14+$0x6100] =	vst v24  }
0x277: {  	v14 =	vadd.s32 $0xE00, v8;
	v11 =	vadd.s32 $0xE00, v21;
	v5 =	vadd.s32 $0xF00, v8;
	[tilespmem:s16+$0x6100] =	vst v25;
	v20 =	vld.idx.msk [tilespmem:v26+s3+$0x0], $0xffff  }
0x278: {  	s12 =	simm.s32 $0x8;
	[tilespmem:s11+$0x6300] =	vst v23;
	v8 =	vadd.s32 $0xF00, v21;
	s17 =	simm.s32 $0x10E0;
	v7 =	vadd.s32 $0xE80, v21;
	v12 =	vadd.s32 $0xF80, v21;
	v21 =	vld.idx.msk [tilespmem:v27+s3+$0x0], $0xffff  }
.LBB2_9:
0x279: {  	v23 =	vld [tilespmem:s17+$0x10];
	s12 =	sadd.s32 $0x4, s12;
	[tilespmem:s4+$0x6300] =	vst v17  }
0x27a: {  	v17 =	vld [tilespmem:s17+$0xFFFFFFF0];
	p1 =	slt.u32 s12, $0x3C;
	[tilespmem:s13+$0x6180] =	vst v19  }
0x27b: {  	v19 =	vld.idx.msk [tilespmem:v22+s3+$0x0], $0xffff;
	[tilespmem:s6+$0x6380] =	vst v18;
	s6 =	smov.u32 s16  }
0x27c: {  	v18 =	vld [tilespmem:s17+$0x0];
	[tilespmem:s26+$0x6180] =	vst v15  }
0x27d: {  	v22 =	vld [tilespmem:s17+$0xFFFFFFE0];
	[tilespmem:s14+$0x6180] =	vst v20;
	v20 =	vadd.s32 $0xE80, v0  }
0x27e: {  	v24 =	vadd.s32 $0xC00, v23;
	[tilespmem:s6+$0x6180] =	vst v21;
	v21 =	vld.idx.msk [tilespmem:v11+s3+$0x0], $0xffff  }
0x27f: {  	v25 =	vadd.s32 $0xC00, v17;
	v26 =	vadd.s32 $0xC80, v17;
	v27 =	vadd.s32 $0xD00, v17;
	v28 =	vld.idx.msk [tilespmem:v14+s3+$0x0], $0xffff;
	[tilespmem:s0+$0x6380] =	vst v16;
	s0 =	smov.u32 s4;
	s4 =	smov.u32 s14  }
0x280: {  	v15 =	vadd.s32 $0xD80, v17;
	v11 =	vadd.s32 $0xE00, v17;
	v16 =	vadd.s32 $0xE80, v17;
	v29 =	vld.idx.msk [tilespmem:v13+s3+$0x0], $0xffff  }
0x281: {  	v30 =	vadd.s32 $0xC00, v18;
	v31 =	vadd.s32 $0xC80, v18;
	v32 =	vadd.s32 $0xD00, v18;
	[tilespmem:s13+$0x6200] =	vst v19;
	v19 =	vld.idx.msk [tilespmem:v2+s3+$0x0], $0xffff;
	v2 =	vmovc v12  }
0x282: {  	v12 =	vadd.s32 $0xC00, v22;
	v33 =	vadd.s32 $0xC80, v22;
	v34 =	vadd.s32 $0xD00, v22;
	v20 =	vld.idx.msk [tilespmem:v20+s3+$0x0], $0xffff  }
0x283: {  	v36 =	vadd.s32 $0xD80, v18;
	v35 =	vadd.s32 $0xD80, v22;
	v14 =	vadd.s32 $0xE00, v22;
	v24 =	vld.idx.msk [tilespmem:v24+s3+$0x0], $0xffff  }
0x284: {  	v13 =	vadd.s32 $0xE00, v18;
	v37 =	vadd.s32 $0xE80, v22;
	v25 =	vld.idx.msk [tilespmem:v25+s3+$0x0], $0xffff;
	[tilespmem:s26+$0x6200] =	vst v21;
	v21 =	vadd.s32 $0xF00, v0  }
0x285: {  	s28 =	sadd.s32 $0x200, s28;
	v40 =	vadd.s32 $0xC80, v23;
	v39 =	vadd.s32 $0xE80, v18;
	v38 =	vadd.s32 $0xF00, v22;
	[tilespmem:s6+$0x6200] =	vst v28;
	v28 =	vld.idx.msk [tilespmem:v7+s3+$0x0], $0xffff;
	v7 =	vmovc v16  }
0x286: {  	s29 =	sadd.s32 $0x40, s29;
	s14 =	sand.u32 $0x1C00, s28;
	v41 =	vadd.s32 $0xF00, v18;
	v22 =	vadd.s32 $0xF80, v22;
	v16 =	vadd.s32 $0xF00, v17;
	v30 =	vld.idx.msk [tilespmem:v30+s3+$0x0], $0xffff;
	[tilespmem:s4+$0x6200] =	vst v29  }
0x287: {  	s18 =	sand.u32 $0x70, s29;
	s16 =	sadd.s32 $0xFFFFFFD0, s29;
	s14 =	sadd.s32 $0x1800, s14;
	v18 =	vadd.s32 $0xF80, v18;
	v29 =	vld.idx.msk [tilespmem:v12+s3+$0x0], $0xffff;
	v12 =	vadd.s32 $0xF80, v17;
	[tilespmem:s11+$0x6380] =	vst v19  }
0x288: {  	s19 =	sadd.s32 $0xFFFFFFF0, s29;
	s18 =	sor.u32 s18, s14;
	s11 =	sadd.s32 $0xFFFFFFE0, s29;
	v17 =	vld.idx.msk [tilespmem:v9+s3+$0x0], $0xffff;
	[tilespmem:s13+$0x6280] =	vst v20;
	v9 =	vmov v37  }
0x289: {  	s19 =	sand.u32 $0x60, s19;
	s16 =	sand.u32 $0x40, s16;
	s11 =	sand.u32 $0x50, s11;
	[tilespmem:s18+$0x6000] =	vst v24;
	v19 =	vld.idx.msk [tilespmem:v21+s3+$0x0], $0xffff  }
0x28a: {  	s16 =	sor.u32 s16, s14;
	s20 =	sor.u32 s11, s14;
	s14 =	sor.u32 s19, s14;
	v20 =	vld.idx.msk [tilespmem:v40+s3+$0x0], $0xffff  }
0x28b: {  	v24 =	vadd.s32 $0xF80, v0;
	v0 =	vmov v23;
	s11 =	smov.u32 s26;
	s26 =	smov.u32 s20;
	[tilespmem:s20+$0x6000] =	vst v25;
	v21 =	vld.idx.msk [tilespmem:v10+s3+$0x0], $0xffff;
	v10 =	vmov v39  }
0x28c: {  	v25 =	vadd.s32 $0xD00, v0;
	v23 =	vld.idx.msk [tilespmem:v26+s3+$0x0], $0xffff;
	[tilespmem:s14+$0x6000] =	vst v30  }
0x28d: {  	[tilespmem:s16+$0x6000] =	vst v29;
	v26 =	vld.idx.msk [tilespmem:v31+s3+$0x0], $0xffff  }
0x28e: {  	v29 =	vld.idx.msk [tilespmem:v33+s3+$0x0], $0xffff;
	[tilespmem:s6+$0x6280] =	vst v17  }
0x28f: {  	v30 =	vld.idx.msk [tilespmem:v5+s3+$0x0], $0xffff;
	[tilespmem:s13+$0x6300] =	vst v19;
	v5 =	vmov v38  }
0x290: {  	[tilespmem:s18+$0x6080] =	vst v20;
	v19 =	vld.idx.msk [tilespmem:v24+s3+$0x0], $0xffff  }
0x291: {  	v20 =	vld.idx.msk [tilespmem:v25+s3+$0x0], $0xffff;
	[tilespmem:s11+$0x6280] =	vst v28  }
0x292: {  	[tilespmem:s26+$0x6080] =	vst v23;
	v23 =	vld.idx.msk [tilespmem:v8+s3+$0x0], $0xffff;
	v8 =	vmov v16  }
0x293: {  	v25 =	vadd.s32 $0xD80, v0;
	v24 =	vld.idx.msk [tilespmem:v27+s3+$0x0], $0xffff;
	[tilespmem:s14+$0x6080] =	vst v26  }
0x294: {  	[tilespmem:s16+$0x6080] =	vst v29;
	v26 =	vld.idx.msk [tilespmem:v32+s3+$0x0], $0xffff  }
0x295: {  	v27 =	vld.idx.msk [tilespmem:v34+s3+$0x0], $0xffff;
	[tilespmem:s4+$0x6280] =	vst v21  }
0x296: {  	v17 =	vld.idx.msk [tilespmem:v6+s3+$0x0], $0xffff;
	[tilespmem:s13+$0x6380] =	vst v19;
	v6 =	vmov v41;
	s13 =	smov.u32 s18  }
0x297: {  	[tilespmem:s13+$0x6100] =	vst v20;
	v16 =	vld.idx.msk [tilespmem:v1+s3+$0x0], $0xffff;
	v1 =	vmov v4;
	v4 =	vmov v18  }
.Ltmp3:
0x298: {  	v19 =	vld.idx.msk [tilespmem:v25+s3+$0x0], $0xffff;
	[tilespmem:s6+$0x6300] =	vst v30;
	(pc) =	sbr.rel @p1 .LBB2_9-.Ltmp3, $4  }
0x299: {  	[tilespmem:s26+$0x6100] =	vst v24;
	v18 =	vld.idx.msk [tilespmem:v3+s3+$0x0], $0xffff;
	v3 =	vmov v22  }
0x29a: {  	v22 =	vadd.s32 $0xE00, v0;
	v15 =	vld.idx.msk [tilespmem:v15+s3+$0x0], $0xffff;
	[tilespmem:s14+$0x6100] =	vst v26  }
0x29b: {  	[tilespmem:s16+$0x6100] =	vst v27;
	v20 =	vld.idx.msk [tilespmem:v36+s3+$0x0], $0xffff  }
0x29c: {  	s17 =	sadd.s32 $0x40, s17;
	v21 =	vld.idx.msk [tilespmem:v35+s3+$0x0], $0xffff;
	[tilespmem:s11+$0x6300] =	vst v23  }
0x29d: {  	_ =	sdelay $0x2  }
0x29e: {  	[tilespmem:s13+$0x6180] =	vst v19  }
0x29f: {  	v19 =	vld.idx.msk [tilespmem:v22+s3+$0x0], $0xffff;
	[tilespmem:s26+$0x6180] =	vst v15  }
0x2a0: {  	[tilespmem:s14+$0x6180] =	vst v20;
	v11 =	vld.idx.msk [tilespmem:v11+s3+$0x0], $0xffff  }
0x2a1: {  	[tilespmem:s16+$0x6180] =	vst v21;
	v21 =	vadd.s32 $0xE80, v0;
	v13 =	vld.idx.msk [tilespmem:v13+s3+$0x0], $0xffff  }
0x2a2: {  	v14 =	vld.idx.msk [tilespmem:v14+s3+$0x0], $0xffff;
	_ =	sdelay $0x1  }
0x2a3: {  	[tilespmem:s13+$0x6200] =	vst v19  }
0x2a4: {  	[tilespmem:s26+$0x6200] =	vst v11  }
0x2a5: {  	v15 =	vld.idx.msk [tilespmem:v21+s3+$0x0], $0xffff;
	[tilespmem:s14+$0x6200] =	vst v13  }
0x2a6: {  	v7 =	vld.idx.msk [tilespmem:v7+s3+$0x0], $0xffff;
	[tilespmem:s16+$0x6200] =	vst v14;
	v14 =	vadd.s32 $0xF00, v0  }
0x2a7: {  	v10 =	vld.idx.msk [tilespmem:v10+s3+$0x0], $0xffff  }
0x2a8: {  	v9 =	vld.idx.msk [tilespmem:v9+s3+$0x0], $0xffff;
	_ =	sdelay $0x1  }
0x2a9: {  	[tilespmem:s13+$0x6280] =	vst v15  }
0x2aa: {  	[tilespmem:s26+$0x6280] =	vst v7;
	v11 =	vld.idx.msk [tilespmem:v14+s3+$0x0], $0xffff  }
0x2ab: {  	v7 =	vld.idx.msk [tilespmem:v8+s3+$0x0], $0xffff;
	[tilespmem:s14+$0x6280] =	vst v10  }
0x2ac: {  	v0 =	vadd.s32 $0xF80, v0;
	[tilespmem:s16+$0x6280] =	vst v9;
	v6 =	vld.idx.msk [tilespmem:v6+s3+$0x0], $0xffff  }
0x2ad: {  	[tilespmem:s4+$0x6300] =	vst v17;
	v5 =	vld.idx.msk [tilespmem:v5+s3+$0x0], $0xffff  }
0x2ae: {  	v2 =	vld.idx.msk [tilespmem:v2+s3+$0x0], $0xffff;
	[tilespmem:s0+$0x6380] =	vst v16  }
0x2af: {  	[tilespmem:s13+$0x6300] =	vst v11  }
0x2b0: {  	v1 =	vld.idx.msk [tilespmem:v1+s3+$0x0], $0xffff;
	[tilespmem:s26+$0x6300] =	vst v7  }
0x2b1: {  	v0 =	vld.idx.msk [tilespmem:v0+s3+$0x0], $0xffff;
	[tilespmem:s14+$0x6300] =	vst v6  }
0x2b2: {  	[tilespmem:s16+$0x6300] =	vst v5;
	v5 =	vld.idx.msk [tilespmem:v12+s3+$0x0], $0xffff  }
0x2b3: {  	[tilespmem:s11+$0x6380] =	vst v2;
	v2 =	vld.idx.msk [tilespmem:v4+s3+$0x0], $0xffff  }
0x2b4: {  	[tilespmem:s6+$0x6380] =	vst v18;
	v3 =	vld.idx.msk [tilespmem:v3+s3+$0x0], $0xffff  }
0x2b5: {  	[tilespmem:s4+$0x6380] =	vst v1  }
0x2b6: {  	[tilespmem:s13+$0x6380] =	vst v0  }
0x2b7: {  	[tilespmem:s26+$0x6380] =	vst v5  }
0x2b8: {  	[tilespmem:s14+$0x6380] =	vst v2  }
0x2b9: {  	s14 =	sadd.s32 s1, s10;
	[tilespmem:s16+$0x6380] =	vst v3;
	s16 =	simm.s32 $0x7800  }
0x2ba: {  	[hbm4b:s14+s3] =	stream.linear.scatter [tilespmem:s16], [sflag:$0x3], $0x2000, $0x38;
	[tilespmem:$0x11800] =	vst v63  }
0x2bb: {  	_ =	swait.ge [sflag:s21], $0x400  }
0x2bc: {  	[sflag:s21] =	ssyncset.done $0x0  }
0x2bd: {  	s0 =	simm.s32 @!p0 $0x4;
	[sflag:s21] =	ssyncadd.s32 $0xFFFFFC00  }
0x2be: {  	_ =	swait.ge @!p0 [sflag:s0], $0x2000  }
0x2bf: {  	[sflag:s0] =	ssyncset.done @!p0 $0x0  }
0x2c0: {  	[sflag:s0] =	ssyncadd.s32 @!p0 $0xFFFFE000  }
0x2c1: {  	_ =	swait.ge @!p0 [sflag:s0], $0x2000  }
0x2c2: {  	[sflag:s0] =	ssyncset.done @!p0 $0x0  }
0x2c3: {  	[sflag:s0] =	ssyncadd.s32 @!p0 $0xFFFFE000  }
0x2c4: {  	_ =	swait.ge @!p0 [sflag:s0], $0x2000  }
0x2c5: {  	[sflag:s0] =	ssyncset.done @!p0 $0x0  }
0x2c6: {  	[sflag:s0] =	ssyncadd.s32 @!p0 $0xFFFFE000  }
0x2c7: {  	p1 =	seq.s32 @!p0 s30, $0x31;
	_ =	swait.ge @!p0 [sflag:s0], $0x2000  }
0x2c8: {  	p1 =	por p0, !p1;
	[sflag:s0] =	ssyncset.done @!p0 $0x0  }
0x2c9: {  	[sflag:s0] =	ssyncadd.s32 @!p0 $0xFFFFE000;
	s0 =	rddreg @p1 [dreg:$0x6]  }
0x2ca: {  	s17 =	simm.s32 $0x1420;
	s4 =	simm.s32 @p1 $0x1000;
	s0 =	sadd.s32 @p1 s0, s31  }
0x2cb: {  	[tilespmem:s4], [sflag:$0x1] =	stream.linear.gather @p1 [hbm4b:s0+s3], $0x400, $0x38;
	[tilespmem:$0x11800] =	vst v63  }
0x2cc: {  	v7 =	vld [tilespmem:s17+$0x10]  }
0x2cd: {  	v6 =	vld [tilespmem:s17+$0xFFFFFFE0]  }
0x2ce: {  	v0 =	vld [tilespmem:s17+$0xFFFFFFF0]  }
0x2cf: {  	v1 =	vld [tilespmem:s17+$0x0];
	_ =	sdelay $0x4  }
0x2d0: {  	v2 =	vld.idx.msk [tilespmem:v7+s3+$0x0], $0xffff  }
0x2d1: {  	s18 =	simm.s32 $0x0;
	v3 =	vadd.s32 $0x80, v7;
	v8 =	vld.idx.msk [tilespmem:v6+s3+$0x0], $0xffff  }
0x2d2: {  	s19 =	simm.s32 $0x30;
	s0 =	sand.u32 $0x1C00, s18;
	v9 =	vadd.s32 $0x80, v6;
	v4 =	vld.idx.msk [tilespmem:v0+s3+$0x0], $0xffff  }
0x2d3: {  	s26 =	simm.s32 $0x0;
	s4 =	sand.u32 $0x70, s19;
	s0 =	sadd.s32 $0x9800, s0;
	v5 =	vadd.s32 $0x80, v0;
	v10 =	vld.idx.msk [tilespmem:v1+s3+$0x0], $0xffff  }
0x2d4: {  	s20 =	simm.s32 $0x10;
	s13 =	sor.u32 s4, s0;
	s4 =	sand.u32 $0x40, s26;
	v11 =	vadd.s32 $0x80, v1  }
0x2d5: {  	s6 =	sand.u32 $0x50, s20;
	s31 =	simm.s32 $0x20;
	s14 =	sor.u32 s4, s0;
	[tilespmem:s13+$0x0] =	vst v2  }
0x2d6: {  	s11 =	sand.u32 $0x60, s31;
	s12 =	sor.u32 s6, s0;
	[tilespmem:s14+$0x0] =	vst v8;
	v2 =	vld.idx.msk [tilespmem:v3+s3+$0x0], $0xffff  }
0x2d7: {  	s0 =	sor.u32 s11, s0;
	[tilespmem:s12+$0x0] =	vst v4;
	v3 =	vadd.s32 $0x100, v7;
	v8 =	vld.idx.msk [tilespmem:v9+s3+$0x0], $0xffff  }
0x2d8: {  	[tilespmem:s0+$0x0] =	vst v10;
	v4 =	vld.idx.msk [tilespmem:v5+s3+$0x0], $0xffff;
	v9 =	vadd.s32 $0x100, v6  }
0x2d9: {  	v5 =	vadd.s32 $0x100, v0;
	v10 =	vld.idx.msk [tilespmem:v11+s3+$0x0], $0xffff  }
0x2da: {  	v11 =	vadd.s32 $0x100, v1  }
0x2db: {  	[tilespmem:s13+$0x80] =	vst v2  }
0x2dc: {  	[tilespmem:s14+$0x80] =	vst v8;
	v2 =	vld.idx.msk [tilespmem:v3+s3+$0x0], $0xffff  }
0x2dd: {  	[tilespmem:s12+$0x80] =	vst v4;
	v3 =	vadd.s32 $0x180, v7;
	v8 =	vld.idx.msk [tilespmem:v9+s3+$0x0], $0xffff  }
0x2de: {  	[tilespmem:s0+$0x80] =	vst v10;
	v4 =	vld.idx.msk [tilespmem:v5+s3+$0x0], $0xffff;
	v9 =	vadd.s32 $0x180, v6  }
0x2df: {  	v5 =	vadd.s32 $0x180, v0;
	v10 =	vld.idx.msk [tilespmem:v11+s3+$0x0], $0xffff  }
0x2e0: {  	s31 =	simm.s32 $0x14A0;
	v11 =	vadd.s32 $0x180, v1  }
0x2e1: {  	v21 =	vld [tilespmem:s31+$0xFFFFFFF0];
	[tilespmem:s13+$0x100] =	vst v2  }
0x2e2: {  	[tilespmem:s14+$0x100] =	vst v8;
	v2 =	vld.idx.msk [tilespmem:v3+s3+$0x0], $0xffff  }
0x2e3: {  	[tilespmem:s12+$0x100] =	vst v4;
	v4 =	vld.idx.msk [tilespmem:v9+s3+$0x0], $0xffff  }
0x2e4: {  	[tilespmem:s0+$0x100] =	vst v10;
	v3 =	vadd.s32 $0x200, v7;
	v8 =	vld.idx.msk [tilespmem:v5+s3+$0x0], $0xffff  }
0x2e5: {  	s16 =	simm.s32 $0x1460;
	v9 =	vld.idx.msk [tilespmem:v11+s3+$0x0], $0xffff  }
0x2e6: {  	v10 =	vadd.s32 $0x200, v6;
	v5 =	vld [tilespmem:s16+$0x10]  }
0x2e7: {  	v11 =	vadd.s32 $0x200, v0;
	[tilespmem:s13+$0x180] =	vst v2;
	v2 =	vld [tilespmem:s16+$0x0]  }
0x2e8: {  	v13 =	vadd.s32 $0x200, v1;
	[tilespmem:s14+$0x180] =	vst v4;
	v4 =	vld [tilespmem:s16+$0xFFFFFFE0]  }
0x2e9: {  	v12 =	vld.idx.msk [tilespmem:v3+s3+$0x0], $0xffff  }
0x2ea: {  	v14 =	vadd.s32 $0x280, v7;
	v3 =	vld [tilespmem:s16+$0xFFFFFFF0]  }
0x2eb: {  	[tilespmem:s12+$0x180] =	vst v8;
	v8 =	vld.idx.msk [tilespmem:v10+s3+$0x0], $0xffff  }
0x2ec: {  	[tilespmem:s0+$0x180] =	vst v9;
	v9 =	vld.idx.msk [tilespmem:v11+s3+$0x0], $0xffff;
	v11 =	vadd.s32 $0x280, v6  }
0x2ed: {  	v10 =	vld.idx.msk [tilespmem:v13+s3+$0x0], $0xffff;
	v13 =	vadd.s32 $0x280, v0  }
0x2ee: {  	v22 =	vld [tilespmem:s31+$0x0];
	[tilespmem:s13+$0x200] =	vst v12  }
0x2ef: {  	v12 =	vld.idx.msk [tilespmem:v14+s3+$0x0], $0xffff  }
0x2f0: {  	[tilespmem:s14+$0x200] =	vst v8;
	v14 =	vld.idx.msk [tilespmem:v5+s3+$0x0], $0xffff  }
0x2f1: {  	v16 =	vadd.s32 $0x300, v7;
	[tilespmem:s12+$0x200] =	vst v9;
	v9 =	vld.idx.msk [tilespmem:v11+s3+$0x0], $0xffff  }
0x2f2: {  	s17 =	simm.s32 $0x200;
	v18 =	vadd.s32 $0x80, v5;
	v13 =	vld.idx.msk [tilespmem:v13+s3+$0x0], $0xffff  }
0x2f3: {  	s18 =	simm.s32 $0x70;
	s4 =	sand.u32 $0x1C00, s17;
	v19 =	vadd.s32 $0x280, v1;
	v15 =	vld.idx.msk [tilespmem:v3+s3+$0x0], $0xffff  }
0x2f4: {  	s6 =	sand.u32 $0x70, s18;
	s4 =	sadd.s32 $0x9800, s4;
	v20 =	vadd.s32 $0x80, v3;
	[tilespmem:s0+$0x200] =	vst v10;
	v8 =	vld.idx.msk [tilespmem:v4+s3+$0x0], $0xffff  }
0x2f5: {  	s19 =	simm.s32 $0x50;
	s17 =	sor.u32 s6, s4;
	v11 =	vadd.s32 $0x80, v4;
	v17 =	vld.idx.msk [tilespmem:v2+s3+$0x0], $0xffff;
	[tilespmem:s13+$0x280] =	vst v12  }
0x2f6: {  	s20 =	simm.s32 $0x40;
	s11 =	sand.u32 $0x50, s19;
	v12 =	vadd.s32 $0x80, v2;
	[tilespmem:s17+$0x0] =	vst v14;
	v14 =	vld.idx.msk [tilespmem:v16+s3+$0x0], $0xffff  }
0x2f7: {  	s26 =	simm.s32 $0x60;
	s18 =	sand.u32 $0x40, s20;
	s6 =	sor.u32 s11, s4;
	[tilespmem:s14+$0x280] =	vst v9;
	v16 =	vadd.s32 $0x300, v6;
	v10 =	vld.idx.msk [tilespmem:v18+s3+$0x0], $0xffff  }
0x2f8: {  	s11 =	sor.u32 s18, s4;
	s16 =	sand.u32 $0x60, s26;
	v18 =	vadd.s32 $0x100, v5;
	[tilespmem:s6+$0x0] =	vst v15;
	v15 =	vld.idx.msk [tilespmem:v19+s3+$0x0], $0xffff  }
0x2f9: {  	s4 =	sor.u32 s16, s4;
	[tilespmem:s11+$0x0] =	vst v8;
	v19 =	vadd.s32 $0x300, v0;
	v8 =	vld.idx.msk [tilespmem:v20+s3+$0x0], $0xffff  }
0x2fa: {  	v7 =	vadd.s32 $0x380, v7;
	[tilespmem:s4+$0x0] =	vst v17;
	v11 =	vld.idx.msk [tilespmem:v11+s3+$0x0], $0xffff  }
0x2fb: {  	[tilespmem:s12+$0x280] =	vst v13;
	v17 =	vadd.s32 $0x100, v3;
	v12 =	vld.idx.msk [tilespmem:v12+s3+$0x0], $0xffff  }
0x2fc: {  	v9 =	vadd.s32 $0x100, v4;
	v16 =	vld.idx.msk [tilespmem:v16+s3+$0x0], $0xffff;
	[tilespmem:s17+$0x80] =	vst v10  }
0x2fd: {  	[tilespmem:s13+$0x300] =	vst v14;
	v14 =	vadd.s32 $0x100, v2;
	v18 =	vld.idx.msk [tilespmem:v18+s3+$0x0], $0xffff  }
0x2fe: {  	v13 =	vadd.s32 $0x180, v5;
	[tilespmem:s6+$0x80] =	vst v8;
	v8 =	vld.idx.msk [tilespmem:v19+s3+$0x0], $0xffff  }
0x2ff: {  	v0 =	vadd.s32 $0x380, v0;
	v7 =	vld.idx.msk [tilespmem:v7+s3+$0x0], $0xffff;
	[tilespmem:s11+$0x80] =	vst v11  }
0x300: {  	[tilespmem:s0+$0x280] =	vst v15;
	v11 =	vld.idx.msk [tilespmem:v17+s3+$0x0], $0xffff  }
0x301: {  	v9 =	vld.idx.msk [tilespmem:v9+s3+$0x0], $0xffff;
	v17 =	vadd.s32 $0x180, v3;
	[tilespmem:s4+$0x80] =	vst v12  }
0x302: {  	v12 =	vadd.s32 $0x180, v4;
	v14 =	vld.idx.msk [tilespmem:v14+s3+$0x0], $0xffff;
	[tilespmem:s17+$0x100] =	vst v18  }
0x303: {  	v15 =	vadd.s32 $0x180, v2;
	v13 =	vld.idx.msk [tilespmem:v13+s3+$0x0], $0xffff;
	[tilespmem:s12+$0x300] =	vst v8  }
0x304: {  	v10 =	vadd.s32 $0x300, v1;
	v8 =	vld.idx.msk [tilespmem:v0+s3+$0x0], $0xffff  }
0x305: {  	[tilespmem:s6+$0x100] =	vst v11;
	v0 =	vld [tilespmem:s31+$0x10]  }
0x306: {  	v6 =	vadd.s32 $0x380, v6;
	[tilespmem:s11+$0x100] =	vst v9;
	v9 =	vld.idx.msk [tilespmem:v17+s3+$0x0], $0xffff  }
0x307: {  	v11 =	vadd.s32 $0x200, v5;
	v12 =	vld.idx.msk [tilespmem:v12+s3+$0x0], $0xffff;
	[tilespmem:s4+$0x100] =	vst v14  }
0x308: {  	v14 =	vld.idx.msk [tilespmem:v15+s3+$0x0], $0xffff;
	v15 =	vadd.s32 $0x200, v4  }
0x309: {  	v10 =	vld.idx.msk [tilespmem:v10+s3+$0x0], $0xffff;
	[tilespmem:s14+$0x300] =	vst v16  }
0x30a: {  	v19 =	vld [tilespmem:s31+$0xFFFFFFE0];
	[tilespmem:s17+$0x180] =	vst v13;
	v13 =	vadd.s32 $0x200, v3  }
0x30b: {  	v16 =	vadd.s32 $0x200, v2;
	v6 =	vld.idx.msk [tilespmem:v6+s3+$0x0], $0xffff;
	[tilespmem:s13+$0x380] =	vst v7  }
0x30c: {  	v11 =	vld.idx.msk [tilespmem:v11+s3+$0x0], $0xffff;
	[tilespmem:s11+$0x180] =	vst v12  }
0x30d: {  	[tilespmem:s6+$0x180] =	vst v9;
	v9 =	vld.idx.msk [tilespmem:v15+s3+$0x0], $0xffff  }
0x30e: {  	v17 =	vadd.s32 $0x280, v5;
	[tilespmem:s0+$0x300] =	vst v10;
	v10 =	vld.idx.msk [tilespmem:v0+s3+$0x0], $0xffff  }
0x30f: {  	[tilespmem:s4+$0x180] =	vst v14;
	v12 =	vld.idx.msk [tilespmem:v13+s3+$0x0], $0xffff  }
0x310: {  	s26 =	simm.s32 $0x400;
	[tilespmem:s14+$0x380] =	vst v6;
	v13 =	vld.idx.msk [tilespmem:v16+s3+$0x0], $0xffff;
	v16 =	vadd.s32 $0x80, v0  }
0x311: {  	s28 =	simm.s32 $0xB0;
	s16 =	sand.u32 $0x1C00, s26;
	v6 =	vld.idx.msk [tilespmem:v21+s3+$0x0], $0xffff;
	[tilespmem:s17+$0x200] =	vst v11;
	v11 =	vadd.s32 $0x280, v4  }
0x312: {  	s18 =	sand.u32 $0x70, s28;
	[tilespmem:s12+$0x380] =	vst v8;
	v8 =	vld.idx.msk [tilespmem:v22+s3+$0x0], $0xffff;
	s12 =	sadd.s32 $0x9800, s16;
	v14 =	vadd.s32 $0x280, v3  }
0x313: {  	s13 =	sor.u32 s18, s12;
	v7 =	vld.idx.msk [tilespmem:v17+s3+$0x0], $0xffff;
	v17 =	vadd.s32 $0x280, v2;
	[tilespmem:s11+$0x200] =	vst v9  }
0x314: {  	s19 =	simm.s32 $0x90;
	v15 =	vadd.s32 $0x300, v5;
	v9 =	vld.idx.msk [tilespmem:v19+s3+$0x0], $0xffff;
	[tilespmem:s13+$0x0] =	vst v10  }
0x315: {  	v18 =	vadd.s32 $0x80, v21;
	s14 =	sand.u32 $0x50, s19;
	[tilespmem:s4+$0x200] =	vst v13;
	v13 =	vld.idx.msk [tilespmem:v16+s3+$0x0], $0xffff  }
0x316: {  	s14 =	sor.u32 s14, s12;
	[tilespmem:s6+$0x200] =	vst v12;
	v12 =	vadd.s32 $0x80, v19;
	v11 =	vld.idx.msk [tilespmem:v11+s3+$0x0], $0xffff  }
0x317: {  	s20 =	simm.s32 $0x80;
	[tilespmem:s14+$0x0] =	vst v6;
	v16 =	vadd.s32 $0x100, v0;
	v14 =	vld.idx.msk [tilespmem:v14+s3+$0x0], $0xffff  }
0x318: {  	v1 =	vadd.s32 $0x380, v1;
	s16 =	sand.u32 $0x40, s20;
	[tilespmem:s17+$0x280] =	vst v7;
	v6 =	vld.idx.msk [tilespmem:v17+s3+$0x0], $0xffff  }
0x319: {  	s31 =	simm.s32 $0xA0;
	s16 =	sor.u32 s16, s12;
	v7 =	vadd.s32 $0x80, v22;
	v10 =	vld.idx.msk [tilespmem:v15+s3+$0x0], $0xffff  }
0x31a: {  	s18 =	sand.u32 $0x60, s31;
	v17 =	vadd.s32 $0x300, v3;
	[tilespmem:s16+$0x0] =	vst v9;
	v9 =	vld.idx.msk [tilespmem:v18+s3+$0x0], $0xffff  }
0x31b: {  	s29 =	sor.u32 s18, s12;
	v15 =	vadd.s32 $0x300, v4;
	v12 =	vld.idx.msk [tilespmem:v12+s3+$0x0], $0xffff;
	[tilespmem:s13+$0x80] =	vst v13  }
0x31c: {  	v5 =	vadd.s32 $0x380, v5;
	[tilespmem:s29+$0x0] =	vst v8;
	v16 =	vld.idx.msk [tilespmem:v16+s3+$0x0], $0xffff  }
0x31d: {  	v8 =	vadd.s32 $0x100, v21;
	[tilespmem:s6+$0x280] =	vst v14;
	v14 =	vld.idx.msk [tilespmem:v1+s3+$0x0], $0xffff  }
0x31e: {  	[tilespmem:s11+$0x280] =	vst v11;
	v11 =	vadd.s32 $0x100, v19;
	v7 =	vld.idx.msk [tilespmem:v7+s3+$0x0], $0xffff  }
0x31f: {  	v13 =	vadd.s32 $0x300, v2;
	v23 =	vld.idx.msk [tilespmem:v17+s3+$0x0], $0xffff;
	[tilespmem:s4+$0x280] =	vst v6  }
0x320: {  	v15 =	vld.idx.msk [tilespmem:v15+s3+$0x0], $0xffff;
	[tilespmem:s17+$0x300] =	vst v10;
	v10 =	vadd.s32 $0x100, v22  }
0x321: {  	v5 =	vld.idx.msk [tilespmem:v5+s3+$0x0], $0xffff;
	[tilespmem:s14+$0x80] =	vst v9;
	v9 =	vadd.s32 $0x180, v0  }
0x322: {  	v4 =	vadd.s32 $0x380, v4;
	[tilespmem:s16+$0x80] =	vst v12;
	v8 =	vld.idx.msk [tilespmem:v8+s3+$0x0], $0xffff  }
0x323: {  	v18 =	vld.idx.msk [tilespmem:v11+s3+$0x0], $0xffff;
	[tilespmem:s29+$0x80] =	vst v7;
	v7 =	vadd.s32 $0x180, v21  }
0x324: {  	v25 =	vld.idx.msk [tilespmem:v13+s3+$0x0], $0xffff;
	[tilespmem:s13+$0x100] =	vst v16;
	v16 =	vadd.s32 $0x380, v3  }
0x325: {  	v6 =	vadd.s32 $0x180, v19;
	[tilespmem:s6+$0x300] =	vst v23;
	v24 =	vld.idx.msk [tilespmem:v10+s3+$0x0], $0xffff  }
0x326: {  	v26 =	vadd.s32 $0x180, v22;
	[tilespmem:s11+$0x300] =	vst v15;
	v17 =	vld.idx.msk [tilespmem:v9+s3+$0x0], $0xffff  }
0x327: {  	v13 =	vadd.s32 $0x200, v21;
	v15 =	vld.idx.msk [tilespmem:v4+s3+$0x0], $0xffff;
	v9 =	vadd.s32 $0x280, v21;
	[tilespmem:s14+$0x100] =	vst v8  }
0x328: {  	v4 =	vadd.s32 $0x380, v21;
	[tilespmem:s16+$0x100] =	vst v18;
	v18 =	vld.idx.msk [tilespmem:v7+s3+$0x0], $0xffff;
	v7 =	vadd.s32 $0x300, v21;
	v21 =	vadd.s32 $0x200, v0  }
0x329: {  	v1 =	vadd.s32 $0x380, v2;
	v2 =	vadd.s32 $0x380, v22;
	v12 =	vadd.s32 $0x200, v19;
	[tilespmem:s17+$0x380] =	vst v5;
	v16 =	vld.idx.msk [tilespmem:v16+s3+$0x0], $0xffff  }
0x32a: {  	v11 =	vadd.s32 $0x200, v22;
	v3 =	vadd.s32 $0x380, v19;
	v10 =	vadd.s32 $0x280, v22;
	v20 =	vld.idx.msk [tilespmem:v6+s3+$0x0], $0xffff;
	[tilespmem:s29+$0x100] =	vst v24  }
0x32b: {  	s12 =	simm.s32 $0x8;
	v5 =	vadd.s32 $0x300, v19;
	s17 =	simm.s32 $0x14E0;
	v8 =	vadd.s32 $0x280, v19;
	[tilespmem:s4+$0x300] =	vst v25;
	v6 =	vadd.s32 $0x300, v22;
	v19 =	vld.idx.msk [tilespmem:v26+s3+$0x0], $0xffff  }
.LBB2_11:
0x32c: {  	v22 =	vld [tilespmem:s17+$0x10];
	[tilespmem:s13+$0x180] =	vst v17  }
0x32d: {  	s12 =	sadd.s32 $0x4, s12;
	v17 =	vld.idx.msk [tilespmem:v21+s3+$0x0], $0xffff;
	[tilespmem:s11+$0x380] =	vst v15;
	s11 =	smov.u32 s16  }
0x32e: {  	p0 =	slt.u32 s12, $0x3C;
	v15 =	vld [tilespmem:s17+$0xFFFFFFF0];
	[tilespmem:s14+$0x180] =	vst v18  }
0x32f: {  	v18 =	vld [tilespmem:s17+$0x0];
	[tilespmem:s11+$0x180] =	vst v20;
	v20 =	vadd.s32 $0x280, v0  }
0x330: {  	v21 =	vld [tilespmem:s17+$0xFFFFFFE0];
	[tilespmem:s29+$0x180] =	vst v19  }
0x331: {  	v19 =	vld.idx.msk [tilespmem:v12+s3+$0x0], $0xffff;
	[tilespmem:s6+$0x380] =	vst v16;
	s6 =	smov.u32 s14  }
0x332: {  	v16 =	vld.idx.msk [tilespmem:v13+s3+$0x0], $0xffff;
	[tilespmem:s0+$0x380] =	vst v14;
	s0 =	smov.u32 s4;
	s4 =	smov.u32 s29  }
0x333: {  	v14 =	vadd.s32 $0x80, v15;
	v23 =	vadd.s32 $0x100, v15;
	v24 =	vadd.s32 $0x180, v15;
	v25 =	vld.idx.msk [tilespmem:v11+s3+$0x0], $0xffff;
	[tilespmem:s13+$0x200] =	vst v17  }
0x334: {  	v17 =	vadd.s32 $0x80, v18;
	v26 =	vadd.s32 $0x100, v18;
	v27 =	vadd.s32 $0x180, v18;
	v20 =	vld.idx.msk [tilespmem:v20+s3+$0x0], $0xffff  }
0x335: {  	v28 =	vadd.s32 $0x80, v21;
	v29 =	vadd.s32 $0x100, v21;
	v30 =	vadd.s32 $0x180, v21;
	v31 =	vld.idx.msk [tilespmem:v22+s3+$0x0], $0xffff  }
0x336: {  	v33 =	vadd.s32 $0x300, v0;
	v13 =	vadd.s32 $0x200, v15;
	v12 =	vadd.s32 $0x200, v21;
	v32 =	vld.idx.msk [tilespmem:v15+s3+$0x0], $0xffff  }
0x337: {  	s26 =	sadd.s32 $0x200, s26;
	v36 =	vadd.s32 $0x80, v22;
	v11 =	vadd.s32 $0x200, v18;
	v34 =	vadd.s32 $0x280, v21;
	v35 =	vld.idx.msk [tilespmem:v18+s3+$0x0], $0xffff;
	[tilespmem:s11+$0x200] =	vst v19  }
0x338: {  	s28 =	sadd.s32 $0x40, s28;
	s14 =	sand.u32 $0x1C00, s26;
	v38 =	vadd.s32 $0x280, v15;
	v39 =	vadd.s32 $0x280, v18;
	v37 =	vadd.s32 $0x300, v21;
	v19 =	vld.idx.msk [tilespmem:v21+s3+$0x0], $0xffff;
	[tilespmem:s6+$0x200] =	vst v16  }
0x339: {  	s16 =	sadd.s32 $0xFFFFFFD0, s28;
	s18 =	sadd.s32 $0x9800, s14;
	s14 =	sand.u32 $0x70, s28;
	v40 =	vadd.s32 $0x300, v18;
	v16 =	vadd.s32 $0x380, v21;
	v21 =	vadd.s32 $0x300, v15;
	v41 =	vld.idx.msk [tilespmem:v8+s3+$0x0], $0xffff;
	[tilespmem:s4+$0x200] =	vst v25;
	v8 =	vmovc v34  }
0x33a: {  	s19 =	sadd.s32 $0xFFFFFFE0, s28;
	s20 =	sadd.s32 $0xFFFFFFF0, s28;
	s31 =	sor.u32 s14, s18;
	v25 =	vadd.s32 $0x380, v15;
	v15 =	vadd.s32 $0x380, v18;
	v18 =	vld.idx.msk [tilespmem:v9+s3+$0x0], $0xffff;
	[tilespmem:s13+$0x280] =	vst v20;
	v9 =	vmov v38  }
0x33b: {  	s19 =	sand.u32 $0x50, s19;
	s20 =	sand.u32 $0x60, s20;
	s14 =	sand.u32 $0x40, s16;
	[tilespmem:s31+$0x0] =	vst v31;
	v20 =	vld.idx.msk [tilespmem:v33+s3+$0x0], $0xffff  }
0x33c: {  	s29 =	sor.u32 s20, s18;
	s16 =	sor.u32 s14, s18;
	s14 =	sor.u32 s19, s18;
	v31 =	vld.idx.msk [tilespmem:v36+s3+$0x0], $0xffff  }
0x33d: {  	v33 =	vadd.s32 $0x380, v0;
	v0 =	vmov v22;
	[tilespmem:s14+$0x0] =	vst v32;
	v32 =	vld.idx.msk [tilespmem:v10+s3+$0x0], $0xffff;
	v10 =	vmov v39  }
0x33e: {  	[tilespmem:s16+$0x0] =	vst v19;
	v14 =	vld.idx.msk [tilespmem:v14+s3+$0x0], $0xffff;
	v19 =	vadd.s32 $0x100, v0  }
0x33f: {  	v22 =	vld.idx.msk [tilespmem:v28+s3+$0x0], $0xffff;
	[tilespmem:s29+$0x0] =	vst v35  }
0x340: {  	v17 =	vld.idx.msk [tilespmem:v17+s3+$0x0], $0xffff;
	[tilespmem:s11+$0x280] =	vst v41  }
0x341: {  	v28 =	vld.idx.msk [tilespmem:v5+s3+$0x0], $0xffff;
	[tilespmem:s13+$0x300] =	vst v20;
	v5 =	vmov v37  }
0x342: {  	[tilespmem:s31+$0x80] =	vst v31;
	v20 =	vld.idx.msk [tilespmem:v33+s3+$0x0], $0xffff  }
0x343: {  	v19 =	vld.idx.msk [tilespmem:v19+s3+$0x0], $0xffff;
	[tilespmem:s6+$0x280] =	vst v18  }
0x344: {  	[tilespmem:s14+$0x80] =	vst v14;
	v31 =	vld.idx.msk [tilespmem:v7+s3+$0x0], $0xffff;
	v7 =	vmov v21  }
0x345: {  	v21 =	vadd.s32 $0x180, v0;
	[tilespmem:s16+$0x80] =	vst v22;
	v18 =	vld.idx.msk [tilespmem:v23+s3+$0x0], $0xffff  }
0x346: {  	v22 =	vld.idx.msk [tilespmem:v29+s3+$0x0], $0xffff;
	[tilespmem:s29+$0x80] =	vst v17  }
0x347: {  	v23 =	vld.idx.msk [tilespmem:v26+s3+$0x0], $0xffff;
	[tilespmem:s4+$0x280] =	vst v32  }
0x348: {  	v26 =	vld.idx.msk [tilespmem:v6+s3+$0x0], $0xffff;
	[tilespmem:s13+$0x380] =	vst v20;
	v6 =	vmov v40;
	s13 =	smov.u32 s31  }
0x349: {  	[tilespmem:s13+$0x100] =	vst v19;
	v14 =	vld.idx.msk [tilespmem:v1+s3+$0x0], $0xffff;
	v1 =	vmov v2;
	v2 =	vmov v15  }
0x34a: {  	v17 =	vld.idx.msk [tilespmem:v21+s3+$0x0], $0xffff;
	[tilespmem:s11+$0x300] =	vst v28  }
.Ltmp4:
0x34b: {  	[tilespmem:s14+$0x100] =	vst v18;
	v15 =	vld.idx.msk [tilespmem:v3+s3+$0x0], $0xffff;
	v3 =	vmov v16;
	(pc) =	sbr.rel @p0 .LBB2_11-.Ltmp4, $4  }
0x34c: {  	v21 =	vadd.s32 $0x200, v0;
	[tilespmem:s16+$0x100] =	vst v22;
	v18 =	vld.idx.msk [tilespmem:v24+s3+$0x0], $0xffff  }
0x34d: {  	v20 =	vld.idx.msk [tilespmem:v30+s3+$0x0], $0xffff;
	[tilespmem:s29+$0x100] =	vst v23  }
0x34e: {  	v19 =	vld.idx.msk [tilespmem:v27+s3+$0x0], $0xffff;
	[tilespmem:s6+$0x300] =	vst v31  }
0x34f: {  	s17 =	sadd.s32 $0x40, s17;
	v16 =	vld.idx.msk [tilespmem:v4+s3+$0x0], $0xffff;
	[tilespmem:s4+$0x300] =	vst v26;
	v4 =	vmov v25  }
0x350: {  	_ =	sdelay $0x2  }
0x351: {  	[tilespmem:s13+$0x180] =	vst v17  }
0x352: {  	v17 =	vld.idx.msk [tilespmem:v21+s3+$0x0], $0xffff;
	[tilespmem:s14+$0x180] =	vst v18  }
0x353: {  	v18 =	vadd.s32 $0x280, v0;
	[tilespmem:s16+$0x180] =	vst v20;
	v13 =	vld.idx.msk [tilespmem:v13+s3+$0x0], $0xffff  }
0x354: {  	v12 =	vld.idx.msk [tilespmem:v12+s3+$0x0], $0xffff;
	[tilespmem:s29+$0x180] =	vst v19  }
0x355: {  	v11 =	vld.idx.msk [tilespmem:v11+s3+$0x0], $0xffff;
	_ =	sdelay $0x1  }
0x356: {  	[tilespmem:s13+$0x200] =	vst v17  }
0x357: {  	v17 =	vld.idx.msk [tilespmem:v18+s3+$0x0], $0xffff;
	[tilespmem:s14+$0x200] =	vst v13  }
0x358: {  	[tilespmem:s16+$0x200] =	vst v12;
	v12 =	vadd.s32 $0x300, v0;
	v9 =	vld.idx.msk [tilespmem:v9+s3+$0x0], $0xffff  }
0x359: {  	v8 =	vld.idx.msk [tilespmem:v8+s3+$0x0], $0xffff;
	[tilespmem:s29+$0x200] =	vst v11  }
0x35a: {  	v10 =	vld.idx.msk [tilespmem:v10+s3+$0x0], $0xffff;
	_ =	sdelay $0x1  }
0x35b: {  	[tilespmem:s13+$0x280] =	vst v17  }
0x35c: {  	v11 =	vld.idx.msk [tilespmem:v12+s3+$0x0], $0xffff;
	[tilespmem:s14+$0x280] =	vst v9  }
0x35d: {  	v0 =	vadd.s32 $0x380, v0;
	[tilespmem:s16+$0x280] =	vst v8;
	v7 =	vld.idx.msk [tilespmem:v7+s3+$0x0], $0xffff  }
0x35e: {  	v5 =	vld.idx.msk [tilespmem:v5+s3+$0x0], $0xffff;
	[tilespmem:s29+$0x280] =	vst v10  }
0x35f: {  	[tilespmem:s11+$0x380] =	vst v15;
	v6 =	vld.idx.msk [tilespmem:v6+s3+$0x0], $0xffff  }
0x360: {  	[tilespmem:s0+$0x380] =	vst v14  }
0x361: {  	v1 =	vld.idx.msk [tilespmem:v1+s3+$0x0], $0xffff;
	[tilespmem:s13+$0x300] =	vst v11  }
0x362: {  	v0 =	vld.idx.msk [tilespmem:v0+s3+$0x0], $0xffff;
	[tilespmem:s14+$0x300] =	vst v7  }
0x363: {  	[tilespmem:s16+$0x300] =	vst v5;
	v4 =	vld.idx.msk [tilespmem:v4+s3+$0x0], $0xffff  }
0x364: {  	v3 =	vld.idx.msk [tilespmem:v3+s3+$0x0], $0xffff;
	[tilespmem:s29+$0x300] =	vst v6  }
0x365: {  	[tilespmem:s6+$0x380] =	vst v16;
	v2 =	vld.idx.msk [tilespmem:v2+s3+$0x0], $0xffff  }
0x366: {  	[tilespmem:s4+$0x380] =	vst v1  }
0x367: {  	[tilespmem:s13+$0x380] =	vst v0  }
0x368: {  	[tilespmem:s14+$0x380] =	vst v4  }
0x369: {  	s1 =	sor.u32 $0x400, s1;
	[tilespmem:s16+$0x380] =	vst v3  }
0x36a: {  	s18 =	simm.s32 $0x0;
	s19 =	simm.s32 $0x1420;
	s17 =	sadd.s32 s2, s1;
	[tilespmem:s29+$0x380] =	vst v2  }
0x36b: {  	[hbm4b:s17+s18] =	stream.linear.scatter [tilespmem:s22], [sflag:$0x4], $0x2000, $0x38;
	[tilespmem:$0x11800] =	vst v63  }
0x36c: {  	v7 =	vld [tilespmem:s19+$0x10]  }
0x36d: {  	v5 =	vld [tilespmem:s19+$0xFFFFFFF0]  }
0x36e: {  	v1 =	vld [tilespmem:s19+$0x0]  }
0x36f: {  	v0 =	vld [tilespmem:s19+$0xFFFFFFE0];
	_ =	sdelay $0x1  }
0x370: {  	v2 =	vadd.s32 $0x400, v7  }
0x371: {  	v3 =	vadd.s32 $0x400, v5  }
0x372: {  	v4 =	vadd.s32 $0x400, v1  }
0x373: {  	v6 =	vadd.s32 $0x400, v0;
	_ =	sdelay $0x1  }
0x374: {  	v2 =	vld.idx.msk [tilespmem:v2+s3+$0x0], $0xffff  }
0x375: {  	v8 =	vadd.s32 $0x480, v7;
	v3 =	vld.idx.msk [tilespmem:v3+s3+$0x0], $0xffff  }
0x376: {  	s20 =	simm.s32 $0x30;
	s4 =	sand.u32 $0x1C00, s18;
	v9 =	vadd.s32 $0x480, v5;
	v4 =	vld.idx.msk [tilespmem:v4+s3+$0x0], $0xffff  }
0x377: {  	s26 =	simm.s32 $0x10;
	s0 =	sand.u32 $0x70, s20;
	s4 =	sadd.s32 $0x9800, s4;
	v10 =	vadd.s32 $0x480, v1;
	v6 =	vld.idx.msk [tilespmem:v6+s3+$0x0], $0xffff  }
0x378: {  	s31 =	simm.s32 $0x20;
	s6 =	sand.u32 $0x50, s26;
	s12 =	sor.u32 s0, s4  }
0x379: {  	s11 =	sand.u32 $0x60, s31;
	s13 =	simm.s32 $0x0;
	s14 =	sor.u32 s6, s4;
	v11 =	vadd.s32 $0x480, v0;
	[tilespmem:s12+$0x2000] =	vst v2  }
0x37a: {  	s0 =	sor.u32 s11, s4;
	s6 =	sand.u32 $0x40, s13;
	[tilespmem:s14+$0x2000] =	vst v3;
	v2 =	vld.idx.msk [tilespmem:v8+s3+$0x0], $0xffff  }
0x37b: {  	s13 =	sor.u32 s6, s4;
	[tilespmem:s0+$0x2000] =	vst v4;
	v4 =	vadd.s32 $0x500, v7;
	v3 =	vld.idx.msk [tilespmem:v9+s3+$0x0], $0xffff  }
0x37c: {  	[tilespmem:s13+$0x2000] =	vst v6;
	v8 =	vadd.s32 $0x500, v5;
	v6 =	vld.idx.msk [tilespmem:v10+s3+$0x0], $0xffff  }
0x37d: {  	v9 =	vadd.s32 $0x500, v1  }
0x37e: {  	v10 =	vld.idx.msk [tilespmem:v11+s3+$0x0], $0xffff  }
0x37f: {  	v11 =	vadd.s32 $0x500, v0;
	[tilespmem:s12+$0x2080] =	vst v2  }
0x380: {  	[tilespmem:s14+$0x2080] =	vst v3;
	v2 =	vld.idx.msk [tilespmem:v4+s3+$0x0], $0xffff  }
0x381: {  	[tilespmem:s0+$0x2080] =	vst v6;
	v3 =	vld.idx.msk [tilespmem:v8+s3+$0x0], $0xffff;
	v4 =	vadd.s32 $0x580, v7  }
0x382: {  	v6 =	vadd.s32 $0x580, v5;
	v8 =	vld.idx.msk [tilespmem:v9+s3+$0x0], $0xffff  }
0x383: {  	[tilespmem:s13+$0x2080] =	vst v10;
	v9 =	vadd.s32 $0x580, v1  }
0x384: {  	s16 =	simm.s32 $0x1460;
	v10 =	vld.idx.msk [tilespmem:v11+s3+$0x0], $0xffff  }
0x385: {  	v11 =	vadd.s32 $0x580, v0;
	[tilespmem:s12+$0x2100] =	vst v2;
	v2 =	vld [tilespmem:s16+$0xFFFFFFF0]  }
0x386: {  	[tilespmem:s14+$0x2100] =	vst v3;
	v4 =	vld.idx.msk [tilespmem:v4+s3+$0x0], $0xffff  }
0x387: {  	[tilespmem:s0+$0x2100] =	vst v8;
	v12 =	vld.idx.msk [tilespmem:v6+s3+$0x0], $0xffff  }
0x388: {  	s18 =	simm.s32 $0x70;
	v3 =	vadd.s32 $0x600, v7;
	v8 =	vld.idx.msk [tilespmem:v9+s3+$0x0], $0xffff  }
0x389: {  	s19 =	sand.u32 $0x70, s18;
	s18 =	simm.s32 $0x40;
	[tilespmem:s13+$0x2100] =	vst v10;
	v6 =	vld [tilespmem:s16+$0x10]  }
0x38a: {  	s31 =	sand.u32 $0x40, s18;
	s18 =	simm.s32 $0x14A0;
	v10 =	vadd.s32 $0x600, v5;
	v9 =	vld.idx.msk [tilespmem:v11+s3+$0x0], $0xffff  }
0x38b: {  	v21 =	vld [tilespmem:s18+$0xFFFFFFF0]  }
0x38c: {  	v11 =	vadd.s32 $0x600, v0;
	[tilespmem:s12+$0x2180] =	vst v4;
	v4 =	vld [tilespmem:s16+$0xFFFFFFE0]  }
0x38d: {  	v14 =	vadd.s32 $0x600, v1;
	v13 =	vld.idx.msk [tilespmem:v3+s3+$0x0], $0xffff  }
0x38e: {  	[tilespmem:s14+$0x2180] =	vst v12;
	v12 =	vadd.s32 $0x400, v6;
	v3 =	vld [tilespmem:s16+$0x0]  }
0x38f: {  	[tilespmem:s13+$0x2180] =	vst v9;
	v9 =	vld.idx.msk [tilespmem:v10+s3+$0x0], $0xffff;
	v10 =	vadd.s32 $0x400, v2  }
0x390: {  	v22 =	vld [tilespmem:s18+$0x0];
	v15 =	vadd.s32 $0x680, v7  }
0x391: {  	v16 =	vadd.s32 $0x680, v5;
	[tilespmem:s0+$0x2180] =	vst v8;
	v8 =	vld.idx.msk [tilespmem:v11+s3+$0x0], $0xffff  }
0x392: {  	v17 =	vadd.s32 $0x680, v0;
	v11 =	vld.idx.msk [tilespmem:v14+s3+$0x0], $0xffff  }
0x393: {  	v12 =	vld.idx.msk [tilespmem:v12+s3+$0x0], $0xffff;
	v14 =	vadd.s32 $0x400, v3  }
0x394: {  	[tilespmem:s12+$0x2200] =	vst v13;
	v13 =	vadd.s32 $0x400, v4;
	v10 =	vld.idx.msk [tilespmem:v10+s3+$0x0], $0xffff  }
0x395: {  	s17 =	simm.s32 $0x200;
	v19 =	vadd.s32 $0x680, v1;
	[tilespmem:s14+$0x2200] =	vst v9;
	v15 =	vld.idx.msk [tilespmem:v15+s3+$0x0], $0xffff  }
0x396: {  	s4 =	sand.u32 $0x1C00, s17;
	v18 =	vadd.s32 $0x480, v6;
	[tilespmem:s13+$0x2200] =	vst v8;
	v16 =	vld.idx.msk [tilespmem:v16+s3+$0x0], $0xffff  }
0x397: {  	s20 =	simm.s32 $0x50;
	s16 =	sadd.s32 $0x9800, s4;
	v9 =	vadd.s32 $0x700, v7;
	v17 =	vld.idx.msk [tilespmem:v17+s3+$0x0], $0xffff  }
0x398: {  	s6 =	sand.u32 $0x50, s20;
	v20 =	vadd.s32 $0x480, v2;
	s17 =	sor.u32 s19, s16;
	[tilespmem:s0+$0x2200] =	vst v11;
	v14 =	vld.idx.msk [tilespmem:v14+s3+$0x0], $0xffff  }
0x399: {  	s11 =	sor.u32 s6, s16;
	[tilespmem:s17+$0x2000] =	vst v12;
	v12 =	vadd.s32 $0x700, v0;
	v8 =	vld.idx.msk [tilespmem:v13+s3+$0x0], $0xffff  }
0x39a: {  	[tilespmem:s11+$0x2000] =	vst v10;
	v10 =	vld.idx.msk [tilespmem:v19+s3+$0x0], $0xffff;
	v19 =	vadd.s32 $0x700, v5  }
0x39b: {  	s26 =	simm.s32 $0x60;
	v13 =	vadd.s32 $0x480, v3;
	v11 =	vld.idx.msk [tilespmem:v18+s3+$0x0], $0xffff;
	[tilespmem:s12+$0x2280] =	vst v15  }
0x39c: {  	s4 =	sand.u32 $0x60, s26;
	v15 =	vadd.s32 $0x480, v4;
	[tilespmem:s13+$0x2280] =	vst v17;
	v9 =	vld.idx.msk [tilespmem:v9+s3+$0x0], $0xffff  }
0x39d: {  	s4 =	sor.u32 s4, s16;
	v7 =	vadd.s32 $0x780, v7;
	v18 =	vld.idx.msk [tilespmem:v20+s3+$0x0], $0xffff;
	[tilespmem:s14+$0x2280] =	vst v16  }
0x39e: {  	v12 =	vld.idx.msk [tilespmem:v12+s3+$0x0], $0xffff;
	[tilespmem:s4+$0x2000] =	vst v14;
	v14 =	vadd.s32 $0x500, v6  }
0x39f: {  	s6 =	sor.u32 s31, s16;
	v0 =	vadd.s32 $0x780, v0;
	v16 =	vld.idx.msk [tilespmem:v19+s3+$0x0], $0xffff  }
0x3a0: {  	[tilespmem:s6+$0x2000] =	vst v8;
	v8 =	vld.idx.msk [tilespmem:v13+s3+$0x0], $0xffff  }
0x3a1: {  	v13 =	vadd.s32 $0x500, v2;
	v15 =	vld.idx.msk [tilespmem:v15+s3+$0x0], $0xffff;
	[tilespmem:s12+$0x2300] =	vst v9  }
0x3a2: {  	[tilespmem:s17+$0x2080] =	vst v11;
	v9 =	vadd.s32 $0x500, v4;
	v7 =	vld.idx.msk [tilespmem:v7+s3+$0x0], $0xffff  }
0x3a3: {  	v17 =	vadd.s32 $0x500, v3;
	[tilespmem:s13+$0x2300] =	vst v12;
	v14 =	vld.idx.msk [tilespmem:v14+s3+$0x0], $0xffff  }
0x3a4: {  	v11 =	vadd.s32 $0x700, v1;
	[tilespmem:s0+$0x2280] =	vst v10;
	v12 =	vld.idx.msk [tilespmem:v0+s3+$0x0], $0xffff  }
0x3a5: {  	[tilespmem:s11+$0x2080] =	vst v18;
	v18 =	vadd.s32 $0x580, v6;
	v0 =	vld [tilespmem:s18+$0x10]  }
0x3a6: {  	v5 =	vadd.s32 $0x780, v5;
	v13 =	vld.idx.msk [tilespmem:v13+s3+$0x0], $0xffff;
	[tilespmem:s6+$0x2080] =	vst v15  }
0x3a7: {  	[tilespmem:s4+$0x2080] =	vst v8;
	v8 =	vadd.s32 $0x580, v2;
	v9 =	vld.idx.msk [tilespmem:v9+s3+$0x0], $0xffff  }
0x3a8: {  	v10 =	vadd.s32 $0x580, v4;
	[tilespmem:s14+$0x2300] =	vst v16;
	v15 =	vld.idx.msk [tilespmem:v17+s3+$0x0], $0xffff  }
0x3a9: {  	v11 =	vld.idx.msk [tilespmem:v11+s3+$0x0], $0xffff;
	v17 =	vadd.s32 $0x580, v3;
	[tilespmem:s17+$0x2100] =	vst v14  }
0x3aa: {  	[tilespmem:s12+$0x2380] =	vst v7;
	v19 =	vadd.s32 $0x400, v0;
	v14 =	vld.idx.msk [tilespmem:v18+s3+$0x0], $0xffff  }
0x3ab: {  	v5 =	vld.idx.msk [tilespmem:v5+s3+$0x0], $0xffff;
	[tilespmem:s11+$0x2100] =	vst v13;
	v13 =	vadd.s32 $0x600, v6  }
0x3ac: {  	v8 =	vld.idx.msk [tilespmem:v8+s3+$0x0], $0xffff;
	[tilespmem:s6+$0x2100] =	vst v9  }
0x3ad: {  	[tilespmem:s4+$0x2100] =	vst v15;
	v10 =	vld.idx.msk [tilespmem:v10+s3+$0x0], $0xffff  }
0x3ae: {  	[tilespmem:s0+$0x2300] =	vst v11;
	v15 =	vadd.s32 $0x600, v2;
	v9 =	vld.idx.msk [tilespmem:v17+s3+$0x0], $0xffff  }
0x3af: {  	v17 =	vadd.s32 $0x600, v4;
	v11 =	vld.idx.msk [tilespmem:v19+s3+$0x0], $0xffff;
	[tilespmem:s17+$0x2180] =	vst v14  }
0x3b0: {  	[tilespmem:s13+$0x2380] =	vst v12;
	v14 =	vadd.s32 $0x600, v3;
	v13 =	vld.idx.msk [tilespmem:v13+s3+$0x0], $0xffff  }
0x3b1: {  	s28 =	simm.s32 $0x400;
	v12 =	vadd.s32 $0x480, v0;
	[tilespmem:s11+$0x2180] =	vst v8;
	v8 =	vld [tilespmem:s18+$0xFFFFFFE0]  }
0x3b2: {  	s29 =	simm.s32 $0xB0;
	s19 =	sand.u32 $0x1C00, s28;
	v18 =	vadd.s32 $0x680, v6;
	[tilespmem:s6+$0x2180] =	vst v10  }
0x3b3: {  	s20 =	sand.u32 $0x70, s29;
	s12 =	sadd.s32 $0x9800, s19;
	v10 =	vld.idx.msk [tilespmem:v15+s3+$0x0], $0xffff;
	[tilespmem:s4+$0x2180] =	vst v9;
	v9 =	vadd.s32 $0x400, v21  }
0x3b4: {  	v16 =	vadd.s32 $0x400, v22;
	s13 =	sor.u32 s20, s12;
	[tilespmem:s14+$0x2380] =	vst v5;
	v15 =	vld.idx.msk [tilespmem:v17+s3+$0x0], $0xffff  }
0x3b5: {  	v17 =	vadd.s32 $0x680, v2;
	[tilespmem:s13+$0x2000] =	vst v11;
	v14 =	vld.idx.msk [tilespmem:v14+s3+$0x0], $0xffff  }
0x3b6: {  	v5 =	vld.idx.msk [tilespmem:v12+s3+$0x0], $0xffff;
	[tilespmem:s17+$0x2200] =	vst v13;
	v7 =	vadd.s32 $0x400, v8  }
0x3b7: {  	v13 =	vld.idx.msk [tilespmem:v18+s3+$0x0], $0xffff;
	v18 =	vadd.s32 $0x680, v4  }
0x3b8: {  	v19 =	vadd.s32 $0x680, v3;
	v9 =	vld.idx.msk [tilespmem:v9+s3+$0x0], $0xffff;
	[tilespmem:s11+$0x2200] =	vst v10  }
0x3b9: {  	v10 =	vadd.s32 $0x700, v6;
	[tilespmem:s6+$0x2200] =	vst v15;
	v15 =	vld.idx.msk [tilespmem:v16+s3+$0x0], $0xffff  }
0x3ba: {  	s26 =	simm.s32 $0x90;
	v17 =	vld.idx.msk [tilespmem:v17+s3+$0x0], $0xffff;
	v16 =	vadd.s32 $0x480, v21  }
0x3bb: {  	s31 =	simm.s32 $0xA0;
	s16 =	sand.u32 $0x50, s26;
	[tilespmem:s4+$0x2200] =	vst v14;
	v14 =	vadd.s32 $0x480, v22;
	v7 =	vld.idx.msk [tilespmem:v7+s3+$0x0], $0xffff  }
0x3bc: {  	s26 =	sor.u32 s16, s12;
	s20 =	sand.u32 $0x60, s31;
	v18 =	vld.idx.msk [tilespmem:v18+s3+$0x0], $0xffff;
	[tilespmem:s17+$0x2280] =	vst v13;
	v13 =	vadd.s32 $0x480, v8  }
0x3bd: {  	s19 =	simm.s32 $0x80;
	s14 =	sor.u32 s20, s12;
	v11 =	vadd.s32 $0x700, v4;
	[tilespmem:s26+$0x2000] =	vst v9;
	v9 =	vld.idx.msk [tilespmem:v19+s3+$0x0], $0xffff  }
0x3be: {  	s31 =	sand.u32 $0x40, s19;
	v10 =	vld.idx.msk [tilespmem:v10+s3+$0x0], $0xffff;
	[tilespmem:s14+$0x2000] =	vst v15;
	v15 =	vadd.s32 $0x500, v0  }
0x3bf: {  	s16 =	sor.u32 s31, s12;
	v12 =	vld.idx.msk [tilespmem:v16+s3+$0x0], $0xffff;
	v16 =	vadd.s32 $0x700, v2  }
0x3c0: {  	v6 =	vadd.s32 $0x780, v6;
	[tilespmem:s16+$0x2000] =	vst v7;
	v7 =	vld.idx.msk [tilespmem:v14+s3+$0x0], $0xffff  }
0x3c1: {  	v1 =	vadd.s32 $0x780, v1;
	v13 =	vld.idx.msk [tilespmem:v13+s3+$0x0], $0xffff;
	[tilespmem:s6+$0x2280] =	vst v18  }
0x3c2: {  	[tilespmem:s13+$0x2080] =	vst v5;
	v14 =	vadd.s32 $0x500, v21;
	v20 =	vld.idx.msk [tilespmem:v11+s3+$0x0], $0xffff  }
0x3c3: {  	[tilespmem:s11+$0x2280] =	vst v17;
	v18 =	vadd.s32 $0x500, v22;
	v11 =	vld.idx.msk [tilespmem:v15+s3+$0x0], $0xffff  }
0x3c4: {  	[tilespmem:s17+$0x2300] =	vst v10;
	v10 =	vadd.s32 $0x500, v8;
	v23 =	vld.idx.msk [tilespmem:v16+s3+$0x0], $0xffff  }
0x3c5: {  	[tilespmem:s4+$0x2280] =	vst v9;
	v5 =	vld.idx.msk [tilespmem:v6+s3+$0x0], $0xffff;
	v6 =	vadd.s32 $0x700, v3  }
0x3c6: {  	v4 =	vadd.s32 $0x780, v4;
	[tilespmem:s26+$0x2080] =	vst v12;
	v16 =	vld.idx.msk [tilespmem:v1+s3+$0x0], $0xffff  }
0x3c7: {  	v12 =	vld.idx.msk [tilespmem:v14+s3+$0x0], $0xffff;
	[tilespmem:s14+$0x2080] =	vst v7;
	v7 =	vadd.s32 $0x580, v0  }
0x3c8: {  	v15 =	vadd.s32 $0x580, v21;
	[tilespmem:s16+$0x2080] =	vst v13;
	v24 =	vld.idx.msk [tilespmem:v18+s3+$0x0], $0xffff  }
0x3c9: {  	v26 =	vadd.s32 $0x580, v22;
	v25 =	vld.idx.msk [tilespmem:v10+s3+$0x0], $0xffff;
	[tilespmem:s13+$0x2100] =	vst v11  }
0x3ca: {  	v27 =	vadd.s32 $0x580, v8;
	[tilespmem:s6+$0x2300] =	vst v20;
	v17 =	vld.idx.msk [tilespmem:v6+s3+$0x0], $0xffff  }
0x3cb: {  	v2 =	vadd.s32 $0x780, v2;
	v9 =	vadd.s32 $0x680, v8;
	v1 =	vadd.s32 $0x780, v3;
	[tilespmem:s17+$0x2380] =	vst v5;
	v18 =	vld.idx.msk [tilespmem:v4+s3+$0x0], $0xffff  }
0x3cc: {  	v3 =	vadd.s32 $0x780, v8;
	v13 =	vadd.s32 $0x600, v22;
	v10 =	vadd.s32 $0x680, v22;
	v19 =	vld.idx.msk [tilespmem:v7+s3+$0x0], $0xffff;
	[tilespmem:s26+$0x2100] =	vst v12  }
0x3cd: {  	v6 =	vadd.s32 $0x700, v22;
	v4 =	vadd.s32 $0x780, v22;
	v22 =	vadd.s32 $0x600, v0;
	v15 =	vld.idx.msk [tilespmem:v15+s3+$0x0], $0xffff;
	[tilespmem:s14+$0x2100] =	vst v24  }
0x3ce: {  	v14 =	vadd.s32 $0x600, v8;
	v11 =	vadd.s32 $0x600, v21;
	v5 =	vadd.s32 $0x700, v8;
	[tilespmem:s16+$0x2100] =	vst v25;
	v20 =	vld.idx.msk [tilespmem:v26+s3+$0x0], $0xffff  }
0x3cf: {  	s12 =	simm.s32 $0x8;
	[tilespmem:s11+$0x2300] =	vst v23;
	v8 =	vadd.s32 $0x700, v21;
	s17 =	simm.s32 $0x14E0;
	v7 =	vadd.s32 $0x680, v21;
	v12 =	vadd.s32 $0x780, v21;
	v21 =	vld.idx.msk [tilespmem:v27+s3+$0x0], $0xffff  }
.LBB2_13:
0x3d0: {  	v23 =	vld [tilespmem:s17+$0x10];
	s12 =	sadd.s32 $0x4, s12;
	[tilespmem:s4+$0x2300] =	vst v17  }
0x3d1: {  	v17 =	vld [tilespmem:s17+$0xFFFFFFF0];
	p0 =	slt.u32 s12, $0x3C;
	[tilespmem:s13+$0x2180] =	vst v19  }
0x3d2: {  	v19 =	vld.idx.msk [tilespmem:v22+s3+$0x0], $0xffff;
	[tilespmem:s6+$0x2380] =	vst v18;
	s6 =	smov.u32 s16  }
0x3d3: {  	v18 =	vld [tilespmem:s17+$0x0];
	[tilespmem:s26+$0x2180] =	vst v15  }
0x3d4: {  	v22 =	vld [tilespmem:s17+$0xFFFFFFE0];
	[tilespmem:s14+$0x2180] =	vst v20;
	v20 =	vadd.s32 $0x680, v0  }
0x3d5: {  	v24 =	vadd.s32 $0x400, v23;
	[tilespmem:s6+$0x2180] =	vst v21;
	v21 =	vld.idx.msk [tilespmem:v11+s3+$0x0], $0xffff  }
0x3d6: {  	v25 =	vadd.s32 $0x400, v17;
	v26 =	vadd.s32 $0x480, v17;
	v27 =	vadd.s32 $0x500, v17;
	v28 =	vld.idx.msk [tilespmem:v14+s3+$0x0], $0xffff;
	[tilespmem:s0+$0x2380] =	vst v16;
	s0 =	smov.u32 s4;
	s4 =	smov.u32 s14  }
0x3d7: {  	v15 =	vadd.s32 $0x580, v17;
	v11 =	vadd.s32 $0x600, v17;
	v16 =	vadd.s32 $0x680, v17;
	v29 =	vld.idx.msk [tilespmem:v13+s3+$0x0], $0xffff  }
0x3d8: {  	v30 =	vadd.s32 $0x400, v18;
	v31 =	vadd.s32 $0x480, v18;
	v32 =	vadd.s32 $0x500, v18;
	[tilespmem:s13+$0x2200] =	vst v19;
	v19 =	vld.idx.msk [tilespmem:v2+s3+$0x0], $0xffff;
	v2 =	vmovc v12  }
0x3d9: {  	v12 =	vadd.s32 $0x400, v22;
	v33 =	vadd.s32 $0x480, v22;
	v34 =	vadd.s32 $0x500, v22;
	v20 =	vld.idx.msk [tilespmem:v20+s3+$0x0], $0xffff  }
0x3da: {  	v36 =	vadd.s32 $0x580, v18;
	v35 =	vadd.s32 $0x580, v22;
	v14 =	vadd.s32 $0x600, v22;
	v24 =	vld.idx.msk [tilespmem:v24+s3+$0x0], $0xffff  }
0x3db: {  	v13 =	vadd.s32 $0x600, v18;
	v37 =	vadd.s32 $0x680, v22;
	v25 =	vld.idx.msk [tilespmem:v25+s3+$0x0], $0xffff;
	[tilespmem:s26+$0x2200] =	vst v21;
	v21 =	vadd.s32 $0x700, v0  }
0x3dc: {  	s28 =	sadd.s32 $0x200, s28;
	v40 =	vadd.s32 $0x480, v23;
	v39 =	vadd.s32 $0x680, v18;
	v38 =	vadd.s32 $0x700, v22;
	[tilespmem:s6+$0x2200] =	vst v28;
	v28 =	vld.idx.msk [tilespmem:v7+s3+$0x0], $0xffff;
	v7 =	vmovc v16  }
0x3dd: {  	s29 =	sadd.s32 $0x40, s29;
	s14 =	sand.u32 $0x1C00, s28;
	v41 =	vadd.s32 $0x700, v18;
	v22 =	vadd.s32 $0x780, v22;
	v16 =	vadd.s32 $0x700, v17;
	v30 =	vld.idx.msk [tilespmem:v30+s3+$0x0], $0xffff;
	[tilespmem:s4+$0x2200] =	vst v29  }
0x3de: {  	s18 =	sand.u32 $0x70, s29;
	s16 =	sadd.s32 $0xFFFFFFD0, s29;
	s14 =	sadd.s32 $0x9800, s14;
	v18 =	vadd.s32 $0x780, v18;
	v29 =	vld.idx.msk [tilespmem:v12+s3+$0x0], $0xffff;
	v12 =	vadd.s32 $0x780, v17;
	[tilespmem:s11+$0x2380] =	vst v19  }
0x3df: {  	s19 =	sadd.s32 $0xFFFFFFF0, s29;
	s18 =	sor.u32 s18, s14;
	s11 =	sadd.s32 $0xFFFFFFE0, s29;
	v17 =	vld.idx.msk [tilespmem:v9+s3+$0x0], $0xffff;
	[tilespmem:s13+$0x2280] =	vst v20;
	v9 =	vmov v37  }
0x3e0: {  	s19 =	sand.u32 $0x60, s19;
	s16 =	sand.u32 $0x40, s16;
	s11 =	sand.u32 $0x50, s11;
	[tilespmem:s18+$0x2000] =	vst v24;
	v19 =	vld.idx.msk [tilespmem:v21+s3+$0x0], $0xffff  }
0x3e1: {  	s16 =	sor.u32 s16, s14;
	s20 =	sor.u32 s11, s14;
	s14 =	sor.u32 s19, s14;
	v20 =	vld.idx.msk [tilespmem:v40+s3+$0x0], $0xffff  }
0x3e2: {  	v24 =	vadd.s32 $0x780, v0;
	v0 =	vmov v23;
	s11 =	smov.u32 s26;
	s26 =	smov.u32 s20;
	[tilespmem:s20+$0x2000] =	vst v25;
	v21 =	vld.idx.msk [tilespmem:v10+s3+$0x0], $0xffff;
	v10 =	vmov v39  }
0x3e3: {  	v25 =	vadd.s32 $0x500, v0;
	v23 =	vld.idx.msk [tilespmem:v26+s3+$0x0], $0xffff;
	[tilespmem:s14+$0x2000] =	vst v30  }
0x3e4: {  	[tilespmem:s16+$0x2000] =	vst v29;
	v26 =	vld.idx.msk [tilespmem:v31+s3+$0x0], $0xffff  }
0x3e5: {  	v29 =	vld.idx.msk [tilespmem:v33+s3+$0x0], $0xffff;
	[tilespmem:s6+$0x2280] =	vst v17  }
0x3e6: {  	v30 =	vld.idx.msk [tilespmem:v5+s3+$0x0], $0xffff;
	[tilespmem:s13+$0x2300] =	vst v19;
	v5 =	vmov v38  }
0x3e7: {  	[tilespmem:s18+$0x2080] =	vst v20;
	v19 =	vld.idx.msk [tilespmem:v24+s3+$0x0], $0xffff  }
0x3e8: {  	v20 =	vld.idx.msk [tilespmem:v25+s3+$0x0], $0xffff;
	[tilespmem:s11+$0x2280] =	vst v28  }
0x3e9: {  	[tilespmem:s26+$0x2080] =	vst v23;
	v23 =	vld.idx.msk [tilespmem:v8+s3+$0x0], $0xffff;
	v8 =	vmov v16  }
0x3ea: {  	v25 =	vadd.s32 $0x580, v0;
	v24 =	vld.idx.msk [tilespmem:v27+s3+$0x0], $0xffff;
	[tilespmem:s14+$0x2080] =	vst v26  }
0x3eb: {  	[tilespmem:s16+$0x2080] =	vst v29;
	v26 =	vld.idx.msk [tilespmem:v32+s3+$0x0], $0xffff  }
0x3ec: {  	v27 =	vld.idx.msk [tilespmem:v34+s3+$0x0], $0xffff;
	[tilespmem:s4+$0x2280] =	vst v21  }
0x3ed: {  	v17 =	vld.idx.msk [tilespmem:v6+s3+$0x0], $0xffff;
	[tilespmem:s13+$0x2380] =	vst v19;
	v6 =	vmov v41;
	s13 =	smov.u32 s18  }
0x3ee: {  	[tilespmem:s13+$0x2100] =	vst v20;
	v16 =	vld.idx.msk [tilespmem:v1+s3+$0x0], $0xffff;
	v1 =	vmov v4;
	v4 =	vmov v18  }
.Ltmp5:
0x3ef: {  	v19 =	vld.idx.msk [tilespmem:v25+s3+$0x0], $0xffff;
	[tilespmem:s6+$0x2300] =	vst v30;
	(pc) =	sbr.rel @p0 .LBB2_13-.Ltmp5, $4  }
0x3f0: {  	[tilespmem:s26+$0x2100] =	vst v24;
	v18 =	vld.idx.msk [tilespmem:v3+s3+$0x0], $0xffff;
	v3 =	vmov v22  }
0x3f1: {  	v22 =	vadd.s32 $0x600, v0;
	v15 =	vld.idx.msk [tilespmem:v15+s3+$0x0], $0xffff;
	[tilespmem:s14+$0x2100] =	vst v26  }
0x3f2: {  	[tilespmem:s16+$0x2100] =	vst v27;
	v20 =	vld.idx.msk [tilespmem:v36+s3+$0x0], $0xffff  }
0x3f3: {  	s17 =	sadd.s32 $0x40, s17;
	v21 =	vld.idx.msk [tilespmem:v35+s3+$0x0], $0xffff;
	[tilespmem:s11+$0x2300] =	vst v23  }
0x3f4: {  	_ =	sdelay $0x2  }
0x3f5: {  	[tilespmem:s13+$0x2180] =	vst v19  }
0x3f6: {  	v19 =	vld.idx.msk [tilespmem:v22+s3+$0x0], $0xffff;
	[tilespmem:s26+$0x2180] =	vst v15  }
0x3f7: {  	[tilespmem:s14+$0x2180] =	vst v20;
	v11 =	vld.idx.msk [tilespmem:v11+s3+$0x0], $0xffff  }
0x3f8: {  	[tilespmem:s16+$0x2180] =	vst v21;
	v21 =	vadd.s32 $0x680, v0;
	v13 =	vld.idx.msk [tilespmem:v13+s3+$0x0], $0xffff  }
0x3f9: {  	v14 =	vld.idx.msk [tilespmem:v14+s3+$0x0], $0xffff;
	_ =	sdelay $0x1  }
0x3fa: {  	[tilespmem:s13+$0x2200] =	vst v19  }
0x3fb: {  	[tilespmem:s26+$0x2200] =	vst v11  }
0x3fc: {  	v15 =	vld.idx.msk [tilespmem:v21+s3+$0x0], $0xffff;
	[tilespmem:s14+$0x2200] =	vst v13  }
0x3fd: {  	v7 =	vld.idx.msk [tilespmem:v7+s3+$0x0], $0xffff;
	[tilespmem:s16+$0x2200] =	vst v14;
	v14 =	vadd.s32 $0x700, v0  }
0x3fe: {  	v10 =	vld.idx.msk [tilespmem:v10+s3+$0x0], $0xffff  }
0x3ff: {  	v9 =	vld.idx.msk [tilespmem:v9+s3+$0x0], $0xffff;
	_ =	sdelay $0x1  }
0x400: {  	[tilespmem:s13+$0x2280] =	vst v15  }
0x401: {  	[tilespmem:s26+$0x2280] =	vst v7;
	v11 =	vld.idx.msk [tilespmem:v14+s3+$0x0], $0xffff  }
0x402: {  	v7 =	vld.idx.msk [tilespmem:v8+s3+$0x0], $0xffff;
	[tilespmem:s14+$0x2280] =	vst v10  }
0x403: {  	v0 =	vadd.s32 $0x780, v0;
	[tilespmem:s16+$0x2280] =	vst v9;
	v6 =	vld.idx.msk [tilespmem:v6+s3+$0x0], $0xffff  }
0x404: {  	[tilespmem:s4+$0x2300] =	vst v17;
	v5 =	vld.idx.msk [tilespmem:v5+s3+$0x0], $0xffff  }
0x405: {  	v2 =	vld.idx.msk [tilespmem:v2+s3+$0x0], $0xffff;
	[tilespmem:s0+$0x2380] =	vst v16  }
0x406: {  	[tilespmem:s13+$0x2300] =	vst v11  }
0x407: {  	v1 =	vld.idx.msk [tilespmem:v1+s3+$0x0], $0xffff;
	[tilespmem:s26+$0x2300] =	vst v7  }
0x408: {  	v0 =	vld.idx.msk [tilespmem:v0+s3+$0x0], $0xffff;
	[tilespmem:s14+$0x2300] =	vst v6  }
0x409: {  	[tilespmem:s16+$0x2300] =	vst v5;
	v5 =	vld.idx.msk [tilespmem:v12+s3+$0x0], $0xffff  }
0x40a: {  	[tilespmem:s11+$0x2380] =	vst v2;
	v2 =	vld.idx.msk [tilespmem:v4+s3+$0x0], $0xffff  }
0x40b: {  	[tilespmem:s6+$0x2380] =	vst v18;
	v3 =	vld.idx.msk [tilespmem:v3+s3+$0x0], $0xffff  }
0x40c: {  	[tilespmem:s4+$0x2380] =	vst v1  }
0x40d: {  	[tilespmem:s13+$0x2380] =	vst v0  }
0x40e: {  	[tilespmem:s26+$0x2380] =	vst v5  }
0x40f: {  	[tilespmem:s14+$0x2380] =	vst v2  }
0x410: {  	s17 =	sadd.s32 s1, s8;
	s18 =	simm.s32 $0x0;
	s19 =	simm.s32 $0x1420;
	[tilespmem:s16+$0x2380] =	vst v3  }
0x411: {  	[hbm4b:s17+s18] =	stream.linear.scatter [tilespmem:s23], [sflag:$0x4], $0x2000, $0x38;
	[tilespmem:$0x11800] =	vst v63  }
0x412: {  	v7 =	vld [tilespmem:s19+$0x10]  }
0x413: {  	v5 =	vld [tilespmem:s19+$0xFFFFFFF0]  }
0x414: {  	v1 =	vld [tilespmem:s19+$0x0]  }
0x415: {  	v0 =	vld [tilespmem:s19+$0xFFFFFFE0];
	_ =	sdelay $0x1  }
0x416: {  	v2 =	vadd.s32 $0x800, v7  }
0x417: {  	v3 =	vadd.s32 $0x800, v5  }
0x418: {  	v4 =	vadd.s32 $0x800, v1  }
0x419: {  	v6 =	vadd.s32 $0x800, v0;
	_ =	sdelay $0x1  }
0x41a: {  	v2 =	vld.idx.msk [tilespmem:v2+s3+$0x0], $0xffff  }
0x41b: {  	v8 =	vadd.s32 $0x880, v7;
	v3 =	vld.idx.msk [tilespmem:v3+s3+$0x0], $0xffff  }
0x41c: {  	s20 =	simm.s32 $0x30;
	s4 =	sand.u32 $0x1C00, s18;
	v9 =	vadd.s32 $0x880, v5;
	v4 =	vld.idx.msk [tilespmem:v4+s3+$0x0], $0xffff  }
0x41d: {  	s0 =	sand.u32 $0x70, s20;
	s4 =	sadd.s32 $0x9800, s4;
	s26 =	simm.s32 $0x10;
	v10 =	vadd.s32 $0x880, v1;
	v6 =	vld.idx.msk [tilespmem:v6+s3+$0x0], $0xffff  }
0x41e: {  	s31 =	simm.s32 $0x20;
	s12 =	sor.u32 s0, s4;
	s6 =	sand.u32 $0x50, s26  }
0x41f: {  	s11 =	sand.u32 $0x60, s31;
	s13 =	simm.s32 $0x0;
	s14 =	sor.u32 s6, s4;
	v11 =	vadd.s32 $0x880, v0;
	[tilespmem:s12+$0x4000] =	vst v2  }
0x420: {  	s0 =	sor.u32 s11, s4;
	s6 =	sand.u32 $0x40, s13;
	[tilespmem:s14+$0x4000] =	vst v3;
	v2 =	vld.idx.msk [tilespmem:v8+s3+$0x0], $0xffff  }
0x421: {  	s13 =	sor.u32 s6, s4;
	[tilespmem:s0+$0x4000] =	vst v4;
	v4 =	vadd.s32 $0x900, v7;
	v3 =	vld.idx.msk [tilespmem:v9+s3+$0x0], $0xffff  }
0x422: {  	[tilespmem:s13+$0x4000] =	vst v6;
	v8 =	vadd.s32 $0x900, v5;
	v6 =	vld.idx.msk [tilespmem:v10+s3+$0x0], $0xffff  }
0x423: {  	v9 =	vadd.s32 $0x900, v1  }
0x424: {  	v10 =	vld.idx.msk [tilespmem:v11+s3+$0x0], $0xffff  }
0x425: {  	v11 =	vadd.s32 $0x900, v0;
	[tilespmem:s12+$0x4080] =	vst v2  }
0x426: {  	[tilespmem:s14+$0x4080] =	vst v3;
	v2 =	vld.idx.msk [tilespmem:v4+s3+$0x0], $0xffff  }
0x427: {  	[tilespmem:s0+$0x4080] =	vst v6;
	v3 =	vld.idx.msk [tilespmem:v8+s3+$0x0], $0xffff;
	v4 =	vadd.s32 $0x980, v7  }
0x428: {  	v6 =	vadd.s32 $0x980, v5;
	v8 =	vld.idx.msk [tilespmem:v9+s3+$0x0], $0xffff  }
0x429: {  	[tilespmem:s13+$0x4080] =	vst v10;
	v9 =	vadd.s32 $0x980, v1  }
0x42a: {  	s16 =	simm.s32 $0x1460;
	v10 =	vld.idx.msk [tilespmem:v11+s3+$0x0], $0xffff  }
0x42b: {  	v11 =	vadd.s32 $0x980, v0;
	[tilespmem:s12+$0x4100] =	vst v2;
	v2 =	vld [tilespmem:s16+$0xFFFFFFF0]  }
0x42c: {  	[tilespmem:s14+$0x4100] =	vst v3;
	v4 =	vld.idx.msk [tilespmem:v4+s3+$0x0], $0xffff  }
0x42d: {  	[tilespmem:s0+$0x4100] =	vst v8;
	v12 =	vld.idx.msk [tilespmem:v6+s3+$0x0], $0xffff  }
0x42e: {  	s18 =	simm.s32 $0x70;
	v3 =	vadd.s32 $0xA00, v7;
	v8 =	vld.idx.msk [tilespmem:v9+s3+$0x0], $0xffff  }
0x42f: {  	s19 =	sand.u32 $0x70, s18;
	s18 =	simm.s32 $0x40;
	[tilespmem:s13+$0x4100] =	vst v10;
	v6 =	vld [tilespmem:s16+$0x10]  }
0x430: {  	s31 =	sand.u32 $0x40, s18;
	s18 =	simm.s32 $0x14A0;
	v10 =	vadd.s32 $0xA00, v5;
	v9 =	vld.idx.msk [tilespmem:v11+s3+$0x0], $0xffff  }
0x431: {  	v21 =	vld [tilespmem:s18+$0xFFFFFFF0]  }
0x432: {  	v11 =	vadd.s32 $0xA00, v0;
	[tilespmem:s12+$0x4180] =	vst v4;
	v4 =	vld [tilespmem:s16+$0xFFFFFFE0]  }
0x433: {  	v14 =	vadd.s32 $0xA00, v1;
	v13 =	vld.idx.msk [tilespmem:v3+s3+$0x0], $0xffff  }
0x434: {  	[tilespmem:s14+$0x4180] =	vst v12;
	v12 =	vadd.s32 $0x800, v6;
	v3 =	vld [tilespmem:s16+$0x0]  }
0x435: {  	[tilespmem:s13+$0x4180] =	vst v9;
	v9 =	vld.idx.msk [tilespmem:v10+s3+$0x0], $0xffff;
	v10 =	vadd.s32 $0x800, v2  }
0x436: {  	v22 =	vld [tilespmem:s18+$0x0];
	v15 =	vadd.s32 $0xA80, v7  }
0x437: {  	v16 =	vadd.s32 $0xA80, v5;
	[tilespmem:s0+$0x4180] =	vst v8;
	v8 =	vld.idx.msk [tilespmem:v11+s3+$0x0], $0xffff  }
0x438: {  	v17 =	vadd.s32 $0xA80, v0;
	v11 =	vld.idx.msk [tilespmem:v14+s3+$0x0], $0xffff  }
0x439: {  	v12 =	vld.idx.msk [tilespmem:v12+s3+$0x0], $0xffff;
	v14 =	vadd.s32 $0x800, v3  }
0x43a: {  	[tilespmem:s12+$0x4200] =	vst v13;
	v13 =	vadd.s32 $0x800, v4;
	v10 =	vld.idx.msk [tilespmem:v10+s3+$0x0], $0xffff  }
0x43b: {  	s17 =	simm.s32 $0x200;
	v19 =	vadd.s32 $0xA80, v1;
	[tilespmem:s14+$0x4200] =	vst v9;
	v15 =	vld.idx.msk [tilespmem:v15+s3+$0x0], $0xffff  }
0x43c: {  	s4 =	sand.u32 $0x1C00, s17;
	v18 =	vadd.s32 $0x880, v6;
	[tilespmem:s13+$0x4200] =	vst v8;
	v16 =	vld.idx.msk [tilespmem:v16+s3+$0x0], $0xffff  }
0x43d: {  	s20 =	simm.s32 $0x50;
	s16 =	sadd.s32 $0x9800, s4;
	v9 =	vadd.s32 $0xB00, v7;
	v17 =	vld.idx.msk [tilespmem:v17+s3+$0x0], $0xffff  }
0x43e: {  	s6 =	sand.u32 $0x50, s20;
	v20 =	vadd.s32 $0x880, v2;
	s17 =	sor.u32 s19, s16;
	[tilespmem:s0+$0x4200] =	vst v11;
	v14 =	vld.idx.msk [tilespmem:v14+s3+$0x0], $0xffff  }
0x43f: {  	s11 =	sor.u32 s6, s16;
	[tilespmem:s17+$0x4000] =	vst v12;
	v12 =	vadd.s32 $0xB00, v0;
	v8 =	vld.idx.msk [tilespmem:v13+s3+$0x0], $0xffff  }
0x440: {  	[tilespmem:s11+$0x4000] =	vst v10;
	v10 =	vld.idx.msk [tilespmem:v19+s3+$0x0], $0xffff;
	v19 =	vadd.s32 $0xB00, v5  }
0x441: {  	s26 =	simm.s32 $0x60;
	v13 =	vadd.s32 $0x880, v3;
	v11 =	vld.idx.msk [tilespmem:v18+s3+$0x0], $0xffff;
	[tilespmem:s12+$0x4280] =	vst v15  }
0x442: {  	s4 =	sand.u32 $0x60, s26;
	v15 =	vadd.s32 $0x880, v4;
	[tilespmem:s13+$0x4280] =	vst v17;
	v9 =	vld.idx.msk [tilespmem:v9+s3+$0x0], $0xffff  }
0x443: {  	s4 =	sor.u32 s4, s16;
	v7 =	vadd.s32 $0xB80, v7;
	v18 =	vld.idx.msk [tilespmem:v20+s3+$0x0], $0xffff;
	[tilespmem:s14+$0x4280] =	vst v16  }
0x444: {  	v12 =	vld.idx.msk [tilespmem:v12+s3+$0x0], $0xffff;
	[tilespmem:s4+$0x4000] =	vst v14;
	v14 =	vadd.s32 $0x900, v6  }
0x445: {  	s6 =	sor.u32 s31, s16;
	v0 =	vadd.s32 $0xB80, v0;
	v16 =	vld.idx.msk [tilespmem:v19+s3+$0x0], $0xffff  }
0x446: {  	[tilespmem:s6+$0x4000] =	vst v8;
	v8 =	vld.idx.msk [tilespmem:v13+s3+$0x0], $0xffff  }
0x447: {  	v13 =	vadd.s32 $0x900, v2;
	v15 =	vld.idx.msk [tilespmem:v15+s3+$0x0], $0xffff;
	[tilespmem:s12+$0x4300] =	vst v9  }
0x448: {  	[tilespmem:s17+$0x4080] =	vst v11;
	v9 =	vadd.s32 $0x900, v4;
	v7 =	vld.idx.msk [tilespmem:v7+s3+$0x0], $0xffff  }
0x449: {  	v17 =	vadd.s32 $0x900, v3;
	[tilespmem:s13+$0x4300] =	vst v12;
	v14 =	vld.idx.msk [tilespmem:v14+s3+$0x0], $0xffff  }
0x44a: {  	v11 =	vadd.s32 $0xB00, v1;
	[tilespmem:s0+$0x4280] =	vst v10;
	v12 =	vld.idx.msk [tilespmem:v0+s3+$0x0], $0xffff  }
0x44b: {  	[tilespmem:s11+$0x4080] =	vst v18;
	v18 =	vadd.s32 $0x980, v6;
	v0 =	vld [tilespmem:s18+$0x10]  }
0x44c: {  	v5 =	vadd.s32 $0xB80, v5;
	v13 =	vld.idx.msk [tilespmem:v13+s3+$0x0], $0xffff;
	[tilespmem:s6+$0x4080] =	vst v15  }
0x44d: {  	[tilespmem:s4+$0x4080] =	vst v8;
	v8 =	vadd.s32 $0x980, v2;
	v9 =	vld.idx.msk [tilespmem:v9+s3+$0x0], $0xffff  }
0x44e: {  	v10 =	vadd.s32 $0x980, v4;
	[tilespmem:s14+$0x4300] =	vst v16;
	v15 =	vld.idx.msk [tilespmem:v17+s3+$0x0], $0xffff  }
0x44f: {  	v11 =	vld.idx.msk [tilespmem:v11+s3+$0x0], $0xffff;
	v17 =	vadd.s32 $0x980, v3;
	[tilespmem:s17+$0x4100] =	vst v14  }
0x450: {  	[tilespmem:s12+$0x4380] =	vst v7;
	v19 =	vadd.s32 $0x800, v0;
	v14 =	vld.idx.msk [tilespmem:v18+s3+$0x0], $0xffff  }
0x451: {  	v5 =	vld.idx.msk [tilespmem:v5+s3+$0x0], $0xffff;
	[tilespmem:s11+$0x4100] =	vst v13;
	v13 =	vadd.s32 $0xA00, v6  }
0x452: {  	v8 =	vld.idx.msk [tilespmem:v8+s3+$0x0], $0xffff;
	[tilespmem:s6+$0x4100] =	vst v9  }
0x453: {  	[tilespmem:s4+$0x4100] =	vst v15;
	v10 =	vld.idx.msk [tilespmem:v10+s3+$0x0], $0xffff  }
0x454: {  	[tilespmem:s0+$0x4300] =	vst v11;
	v15 =	vadd.s32 $0xA00, v2;
	v9 =	vld.idx.msk [tilespmem:v17+s3+$0x0], $0xffff  }
0x455: {  	v17 =	vadd.s32 $0xA00, v4;
	v11 =	vld.idx.msk [tilespmem:v19+s3+$0x0], $0xffff;
	[tilespmem:s17+$0x4180] =	vst v14  }
0x456: {  	[tilespmem:s13+$0x4380] =	vst v12;
	v14 =	vadd.s32 $0xA00, v3;
	v13 =	vld.idx.msk [tilespmem:v13+s3+$0x0], $0xffff  }
0x457: {  	s28 =	simm.s32 $0x400;
	v12 =	vadd.s32 $0x880, v0;
	[tilespmem:s11+$0x4180] =	vst v8;
	v8 =	vld [tilespmem:s18+$0xFFFFFFE0]  }
0x458: {  	s29 =	simm.s32 $0xB0;
	s19 =	sand.u32 $0x1C00, s28;
	v18 =	vadd.s32 $0xA80, v6;
	[tilespmem:s6+$0x4180] =	vst v10  }
0x459: {  	s20 =	sand.u32 $0x70, s29;
	s12 =	sadd.s32 $0x9800, s19;
	v10 =	vld.idx.msk [tilespmem:v15+s3+$0x0], $0xffff;
	[tilespmem:s4+$0x4180] =	vst v9;
	v9 =	vadd.s32 $0x800, v21  }
0x45a: {  	v16 =	vadd.s32 $0x800, v22;
	s13 =	sor.u32 s20, s12;
	[tilespmem:s14+$0x4380] =	vst v5;
	v15 =	vld.idx.msk [tilespmem:v17+s3+$0x0], $0xffff  }
0x45b: {  	v17 =	vadd.s32 $0xA80, v2;
	[tilespmem:s13+$0x4000] =	vst v11;
	v14 =	vld.idx.msk [tilespmem:v14+s3+$0x0], $0xffff  }
0x45c: {  	v5 =	vld.idx.msk [tilespmem:v12+s3+$0x0], $0xffff;
	[tilespmem:s17+$0x4200] =	vst v13;
	v7 =	vadd.s32 $0x800, v8  }
0x45d: {  	v13 =	vld.idx.msk [tilespmem:v18+s3+$0x0], $0xffff;
	v18 =	vadd.s32 $0xA80, v4  }
0x45e: {  	v19 =	vadd.s32 $0xA80, v3;
	v9 =	vld.idx.msk [tilespmem:v9+s3+$0x0], $0xffff;
	[tilespmem:s11+$0x4200] =	vst v10  }
0x45f: {  	v10 =	vadd.s32 $0xB00, v6;
	[tilespmem:s6+$0x4200] =	vst v15;
	v15 =	vld.idx.msk [tilespmem:v16+s3+$0x0], $0xffff  }
0x460: {  	s26 =	simm.s32 $0x90;
	v17 =	vld.idx.msk [tilespmem:v17+s3+$0x0], $0xffff;
	v16 =	vadd.s32 $0x880, v21  }
0x461: {  	s31 =	simm.s32 $0xA0;
	s16 =	sand.u32 $0x50, s26;
	[tilespmem:s4+$0x4200] =	vst v14;
	v14 =	vadd.s32 $0x880, v22;
	v7 =	vld.idx.msk [tilespmem:v7+s3+$0x0], $0xffff  }
0x462: {  	s26 =	sor.u32 s16, s12;
	s20 =	sand.u32 $0x60, s31;
	v18 =	vld.idx.msk [tilespmem:v18+s3+$0x0], $0xffff;
	[tilespmem:s17+$0x4280] =	vst v13;
	v13 =	vadd.s32 $0x880, v8  }
0x463: {  	s19 =	simm.s32 $0x80;
	s14 =	sor.u32 s20, s12;
	v11 =	vadd.s32 $0xB00, v4;
	[tilespmem:s26+$0x4000] =	vst v9;
	v9 =	vld.idx.msk [tilespmem:v19+s3+$0x0], $0xffff  }
0x464: {  	s31 =	sand.u32 $0x40, s19;
	v10 =	vld.idx.msk [tilespmem:v10+s3+$0x0], $0xffff;
	[tilespmem:s14+$0x4000] =	vst v15;
	v15 =	vadd.s32 $0x900, v0  }
0x465: {  	s16 =	sor.u32 s31, s12;
	v12 =	vld.idx.msk [tilespmem:v16+s3+$0x0], $0xffff;
	v16 =	vadd.s32 $0xB00, v2  }
0x466: {  	v6 =	vadd.s32 $0xB80, v6;
	[tilespmem:s16+$0x4000] =	vst v7;
	v7 =	vld.idx.msk [tilespmem:v14+s3+$0x0], $0xffff  }
0x467: {  	v1 =	vadd.s32 $0xB80, v1;
	v13 =	vld.idx.msk [tilespmem:v13+s3+$0x0], $0xffff;
	[tilespmem:s6+$0x4280] =	vst v18  }
0x468: {  	[tilespmem:s13+$0x4080] =	vst v5;
	v14 =	vadd.s32 $0x900, v21;
	v20 =	vld.idx.msk [tilespmem:v11+s3+$0x0], $0xffff  }
0x469: {  	[tilespmem:s11+$0x4280] =	vst v17;
	v18 =	vadd.s32 $0x900, v22;
	v11 =	vld.idx.msk [tilespmem:v15+s3+$0x0], $0xffff  }
0x46a: {  	[tilespmem:s17+$0x4300] =	vst v10;
	v10 =	vadd.s32 $0x900, v8;
	v23 =	vld.idx.msk [tilespmem:v16+s3+$0x0], $0xffff  }
0x46b: {  	[tilespmem:s4+$0x4280] =	vst v9;
	v5 =	vld.idx.msk [tilespmem:v6+s3+$0x0], $0xffff;
	v6 =	vadd.s32 $0xB00, v3  }
0x46c: {  	v4 =	vadd.s32 $0xB80, v4;
	[tilespmem:s26+$0x4080] =	vst v12;
	v16 =	vld.idx.msk [tilespmem:v1+s3+$0x0], $0xffff  }
0x46d: {  	v12 =	vld.idx.msk [tilespmem:v14+s3+$0x0], $0xffff;
	[tilespmem:s14+$0x4080] =	vst v7;
	v7 =	vadd.s32 $0x980, v0  }
0x46e: {  	v15 =	vadd.s32 $0x980, v21;
	[tilespmem:s16+$0x4080] =	vst v13;
	v24 =	vld.idx.msk [tilespmem:v18+s3+$0x0], $0xffff  }
0x46f: {  	v26 =	vadd.s32 $0x980, v22;
	v25 =	vld.idx.msk [tilespmem:v10+s3+$0x0], $0xffff;
	[tilespmem:s13+$0x4100] =	vst v11  }
0x470: {  	v27 =	vadd.s32 $0x980, v8;
	[tilespmem:s6+$0x4300] =	vst v20;
	v17 =	vld.idx.msk [tilespmem:v6+s3+$0x0], $0xffff  }
0x471: {  	v2 =	vadd.s32 $0xB80, v2;
	v9 =	vadd.s32 $0xA80, v8;
	v1 =	vadd.s32 $0xB80, v3;
	[tilespmem:s17+$0x4380] =	vst v5;
	v18 =	vld.idx.msk [tilespmem:v4+s3+$0x0], $0xffff  }
0x472: {  	v3 =	vadd.s32 $0xB80, v8;
	v13 =	vadd.s32 $0xA00, v22;
	v10 =	vadd.s32 $0xA80, v22;
	v19 =	vld.idx.msk [tilespmem:v7+s3+$0x0], $0xffff;
	[tilespmem:s26+$0x4100] =	vst v12  }
0x473: {  	v6 =	vadd.s32 $0xB00, v22;
	v4 =	vadd.s32 $0xB80, v22;
	v22 =	vadd.s32 $0xA00, v0;
	v15 =	vld.idx.msk [tilespmem:v15+s3+$0x0], $0xffff;
	[tilespmem:s14+$0x4100] =	vst v24  }
0x474: {  	v14 =	vadd.s32 $0xA00, v8;
	v11 =	vadd.s32 $0xA00, v21;
	v5 =	vadd.s32 $0xB00, v8;
	[tilespmem:s16+$0x4100] =	vst v25;
	v20 =	vld.idx.msk [tilespmem:v26+s3+$0x0], $0xffff  }
0x475: {  	s12 =	simm.s32 $0x8;
	[tilespmem:s11+$0x4300] =	vst v23;
	v8 =	vadd.s32 $0xB00, v21;
	s17 =	simm.s32 $0x14E0;
	v7 =	vadd.s32 $0xA80, v21;
	v12 =	vadd.s32 $0xB80, v21;
	v21 =	vld.idx.msk [tilespmem:v27+s3+$0x0], $0xffff  }
.LBB2_15:
0x476: {  	v23 =	vld [tilespmem:s17+$0x10];
	s12 =	sadd.s32 $0x4, s12;
	[tilespmem:s4+$0x4300] =	vst v17  }
0x477: {  	v17 =	vld [tilespmem:s17+$0xFFFFFFF0];
	p0 =	slt.u32 s12, $0x3C;
	[tilespmem:s13+$0x4180] =	vst v19  }
0x478: {  	v19 =	vld.idx.msk [tilespmem:v22+s3+$0x0], $0xffff;
	[tilespmem:s6+$0x4380] =	vst v18;
	s6 =	smov.u32 s16  }
0x479: {  	v18 =	vld [tilespmem:s17+$0x0];
	[tilespmem:s26+$0x4180] =	vst v15  }
0x47a: {  	v22 =	vld [tilespmem:s17+$0xFFFFFFE0];
	[tilespmem:s14+$0x4180] =	vst v20;
	v20 =	vadd.s32 $0xA80, v0  }
0x47b: {  	v24 =	vadd.s32 $0x800, v23;
	[tilespmem:s6+$0x4180] =	vst v21;
	v21 =	vld.idx.msk [tilespmem:v11+s3+$0x0], $0xffff  }
0x47c: {  	v25 =	vadd.s32 $0x800, v17;
	v26 =	vadd.s32 $0x880, v17;
	v27 =	vadd.s32 $0x900, v17;
	v28 =	vld.idx.msk [tilespmem:v14+s3+$0x0], $0xffff;
	[tilespmem:s0+$0x4380] =	vst v16;
	s0 =	smov.u32 s4;
	s4 =	smov.u32 s14  }
0x47d: {  	v15 =	vadd.s32 $0x980, v17;
	v11 =	vadd.s32 $0xA00, v17;
	v16 =	vadd.s32 $0xA80, v17;
	v29 =	vld.idx.msk [tilespmem:v13+s3+$0x0], $0xffff  }
0x47e: {  	v30 =	vadd.s32 $0x800, v18;
	v31 =	vadd.s32 $0x880, v18;
	v32 =	vadd.s32 $0x900, v18;
	[tilespmem:s13+$0x4200] =	vst v19;
	v19 =	vld.idx.msk [tilespmem:v2+s3+$0x0], $0xffff;
	v2 =	vmovc v12  }
0x47f: {  	v12 =	vadd.s32 $0x800, v22;
	v33 =	vadd.s32 $0x880, v22;
	v34 =	vadd.s32 $0x900, v22;
	v20 =	vld.idx.msk [tilespmem:v20+s3+$0x0], $0xffff  }
0x480: {  	v36 =	vadd.s32 $0x980, v18;
	v35 =	vadd.s32 $0x980, v22;
	v14 =	vadd.s32 $0xA00, v22;
	v24 =	vld.idx.msk [tilespmem:v24+s3+$0x0], $0xffff  }
0x481: {  	v13 =	vadd.s32 $0xA00, v18;
	v37 =	vadd.s32 $0xA80, v22;
	v25 =	vld.idx.msk [tilespmem:v25+s3+$0x0], $0xffff;
	[tilespmem:s26+$0x4200] =	vst v21;
	v21 =	vadd.s32 $0xB00, v0  }
0x482: {  	s28 =	sadd.s32 $0x200, s28;
	v40 =	vadd.s32 $0x880, v23;
	v39 =	vadd.s32 $0xA80, v18;
	v38 =	vadd.s32 $0xB00, v22;
	[tilespmem:s6+$0x4200] =	vst v28;
	v28 =	vld.idx.msk [tilespmem:v7+s3+$0x0], $0xffff;
	v7 =	vmovc v16  }
0x483: {  	s29 =	sadd.s32 $0x40, s29;
	s14 =	sand.u32 $0x1C00, s28;
	v41 =	vadd.s32 $0xB00, v18;
	v22 =	vadd.s32 $0xB80, v22;
	v16 =	vadd.s32 $0xB00, v17;
	v30 =	vld.idx.msk [tilespmem:v30+s3+$0x0], $0xffff;
	[tilespmem:s4+$0x4200] =	vst v29  }
0x484: {  	s18 =	sand.u32 $0x70, s29;
	s16 =	sadd.s32 $0xFFFFFFD0, s29;
	s14 =	sadd.s32 $0x9800, s14;
	v18 =	vadd.s32 $0xB80, v18;
	v29 =	vld.idx.msk [tilespmem:v12+s3+$0x0], $0xffff;
	v12 =	vadd.s32 $0xB80, v17;
	[tilespmem:s11+$0x4380] =	vst v19  }
0x485: {  	s19 =	sadd.s32 $0xFFFFFFF0, s29;
	s18 =	sor.u32 s18, s14;
	s11 =	sadd.s32 $0xFFFFFFE0, s29;
	v17 =	vld.idx.msk [tilespmem:v9+s3+$0x0], $0xffff;
	[tilespmem:s13+$0x4280] =	vst v20;
	v9 =	vmov v37  }
0x486: {  	s19 =	sand.u32 $0x60, s19;
	s16 =	sand.u32 $0x40, s16;
	s11 =	sand.u32 $0x50, s11;
	[tilespmem:s18+$0x4000] =	vst v24;
	v19 =	vld.idx.msk [tilespmem:v21+s3+$0x0], $0xffff  }
0x487: {  	s16 =	sor.u32 s16, s14;
	s20 =	sor.u32 s11, s14;
	s14 =	sor.u32 s19, s14;
	v20 =	vld.idx.msk [tilespmem:v40+s3+$0x0], $0xffff  }
0x488: {  	v24 =	vadd.s32 $0xB80, v0;
	v0 =	vmov v23;
	s11 =	smov.u32 s26;
	s26 =	smov.u32 s20;
	[tilespmem:s20+$0x4000] =	vst v25;
	v21 =	vld.idx.msk [tilespmem:v10+s3+$0x0], $0xffff;
	v10 =	vmov v39  }
0x489: {  	v25 =	vadd.s32 $0x900, v0;
	v23 =	vld.idx.msk [tilespmem:v26+s3+$0x0], $0xffff;
	[tilespmem:s14+$0x4000] =	vst v30  }
0x48a: {  	[tilespmem:s16+$0x4000] =	vst v29;
	v26 =	vld.idx.msk [tilespmem:v31+s3+$0x0], $0xffff  }
0x48b: {  	v29 =	vld.idx.msk [tilespmem:v33+s3+$0x0], $0xffff;
	[tilespmem:s6+$0x4280] =	vst v17  }
0x48c: {  	v30 =	vld.idx.msk [tilespmem:v5+s3+$0x0], $0xffff;
	[tilespmem:s13+$0x4300] =	vst v19;
	v5 =	vmov v38  }
0x48d: {  	[tilespmem:s18+$0x4080] =	vst v20;
	v19 =	vld.idx.msk [tilespmem:v24+s3+$0x0], $0xffff  }
0x48e: {  	v20 =	vld.idx.msk [tilespmem:v25+s3+$0x0], $0xffff;
	[tilespmem:s11+$0x4280] =	vst v28  }
0x48f: {  	[tilespmem:s26+$0x4080] =	vst v23;
	v23 =	vld.idx.msk [tilespmem:v8+s3+$0x0], $0xffff;
	v8 =	vmov v16  }
0x490: {  	v25 =	vadd.s32 $0x980, v0;
	v24 =	vld.idx.msk [tilespmem:v27+s3+$0x0], $0xffff;
	[tilespmem:s14+$0x4080] =	vst v26  }
0x491: {  	[tilespmem:s16+$0x4080] =	vst v29;
	v26 =	vld.idx.msk [tilespmem:v32+s3+$0x0], $0xffff  }
0x492: {  	v27 =	vld.idx.msk [tilespmem:v34+s3+$0x0], $0xffff;
	[tilespmem:s4+$0x4280] =	vst v21  }
0x493: {  	v17 =	vld.idx.msk [tilespmem:v6+s3+$0x0], $0xffff;
	[tilespmem:s13+$0x4380] =	vst v19;
	v6 =	vmov v41;
	s13 =	smov.u32 s18  }
0x494: {  	[tilespmem:s13+$0x4100] =	vst v20;
	v16 =	vld.idx.msk [tilespmem:v1+s3+$0x0], $0xffff;
	v1 =	vmov v4;
	v4 =	vmov v18  }
.Ltmp6:
0x495: {  	v19 =	vld.idx.msk [tilespmem:v25+s3+$0x0], $0xffff;
	[tilespmem:s6+$0x4300] =	vst v30;
	(pc) =	sbr.rel @p0 .LBB2_15-.Ltmp6, $4  }
0x496: {  	[tilespmem:s26+$0x4100] =	vst v24;
	v18 =	vld.idx.msk [tilespmem:v3+s3+$0x0], $0xffff;
	v3 =	vmov v22  }
0x497: {  	v22 =	vadd.s32 $0xA00, v0;
	v15 =	vld.idx.msk [tilespmem:v15+s3+$0x0], $0xffff;
	[tilespmem:s14+$0x4100] =	vst v26  }
0x498: {  	[tilespmem:s16+$0x4100] =	vst v27;
	v20 =	vld.idx.msk [tilespmem:v36+s3+$0x0], $0xffff  }
0x499: {  	s17 =	sadd.s32 $0x40, s17;
	v21 =	vld.idx.msk [tilespmem:v35+s3+$0x0], $0xffff;
	[tilespmem:s11+$0x4300] =	vst v23  }
0x49a: {  	_ =	sdelay $0x2  }
0x49b: {  	[tilespmem:s13+$0x4180] =	vst v19  }
0x49c: {  	v19 =	vld.idx.msk [tilespmem:v22+s3+$0x0], $0xffff;
	[tilespmem:s26+$0x4180] =	vst v15  }
0x49d: {  	[tilespmem:s14+$0x4180] =	vst v20;
	v11 =	vld.idx.msk [tilespmem:v11+s3+$0x0], $0xffff  }
0x49e: {  	[tilespmem:s16+$0x4180] =	vst v21;
	v21 =	vadd.s32 $0xA80, v0;
	v13 =	vld.idx.msk [tilespmem:v13+s3+$0x0], $0xffff  }
0x49f: {  	v14 =	vld.idx.msk [tilespmem:v14+s3+$0x0], $0xffff;
	_ =	sdelay $0x1  }
0x4a0: {  	[tilespmem:s13+$0x4200] =	vst v19  }
0x4a1: {  	[tilespmem:s26+$0x4200] =	vst v11  }
0x4a2: {  	v15 =	vld.idx.msk [tilespmem:v21+s3+$0x0], $0xffff;
	[tilespmem:s14+$0x4200] =	vst v13  }
0x4a3: {  	v7 =	vld.idx.msk [tilespmem:v7+s3+$0x0], $0xffff;
	[tilespmem:s16+$0x4200] =	vst v14;
	v14 =	vadd.s32 $0xB00, v0  }
0x4a4: {  	v10 =	vld.idx.msk [tilespmem:v10+s3+$0x0], $0xffff  }
0x4a5: {  	v9 =	vld.idx.msk [tilespmem:v9+s3+$0x0], $0xffff;
	_ =	sdelay $0x1  }
0x4a6: {  	[tilespmem:s13+$0x4280] =	vst v15  }
0x4a7: {  	[tilespmem:s26+$0x4280] =	vst v7;
	v11 =	vld.idx.msk [tilespmem:v14+s3+$0x0], $0xffff  }
0x4a8: {  	v7 =	vld.idx.msk [tilespmem:v8+s3+$0x0], $0xffff;
	[tilespmem:s14+$0x4280] =	vst v10  }
0x4a9: {  	v0 =	vadd.s32 $0xB80, v0;
	[tilespmem:s16+$0x4280] =	vst v9;
	v6 =	vld.idx.msk [tilespmem:v6+s3+$0x0], $0xffff  }
0x4aa: {  	[tilespmem:s4+$0x4300] =	vst v17;
	v5 =	vld.idx.msk [tilespmem:v5+s3+$0x0], $0xffff  }
0x4ab: {  	v2 =	vld.idx.msk [tilespmem:v2+s3+$0x0], $0xffff;
	[tilespmem:s0+$0x4380] =	vst v16  }
0x4ac: {  	[tilespmem:s13+$0x4300] =	vst v11  }
0x4ad: {  	v1 =	vld.idx.msk [tilespmem:v1+s3+$0x0], $0xffff;
	[tilespmem:s26+$0x4300] =	vst v7  }
0x4ae: {  	v0 =	vld.idx.msk [tilespmem:v0+s3+$0x0], $0xffff;
	[tilespmem:s14+$0x4300] =	vst v6  }
0x4af: {  	[tilespmem:s16+$0x4300] =	vst v5;
	v5 =	vld.idx.msk [tilespmem:v12+s3+$0x0], $0xffff  }
0x4b0: {  	[tilespmem:s11+$0x4380] =	vst v2;
	v2 =	vld.idx.msk [tilespmem:v4+s3+$0x0], $0xffff  }
0x4b1: {  	[tilespmem:s6+$0x4380] =	vst v18;
	v3 =	vld.idx.msk [tilespmem:v3+s3+$0x0], $0xffff  }
0x4b2: {  	[tilespmem:s4+$0x4380] =	vst v1  }
0x4b3: {  	[tilespmem:s13+$0x4380] =	vst v0  }
0x4b4: {  	[tilespmem:s26+$0x4380] =	vst v5  }
0x4b5: {  	[tilespmem:s14+$0x4380] =	vst v2  }
0x4b6: {  	s17 =	sadd.s32 s1, s9;
	s18 =	simm.s32 $0x0;
	s19 =	simm.s32 $0x1420;
	[tilespmem:s16+$0x4380] =	vst v3  }
0x4b7: {  	[hbm4b:s17+s18] =	stream.linear.scatter [tilespmem:s24], [sflag:$0x4], $0x2000, $0x38;
	[tilespmem:$0x11800] =	vst v63  }
0x4b8: {  	v7 =	vld [tilespmem:s19+$0x10]  }
0x4b9: {  	v5 =	vld [tilespmem:s19+$0xFFFFFFF0]  }
0x4ba: {  	v1 =	vld [tilespmem:s19+$0x0]  }
0x4bb: {  	v0 =	vld [tilespmem:s19+$0xFFFFFFE0];
	_ =	sdelay $0x1  }
0x4bc: {  	v2 =	vadd.s32 $0xC00, v7  }
0x4bd: {  	v3 =	vadd.s32 $0xC00, v5  }
0x4be: {  	v4 =	vadd.s32 $0xC00, v1  }
0x4bf: {  	v6 =	vadd.s32 $0xC00, v0;
	_ =	sdelay $0x1  }
0x4c0: {  	v2 =	vld.idx.msk [tilespmem:v2+s3+$0x0], $0xffff  }
0x4c1: {  	v8 =	vadd.s32 $0xC80, v7;
	v3 =	vld.idx.msk [tilespmem:v3+s3+$0x0], $0xffff  }
0x4c2: {  	s20 =	simm.s32 $0x30;
	s4 =	sand.u32 $0x1C00, s18;
	v9 =	vadd.s32 $0xC80, v5;
	v4 =	vld.idx.msk [tilespmem:v4+s3+$0x0], $0xffff  }
0x4c3: {  	s0 =	sand.u32 $0x70, s20;
	s4 =	sadd.s32 $0x9800, s4;
	s26 =	simm.s32 $0x10;
	v10 =	vadd.s32 $0xC80, v1;
	v6 =	vld.idx.msk [tilespmem:v6+s3+$0x0], $0xffff  }
0x4c4: {  	s31 =	simm.s32 $0x20;
	s12 =	sor.u32 s0, s4;
	s6 =	sand.u32 $0x50, s26  }
0x4c5: {  	s11 =	sand.u32 $0x60, s31;
	s13 =	simm.s32 $0x0;
	s14 =	sor.u32 s6, s4;
	v11 =	vadd.s32 $0xC80, v0;
	[tilespmem:s12+$0x6000] =	vst v2  }
0x4c6: {  	s0 =	sor.u32 s11, s4;
	s6 =	sand.u32 $0x40, s13;
	[tilespmem:s14+$0x6000] =	vst v3;
	v2 =	vld.idx.msk [tilespmem:v8+s3+$0x0], $0xffff  }
0x4c7: {  	s13 =	sor.u32 s6, s4;
	[tilespmem:s0+$0x6000] =	vst v4;
	v4 =	vadd.s32 $0xD00, v7;
	v3 =	vld.idx.msk [tilespmem:v9+s3+$0x0], $0xffff  }
0x4c8: {  	[tilespmem:s13+$0x6000] =	vst v6;
	v8 =	vadd.s32 $0xD00, v5;
	v6 =	vld.idx.msk [tilespmem:v10+s3+$0x0], $0xffff  }
0x4c9: {  	v9 =	vadd.s32 $0xD00, v1  }
0x4ca: {  	v10 =	vld.idx.msk [tilespmem:v11+s3+$0x0], $0xffff  }
0x4cb: {  	v11 =	vadd.s32 $0xD00, v0;
	[tilespmem:s12+$0x6080] =	vst v2  }
0x4cc: {  	[tilespmem:s14+$0x6080] =	vst v3;
	v2 =	vld.idx.msk [tilespmem:v4+s3+$0x0], $0xffff  }
0x4cd: {  	[tilespmem:s0+$0x6080] =	vst v6;
	v3 =	vld.idx.msk [tilespmem:v8+s3+$0x0], $0xffff;
	v4 =	vadd.s32 $0xD80, v7  }
0x4ce: {  	v6 =	vadd.s32 $0xD80, v5;
	v8 =	vld.idx.msk [tilespmem:v9+s3+$0x0], $0xffff  }
0x4cf: {  	[tilespmem:s13+$0x6080] =	vst v10;
	v9 =	vadd.s32 $0xD80, v1  }
0x4d0: {  	s16 =	simm.s32 $0x1460;
	v10 =	vld.idx.msk [tilespmem:v11+s3+$0x0], $0xffff  }
0x4d1: {  	v11 =	vadd.s32 $0xD80, v0;
	[tilespmem:s12+$0x6100] =	vst v2;
	v2 =	vld [tilespmem:s16+$0xFFFFFFF0]  }
0x4d2: {  	[tilespmem:s14+$0x6100] =	vst v3;
	v4 =	vld.idx.msk [tilespmem:v4+s3+$0x0], $0xffff  }
0x4d3: {  	[tilespmem:s0+$0x6100] =	vst v8;
	v12 =	vld.idx.msk [tilespmem:v6+s3+$0x0], $0xffff  }
0x4d4: {  	s18 =	simm.s32 $0x70;
	v3 =	vadd.s32 $0xE00, v7;
	v8 =	vld.idx.msk [tilespmem:v9+s3+$0x0], $0xffff  }
0x4d5: {  	s19 =	sand.u32 $0x70, s18;
	s18 =	simm.s32 $0x40;
	[tilespmem:s13+$0x6100] =	vst v10;
	v6 =	vld [tilespmem:s16+$0x10]  }
0x4d6: {  	s31 =	sand.u32 $0x40, s18;
	s18 =	simm.s32 $0x14A0;
	v10 =	vadd.s32 $0xE00, v5;
	v9 =	vld.idx.msk [tilespmem:v11+s3+$0x0], $0xffff  }
0x4d7: {  	v21 =	vld [tilespmem:s18+$0xFFFFFFF0]  }
0x4d8: {  	v11 =	vadd.s32 $0xE00, v0;
	[tilespmem:s12+$0x6180] =	vst v4;
	v4 =	vld [tilespmem:s16+$0xFFFFFFE0]  }
0x4d9: {  	v14 =	vadd.s32 $0xE00, v1;
	v13 =	vld.idx.msk [tilespmem:v3+s3+$0x0], $0xffff  }
0x4da: {  	[tilespmem:s14+$0x6180] =	vst v12;
	v12 =	vadd.s32 $0xC00, v6;
	v3 =	vld [tilespmem:s16+$0x0]  }
0x4db: {  	[tilespmem:s13+$0x6180] =	vst v9;
	v9 =	vld.idx.msk [tilespmem:v10+s3+$0x0], $0xffff;
	v10 =	vadd.s32 $0xC00, v2  }
0x4dc: {  	v22 =	vld [tilespmem:s18+$0x0];
	v15 =	vadd.s32 $0xE80, v7  }
0x4dd: {  	v16 =	vadd.s32 $0xE80, v5;
	[tilespmem:s0+$0x6180] =	vst v8;
	v8 =	vld.idx.msk [tilespmem:v11+s3+$0x0], $0xffff  }
0x4de: {  	v17 =	vadd.s32 $0xE80, v0;
	v11 =	vld.idx.msk [tilespmem:v14+s3+$0x0], $0xffff  }
0x4df: {  	v12 =	vld.idx.msk [tilespmem:v12+s3+$0x0], $0xffff;
	v14 =	vadd.s32 $0xC00, v3  }
0x4e0: {  	[tilespmem:s12+$0x6200] =	vst v13;
	v13 =	vadd.s32 $0xC00, v4;
	v10 =	vld.idx.msk [tilespmem:v10+s3+$0x0], $0xffff  }
0x4e1: {  	s17 =	simm.s32 $0x200;
	v19 =	vadd.s32 $0xE80, v1;
	[tilespmem:s14+$0x6200] =	vst v9;
	v15 =	vld.idx.msk [tilespmem:v15+s3+$0x0], $0xffff  }
0x4e2: {  	s4 =	sand.u32 $0x1C00, s17;
	v18 =	vadd.s32 $0xC80, v6;
	[tilespmem:s13+$0x6200] =	vst v8;
	v16 =	vld.idx.msk [tilespmem:v16+s3+$0x0], $0xffff  }
0x4e3: {  	s20 =	simm.s32 $0x50;
	s16 =	sadd.s32 $0x9800, s4;
	v9 =	vadd.s32 $0xF00, v7;
	v17 =	vld.idx.msk [tilespmem:v17+s3+$0x0], $0xffff  }
0x4e4: {  	s6 =	sand.u32 $0x50, s20;
	v20 =	vadd.s32 $0xC80, v2;
	s17 =	sor.u32 s19, s16;
	[tilespmem:s0+$0x6200] =	vst v11;
	v14 =	vld.idx.msk [tilespmem:v14+s3+$0x0], $0xffff  }
0x4e5: {  	s11 =	sor.u32 s6, s16;
	[tilespmem:s17+$0x6000] =	vst v12;
	v12 =	vadd.s32 $0xF00, v0;
	v8 =	vld.idx.msk [tilespmem:v13+s3+$0x0], $0xffff  }
0x4e6: {  	[tilespmem:s11+$0x6000] =	vst v10;
	v10 =	vld.idx.msk [tilespmem:v19+s3+$0x0], $0xffff;
	v19 =	vadd.s32 $0xF00, v5  }
0x4e7: {  	s26 =	simm.s32 $0x60;
	v13 =	vadd.s32 $0xC80, v3;
	v11 =	vld.idx.msk [tilespmem:v18+s3+$0x0], $0xffff;
	[tilespmem:s12+$0x6280] =	vst v15  }
0x4e8: {  	s4 =	sand.u32 $0x60, s26;
	v15 =	vadd.s32 $0xC80, v4;
	[tilespmem:s13+$0x6280] =	vst v17;
	v9 =	vld.idx.msk [tilespmem:v9+s3+$0x0], $0xffff  }
0x4e9: {  	s4 =	sor.u32 s4, s16;
	v7 =	vadd.s32 $0xF80, v7;
	v18 =	vld.idx.msk [tilespmem:v20+s3+$0x0], $0xffff;
	[tilespmem:s14+$0x6280] =	vst v16  }
0x4ea: {  	v12 =	vld.idx.msk [tilespmem:v12+s3+$0x0], $0xffff;
	[tilespmem:s4+$0x6000] =	vst v14;
	v14 =	vadd.s32 $0xD00, v6  }
0x4eb: {  	s6 =	sor.u32 s31, s16;
	v0 =	vadd.s32 $0xF80, v0;
	v16 =	vld.idx.msk [tilespmem:v19+s3+$0x0], $0xffff  }
0x4ec: {  	[tilespmem:s6+$0x6000] =	vst v8;
	v8 =	vld.idx.msk [tilespmem:v13+s3+$0x0], $0xffff  }
0x4ed: {  	v13 =	vadd.s32 $0xD00, v2;
	v15 =	vld.idx.msk [tilespmem:v15+s3+$0x0], $0xffff;
	[tilespmem:s12+$0x6300] =	vst v9  }
0x4ee: {  	[tilespmem:s17+$0x6080] =	vst v11;
	v9 =	vadd.s32 $0xD00, v4;
	v7 =	vld.idx.msk [tilespmem:v7+s3+$0x0], $0xffff  }
0x4ef: {  	v17 =	vadd.s32 $0xD00, v3;
	[tilespmem:s13+$0x6300] =	vst v12;
	v14 =	vld.idx.msk [tilespmem:v14+s3+$0x0], $0xffff  }
0x4f0: {  	v11 =	vadd.s32 $0xF00, v1;
	[tilespmem:s0+$0x6280] =	vst v10;
	v12 =	vld.idx.msk [tilespmem:v0+s3+$0x0], $0xffff  }
0x4f1: {  	[tilespmem:s11+$0x6080] =	vst v18;
	v18 =	vadd.s32 $0xD80, v6;
	v0 =	vld [tilespmem:s18+$0x10]  }
0x4f2: {  	v5 =	vadd.s32 $0xF80, v5;
	v13 =	vld.idx.msk [tilespmem:v13+s3+$0x0], $0xffff;
	[tilespmem:s6+$0x6080] =	vst v15  }
0x4f3: {  	[tilespmem:s4+$0x6080] =	vst v8;
	v8 =	vadd.s32 $0xD80, v2;
	v9 =	vld.idx.msk [tilespmem:v9+s3+$0x0], $0xffff  }
0x4f4: {  	v10 =	vadd.s32 $0xD80, v4;
	[tilespmem:s14+$0x6300] =	vst v16;
	v15 =	vld.idx.msk [tilespmem:v17+s3+$0x0], $0xffff  }
0x4f5: {  	v11 =	vld.idx.msk [tilespmem:v11+s3+$0x0], $0xffff;
	v17 =	vadd.s32 $0xD80, v3;
	[tilespmem:s17+$0x6100] =	vst v14  }
0x4f6: {  	[tilespmem:s12+$0x6380] =	vst v7;
	v19 =	vadd.s32 $0xC00, v0;
	v14 =	vld.idx.msk [tilespmem:v18+s3+$0x0], $0xffff  }
0x4f7: {  	v5 =	vld.idx.msk [tilespmem:v5+s3+$0x0], $0xffff;
	[tilespmem:s11+$0x6100] =	vst v13;
	v13 =	vadd.s32 $0xE00, v6  }
0x4f8: {  	v8 =	vld.idx.msk [tilespmem:v8+s3+$0x0], $0xffff;
	[tilespmem:s6+$0x6100] =	vst v9  }
0x4f9: {  	[tilespmem:s4+$0x6100] =	vst v15;
	v10 =	vld.idx.msk [tilespmem:v10+s3+$0x0], $0xffff  }
0x4fa: {  	[tilespmem:s0+$0x6300] =	vst v11;
	v15 =	vadd.s32 $0xE00, v2;
	v9 =	vld.idx.msk [tilespmem:v17+s3+$0x0], $0xffff  }
0x4fb: {  	v17 =	vadd.s32 $0xE00, v4;
	v11 =	vld.idx.msk [tilespmem:v19+s3+$0x0], $0xffff;
	[tilespmem:s17+$0x6180] =	vst v14  }
0x4fc: {  	[tilespmem:s13+$0x6380] =	vst v12;
	v14 =	vadd.s32 $0xE00, v3;
	v13 =	vld.idx.msk [tilespmem:v13+s3+$0x0], $0xffff  }
0x4fd: {  	s28 =	simm.s32 $0x400;
	v12 =	vadd.s32 $0xC80, v0;
	[tilespmem:s11+$0x6180] =	vst v8;
	v8 =	vld [tilespmem:s18+$0xFFFFFFE0]  }
0x4fe: {  	s29 =	simm.s32 $0xB0;
	s19 =	sand.u32 $0x1C00, s28;
	v18 =	vadd.s32 $0xE80, v6;
	[tilespmem:s6+$0x6180] =	vst v10  }
0x4ff: {  	s20 =	sand.u32 $0x70, s29;
	s12 =	sadd.s32 $0x9800, s19;
	v10 =	vld.idx.msk [tilespmem:v15+s3+$0x0], $0xffff;
	[tilespmem:s4+$0x6180] =	vst v9;
	v9 =	vadd.s32 $0xC00, v21  }
0x500: {  	v16 =	vadd.s32 $0xC00, v22;
	s13 =	sor.u32 s20, s12;
	[tilespmem:s14+$0x6380] =	vst v5;
	v15 =	vld.idx.msk [tilespmem:v17+s3+$0x0], $0xffff  }
0x501: {  	v17 =	vadd.s32 $0xE80, v2;
	[tilespmem:s13+$0x6000] =	vst v11;
	v14 =	vld.idx.msk [tilespmem:v14+s3+$0x0], $0xffff  }
0x502: {  	v5 =	vld.idx.msk [tilespmem:v12+s3+$0x0], $0xffff;
	[tilespmem:s17+$0x6200] =	vst v13;
	v7 =	vadd.s32 $0xC00, v8  }
0x503: {  	v13 =	vld.idx.msk [tilespmem:v18+s3+$0x0], $0xffff;
	v18 =	vadd.s32 $0xE80, v4  }
0x504: {  	v19 =	vadd.s32 $0xE80, v3;
	v9 =	vld.idx.msk [tilespmem:v9+s3+$0x0], $0xffff;
	[tilespmem:s11+$0x6200] =	vst v10  }
0x505: {  	v10 =	vadd.s32 $0xF00, v6;
	[tilespmem:s6+$0x6200] =	vst v15;
	v15 =	vld.idx.msk [tilespmem:v16+s3+$0x0], $0xffff  }
0x506: {  	s26 =	simm.s32 $0x90;
	v17 =	vld.idx.msk [tilespmem:v17+s3+$0x0], $0xffff;
	v16 =	vadd.s32 $0xC80, v21  }
0x507: {  	s31 =	simm.s32 $0xA0;
	s16 =	sand.u32 $0x50, s26;
	[tilespmem:s4+$0x6200] =	vst v14;
	v14 =	vadd.s32 $0xC80, v22;
	v7 =	vld.idx.msk [tilespmem:v7+s3+$0x0], $0xffff  }
0x508: {  	s26 =	sor.u32 s16, s12;
	s20 =	sand.u32 $0x60, s31;
	v18 =	vld.idx.msk [tilespmem:v18+s3+$0x0], $0xffff;
	[tilespmem:s17+$0x6280] =	vst v13;
	v13 =	vadd.s32 $0xC80, v8  }
0x509: {  	s19 =	simm.s32 $0x80;
	s14 =	sor.u32 s20, s12;
	v11 =	vadd.s32 $0xF00, v4;
	[tilespmem:s26+$0x6000] =	vst v9;
	v9 =	vld.idx.msk [tilespmem:v19+s3+$0x0], $0xffff  }
0x50a: {  	s31 =	sand.u32 $0x40, s19;
	v10 =	vld.idx.msk [tilespmem:v10+s3+$0x0], $0xffff;
	[tilespmem:s14+$0x6000] =	vst v15;
	v15 =	vadd.s32 $0xD00, v0  }
0x50b: {  	s16 =	sor.u32 s31, s12;
	v12 =	vld.idx.msk [tilespmem:v16+s3+$0x0], $0xffff;
	v16 =	vadd.s32 $0xF00, v2  }
0x50c: {  	v6 =	vadd.s32 $0xF80, v6;
	[tilespmem:s16+$0x6000] =	vst v7;
	v7 =	vld.idx.msk [tilespmem:v14+s3+$0x0], $0xffff  }
0x50d: {  	v1 =	vadd.s32 $0xF80, v1;
	v13 =	vld.idx.msk [tilespmem:v13+s3+$0x0], $0xffff;
	[tilespmem:s6+$0x6280] =	vst v18  }
0x50e: {  	[tilespmem:s13+$0x6080] =	vst v5;
	v14 =	vadd.s32 $0xD00, v21;
	v20 =	vld.idx.msk [tilespmem:v11+s3+$0x0], $0xffff  }
0x50f: {  	[tilespmem:s11+$0x6280] =	vst v17;
	v18 =	vadd.s32 $0xD00, v22;
	v11 =	vld.idx.msk [tilespmem:v15+s3+$0x0], $0xffff  }
0x510: {  	[tilespmem:s17+$0x6300] =	vst v10;
	v10 =	vadd.s32 $0xD00, v8;
	v23 =	vld.idx.msk [tilespmem:v16+s3+$0x0], $0xffff  }
0x511: {  	[tilespmem:s4+$0x6280] =	vst v9;
	v5 =	vld.idx.msk [tilespmem:v6+s3+$0x0], $0xffff;
	v6 =	vadd.s32 $0xF00, v3  }
0x512: {  	v4 =	vadd.s32 $0xF80, v4;
	[tilespmem:s26+$0x6080] =	vst v12;
	v16 =	vld.idx.msk [tilespmem:v1+s3+$0x0], $0xffff  }
0x513: {  	v12 =	vld.idx.msk [tilespmem:v14+s3+$0x0], $0xffff;
	[tilespmem:s14+$0x6080] =	vst v7;
	v7 =	vadd.s32 $0xD80, v0  }
0x514: {  	v15 =	vadd.s32 $0xD80, v21;
	[tilespmem:s16+$0x6080] =	vst v13;
	v24 =	vld.idx.msk [tilespmem:v18+s3+$0x0], $0xffff  }
0x515: {  	v26 =	vadd.s32 $0xD80, v22;
	v25 =	vld.idx.msk [tilespmem:v10+s3+$0x0], $0xffff;
	[tilespmem:s13+$0x6100] =	vst v11  }
0x516: {  	v27 =	vadd.s32 $0xD80, v8;
	[tilespmem:s6+$0x6300] =	vst v20;
	v17 =	vld.idx.msk [tilespmem:v6+s3+$0x0], $0xffff  }
0x517: {  	v2 =	vadd.s32 $0xF80, v2;
	v9 =	vadd.s32 $0xE80, v8;
	v1 =	vadd.s32 $0xF80, v3;
	[tilespmem:s17+$0x6380] =	vst v5;
	v18 =	vld.idx.msk [tilespmem:v4+s3+$0x0], $0xffff  }
0x518: {  	v3 =	vadd.s32 $0xF80, v8;
	v13 =	vadd.s32 $0xE00, v22;
	v10 =	vadd.s32 $0xE80, v22;
	v19 =	vld.idx.msk [tilespmem:v7+s3+$0x0], $0xffff;
	[tilespmem:s26+$0x6100] =	vst v12  }
0x519: {  	v6 =	vadd.s32 $0xF00, v22;
	v4 =	vadd.s32 $0xF80, v22;
	v22 =	vadd.s32 $0xE00, v0;
	v15 =	vld.idx.msk [tilespmem:v15+s3+$0x0], $0xffff;
	[tilespmem:s14+$0x6100] =	vst v24  }
0x51a: {  	v14 =	vadd.s32 $0xE00, v8;
	v11 =	vadd.s32 $0xE00, v21;
	v5 =	vadd.s32 $0xF00, v8;
	[tilespmem:s16+$0x6100] =	vst v25;
	v20 =	vld.idx.msk [tilespmem:v26+s3+$0x0], $0xffff  }
0x51b: {  	s12 =	simm.s32 $0x8;
	[tilespmem:s11+$0x6300] =	vst v23;
	v8 =	vadd.s32 $0xF00, v21;
	s17 =	simm.s32 $0x14E0;
	v7 =	vadd.s32 $0xE80, v21;
	v12 =	vadd.s32 $0xF80, v21;
	v21 =	vld.idx.msk [tilespmem:v27+s3+$0x0], $0xffff  }
.LBB2_17:
0x51c: {  	v23 =	vld [tilespmem:s17+$0x10];
	s12 =	sadd.s32 $0x4, s12;
	[tilespmem:s4+$0x6300] =	vst v17  }
0x51d: {  	v17 =	vld [tilespmem:s17+$0xFFFFFFF0];
	p0 =	slt.u32 s12, $0x3C;
	[tilespmem:s13+$0x6180] =	vst v19  }
0x51e: {  	v19 =	vld.idx.msk [tilespmem:v22+s3+$0x0], $0xffff;
	[tilespmem:s6+$0x6380] =	vst v18;
	s6 =	smov.u32 s16  }
0x51f: {  	v18 =	vld [tilespmem:s17+$0x0];
	[tilespmem:s26+$0x6180] =	vst v15  }
0x520: {  	v22 =	vld [tilespmem:s17+$0xFFFFFFE0];
	[tilespmem:s14+$0x6180] =	vst v20;
	v20 =	vadd.s32 $0xE80, v0  }
0x521: {  	v24 =	vadd.s32 $0xC00, v23;
	[tilespmem:s6+$0x6180] =	vst v21;
	v21 =	vld.idx.msk [tilespmem:v11+s3+$0x0], $0xffff  }
0x522: {  	v25 =	vadd.s32 $0xC00, v17;
	v26 =	vadd.s32 $0xC80, v17;
	v27 =	vadd.s32 $0xD00, v17;
	v28 =	vld.idx.msk [tilespmem:v14+s3+$0x0], $0xffff;
	[tilespmem:s0+$0x6380] =	vst v16;
	s0 =	smov.u32 s4;
	s4 =	smov.u32 s14  }
0x523: {  	v15 =	vadd.s32 $0xD80, v17;
	v11 =	vadd.s32 $0xE00, v17;
	v16 =	vadd.s32 $0xE80, v17;
	v29 =	vld.idx.msk [tilespmem:v13+s3+$0x0], $0xffff  }
0x524: {  	v30 =	vadd.s32 $0xC00, v18;
	v31 =	vadd.s32 $0xC80, v18;
	v32 =	vadd.s32 $0xD00, v18;
	[tilespmem:s13+$0x6200] =	vst v19;
	v19 =	vld.idx.msk [tilespmem:v2+s3+$0x0], $0xffff;
	v2 =	vmovc v12  }
0x525: {  	v12 =	vadd.s32 $0xC00, v22;
	v33 =	vadd.s32 $0xC80, v22;
	v34 =	vadd.s32 $0xD00, v22;
	v20 =	vld.idx.msk [tilespmem:v20+s3+$0x0], $0xffff  }
0x526: {  	v36 =	vadd.s32 $0xD80, v18;
	v35 =	vadd.s32 $0xD80, v22;
	v14 =	vadd.s32 $0xE00, v22;
	v24 =	vld.idx.msk [tilespmem:v24+s3+$0x0], $0xffff  }
0x527: {  	v13 =	vadd.s32 $0xE00, v18;
	v37 =	vadd.s32 $0xE80, v22;
	v25 =	vld.idx.msk [tilespmem:v25+s3+$0x0], $0xffff;
	[tilespmem:s26+$0x6200] =	vst v21;
	v21 =	vadd.s32 $0xF00, v0  }
0x528: {  	s28 =	sadd.s32 $0x200, s28;
	v40 =	vadd.s32 $0xC80, v23;
	v39 =	vadd.s32 $0xE80, v18;
	v38 =	vadd.s32 $0xF00, v22;
	[tilespmem:s6+$0x6200] =	vst v28;
	v28 =	vld.idx.msk [tilespmem:v7+s3+$0x0], $0xffff;
	v7 =	vmovc v16  }
0x529: {  	s29 =	sadd.s32 $0x40, s29;
	s14 =	sand.u32 $0x1C00, s28;
	v41 =	vadd.s32 $0xF00, v18;
	v22 =	vadd.s32 $0xF80, v22;
	v16 =	vadd.s32 $0xF00, v17;
	v30 =	vld.idx.msk [tilespmem:v30+s3+$0x0], $0xffff;
	[tilespmem:s4+$0x6200] =	vst v29  }
0x52a: {  	s18 =	sand.u32 $0x70, s29;
	s16 =	sadd.s32 $0xFFFFFFD0, s29;
	s14 =	sadd.s32 $0x9800, s14;
	v18 =	vadd.s32 $0xF80, v18;
	v29 =	vld.idx.msk [tilespmem:v12+s3+$0x0], $0xffff;
	v12 =	vadd.s32 $0xF80, v17;
	[tilespmem:s11+$0x6380] =	vst v19  }
0x52b: {  	s19 =	sadd.s32 $0xFFFFFFF0, s29;
	s18 =	sor.u32 s18, s14;
	s11 =	sadd.s32 $0xFFFFFFE0, s29;
	v17 =	vld.idx.msk [tilespmem:v9+s3+$0x0], $0xffff;
	[tilespmem:s13+$0x6280] =	vst v20;
	v9 =	vmov v37  }
0x52c: {  	s19 =	sand.u32 $0x60, s19;
	s16 =	sand.u32 $0x40, s16;
	s11 =	sand.u32 $0x50, s11;
	[tilespmem:s18+$0x6000] =	vst v24;
	v19 =	vld.idx.msk [tilespmem:v21+s3+$0x0], $0xffff  }
0x52d: {  	s16 =	sor.u32 s16, s14;
	s20 =	sor.u32 s11, s14;
	s14 =	sor.u32 s19, s14;
	v20 =	vld.idx.msk [tilespmem:v40+s3+$0x0], $0xffff  }
0x52e: {  	v24 =	vadd.s32 $0xF80, v0;
	v0 =	vmov v23;
	s11 =	smov.u32 s26;
	s26 =	smov.u32 s20;
	[tilespmem:s20+$0x6000] =	vst v25;
	v21 =	vld.idx.msk [tilespmem:v10+s3+$0x0], $0xffff;
	v10 =	vmov v39  }
0x52f: {  	v25 =	vadd.s32 $0xD00, v0;
	v23 =	vld.idx.msk [tilespmem:v26+s3+$0x0], $0xffff;
	[tilespmem:s14+$0x6000] =	vst v30  }
0x530: {  	[tilespmem:s16+$0x6000] =	vst v29;
	v26 =	vld.idx.msk [tilespmem:v31+s3+$0x0], $0xffff  }
0x531: {  	v29 =	vld.idx.msk [tilespmem:v33+s3+$0x0], $0xffff;
	[tilespmem:s6+$0x6280] =	vst v17  }
0x532: {  	v30 =	vld.idx.msk [tilespmem:v5+s3+$0x0], $0xffff;
	[tilespmem:s13+$0x6300] =	vst v19;
	v5 =	vmov v38  }
0x533: {  	[tilespmem:s18+$0x6080] =	vst v20;
	v19 =	vld.idx.msk [tilespmem:v24+s3+$0x0], $0xffff  }
0x534: {  	v20 =	vld.idx.msk [tilespmem:v25+s3+$0x0], $0xffff;
	[tilespmem:s11+$0x6280] =	vst v28  }
0x535: {  	[tilespmem:s26+$0x6080] =	vst v23;
	v23 =	vld.idx.msk [tilespmem:v8+s3+$0x0], $0xffff;
	v8 =	vmov v16  }
0x536: {  	v25 =	vadd.s32 $0xD80, v0;
	v24 =	vld.idx.msk [tilespmem:v27+s3+$0x0], $0xffff;
	[tilespmem:s14+$0x6080] =	vst v26  }
0x537: {  	[tilespmem:s16+$0x6080] =	vst v29;
	v26 =	vld.idx.msk [tilespmem:v32+s3+$0x0], $0xffff  }
0x538: {  	v27 =	vld.idx.msk [tilespmem:v34+s3+$0x0], $0xffff;
	[tilespmem:s4+$0x6280] =	vst v21  }
0x539: {  	v17 =	vld.idx.msk [tilespmem:v6+s3+$0x0], $0xffff;
	[tilespmem:s13+$0x6380] =	vst v19;
	v6 =	vmov v41;
	s13 =	smov.u32 s18  }
0x53a: {  	[tilespmem:s13+$0x6100] =	vst v20;
	v16 =	vld.idx.msk [tilespmem:v1+s3+$0x0], $0xffff;
	v1 =	vmov v4;
	v4 =	vmov v18  }
.Ltmp7:
0x53b: {  	v19 =	vld.idx.msk [tilespmem:v25+s3+$0x0], $0xffff;
	[tilespmem:s6+$0x6300] =	vst v30;
	(pc) =	sbr.rel @p0 .LBB2_17-.Ltmp7, $4  }
0x53c: {  	[tilespmem:s26+$0x6100] =	vst v24;
	v18 =	vld.idx.msk [tilespmem:v3+s3+$0x0], $0xffff;
	v3 =	vmov v22  }
0x53d: {  	v22 =	vadd.s32 $0xE00, v0;
	v15 =	vld.idx.msk [tilespmem:v15+s3+$0x0], $0xffff;
	[tilespmem:s14+$0x6100] =	vst v26  }
0x53e: {  	[tilespmem:s16+$0x6100] =	vst v27;
	v20 =	vld.idx.msk [tilespmem:v36+s3+$0x0], $0xffff  }
0x53f: {  	s17 =	sadd.s32 $0x40, s17;
	v21 =	vld.idx.msk [tilespmem:v35+s3+$0x0], $0xffff;
	[tilespmem:s11+$0x6300] =	vst v23  }
0x540: {  	_ =	sdelay $0x2  }
0x541: {  	[tilespmem:s13+$0x6180] =	vst v19  }
0x542: {  	v19 =	vld.idx.msk [tilespmem:v22+s3+$0x0], $0xffff;
	[tilespmem:s26+$0x6180] =	vst v15  }
0x543: {  	v57 =	vadd.s32 $0xE80, v0;
	[tilespmem:s14+$0x6180] =	vst v20;
	v11 =	vld.idx.msk [tilespmem:v11+s3+$0x0], $0xffff  }
0x544: {  	[tilespmem:s16+$0x6180] =	vst v21;
	v13 =	vld.idx.msk [tilespmem:v13+s3+$0x0], $0xffff  }
0x545: {  	v14 =	vld.idx.msk [tilespmem:v14+s3+$0x0], $0xffff;
	_ =	sdelay $0x1  }
0x546: {  	[tilespmem:s13+$0x6200] =	vst v19  }
0x547: {  	v58 =	vld.idx.msk [tilespmem:v57+s3+$0x0], $0xffff;
	[tilespmem:s26+$0x6200] =	vst v11  }
0x548: {  	v59 =	vadd.s32 $0xF00, v0;
	v7 =	vld.idx.msk [tilespmem:v7+s3+$0x0], $0xffff;
	[tilespmem:s14+$0x6200] =	vst v13  }
0x549: {  	[tilespmem:s16+$0x6200] =	vst v14;
	v10 =	vld.idx.msk [tilespmem:v10+s3+$0x0], $0xffff  }
0x54a: {  	v9 =	vld.idx.msk [tilespmem:v9+s3+$0x0], $0xffff  }
0x54b: {  	[tilespmem:s4+$0x6300] =	vst v17  }
0x54c: {  	[tilespmem:s13+$0x6280] =	vst v58  }
0x54d: {  	v60 =	vld.idx.msk [tilespmem:v59+s3+$0x0], $0xffff;
	[tilespmem:s26+$0x6280] =	vst v7  }
0x54e: {  	v61 =	vadd.s32 $0xF80, v0;
	v7 =	vld.idx.msk [tilespmem:v8+s3+$0x0], $0xffff;
	[tilespmem:s14+$0x6280] =	vst v10  }
0x54f: {  	[tilespmem:s16+$0x6280] =	vst v9;
	v6 =	vld.idx.msk [tilespmem:v6+s3+$0x0], $0xffff  }
0x550: {  	[tilespmem:s0+$0x6380] =	vst v16;
	v5 =	vld.idx.msk [tilespmem:v5+s3+$0x0], $0xffff  }
0x551: {  	v2 =	vld.idx.msk [tilespmem:v2+s3+$0x0], $0xffff;
	[tilespmem:s6+$0x6380] =	vst v18  }
0x552: {  	v1 =	vld.idx.msk [tilespmem:v1+s3+$0x0], $0xffff;
	[tilespmem:s13+$0x6300] =	vst v60  }
0x553: {  	v0 =	vld.idx.msk [tilespmem:v61+s3+$0x0], $0xffff;
	[tilespmem:s26+$0x6300] =	vst v7  }
0x554: {  	[tilespmem:s14+$0x6300] =	vst v6;
	v62 =	vld.idx.msk [tilespmem:v12+s3+$0x0], $0xffff  }
0x555: {  	[tilespmem:s16+$0x6300] =	vst v5;
	v63 =	vld.idx.msk [tilespmem:v4+s3+$0x0], $0xffff  }
0x556: {  	s30 =	sadd.s32 $0x1, s30;
	[tilespmem:s11+$0x6380] =	vst v2;
	v3 =	vld.idx.msk [tilespmem:v3+s3+$0x0], $0xffff  }
0x557: {  	p0 =	sne.s32 s30, $0x32;
	[tilespmem:s4+$0x6380] =	vst v1  }
.Ltmp8:
0x558: {  	[tilespmem:s13+$0x6380] =	vst v0;
	(pc) =	sbr.rel @p0 .LBB2_2-.Ltmp8, $4  }
0x559: {  	[tilespmem:s26+$0x6380] =	vst v62  }
0x55a: {  	[tilespmem:s14+$0x6380] =	vst v63  }
0x55b: {  	s31 =	sadd.s32 s1, s10;
	[tilespmem:s16+$0x6380] =	vst v3  }
0x55c: {  	[hbm4b:s31+s3] =	stream.linear.scatter [tilespmem:s25], [sflag:$0x4], $0x2000, $0x38;
	[tilespmem:$0x11800] =	vst v63  }
0x55d: {  	s0 =	simm.s32 $0x3  }
0x55e: {  	_ =	swait.ge [sflag:s0], $0x2000  }
0x55f: {  	[sflag:s0] =	ssyncset.done $0x0  }
0x560: {  	[sflag:s0] =	ssyncadd.s32 $0xFFFFE000  }
0x561: {  	_ =	swait.ge [sflag:s0], $0x2000  }
0x562: {  	[sflag:s0] =	ssyncset.done $0x0  }
0x563: {  	[sflag:s0] =	ssyncadd.s32 $0xFFFFE000  }
0x564: {  	_ =	swait.ge [sflag:s0], $0x2000  }
0x565: {  	[sflag:s0] =	ssyncset.done $0x0  }
0x566: {  	[sflag:s0] =	ssyncadd.s32 $0xFFFFE000  }
0x567: {  	_ =	swait.ge [sflag:s0], $0x2000  }
0x568: {  	[sflag:s0] =	ssyncset.done $0x0  }
0x569: {  	s1 =	simm.s32 $0x4;
	[sflag:s0] =	ssyncadd.s32 $0xFFFFE000  }
0x56a: {  	_ =	swait.ge [sflag:s1], $0x2000  }
0x56b: {  	[sflag:s1] =	ssyncset.done $0x0  }
0x56c: {  	[sflag:s1] =	ssyncadd.s32 $0xFFFFE000  }
0x56d: {  	_ =	swait.ge [sflag:s1], $0x2000  }
0x56e: {  	[sflag:s1] =	ssyncset.done $0x0  }
0x56f: {  	[sflag:s1] =	ssyncadd.s32 $0xFFFFE000  }
0x570: {  	_ =	swait.ge [sflag:s1], $0x2000  }
0x571: {  	[sflag:s1] =	ssyncset.done $0x0  }
0x572: {  	[sflag:s1] =	ssyncadd.s32 $0xFFFFE000  }
0x573: {  	_ =	swait.ge [sflag:s1], $0x2000  }
0x574: {  	s4 =	rddreg [dreg:$0x7]  }
0x575: {  	s31 =	rddreg [dreg:$0x5];
	s4 =	sadd.s32 $0x1, s4  }
0x576: {  	p0 =	sne.s32 s4, s31  }
.Ltmp9:
0x577: {  	_ = 	snop;
	(pc) =	sbr.rel @p0 .LBB2_1-.Ltmp9, $3  }
0x578: {  	_ =	sdelay $0x1  }
0x579: {  	[sflag:s1] =	ssyncset.done $0x0  }
0x57a: {  	[sflag:s1] =	ssyncadd.s32 $0xFFFFE000  }
0x57b: {  	_ =	sfence.sel $0x180000  }
0x57c: {  	[bflag:$0x0] =	sbarrier.arrive $0xFFFF  }
0x57d: {  	_ =	strace $0x90000047  }
0x57e: {  	s0 =	stileid.u32;
	[bflag:$0x2] =	sbarrier.arrive $0xFFFF  }
0x57f: {  	p0 =	sne.s32 s0, $0x0;
	s0 =	rddreg [dreg:$0x2]  }
0x580: {  	s0 =	sadd.s32 @!p0 $0x100000, s0  }
0x581: {  	[sflag:s0] =	ssyncadd.tile.s32 @!p0 $0x1;
	_ =	shalt  }
.Lfunc_end2:
_tile_overlayer_lowered:
.L_overlay_start_2:
0x582: {  	(tag) =	ssettag $0x2  }
0x583: {  	s0 =	rddreg [dreg:$0x0];
	s2 =	stileid.u32  }
0x584: {  	s1 =	rddreg [dreg:$0x1];
	p0 =	sne.s32 s2, $0x0  }
0x585: {  	s3 =	rddreg [dreg:$0x2];
	[bflag:$0x3] =	sbarrier.arrive $0xFFFF;
	s2 =	simm.s32 @!p0 $0x1C05  }
0x586: {  	[timem:s3], [sflag:s2] =	dma.local @!p0 [hbm:s0], s1  }
0x587: {  	s0 =	simm.s32 @!p0 $0x5  }
0x588: {  	_ =	swait.ge @!p0 [sflag:s0], s1  }
0x589: {  	s1 =	ssub.s32 @!p0 $0x0, s1;
	[sflag:s0] =	ssyncset.done @!p0 $0x0  }
0x58a: {  	[sflag:s0] =	ssyncadd.s32 @!p0 s1  }
0x58b: {  	[bflag:$0x3] =	sbarrier.arrive $0xFFFF  }
0x58c: {  	_ =	shalt  }

</sc_bundles>
